<compile_context>
chip_gen: v7x
topology: tpu7x:2x2x1
jax: 0.10.2.dev20260603
libtpu: 0.0.44.dev20260713+nightly
codegen_flags: <defaults>
</compile_context>

<pallas_src>
import jax
import jax.numpy as jnp
from jax import lax
from jax.experimental import pallas as pl
from jax.experimental.pallas import tpu as pltpu
from jax.experimental.pallas import tpu_sc as plsc

_N = 10000
_E = 320000
_D = 128
_B = 64
_DOUT = 1317
_DPAD = 1408
_NC, _NS = 2, 16
_NW = _NC * _NS
_EPT = _E // _NW
_CH = 80
_NCHUNK = 128
_EPAD = _NCHUNK * _CH
_NP = 10240
_STRIPE = _NP // _NS
_ROWBLK = 2000
_GRID = _N // _ROWBLK
_DT = jnp.float32



def _sc_deg_body(dst_hbm, ones_hbm, zeros_hbm, out_hbm, idx_v, ones_v, acc,
                 sem):
    c = lax.axis_index("c")
    s = lax.axis_index("s")
    wid = c * _NS + s
    pltpu.sync_copy(zeros_hbm, acc.at[pl.ds(s * _STRIPE, _STRIPE)])
    pltpu.sync_copy(ones_hbm, ones_v)
    pltpu.sync_copy(dst_hbm.at[wid], idx_v)
    plsc.subcore_barrier()

    def fire(j, carry):
        pltpu.async_copy(ones_v, acc.at[idx_v.at[j]], sem, add=True)
        return carry

    lax.fori_loop(0, _NCHUNK, fire, 0)

    def drain(j, carry):
        pltpu.make_async_copy(ones_hbm, ones_v, sem).wait()
        return carry

    lax.fori_loop(0, _NCHUNK, drain, 0)
    plsc.subcore_barrier()
    pltpu.sync_copy(acc.at[pl.ds(s * _STRIPE, _STRIPE)],
                    out_hbm.at[c, pl.ds(s * _STRIPE, _STRIPE)])


_sc_deg = pl.kernel(
    _sc_deg_body,
    out_type=jax.ShapeDtypeStruct((_NC, _NP, _D), _DT),
    mesh=plsc.VectorSubcoreMesh(core_axis_name="c", subcore_axis_name="s"),
    scratch_types=[
        pltpu.VMEM((_NCHUNK, _CH), jnp.int32),
        pltpu.VMEM((_CH, _D), _DT),
        pltpu.VMEM_SHARED((_NP, _D), _DT),
        pltpu.SemaphoreType.DMA,
    ],
)


_GSZ = 8
_NGRP = _NCHUNK // _GSZ


def _sc_agg_body(hs_hbm, src_hbm, dst_hbm, zeros_hbm, out_hbm,
                 src_v, dst_v, buf_a, buf_b, buf_c, buf_d, acc,
                 isem, gs_a, gs_b, gs_c, gs_d):
    c = lax.axis_index("c")
    s = lax.axis_index("s")
    wid = c * _NS + s
    pltpu.sync_copy(zeros_hbm, acc.at[pl.ds(s * _STRIPE, _STRIPE)])
    pltpu.sync_copy(src_hbm.at[wid, pl.ds(0, _GSZ)], src_v.at[pl.ds(0, _GSZ)])
    pltpu.sync_copy(dst_hbm.at[wid, pl.ds(0, _GSZ)], dst_v.at[pl.ds(0, _GSZ)])
    plsc.subcore_barrier()

    slots = ((buf_a, gs_a), (buf_b, gs_b), (buf_c, gs_c), (buf_d, gs_d))

    def wait_chunk(buf, sem):
        pltpu.make_async_copy(hs_hbm.at[pl.ds(0, _CH)], buf, sem).wait()

    def wait_idx():
        pltpu.make_async_copy(src_hbm.at[wid, pl.ds(0, _GSZ)],
                              src_v.at[pl.ds(0, _GSZ)], isem).wait()
        pltpu.make_async_copy(dst_hbm.at[wid, pl.ds(0, _GSZ)],
                              dst_v.at[pl.ds(0, _GSZ)], isem).wait()

    pltpu.async_copy(hs_hbm.at[src_v.at[0]], buf_a, gs_a)
    pltpu.async_copy(hs_hbm.at[src_v.at[1]], buf_b, gs_b)
    pltpu.async_copy(hs_hbm.at[src_v.at[2]], buf_c, gs_c)

    def group(g, carry):
        p = lax.rem(g, 2)
        base = p * _GSZ
        nbase = _GSZ - base
        has_next = g < _NGRP - 1

        @pl.when(has_next)
        def _():
            pltpu.async_copy(src_hbm.at[wid, pl.ds((g + 1) * _GSZ, _GSZ)],
                             src_v.at[pl.ds(nbase, _GSZ)], isem)
            pltpu.async_copy(dst_hbm.at[wid, pl.ds((g + 1) * _GSZ, _GSZ)],
                             dst_v.at[pl.ds(nbase, _GSZ)], isem)

        for b in range(_GSZ):
            buf, gs = slots[b % 4]
            nbuf, ngs = slots[(b + 3) % 4]
            wait_chunk(buf, gs)
            if b < _GSZ - 3:
                pltpu.async_copy(hs_hbm.at[src_v.at[base + b + 3]], nbuf, ngs)
            elif b == _GSZ - 3:
                @pl.when(has_next)
                def _():
                    wait_idx()
                    pltpu.async_copy(hs_hbm.at[src_v.at[nbase]], nbuf, ngs)
            else:
                nxt = nbase + b - (_GSZ - 3)

                @pl.when(has_next)
                def _():
                    pltpu.async_copy(hs_hbm.at[src_v.at[nxt]], nbuf, ngs)
            pltpu.sync_copy(buf, acc.at[dst_v.at[base + b]], add=True)
        return carry

    lax.fori_loop(0, _NGRP, group, 0)
    plsc.subcore_barrier()
    pltpu.sync_copy(acc.at[pl.ds(s * _STRIPE, _STRIPE)],
                    out_hbm.at[c, pl.ds(s * _STRIPE, _STRIPE)])


_sc_agg = pl.kernel(
    _sc_agg_body,
    out_type=jax.ShapeDtypeStruct((_NC, _NP, _D), _DT),
    mesh=plsc.VectorSubcoreMesh(core_axis_name="c", subcore_axis_name="s"),
    scratch_types=[
        pltpu.VMEM((2 * _GSZ, _CH), jnp.int32),
        pltpu.VMEM((2 * _GSZ, _CH), jnp.int32),
        pltpu.VMEM((_CH, _D), _DT),
        pltpu.VMEM((_CH, _D), _DT),
        pltpu.VMEM((_CH, _D), _DT),
        pltpu.VMEM((_CH, _D), _DT),
        pltpu.VMEM_SHARED((_NP, _D), _DT),
        pltpu.SemaphoreType.DMA,
        pltpu.SemaphoreType.DMA,
        pltpu.SemaphoreType.DMA,
        pltpu.SemaphoreType.DMA,
        pltpu.SemaphoreType.DMA,
    ],
)



def _dinv(deg_ref):
    d = (deg_ref[0, :, 0:1].astype(jnp.float32) +
         deg_ref[1, :, 0:1].astype(jnp.float32))
    return lax.rsqrt(d + 1.0)


def _mm_first_body(x_ref, w_ref, deg_ref, o_ref):
    h = jnp.dot(x_ref[...], w_ref[...],
                preferred_element_type=jnp.float32) * _dinv(deg_ref)
    o_ref[...] = h.astype(_DT)


def _mm_mid_body(acc_ref, hs_ref, deg_ref, b_ref, w_ref, o_ref):
    dinv = _dinv(deg_ref)
    t = (acc_ref[0].astype(jnp.float32) + acc_ref[1].astype(jnp.float32) +
         hs_ref[...].astype(jnp.float32))
    xl = jnp.maximum(t * dinv + b_ref[...], 0.0)
    o_ref[...] = (jnp.dot(xl, w_ref[...],
                          preferred_element_type=jnp.float32) *
                  dinv).astype(_DT)


def _pool_body(acc_ref, hs_ref, deg_ref, b_ref, batch_ref, wf_ref, bf_ref,
               o_ref, sums, cnts):
    i = pl.program_id(0)
    dinv = _dinv(deg_ref)
    t = (acc_ref[0].astype(jnp.float32) + acc_ref[1].astype(jnp.float32) +
         hs_ref[...].astype(jnp.float32))
    xl = jnp.maximum(t * dinv + b_ref[...], 0.0)
    bids = batch_ref[0, 0, :]
    oh = (bids[None, :] ==
          lax.broadcasted_iota(jnp.int32, (_B, _ROWBLK), 0)).astype(jnp.float32)

    @pl.when(i == 0)
    def _():
        sums[...] = jnp.zeros_like(sums)
        cnts[...] = jnp.zeros_like(cnts)

    sums[...] += jnp.dot(oh, xl, preferred_element_type=jnp.float32)
    cnts[...] += jnp.broadcast_to(jnp.sum(oh, axis=1, keepdims=True),
                                  (_B, _D))

    @pl.when(i == _GRID - 1)
    def _():
        pooled = sums[...] / jnp.maximum(cnts[...], 1.0)
        logits = jnp.dot(pooled, wf_ref[...],
                         preferred_element_type=jnp.float32) + bf_ref[...]
        m = jnp.max(logits, axis=1, keepdims=True)
        lse = jnp.log(jnp.sum(jnp.exp(logits - m), axis=1, keepdims=True))
        o_ref[...] = logits - m - lse


_row_spec = pl.BlockSpec((_ROWBLK, _D), lambda i: (i, 0))
_acc_spec = pl.BlockSpec((_NC, _ROWBLK, _D), lambda i: (0, i, 0))
_deg_spec = pl.BlockSpec((_NC, _ROWBLK, _D), lambda i: (0, i, 0))
_w_spec = pl.BlockSpec((_D, _D), lambda i: (0, 0))
_b_spec = pl.BlockSpec((1, _D), lambda i: (0, 0))

_mm_first = pl.pallas_call(
    _mm_first_body,
    grid=(_GRID,),
    in_specs=[_row_spec, _w_spec, _deg_spec],
    out_specs=_row_spec,
    out_shape=jax.ShapeDtypeStruct((_N, _D), _DT),
)

_mm_mid = pl.pallas_call(
    _mm_mid_body,
    grid=(_GRID,),
    in_specs=[_acc_spec, _row_spec, _deg_spec, _b_spec, _w_spec],
    out_specs=_row_spec,
    out_shape=jax.ShapeDtypeStruct((_N, _D), _DT),
)

_pool = pl.pallas_call(
    _pool_body,
    grid=(_GRID,),
    in_specs=[
        _acc_spec, _row_spec, _deg_spec, _b_spec,
        pl.BlockSpec((1, 1, _ROWBLK), lambda i: (i, 0, 0)),
        pl.BlockSpec((_D, _DPAD), lambda i: (0, 0)),
        pl.BlockSpec((1, _DPAD), lambda i: (0, 0)),
    ],
    out_specs=pl.BlockSpec((_B, _DPAD), lambda i: (0, 0)),
    out_shape=jax.ShapeDtypeStruct((_B, _DPAD), jnp.float32),
    scratch_shapes=[
        pltpu.VMEM((_B, _D), jnp.float32),
        pltpu.VMEM((_B, _D), jnp.float32),
    ],
)



@jax.jit
def kernel(x, edge_index, batch, W1, b1, W2, b2, W3, b3, Wf, bf):
    src = edge_index[0].astype(jnp.int32).reshape(_NW, _EPT)
    dst = edge_index[1].astype(jnp.int32).reshape(_NW, _EPT)
    pad = _EPAD - _EPT
    pad_src = jnp.broadcast_to((jnp.arange(pad, dtype=jnp.int32) * 41) % _N,
                               (_NW, pad))
    pad_dst = jnp.broadcast_to(_N + (jnp.arange(pad, dtype=jnp.int32)
                                     % (_NP - _N)), (_NW, pad))
    srcp = jnp.concatenate([src, pad_src], 1).reshape(_NW, _NCHUNK, _CH)
    dstp = jnp.concatenate([dst, pad_dst], 1).reshape(_NW, _NCHUNK, _CH)

    ones128 = jnp.ones((_CH, _D), _DT)
    z128 = jnp.zeros((_STRIPE, _D), _DT)

    degp = _sc_deg(dstp, ones128, z128)

    b1r = b1.reshape(1, _D)
    b2r = b2.reshape(1, _D)
    b3r = b3.reshape(1, _D)
    wfp = jnp.zeros((_D, _DPAD), jnp.float32).at[:, :_DOUT].set(Wf)
    bfp = jnp.full((1, _DPAD), -1e30, jnp.float32).at[0, :_DOUT].set(bf)
    batch3 = batch.astype(jnp.int32).reshape(_GRID, 1, _ROWBLK)

    hs1 = _mm_first(x, W1, degp)
    acc1 = _sc_agg(hs1, srcp, dstp, z128)
    hs2 = _mm_mid(acc1, hs1, degp, b1r, W2)
    acc2 = _sc_agg(hs2, srcp, dstp, z128)
    hs3 = _mm_mid(acc2, hs2, degp, b2r, W3)
    acc3 = _sc_agg(hs3, srcp, dstp, z128)

    outp = _pool(acc3, hs3, degp, b3r, batch3, wfp, bfp)
    return outp[:, :_DOUT]

# --- scband reference (transcript-rebuilt; emitter-appended) ---
"""Pipeline reference for scband-gcngraph-classifier-2156073582827 (READ-ONLY COPY).

The authoritative reference and input builder live on the scoring server;
editing this copy changes nothing except your own understanding.
"""

import jax, jax.numpy as jnp
import numpy as np

N = 10000
E = 320000
D_IN = 128
D_H = 128
D_OUT = 1317
B = 64


def setup_inputs(seed: int = 0) -> dict:
    key = jax.random.key(seed)
    ks = jax.random.split(key, 12)
    x = jax.random.normal(ks[0], (N, D_IN), dtype=jnp.float32)
    edge_index = jax.random.randint(ks[1], (2, E), 0, N)
    batch = jnp.sort(jax.random.randint(ks[2], (N,), 0, B))
    def lin(k, fan_in, fan_out):
        kw, kb = jax.random.split(k)
        bound = 1.0 / np.sqrt(fan_in)
        W = jax.random.uniform(kw, (fan_in, fan_out), jnp.float32, -bound, bound)
        b = jax.random.uniform(kb, (fan_out,), jnp.float32, -bound, bound)
        return W, b
    W1, b1 = lin(ks[3], D_IN, D_H)
    W2, b2 = lin(ks[4], D_H, D_H)
    W3, b3 = lin(ks[5], D_H, D_H)
    Wf, bf = lin(ks[6], D_H, D_OUT)
    return {"x": x, "edge_index": edge_index, "batch": batch,
            "W1": W1, "b1": b1, "W2": W2, "b2": b2, "W3": W3, "b3": b3,
            "Wf": Wf, "bf": bf}


def _gcn_conv(x, edge_index, W, b):
    # GCNConv: add self-loops, symmetric normalization, scatter-add aggregation
    loop = jnp.arange(N, dtype=edge_index.dtype)
    src = jnp.concatenate([edge_index[0], loop])
    dst = jnp.concatenate([edge_index[1], loop])
    deg = jnp.zeros((N,), x.dtype).at[dst].add(1.0)
    dinv = jnp.where(deg > 0, jax.lax.rsqrt(deg), 0.0)
    norm = dinv[src] * dinv[dst]
    h = x @ W
    out = jnp.zeros((N, W.shape[1]), x.dtype).at[dst].add(h[src] * norm[:, None])
    return out + b


def reference(x, edge_index, batch, W1, b1, W2, b2, W3, b3, Wf, bf):
    h = jax.nn.relu(_gcn_conv(x, edge_index, W1, b1))
    h = jax.nn.relu(_gcn_conv(h, edge_index, W2, b2))
    h = jax.nn.relu(_gcn_conv(h, edge_index, W3, b3))
    sums = jax.ops.segment_sum(h, batch, num_segments=B)
    cnt = jax.ops.segment_sum(jnp.ones((N, 1), h.dtype), batch, num_segments=B)
    pooled = sums / jnp.maximum(cnt, 1.0)
    logits = pooled @ Wf + bf
    return jax.nn.log_softmax(logits, axis=1)

if __name__ == "__main__":
    import jax
    _d = setup_inputs()
    print(jax.jit(kernel)(*tuple(_d.values())))

</pallas_src>

<mosaic_0001>
#map = affine_map<(d0, d1) -> (0, 0, 0)>
#map1 = affine_map<(d0, d1) -> (0, 0)>
module attributes {stable_mosaic.version = 14 : i64} {
  func.func @_sc_deg_body(%arg0: i32, %arg1: i32, %arg2: memref<32x128x80xi32, #tpu.memory_space<hbm>>, %arg3: memref<80x128xf32, #tpu.memory_space<hbm>>, %arg4: memref<640x128xf32, #tpu.memory_space<hbm>>, %arg5: memref<2x10240x128xf32, #tpu.memory_space<hbm>>, %arg6: memref<128x80xi32, #tpu.memory_space<vmem>>, %arg7: memref<80x128xf32, #tpu.memory_space<vmem>>, %arg8: memref<10240x128xf32, #tpu.memory_space<vmem_shared>>, %arg9: memref<!tpu.dma_semaphore, #tpu.memory_space<semaphore_mem>>) attributes {dimension_semantics = [#tpu.dimension_semantics<core_parallel>, #tpu.dimension_semantics<subcore_parallel>], iteration_bounds = array<i64: 2, 16>, scalar_prefetch = 0 : i64, scratch_operands = 4 : i64, tpu.core_type = #tpu.core_type<sc_vector_subcore>, window_params = [{transform_indices = #map}, {transform_indices = #map1}, {transform_indices = #map1}, {transform_indices = #map}]} {
    %mul3A = arith.constant 16 : i32
    %mul3A_0 = arith.muli %arg0, %mul3A : i32
    %add3A = arith.addi %mul3A_0, %arg1 : i32
    %mul3A_1 = arith.constant 640 : i32
    %mul3A_2 = arith.muli %arg1, %mul3A_1 : i32
    "tpu.region"() ({
      %run_scoped3A = tpu.sem_alloc : memref<!tpu.dma_semaphore, #tpu.memory_space<semaphore_mem>>
      %dma_start3A = arith.constant 0 : i32
      %dma_start3A_19 = tpu.memref_slice %arg8[%mul3A_2, %dma_start3A] : memref<10240x128xf32, #tpu.memory_space<vmem_shared>> -> memref<640x128xf32, #tpu.memory_space<vmem_shared>>
      tpu.enqueue_dma source(%arg4 : memref<640x128xf32, #tpu.memory_space<hbm>>) target(%dma_start3A_19 : memref<640x128xf32, #tpu.memory_space<vmem_shared>>) target_semaphore(%run_scoped3A : memref<!tpu.dma_semaphore, #tpu.memory_space<semaphore_mem>>)
      %dma_wait3A = arith.constant 0 : i32
      %dma_wait3A_20 = tpu.memref_slice %arg8[%mul3A_2, %dma_wait3A] : memref<10240x128xf32, #tpu.memory_space<vmem_shared>> -> memref<640x128xf32, #tpu.memory_space<vmem_shared>>
      tpu.wait_dma2 semaphore(%run_scoped3A : memref<!tpu.dma_semaphore, #tpu.memory_space<semaphore_mem>>) src(%arg4 : memref<640x128xf32, #tpu.memory_space<hbm>>) dst(%dma_wait3A_20 : memref<640x128xf32, #tpu.memory_space<vmem_shared>>)
      tpu.yield
    }) : () -> ()
    "tpu.region"() ({
      %run_scoped3A = tpu.sem_alloc : memref<!tpu.dma_semaphore, #tpu.memory_space<semaphore_mem>>
      tpu.enqueue_dma source(%arg3 : memref<80x128xf32, #tpu.memory_space<hbm>>) target(%arg7 : memref<80x128xf32, #tpu.memory_space<vmem>>) target_semaphore(%run_scoped3A : memref<!tpu.dma_semaphore, #tpu.memory_space<semaphore_mem>>)
      tpu.wait_dma2 semaphore(%run_scoped3A : memref<!tpu.dma_semaphore, #tpu.memory_space<semaphore_mem>>) src(%arg3 : memref<80x128xf32, #tpu.memory_space<hbm>>) dst(%arg7 : memref<80x128xf32, #tpu.memory_space<vmem>>)
      tpu.yield
    }) : () -> ()
    "tpu.region"() ({
      %run_scoped3A = tpu.sem_alloc : memref<!tpu.dma_semaphore, #tpu.memory_space<semaphore_mem>>
      %dma_start3A = arith.constant 0 : i32
      %dma_start3A_19 = arith.constant 0 : i32
      %dma_start3A_20 = tpu.memref_slice %arg2[%add3A, %dma_start3A, %dma_start3A_19] : memref<32x128x80xi32, #tpu.memory_space<hbm>> -> memref<1x128x80xi32, #tpu.memory_space<hbm>>
      %dma_start3A_21 = tpu.memref_squeeze %dma_start3A_20 : memref<1x128x80xi32, #tpu.memory_space<hbm>> -> memref<128x80xi32, #tpu.memory_space<hbm>>
      %dma_start3A_22 = arith.constant 0 : i32
      %dma_start3A_23 = arith.constant 0 : i32
      %dma_start3A_24 = tpu.memref_slice %arg2[%add3A, %dma_start3A_22, %dma_start3A_23] : memref<32x128x80xi32, #tpu.memory_space<hbm>> -> memref<1x128x80xi32, #tpu.memory_space<hbm>>
      %dma_start3A_25 = tpu.memref_squeeze %dma_start3A_24 : memref<1x128x80xi32, #tpu.memory_space<hbm>> -> memref<128x80xi32, #tpu.memory_space<hbm>>
      tpu.enqueue_dma source(%dma_start3A_25 : memref<128x80xi32, #tpu.memory_space<hbm>>) target(%arg6 : memref<128x80xi32, #tpu.memory_space<vmem>>) target_semaphore(%run_scoped3A : memref<!tpu.dma_semaphore, #tpu.memory_space<semaphore_mem>>)
      %dma_wait3A = arith.constant 0 : i32
      %dma_wait3A_26 = arith.constant 0 : i32
      %dma_wait3A_27 = tpu.memref_slice %arg2[%add3A, %dma_wait3A, %dma_wait3A_26] : memref<32x128x80xi32, #tpu.memory_space<hbm>> -> memref<1x128x80xi32, #tpu.memory_space<hbm>>
      %dma_wait3A_28 = tpu.memref_squeeze %dma_wait3A_27 : memref<1x128x80xi32, #tpu.memory_space<hbm>> -> memref<128x80xi32, #tpu.memory_space<hbm>>
      %dma_wait3A_29 = arith.constant 0 : i32
      %dma_wait3A_30 = arith.constant 0 : i32
      %dma_wait3A_31 = tpu.memref_slice %arg2[%add3A, %dma_wait3A_29, %dma_wait3A_30] : memref<32x128x80xi32, #tpu.memory_space<hbm>> -> memref<1x128x80xi32, #tpu.memory_space<hbm>>
      %dma_wait3A_32 = tpu.memref_squeeze %dma_wait3A_31 : memref<1x128x80xi32, #tpu.memory_space<hbm>> -> memref<128x80xi32, #tpu.memory_space<hbm>>
      tpu.wait_dma2 semaphore(%run_scoped3A : memref<!tpu.dma_semaphore, #tpu.memory_space<semaphore_mem>>) src(%dma_wait3A_32 : memref<128x80xi32, #tpu.memory_space<hbm>>) dst(%arg6 : memref<128x80xi32, #tpu.memory_space<vmem>>)
      tpu.yield
    }) : () -> ()
    %barrier3A = arith.constant 0 : index
    tpu.barrier barrier_id(%barrier3A)
    %scan3A = arith.constant 0 : i32
    %scan3A_3 = arith.constant 0 : i32
    %scan3A_4 = arith.constant 128 : i32
    %scan3A_5 = arith.addi %scan3A_3, %scan3A_4 : i32
    %scan3A_6 = arith.constant 1 : i32
    scf.for %scan3A_19 = %scan3A_3 to %scan3A_5 step %scan3A_6  : i32 {
      %dma_start3A = arith.constant 0 : i32
      %dma_start3A_20 = tpu.memref_slice %arg6[%scan3A_19, %dma_start3A] : memref<128x80xi32, #tpu.memory_space<vmem>> -> memref<1x80xi32, #tpu.memory_space<vmem>>
      %dma_start3A_21 = tpu.memref_squeeze %dma_start3A_20 : memref<1x80xi32, #tpu.memory_space<vmem>> -> memref<80xi32, #tpu.memory_space<vmem>>
      %dma_start3A_22 = arith.constant 0 : i32
      %dma_start3A_23 = arith.constant 0 : i32
      %dma_start3A_24 = tpu.memref_slice %arg8[%dma_start3A_22, %dma_start3A_23] : memref<10240x128xf32, #tpu.memory_space<vmem_shared>> -> memref<10240x128xf32, #tpu.memory_space<vmem_shared>>
      tpu.enqueue_indirect_dma source(%arg7 : memref<80x128xf32, #tpu.memory_space<vmem>>) target(%dma_start3A_24 : memref<10240x128xf32, #tpu.memory_space<vmem_shared>>) offsets(%dma_start3A_21 : memref<80xi32, #tpu.memory_space<vmem>>) semaphore(%arg9 : memref<!tpu.dma_semaphore, #tpu.memory_space<semaphore_mem>>) {add = true}
    }
    %scan3A_7 = arith.constant 128 : i32
    %scan3A_8 = arith.constant 0 : i32
    %scan3A_9 = arith.constant 0 : i32
    %scan3A_10 = arith.constant 128 : i32
    %scan3A_11 = arith.addi %scan3A_9, %scan3A_10 : i32
    %scan3A_12 = arith.constant 1 : i32
    scf.for %scan3A_19 = %scan3A_9 to %scan3A_11 step %scan3A_12  : i32 {
      tpu.wait_dma2 semaphore(%arg9 : memref<!tpu.dma_semaphore, #tpu.memory_space<semaphore_mem>>) src(%arg3 : memref<80x128xf32, #tpu.memory_space<hbm>>) dst(%arg7 : memref<80x128xf32, #tpu.memory_space<vmem>>)
    }
    %scan3A_13 = arith.constant 128 : i32
    %barrier3A_14 = arith.constant 0 : index
    tpu.barrier barrier_id(%barrier3A_14)
    %mul3A_15 = arith.constant 640 : i32
    %mul3A_16 = arith.muli %arg1, %mul3A_15 : i32
    %mul3A_17 = arith.constant 640 : i32
    %mul3A_18 = arith.muli %arg1, %mul3A_17 : i32
    "tpu.region"() ({
      %run_scoped3A = tpu.sem_alloc : memref<!tpu.dma_semaphore, #tpu.memory_space<semaphore_mem>>
      %dma_start3A = arith.constant 0 : i32
      %dma_start3A_19 = tpu.memref_slice %arg5[%arg0, %mul3A_18, %dma_start3A] : memref<2x10240x128xf32, #tpu.memory_space<hbm>> -> memref<1x640x128xf32, #tpu.memory_space<hbm>>
      %dma_start3A_20 = tpu.memref_squeeze %dma_start3A_19 : memref<1x640x128xf32, #tpu.memory_space<hbm>> -> memref<640x128xf32, #tpu.memory_space<hbm>>
      %dma_start3A_21 = arith.constant 0 : i32
      %dma_start3A_22 = tpu.memref_slice %arg8[%mul3A_16, %dma_start3A_21] : memref<10240x128xf32, #tpu.memory_space<vmem_shared>> -> memref<640x128xf32, #tpu.memory_space<vmem_shared>>
      tpu.enqueue_dma source(%dma_start3A_22 : memref<640x128xf32, #tpu.memory_space<vmem_shared>>) target(%dma_start3A_20 : memref<640x128xf32, #tpu.memory_space<hbm>>) target_semaphore(%run_scoped3A : memref<!tpu.dma_semaphore, #tpu.memory_space<semaphore_mem>>)
      %dma_wait3A = arith.constant 0 : i32
      %dma_wait3A_23 = tpu.memref_slice %arg5[%arg0, %mul3A_18, %dma_wait3A] : memref<2x10240x128xf32, #tpu.memory_space<hbm>> -> memref<1x640x128xf32, #tpu.memory_space<hbm>>
      %dma_wait3A_24 = tpu.memref_squeeze %dma_wait3A_23 : memref<1x640x128xf32, #tpu.memory_space<hbm>> -> memref<640x128xf32, #tpu.memory_space<hbm>>
      %dma_wait3A_25 = arith.constant 0 : i32
      %dma_wait3A_26 = tpu.memref_slice %arg8[%mul3A_16, %dma_wait3A_25] : memref<10240x128xf32, #tpu.memory_space<vmem_shared>> -> memref<640x128xf32, #tpu.memory_space<vmem_shared>>
      tpu.wait_dma2 semaphore(%run_scoped3A : memref<!tpu.dma_semaphore, #tpu.memory_space<semaphore_mem>>) src(%dma_wait3A_26 : memref<640x128xf32, #tpu.memory_space<vmem_shared>>) dst(%dma_wait3A_24 : memref<640x128xf32, #tpu.memory_space<hbm>>)
      tpu.yield
    }) : () -> ()
    return
  }
}

#map = affine_map<(d0, d1) -> (0, 0)>
#map1 = affine_map<(d0, d1) -> (0, 0, 0)>
module attributes {stable_mosaic.version = 14 : i64} {
  func.func @_sc_agg_body(%arg0: i32, %arg1: i32, %arg2: memref<10000x128xf32, #tpu.memory_space<hbm>>, %arg3: memref<32x128x80xi32, #tpu.memory_space<hbm>>, %arg4: memref<32x128x80xi32, #tpu.memory_space<hbm>>, %arg5: memref<640x128xf32, #tpu.memory_space<hbm>>, %arg6: memref<2x10240x128xf32, #tpu.memory_space<hbm>>, %arg7: memref<16x80xi32, #tpu.memory_space<vmem>>, %arg8: memref<16x80xi32, #tpu.memory_space<vmem>>, %arg9: memref<80x128xf32, #tpu.memory_space<vmem>>, %arg10: memref<80x128xf32, #tpu.memory_space<vmem>>, %arg11: memref<80x128xf32, #tpu.memory_space<vmem>>, %arg12: memref<80x128xf32, #tpu.memory_space<vmem>>, %arg13: memref<10240x128xf32, #tpu.memory_space<vmem_shared>>, %arg14: memref<!tpu.dma_semaphore, #tpu.memory_space<semaphore_mem>>, %arg15: memref<!tpu.dma_semaphore, #tpu.memory_space<semaphore_mem>>, %arg16: memref<!tpu.dma_semaphore, #tpu.memory_space<semaphore_mem>>, %arg17: memref<!tpu.dma_semaphore, #tpu.memory_space<semaphore_mem>>, %arg18: memref<!tpu.dma_semaphore, #tpu.memory_space<semaphore_mem>>) attributes {dimension_semantics = [#tpu.dimension_semantics<core_parallel>, #tpu.dimension_semantics<subcore_parallel>], iteration_bounds = array<i64: 2, 16>, scalar_prefetch = 0 : i64, scratch_operands = 12 : i64, tpu.core_type = #tpu.core_type<sc_vector_subcore>, window_params = [{transform_indices = #map}, {transform_indices = #map1}, {transform_indices = #map1}, {transform_indices = #map}, {transform_indices = #map1}]} {
    %mul3A = arith.constant 16 : i32
    %mul3A_0 = arith.muli %arg0, %mul3A : i32
    %add3A = arith.addi %mul3A_0, %arg1 : i32
    %mul3A_1 = arith.constant 640 : i32
    %mul3A_2 = arith.muli %arg1, %mul3A_1 : i32
    "tpu.region"() ({
      %run_scoped3A = tpu.sem_alloc : memref<!tpu.dma_semaphore, #tpu.memory_space<semaphore_mem>>
      %dma_start3A_33 = arith.constant 0 : i32
      %dma_start3A_34 = tpu.memref_slice %arg13[%mul3A_2, %dma_start3A_33] : memref<10240x128xf32, #tpu.memory_space<vmem_shared>> -> memref<640x128xf32, #tpu.memory_space<vmem_shared>>
      tpu.enqueue_dma source(%arg5 : memref<640x128xf32, #tpu.memory_space<hbm>>) target(%dma_start3A_34 : memref<640x128xf32, #tpu.memory_space<vmem_shared>>) target_semaphore(%run_scoped3A : memref<!tpu.dma_semaphore, #tpu.memory_space<semaphore_mem>>)
      %dma_wait3A = arith.constant 0 : i32
      %dma_wait3A_35 = tpu.memref_slice %arg13[%mul3A_2, %dma_wait3A] : memref<10240x128xf32, #tpu.memory_space<vmem_shared>> -> memref<640x128xf32, #tpu.memory_space<vmem_shared>>
      tpu.wait_dma2 semaphore(%run_scoped3A : memref<!tpu.dma_semaphore, #tpu.memory_space<semaphore_mem>>) src(%arg5 : memref<640x128xf32, #tpu.memory_space<hbm>>) dst(%dma_wait3A_35 : memref<640x128xf32, #tpu.memory_space<vmem_shared>>)
      tpu.yield
    }) : () -> ()
    "tpu.region"() ({
      %run_scoped3A = tpu.sem_alloc : memref<!tpu.dma_semaphore, #tpu.memory_space<semaphore_mem>>
      %dma_start3A_33 = arith.constant 0 : i32
      %dma_start3A_34 = arith.constant 0 : i32
      %dma_start3A_35 = tpu.memref_slice %arg7[%dma_start3A_33, %dma_start3A_34] : memref<16x80xi32, #tpu.memory_space<vmem>> -> memref<8x80xi32, #tpu.memory_space<vmem>>
      %dma_start3A_36 = arith.constant 0 : i32
      %dma_start3A_37 = arith.constant 0 : i32
      %dma_start3A_38 = tpu.memref_slice %arg3[%add3A, %dma_start3A_36, %dma_start3A_37] : memref<32x128x80xi32, #tpu.memory_space<hbm>> -> memref<1x8x80xi32, #tpu.memory_space<hbm>>
      %dma_start3A_39 = tpu.memref_squeeze %dma_start3A_38 : memref<1x8x80xi32, #tpu.memory_space<hbm>> -> memref<8x80xi32, #tpu.memory_space<hbm>>
      %dma_start3A_40 = arith.constant 0 : i32
      %dma_start3A_41 = arith.constant 0 : i32
      %dma_start3A_42 = tpu.memref_slice %arg7[%dma_start3A_40, %dma_start3A_41] : memref<16x80xi32, #tpu.memory_space<vmem>> -> memref<8x80xi32, #tpu.memory_space<vmem>>
      %dma_start3A_43 = arith.constant 0 : i32
      %dma_start3A_44 = arith.constant 0 : i32
      %dma_start3A_45 = tpu.memref_slice %arg3[%add3A, %dma_start3A_43, %dma_start3A_44] : memref<32x128x80xi32, #tpu.memory_space<hbm>> -> memref<1x8x80xi32, #tpu.memory_space<hbm>>
      %dma_start3A_46 = tpu.memref_squeeze %dma_start3A_45 : memref<1x8x80xi32, #tpu.memory_space<hbm>> -> memref<8x80xi32, #tpu.memory_space<hbm>>
      tpu.enqueue_dma source(%dma_start3A_46 : memref<8x80xi32, #tpu.memory_space<hbm>>) target(%dma_start3A_42 : memref<8x80xi32, #tpu.memory_space<vmem>>) target_semaphore(%run_scoped3A : memref<!tpu.dma_semaphore, #tpu.memory_space<semaphore_mem>>)
      %dma_wait3A = arith.constant 0 : i32
      %dma_wait3A_47 = arith.constant 0 : i32
      %dma_wait3A_48 = tpu.memref_slice %arg7[%dma_wait3A, %dma_wait3A_47] : memref<16x80xi32, #tpu.memory_space<vmem>> -> memref<8x80xi32, #tpu.memory_space<vmem>>
      %dma_wait3A_49 = arith.constant 0 : i32
      %dma_wait3A_50 = arith.constant 0 : i32
      %dma_wait3A_51 = tpu.memref_slice %arg3[%add3A, %dma_wait3A_49, %dma_wait3A_50] : memref<32x128x80xi32, #tpu.memory_space<hbm>> -> memref<1x8x80xi32, #tpu.memory_space<hbm>>
      %dma_wait3A_52 = tpu.memref_squeeze %dma_wait3A_51 : memref<1x8x80xi32, #tpu.memory_space<hbm>> -> memref<8x80xi32, #tpu.memory_space<hbm>>
      %dma_wait3A_53 = arith.constant 0 : i32
      %dma_wait3A_54 = arith.constant 0 : i32
      %dma_wait3A_55 = tpu.memref_slice %arg7[%dma_wait3A_53, %dma_wait3A_54] : memref<16x80xi32, #tpu.memory_space<vmem>> -> memref<8x80xi32, #tpu.memory_space<vmem>>
      %dma_wait3A_56 = arith.constant 0 : i32
      %dma_wait3A_57 = arith.constant 0 : i32
      %dma_wait3A_58 = tpu.memref_slice %arg3[%add3A, %dma_wait3A_56, %dma_wait3A_57] : memref<32x128x80xi32, #tpu.memory_space<hbm>> -> memref<1x8x80xi32, #tpu.memory_space<hbm>>
      %dma_wait3A_59 = tpu.memref_squeeze %dma_wait3A_58 : memref<1x8x80xi32, #tpu.memory_space<hbm>> -> memref<8x80xi32, #tpu.memory_space<hbm>>
      tpu.wait_dma2 semaphore(%run_scoped3A : memref<!tpu.dma_semaphore, #tpu.memory_space<semaphore_mem>>) src(%dma_wait3A_59 : memref<8x80xi32, #tpu.memory_space<hbm>>) dst(%dma_wait3A_55 : memref<8x80xi32, #tpu.memory_space<vmem>>)
      tpu.yield
    }) : () -> ()
    "tpu.region"() ({
      %run_scoped3A = tpu.sem_alloc : memref<!tpu.dma_semaphore, #tpu.memory_space<semaphore_mem>>
      %dma_start3A_33 = arith.constant 0 : i32
      %dma_start3A_34 = arith.constant 0 : i32
      %dma_start3A_35 = tpu.memref_slice %arg8[%dma_start3A_33, %dma_start3A_34] : memref<16x80xi32, #tpu.memory_space<vmem>> -> memref<8x80xi32, #tpu.memory_space<vmem>>
      %dma_start3A_36 = arith.constant 0 : i32
      %dma_start3A_37 = arith.constant 0 : i32
      %dma_start3A_38 = tpu.memref_slice %arg4[%add3A, %dma_start3A_36, %dma_start3A_37] : memref<32x128x80xi32, #tpu.memory_space<hbm>> -> memref<1x8x80xi32, #tpu.memory_space<hbm>>
      %dma_start3A_39 = tpu.memref_squeeze %dma_start3A_38 : memref<1x8x80xi32, #tpu.memory_space<hbm>> -> memref<8x80xi32, #tpu.memory_space<hbm>>
      %dma_start3A_40 = arith.constant 0 : i32
      %dma_start3A_41 = arith.constant 0 : i32
      %dma_start3A_42 = tpu.memref_slice %arg8[%dma_start3A_40, %dma_start3A_41] : memref<16x80xi32, #tpu.memory_space<vmem>> -> memref<8x80xi32, #tpu.memory_space<vmem>>
      %dma_start3A_43 = arith.constant 0 : i32
      %dma_start3A_44 = arith.constant 0 : i32
      %dma_start3A_45 = tpu.memref_slice %arg4[%add3A, %dma_start3A_43, %dma_start3A_44] : memref<32x128x80xi32, #tpu.memory_space<hbm>> -> memref<1x8x80xi32, #tpu.memory_space<hbm>>
      %dma_start3A_46 = tpu.memref_squeeze %dma_start3A_45 : memref<1x8x80xi32, #tpu.memory_space<hbm>> -> memref<8x80xi32, #tpu.memory_space<hbm>>
      tpu.enqueue_dma source(%dma_start3A_46 : memref<8x80xi32, #tpu.memory_space<hbm>>) target(%dma_start3A_42 : memref<8x80xi32, #tpu.memory_space<vmem>>) target_semaphore(%run_scoped3A : memref<!tpu.dma_semaphore, #tpu.memory_space<semaphore_mem>>)
      %dma_wait3A = arith.constant 0 : i32
      %dma_wait3A_47 = arith.constant 0 : i32
      %dma_wait3A_48 = tpu.memref_slice %arg8[%dma_wait3A, %dma_wait3A_47] : memref<16x80xi32, #tpu.memory_space<vmem>> -> memref<8x80xi32, #tpu.memory_space<vmem>>
      %dma_wait3A_49 = arith.constant 0 : i32
      %dma_wait3A_50 = arith.constant 0 : i32
      %dma_wait3A_51 = tpu.memref_slice %arg4[%add3A, %dma_wait3A_49, %dma_wait3A_50] : memref<32x128x80xi32, #tpu.memory_space<hbm>> -> memref<1x8x80xi32, #tpu.memory_space<hbm>>
      %dma_wait3A_52 = tpu.memref_squeeze %dma_wait3A_51 : memref<1x8x80xi32, #tpu.memory_space<hbm>> -> memref<8x80xi32, #tpu.memory_space<hbm>>
      %dma_wait3A_53 = arith.constant 0 : i32
      %dma_wait3A_54 = arith.constant 0 : i32
      %dma_wait3A_55 = tpu.memref_slice %arg8[%dma_wait3A_53, %dma_wait3A_54] : memref<16x80xi32, #tpu.memory_space<vmem>> -> memref<8x80xi32, #tpu.memory_space<vmem>>
      %dma_wait3A_56 = arith.constant 0 : i32
      %dma_wait3A_57 = arith.constant 0 : i32
      %dma_wait3A_58 = tpu.memref_slice %arg4[%add3A, %dma_wait3A_56, %dma_wait3A_57] : memref<32x128x80xi32, #tpu.memory_space<hbm>> -> memref<1x8x80xi32, #tpu.memory_space<hbm>>
      %dma_wait3A_59 = tpu.memref_squeeze %dma_wait3A_58 : memref<1x8x80xi32, #tpu.memory_space<hbm>> -> memref<8x80xi32, #tpu.memory_space<hbm>>
      tpu.wait_dma2 semaphore(%run_scoped3A : memref<!tpu.dma_semaphore, #tpu.memory_space<semaphore_mem>>) src(%dma_wait3A_59 : memref<8x80xi32, #tpu.memory_space<hbm>>) dst(%dma_wait3A_55 : memref<8x80xi32, #tpu.memory_space<vmem>>)
      tpu.yield
    }) : () -> ()
    %barrier3A = arith.constant 0 : index
    tpu.barrier barrier_id(%barrier3A)
    %dma_start3A = arith.constant 0 : i32
    %dma_start3A_3 = arith.constant 0 : i32
    %dma_start3A_4 = tpu.memref_slice %arg7[%dma_start3A, %dma_start3A_3] : memref<16x80xi32, #tpu.memory_space<vmem>> -> memref<1x80xi32, #tpu.memory_space<vmem>>
    %dma_start3A_5 = tpu.memref_squeeze %dma_start3A_4 : memref<1x80xi32, #tpu.memory_space<vmem>> -> memref<80xi32, #tpu.memory_space<vmem>>
    %dma_start3A_6 = arith.constant 0 : i32
    %dma_start3A_7 = arith.constant 0 : i32
    %dma_start3A_8 = tpu.memref_slice %arg2[%dma_start3A_6, %dma_start3A_7] : memref<10000x128xf32, #tpu.memory_space<hbm>> -> memref<10000x128xf32, #tpu.memory_space<hbm>>
    tpu.enqueue_indirect_dma source(%dma_start3A_8 : memref<10000x128xf32, #tpu.memory_space<hbm>>) target(%arg9 : memref<80x128xf32, #tpu.memory_space<vmem>>) offsets(%dma_start3A_5 : memref<80xi32, #tpu.memory_space<vmem>>) semaphore(%arg15 : memref<!tpu.dma_semaphore, #tpu.memory_space<semaphore_mem>>)
    %dma_start3A_9 = arith.constant 1 : i32
    %dma_start3A_10 = arith.constant 0 : i32
    %dma_start3A_11 = tpu.memref_slice %arg7[%dma_start3A_9, %dma_start3A_10] : memref<16x80xi32, #tpu.memory_space<vmem>> -> memref<1x80xi32, #tpu.memory_space<vmem>>
    %dma_start3A_12 = tpu.memref_squeeze %dma_start3A_11 : memref<1x80xi32, #tpu.memory_space<vmem>> -> memref<80xi32, #tpu.memory_space<vmem>>
    %dma_start3A_13 = arith.constant 0 : i32
    %dma_start3A_14 = arith.constant 0 : i32
    %dma_start3A_15 = tpu.memref_slice %arg2[%dma_start3A_13, %dma_start3A_14] : memref<10000x128xf32, #tpu.memory_space<hbm>> -> memref<10000x128xf32, #tpu.memory_space<hbm>>
    tpu.enqueue_indirect_dma source(%dma_start3A_15 : memref<10000x128xf32, #tpu.memory_space<hbm>>) target(%arg10 : memref<80x128xf32, #tpu.memory_space<vmem>>) offsets(%dma_start3A_12 : memref<80xi32, #tpu.memory_space<vmem>>) semaphore(%arg16 : memref<!tpu.dma_semaphore, #tpu.memory_space<semaphore_mem>>)
    %dma_start3A_16 = arith.constant 2 : i32
    %dma_start3A_17 = arith.constant 0 : i32
    %dma_start3A_18 = tpu.memref_slice %arg7[%dma_start3A_16, %dma_start3A_17] : memref<16x80xi32, #tpu.memory_space<vmem>> -> memref<1x80xi32, #tpu.memory_space<vmem>>
    %dma_start3A_19 = tpu.memref_squeeze %dma_start3A_18 : memref<1x80xi32, #tpu.memory_space<vmem>> -> memref<80xi32, #tpu.memory_space<vmem>>
    %dma_start3A_20 = arith.constant 0 : i32
    %dma_start3A_21 = arith.constant 0 : i32
    %dma_start3A_22 = tpu.memref_slice %arg2[%dma_start3A_20, %dma_start3A_21] : memref<10000x128xf32, #tpu.memory_space<hbm>> -> memref<10000x128xf32, #tpu.memory_space<hbm>>
    tpu.enqueue_indirect_dma source(%dma_start3A_22 : memref<10000x128xf32, #tpu.memory_space<hbm>>) target(%arg11 : memref<80x128xf32, #tpu.memory_space<vmem>>) offsets(%dma_start3A_19 : memref<80xi32, #tpu.memory_space<vmem>>) semaphore(%arg17 : memref<!tpu.dma_semaphore, #tpu.memory_space<semaphore_mem>>)
    %scan3A = arith.constant 0 : i32
    %scan3A_23 = arith.constant 0 : i32
    %scan3A_24 = arith.constant 16 : i32
    %scan3A_25 = arith.addi %scan3A_23, %scan3A_24 : i32
    %scan3A_26 = arith.constant 1 : i32
    scf.for %scan3A_33 = %scan3A_23 to %scan3A_25 step %scan3A_26  : i32 {
      %rem3A = arith.constant 2 : i32
      %rem3A_34 = arith.remsi %scan3A_33, %rem3A : i32
      %mul3A_35 = arith.constant 8 : i32
      %mul3A_36 = arith.muli %rem3A_34, %mul3A_35 : i32
      %sub3A = arith.constant 8 : i32
      %sub3A_37 = arith.subi %sub3A, %mul3A_36 : i32
      %lt3A = arith.constant 15 : i32
      %lt3A_38 = arith.cmpi slt, %scan3A_33, %lt3A : i32
      %convert_element_type3A = arith.extui %lt3A_38 : i1 to i32
      %cond3A = arith.constant 0 : i32
      %cond3A_39 = arith.cmpi ne, %convert_element_type3A, %cond3A : i32
      scf.if %cond3A_39 {
        %add3A_170 = arith.constant 1 : i32
        %add3A_171 = arith.addi %scan3A_33, %add3A_170 : i32
        %mul3A_172 = arith.constant 8 : i32
        %mul3A_173 = arith.muli %add3A_171, %mul3A_172 : i32
        %dma_start3A_174 = arith.constant 0 : i32
        %dma_start3A_175 = tpu.memref_slice %arg7[%sub3A_37, %dma_start3A_174] : memref<16x80xi32, #tpu.memory_space<vmem>> -> memref<8x80xi32, #tpu.memory_space<vmem>>
        %dma_start3A_176 = arith.constant 0 : i32
        %dma_start3A_177 = tpu.memref_slice %arg3[%add3A, %mul3A_173, %dma_start3A_176] : memref<32x128x80xi32, #tpu.memory_space<hbm>> -> memref<1x8x80xi32, #tpu.memory_space<hbm>>
        %dma_start3A_178 = tpu.memref_squeeze %dma_start3A_177 : memref<1x8x80xi32, #tpu.memory_space<hbm>> -> memref<8x80xi32, #tpu.memory_space<hbm>>
        %dma_start3A_179 = arith.constant 0 : i32
        %dma_start3A_180 = tpu.memref_slice %arg7[%sub3A_37, %dma_start3A_179] : memref<16x80xi32, #tpu.memory_space<vmem>> -> memref<8x80xi32, #tpu.memory_space<vmem>>
        %dma_start3A_181 = arith.constant 0 : i32
        %dma_start3A_182 = tpu.memref_slice %arg3[%add3A, %mul3A_173, %dma_start3A_181] : memref<32x128x80xi32, #tpu.memory_space<hbm>> -> memref<1x8x80xi32, #tpu.memory_space<hbm>>
        %dma_start3A_183 = tpu.memref_squeeze %dma_start3A_182 : memref<1x8x80xi32, #tpu.memory_space<hbm>> -> memref<8x80xi32, #tpu.memory_space<hbm>>
        tpu.enqueue_dma source(%dma_start3A_183 : memref<8x80xi32, #tpu.memory_space<hbm>>) target(%dma_start3A_180 : memref<8x80xi32, #tpu.memory_space<vmem>>) target_semaphore(%arg14 : memref<!tpu.dma_semaphore, #tpu.memory_space<semaphore_mem>>)
        %add3A_184 = arith.constant 1 : i32
        %add3A_185 = arith.addi %scan3A_33, %add3A_184 : i32
        %mul3A_186 = arith.constant 8 : i32
        %mul3A_187 = arith.muli %add3A_185, %mul3A_186 : i32
        %dma_start3A_188 = arith.constant 0 : i32
        %dma_start3A_189 = tpu.memref_slice %arg8[%sub3A_37, %dma_start3A_188] : memref<16x80xi32, #tpu.memory_space<vmem>> -> memref<8x80xi32, #tpu.memory_space<vmem>>
        %dma_start3A_190 = arith.constant 0 : i32
        %dma_start3A_191 = tpu.memref_slice %arg4[%add3A, %mul3A_187, %dma_start3A_190] : memref<32x128x80xi32, #tpu.memory_space<hbm>> -> memref<1x8x80xi32, #tpu.memory_space<hbm>>
        %dma_start3A_192 = tpu.memref_squeeze %dma_start3A_191 : memref<1x8x80xi32, #tpu.memory_space<hbm>> -> memref<8x80xi32, #tpu.memory_space<hbm>>
        %dma_start3A_193 = arith.constant 0 : i32
        %dma_start3A_194 = tpu.memref_slice %arg8[%sub3A_37, %dma_start3A_193] : memref<16x80xi32, #tpu.memory_space<vmem>> -> memref<8x80xi32, #tpu.memory_space<vmem>>
        %dma_start3A_195 = arith.constant 0 : i32
        %dma_start3A_196 = tpu.memref_slice %arg4[%add3A, %mul3A_187, %dma_start3A_195] : memref<32x128x80xi32, #tpu.memory_space<hbm>> -> memref<1x8x80xi32, #tpu.memory_space<hbm>>
        %dma_start3A_197 = tpu.memref_squeeze %dma_start3A_196 : memref<1x8x80xi32, #tpu.memory_space<hbm>> -> memref<8x80xi32, #tpu.memory_space<hbm>>
        tpu.enqueue_dma source(%dma_start3A_197 : memref<8x80xi32, #tpu.memory_space<hbm>>) target(%dma_start3A_194 : memref<8x80xi32, #tpu.memory_space<vmem>>) target_semaphore(%arg14 : memref<!tpu.dma_semaphore, #tpu.memory_space<semaphore_mem>>)
      } else {
      }
      %dma_wait3A = arith.constant 0 : i32
      %dma_wait3A_40 = arith.constant 0 : i32
      %dma_wait3A_41 = tpu.memref_slice %arg2[%dma_wait3A, %dma_wait3A_40] : memref<10000x128xf32, #tpu.memory_space<hbm>> -> memref<80x128xf32, #tpu.memory_space<hbm>>
      %dma_wait3A_42 = arith.constant 0 : i32
      %dma_wait3A_43 = arith.constant 0 : i32
      %dma_wait3A_44 = tpu.memref_slice %arg2[%dma_wait3A_42, %dma_wait3A_43] : memref<10000x128xf32, #tpu.memory_space<hbm>> -> memref<80x128xf32, #tpu.memory_space<hbm>>
      tpu.wait_dma2 semaphore(%arg15 : memref<!tpu.dma_semaphore, #tpu.memory_space<semaphore_mem>>) src(%dma_wait3A_44 : memref<80x128xf32, #tpu.memory_space<hbm>>) dst(%arg9 : memref<80x128xf32, #tpu.memory_space<vmem>>)
      %add3A_45 = arith.constant 0 : i32
      %add3A_46 = arith.addi %mul3A_36, %add3A_45 : i32
      %add3A_47 = arith.constant 3 : i32
      %add3A_48 = arith.addi %add3A_46, %add3A_47 : i32
      %dma_start3A_49 = arith.constant 0 : i32
      %dma_start3A_50 = tpu.memref_slice %arg7[%add3A_48, %dma_start3A_49] : memref<16x80xi32, #tpu.memory_space<vmem>> -> memref<1x80xi32, #tpu.memory_space<vmem>>
      %dma_start3A_51 = tpu.memref_squeeze %dma_start3A_50 : memref<1x80xi32, #tpu.memory_space<vmem>> -> memref<80xi32, #tpu.memory_space<vmem>>
      %dma_start3A_52 = arith.constant 0 : i32
      %dma_start3A_53 = arith.constant 0 : i32
      %dma_start3A_54 = tpu.memref_slice %arg2[%dma_start3A_52, %dma_start3A_53] : memref<10000x128xf32, #tpu.memory_space<hbm>> -> memref<10000x128xf32, #tpu.memory_space<hbm>>
      tpu.enqueue_indirect_dma source(%dma_start3A_54 : memref<10000x128xf32, #tpu.memory_space<hbm>>) target(%arg12 : memref<80x128xf32, #tpu.memory_space<vmem>>) offsets(%dma_start3A_51 : memref<80xi32, #tpu.memory_space<vmem>>) semaphore(%arg18 : memref<!tpu.dma_semaphore, #tpu.memory_space<semaphore_mem>>)
      %add3A_55 = arith.constant 0 : i32
      %add3A_56 = arith.addi %mul3A_36, %add3A_55 : i32
      "tpu.region"() ({
        %run_scoped3A = tpu.sem_alloc : memref<!tpu.dma_semaphore, #tpu.memory_space<semaphore_mem>>
        %dma_start3A_170 = arith.constant 0 : i32
        %dma_start3A_171 = tpu.memref_slice %arg8[%add3A_56, %dma_start3A_170] : memref<16x80xi32, #tpu.memory_space<vmem>> -> memref<1x80xi32, #tpu.memory_space<vmem>>
        %dma_start3A_172 = tpu.memref_squeeze %dma_start3A_171 : memref<1x80xi32, #tpu.memory_space<vmem>> -> memref<80xi32, #tpu.memory_space<vmem>>
        %dma_start3A_173 = arith.constant 0 : i32
        %dma_start3A_174 = arith.constant 0 : i32
        %dma_start3A_175 = tpu.memref_slice %arg13[%dma_start3A_173, %dma_start3A_174] : memref<10240x128xf32, #tpu.memory_space<vmem_shared>> -> memref<10240x128xf32, #tpu.memory_space<vmem_shared>>
        tpu.enqueue_indirect_dma source(%arg9 : memref<80x128xf32, #tpu.memory_space<vmem>>) target(%dma_start3A_175 : memref<10240x128xf32, #tpu.memory_space<vmem_shared>>) offsets(%dma_start3A_172 : memref<80xi32, #tpu.memory_space<vmem>>) semaphore(%run_scoped3A : memref<!tpu.dma_semaphore, #tpu.memory_space<semaphore_mem>>) {add = true}
        %dma_wait3A_176 = arith.constant 0 : i32
        %dma_wait3A_177 = tpu.memref_slice %arg8[%add3A_56, %dma_wait3A_176] : memref<16x80xi32, #tpu.memory_space<vmem>> -> memref<1x80xi32, #tpu.memory_space<vmem>>
        %dma_wait3A_178 = tpu.memref_squeeze %dma_wait3A_177 : memref<1x80xi32, #tpu.memory_space<vmem>> -> memref<80xi32, #tpu.memory_space<vmem>>
        %dma_wait3A_179 = arith.constant 0 : i32
        %dma_wait3A_180 = arith.constant 0 : i32
        %dma_wait3A_181 = tpu.memref_slice %arg13[%dma_wait3A_179, %dma_wait3A_180] : memref<10240x128xf32, #tpu.memory_space<vmem_shared>> -> memref<10240x128xf32, #tpu.memory_space<vmem_shared>>
        tpu.wait_indirect_dma semaphore(%run_scoped3A : memref<!tpu.dma_semaphore, #tpu.memory_space<semaphore_mem>>) src(%arg9 : memref<80x128xf32, #tpu.memory_space<vmem>>) dst(%dma_wait3A_181 : memref<10240x128xf32, #tpu.memory_space<vmem_shared>>)
        tpu.yield
      }) : () -> ()
      %dma_wait3A_57 = arith.constant 0 : i32
      %dma_wait3A_58 = arith.constant 0 : i32
      %dma_wait3A_59 = tpu.memref_slice %arg2[%dma_wait3A_57, %dma_wait3A_58] : memref<10000x128xf32, #tpu.memory_space<hbm>> -> memref<80x128xf32, #tpu.memory_space<hbm>>
      %dma_wait3A_60 = arith.constant 0 : i32
      %dma_wait3A_61 = arith.constant 0 : i32
      %dma_wait3A_62 = tpu.memref_slice %arg2[%dma_wait3A_60, %dma_wait3A_61] : memref<10000x128xf32, #tpu.memory_space<hbm>> -> memref<80x128xf32, #tpu.memory_space<hbm>>
      tpu.wait_dma2 semaphore(%arg16 : memref<!tpu.dma_semaphore, #tpu.memory_space<semaphore_mem>>) src(%dma_wait3A_62 : memref<80x128xf32, #tpu.memory_space<hbm>>) dst(%arg10 : memref<80x128xf32, #tpu.memory_space<vmem>>)
      %add3A_63 = arith.constant 1 : i32
      %add3A_64 = arith.addi %mul3A_36, %add3A_63 : i32
      %add3A_65 = arith.constant 3 : i32
      %add3A_66 = arith.addi %add3A_64, %add3A_65 : i32
      %dma_start3A_67 = arith.constant 0 : i32
      %dma_start3A_68 = tpu.memref_slice %arg7[%add3A_66, %dma_start3A_67] : memref<16x80xi32, #tpu.memory_space<vmem>> -> memref<1x80xi32, #tpu.memory_space<vmem>>
      %dma_start3A_69 = tpu.memref_squeeze %dma_start3A_68 : memref<1x80xi32, #tpu.memory_space<vmem>> -> memref<80xi32, #tpu.memory_space<vmem>>
      %dma_start3A_70 = arith.constant 0 : i32
      %dma_start3A_71 = arith.constant 0 : i32
      %dma_start3A_72 = tpu.memref_slice %arg2[%dma_start3A_70, %dma_start3A_71] : memref<10000x128xf32, #tpu.memory_space<hbm>> -> memref<10000x128xf32, #tpu.memory_space<hbm>>
      tpu.enqueue_indirect_dma source(%dma_start3A_72 : memref<10000x128xf32, #tpu.memory_space<hbm>>) target(%arg9 : memref<80x128xf32, #tpu.memory_space<vmem>>) offsets(%dma_start3A_69 : memref<80xi32, #tpu.memory_space<vmem>>) semaphore(%arg15 : memref<!tpu.dma_semaphore, #tpu.memory_space<semaphore_mem>>)
      %add3A_73 = arith.constant 1 : i32
      %add3A_74 = arith.addi %mul3A_36, %add3A_73 : i32
      "tpu.region"() ({
        %run_scoped3A = tpu.sem_alloc : memref<!tpu.dma_semaphore, #tpu.memory_space<semaphore_mem>>
        %dma_start3A_170 = arith.constant 0 : i32
        %dma_start3A_171 = tpu.memref_slice %arg8[%add3A_74, %dma_start3A_170] : memref<16x80xi32, #tpu.memory_space<vmem>> -> memref<1x80xi32, #tpu.memory_space<vmem>>
        %dma_start3A_172 = tpu.memref_squeeze %dma_start3A_171 : memref<1x80xi32, #tpu.memory_space<vmem>> -> memref<80xi32, #tpu.memory_space<vmem>>
        %dma_start3A_173 = arith.constant 0 : i32
        %dma_start3A_174 = arith.constant 0 : i32
        %dma_start3A_175 = tpu.memref_slice %arg13[%dma_start3A_173, %dma_start3A_174] : memref<10240x128xf32, #tpu.memory_space<vmem_shared>> -> memref<10240x128xf32, #tpu.memory_space<vmem_shared>>
        tpu.enqueue_indirect_dma source(%arg10 : memref<80x128xf32, #tpu.memory_space<vmem>>) target(%dma_start3A_175 : memref<10240x128xf32, #tpu.memory_space<vmem_shared>>) offsets(%dma_start3A_172 : memref<80xi32, #tpu.memory_space<vmem>>) semaphore(%run_scoped3A : memref<!tpu.dma_semaphore, #tpu.memory_space<semaphore_mem>>) {add = true}
        %dma_wait3A_176 = arith.constant 0 : i32
        %dma_wait3A_177 = tpu.memref_slice %arg8[%add3A_74, %dma_wait3A_176] : memref<16x80xi32, #tpu.memory_space<vmem>> -> memref<1x80xi32, #tpu.memory_space<vmem>>
        %dma_wait3A_178 = tpu.memref_squeeze %dma_wait3A_177 : memref<1x80xi32, #tpu.memory_space<vmem>> -> memref<80xi32, #tpu.memory_space<vmem>>
        %dma_wait3A_179 = arith.constant 0 : i32
        %dma_wait3A_180 = arith.constant 0 : i32
        %dma_wait3A_181 = tpu.memref_slice %arg13[%dma_wait3A_179, %dma_wait3A_180] : memref<10240x128xf32, #tpu.memory_space<vmem_shared>> -> memref<10240x128xf32, #tpu.memory_space<vmem_shared>>
        tpu.wait_indirect_dma semaphore(%run_scoped3A : memref<!tpu.dma_semaphore, #tpu.memory_space<semaphore_mem>>) src(%arg10 : memref<80x128xf32, #tpu.memory_space<vmem>>) dst(%dma_wait3A_181 : memref<10240x128xf32, #tpu.memory_space<vmem_shared>>)
        tpu.yield
      }) : () -> ()
      %dma_wait3A_75 = arith.constant 0 : i32
      %dma_wait3A_76 = arith.constant 0 : i32
      %dma_wait3A_77 = tpu.memref_slice %arg2[%dma_wait3A_75, %dma_wait3A_76] : memref<10000x128xf32, #tpu.memory_space<hbm>> -> memref<80x128xf32, #tpu.memory_space<hbm>>
      %dma_wait3A_78 = arith.constant 0 : i32
      %dma_wait3A_79 = arith.constant 0 : i32
      %dma_wait3A_80 = tpu.memref_slice %arg2[%dma_wait3A_78, %dma_wait3A_79] : memref<10000x128xf32, #tpu.memory_space<hbm>> -> memref<80x128xf32, #tpu.memory_space<hbm>>
      tpu.wait_dma2 semaphore(%arg17 : memref<!tpu.dma_semaphore, #tpu.memory_space<semaphore_mem>>) src(%dma_wait3A_80 : memref<80x128xf32, #tpu.memory_space<hbm>>) dst(%arg11 : memref<80x128xf32, #tpu.memory_space<vmem>>)
      %add3A_81 = arith.constant 2 : i32
      %add3A_82 = arith.addi %mul3A_36, %add3A_81 : i32
      %add3A_83 = arith.constant 3 : i32
      %add3A_84 = arith.addi %add3A_82, %add3A_83 : i32
      %dma_start3A_85 = arith.constant 0 : i32
      %dma_start3A_86 = tpu.memref_slice %arg7[%add3A_84, %dma_start3A_85] : memref<16x80xi32, #tpu.memory_space<vmem>> -> memref<1x80xi32, #tpu.memory_space<vmem>>
      %dma_start3A_87 = tpu.memref_squeeze %dma_start3A_86 : memref<1x80xi32, #tpu.memory_space<vmem>> -> memref<80xi32, #tpu.memory_space<vmem>>
      %dma_start3A_88 = arith.constant 0 : i32
      %dma_start3A_89 = arith.constant 0 : i32
      %dma_start3A_90 = tpu.memref_slice %arg2[%dma_start3A_88, %dma_start3A_89] : memref<10000x128xf32, #tpu.memory_space<hbm>> -> memref<10000x128xf32, #tpu.memory_space<hbm>>
      tpu.enqueue_indirect_dma source(%dma_start3A_90 : memref<10000x128xf32, #tpu.memory_space<hbm>>) target(%arg10 : memref<80x128xf32, #tpu.memory_space<vmem>>) offsets(%dma_start3A_87 : memref<80xi32, #tpu.memory_space<vmem>>) semaphore(%arg16 : memref<!tpu.dma_semaphore, #tpu.memory_space<semaphore_mem>>)
      %add3A_91 = arith.constant 2 : i32
      %add3A_92 = arith.addi %mul3A_36, %add3A_91 : i32
      "tpu.region"() ({
        %run_scoped3A = tpu.sem_alloc : memref<!tpu.dma_semaphore, #tpu.memory_space<semaphore_mem>>
        %dma_start3A_170 = arith.constant 0 : i32
        %dma_start3A_171 = tpu.memref_slice %arg8[%add3A_92, %dma_start3A_170] : memref<16x80xi32, #tpu.memory_space<vmem>> -> memref<1x80xi32, #tpu.memory_space<vmem>>
        %dma_start3A_172 = tpu.memref_squeeze %dma_start3A_171 : memref<1x80xi32, #tpu.memory_space<vmem>> -> memref<80xi32, #tpu.memory_space<vmem>>
        %dma_start3A_173 = arith.constant 0 : i32
        %dma_start3A_174 = arith.constant 0 : i32
        %dma_start3A_175 = tpu.memref_slice %arg13[%dma_start3A_173, %dma_start3A_174] : memref<10240x128xf32, #tpu.memory_space<vmem_shared>> -> memref<10240x128xf32, #tpu.memory_space<vmem_shared>>
        tpu.enqueue_indirect_dma source(%arg11 : memref<80x128xf32, #tpu.memory_space<vmem>>) target(%dma_start3A_175 : memref<10240x128xf32, #tpu.memory_space<vmem_shared>>) offsets(%dma_start3A_172 : memref<80xi32, #tpu.memory_space<vmem>>) semaphore(%run_scoped3A : memref<!tpu.dma_semaphore, #tpu.memory_space<semaphore_mem>>) {add = true}
        %dma_wait3A_176 = arith.constant 0 : i32
        %dma_wait3A_177 = tpu.memref_slice %arg8[%add3A_92, %dma_wait3A_176] : memref<16x80xi32, #tpu.memory_space<vmem>> -> memref<1x80xi32, #tpu.memory_space<vmem>>
        %dma_wait3A_178 = tpu.memref_squeeze %dma_wait3A_177 : memref<1x80xi32, #tpu.memory_space<vmem>> -> memref<80xi32, #tpu.memory_space<vmem>>
        %dma_wait3A_179 = arith.constant 0 : i32
        %dma_wait3A_180 = arith.constant 0 : i32
        %dma_wait3A_181 = tpu.memref_slice %arg13[%dma_wait3A_179, %dma_wait3A_180] : memref<10240x128xf32, #tpu.memory_space<vmem_shared>> -> memref<10240x128xf32, #tpu.memory_space<vmem_shared>>
        tpu.wait_indirect_dma semaphore(%run_scoped3A : memref<!tpu.dma_semaphore, #tpu.memory_space<semaphore_mem>>) src(%arg11 : memref<80x128xf32, #tpu.memory_space<vmem>>) dst(%dma_wait3A_181 : memref<10240x128xf32, #tpu.memory_space<vmem_shared>>)
        tpu.yield
      }) : () -> ()
      %dma_wait3A_93 = arith.constant 0 : i32
      %dma_wait3A_94 = arith.constant 0 : i32
      %dma_wait3A_95 = tpu.memref_slice %arg2[%dma_wait3A_93, %dma_wait3A_94] : memref<10000x128xf32, #tpu.memory_space<hbm>> -> memref<80x128xf32, #tpu.memory_space<hbm>>
      %dma_wait3A_96 = arith.constant 0 : i32
      %dma_wait3A_97 = arith.constant 0 : i32
      %dma_wait3A_98 = tpu.memref_slice %arg2[%dma_wait3A_96, %dma_wait3A_97] : memref<10000x128xf32, #tpu.memory_space<hbm>> -> memref<80x128xf32, #tpu.memory_space<hbm>>
      tpu.wait_dma2 semaphore(%arg18 : memref<!tpu.dma_semaphore, #tpu.memory_space<semaphore_mem>>) src(%dma_wait3A_98 : memref<80x128xf32, #tpu.memory_space<hbm>>) dst(%arg12 : memref<80x128xf32, #tpu.memory_space<vmem>>)
      %add3A_99 = arith.constant 3 : i32
      %add3A_100 = arith.addi %mul3A_36, %add3A_99 : i32
      %add3A_101 = arith.constant 3 : i32
      %add3A_102 = arith.addi %add3A_100, %add3A_101 : i32
      %dma_start3A_103 = arith.constant 0 : i32
      %dma_start3A_104 = tpu.memref_slice %arg7[%add3A_102, %dma_start3A_103] : memref<16x80xi32, #tpu.memory_space<vmem>> -> memref<1x80xi32, #tpu.memory_space<vmem>>
      %dma_start3A_105 = tpu.memref_squeeze %dma_start3A_104 : memref<1x80xi32, #tpu.memory_space<vmem>> -> memref<80xi32, #tpu.memory_space<vmem>>
      %dma_start3A_106 = arith.constant 0 : i32
      %dma_start3A_107 = arith.constant 0 : i32
      %dma_start3A_108 = tpu.memref_slice %arg2[%dma_start3A_106, %dma_start3A_107] : memref<10000x128xf32, #tpu.memory_space<hbm>> -> memref<10000x128xf32, #tpu.memory_space<hbm>>
      tpu.enqueue_indirect_dma source(%dma_start3A_108 : memref<10000x128xf32, #tpu.memory_space<hbm>>) target(%arg11 : memref<80x128xf32, #tpu.memory_space<vmem>>) offsets(%dma_start3A_105 : memref<80xi32, #tpu.memory_space<vmem>>) semaphore(%arg17 : memref<!tpu.dma_semaphore, #tpu.memory_space<semaphore_mem>>)
      %add3A_109 = arith.constant 3 : i32
      %add3A_110 = arith.addi %mul3A_36, %add3A_109 : i32
      "tpu.region"() ({
        %run_scoped3A = tpu.sem_alloc : memref<!tpu.dma_semaphore, #tpu.memory_space<semaphore_mem>>
        %dma_start3A_170 = arith.constant 0 : i32
        %dma_start3A_171 = tpu.memref_slice %arg8[%add3A_110, %dma_start3A_170] : memref<16x80xi32, #tpu.memory_space<vmem>> -> memref<1x80xi32, #tpu.memory_space<vmem>>
        %dma_start3A_172 = tpu.memref_squeeze %dma_start3A_171 : memref<1x80xi32, #tpu.memory_space<vmem>> -> memref<80xi32, #tpu.memory_space<vmem>>
        %dma_start3A_173 = arith.constant 0 : i32
        %dma_start3A_174 = arith.constant 0 : i32
        %dma_start3A_175 = tpu.memref_slice %arg13[%dma_start3A_173, %dma_start3A_174] : memref<10240x128xf32, #tpu.memory_space<vmem_shared>> -> memref<10240x128xf32, #tpu.memory_space<vmem_shared>>
        tpu.enqueue_indirect_dma source(%arg12 : memref<80x128xf32, #tpu.memory_space<vmem>>) target(%dma_start3A_175 : memref<10240x128xf32, #tpu.memory_space<vmem_shared>>) offsets(%dma_start3A_172 : memref<80xi32, #tpu.memory_space<vmem>>) semaphore(%run_scoped3A : memref<!tpu.dma_semaphore, #tpu.memory_space<semaphore_mem>>) {add = true}
        %dma_wait3A_176 = arith.constant 0 : i32
        %dma_wait3A_177 = tpu.memref_slice %arg8[%add3A_110, %dma_wait3A_176] : memref<16x80xi32, #tpu.memory_space<vmem>> -> memref<1x80xi32, #tpu.memory_space<vmem>>
        %dma_wait3A_178 = tpu.memref_squeeze %dma_wait3A_177 : memref<1x80xi32, #tpu.memory_space<vmem>> -> memref<80xi32, #tpu.memory_space<vmem>>
        %dma_wait3A_179 = arith.constant 0 : i32
        %dma_wait3A_180 = arith.constant 0 : i32
        %dma_wait3A_181 = tpu.memref_slice %arg13[%dma_wait3A_179, %dma_wait3A_180] : memref<10240x128xf32, #tpu.memory_space<vmem_shared>> -> memref<10240x128xf32, #tpu.memory_space<vmem_shared>>
        tpu.wait_indirect_dma semaphore(%run_scoped3A : memref<!tpu.dma_semaphore, #tpu.memory_space<semaphore_mem>>) src(%arg12 : memref<80x128xf32, #tpu.memory_space<vmem>>) dst(%dma_wait3A_181 : memref<10240x128xf32, #tpu.memory_space<vmem_shared>>)
        tpu.yield
      }) : () -> ()
      %dma_wait3A_111 = arith.constant 0 : i32
      %dma_wait3A_112 = arith.constant 0 : i32
      %dma_wait3A_113 = tpu.memref_slice %arg2[%dma_wait3A_111, %dma_wait3A_112] : memref<10000x128xf32, #tpu.memory_space<hbm>> -> memref<80x128xf32, #tpu.memory_space<hbm>>
      %dma_wait3A_114 = arith.constant 0 : i32
      %dma_wait3A_115 = arith.constant 0 : i32
      %dma_wait3A_116 = tpu.memref_slice %arg2[%dma_wait3A_114, %dma_wait3A_115] : memref<10000x128xf32, #tpu.memory_space<hbm>> -> memref<80x128xf32, #tpu.memory_space<hbm>>
      tpu.wait_dma2 semaphore(%arg15 : memref<!tpu.dma_semaphore, #tpu.memory_space<semaphore_mem>>) src(%dma_wait3A_116 : memref<80x128xf32, #tpu.memory_space<hbm>>) dst(%arg9 : memref<80x128xf32, #tpu.memory_space<vmem>>)
      %add3A_117 = arith.constant 4 : i32
      %add3A_118 = arith.addi %mul3A_36, %add3A_117 : i32
      %add3A_119 = arith.constant 3 : i32
      %add3A_120 = arith.addi %add3A_118, %add3A_119 : i32
      %dma_start3A_121 = arith.constant 0 : i32
      %dma_start3A_122 = tpu.memref_slice %arg7[%add3A_120, %dma_start3A_121] : memref<16x80xi32, #tpu.memory_space<vmem>> -> memref<1x80xi32, #tpu.memory_space<vmem>>
      %dma_start3A_123 = tpu.memref_squeeze %dma_start3A_122 : memref<1x80xi32, #tpu.memory_space<vmem>> -> memref<80xi32, #tpu.memory_space<vmem>>
      %dma_start3A_124 = arith.constant 0 : i32
      %dma_start3A_125 = arith.constant 0 : i32
      %dma_start3A_126 = tpu.memref_slice %arg2[%dma_start3A_124, %dma_start3A_125] : memref<10000x128xf32, #tpu.memory_space<hbm>> -> memref<10000x128xf32, #tpu.memory_space<hbm>>
      tpu.enqueue_indirect_dma source(%dma_start3A_126 : memref<10000x128xf32, #tpu.memory_space<hbm>>) target(%arg12 : memref<80x128xf32, #tpu.memory_space<vmem>>) offsets(%dma_start3A_123 : memref<80xi32, #tpu.memory_space<vmem>>) semaphore(%arg18 : memref<!tpu.dma_semaphore, #tpu.memory_space<semaphore_mem>>)
      %add3A_127 = arith.constant 4 : i32
      %add3A_128 = arith.addi %mul3A_36, %add3A_127 : i32
      "tpu.region"() ({
        %run_scoped3A = tpu.sem_alloc : memref<!tpu.dma_semaphore, #tpu.memory_space<semaphore_mem>>
        %dma_start3A_170 = arith.constant 0 : i32
        %dma_start3A_171 = tpu.memref_slice %arg8[%add3A_128, %dma_start3A_170] : memref<16x80xi32, #tpu.memory_space<vmem>> -> memref<1x80xi32, #tpu.memory_space<vmem>>
        %dma_start3A_172 = tpu.memref_squeeze %dma_start3A_171 : memref<1x80xi32, #tpu.memory_space<vmem>> -> memref<80xi32, #tpu.memory_space<vmem>>
        %dma_start3A_173 = arith.constant 0 : i32
        %dma_start3A_174 = arith.constant 0 : i32
        %dma_start3A_175 = tpu.memref_slice %arg13[%dma_start3A_173, %dma_start3A_174] : memref<10240x128xf32, #tpu.memory_space<vmem_shared>> -> memref<10240x128xf32, #tpu.memory_space<vmem_shared>>
        tpu.enqueue_indirect_dma source(%arg9 : memref<80x128xf32, #tpu.memory_space<vmem>>) target(%dma_start3A_175 : memref<10240x128xf32, #tpu.memory_space<vmem_shared>>) offsets(%dma_start3A_172 : memref<80xi32, #tpu.memory_space<vmem>>) semaphore(%run_scoped3A : memref<!tpu.dma_semaphore, #tpu.memory_space<semaphore_mem>>) {add = true}
        %dma_wait3A_176 = arith.constant 0 : i32
        %dma_wait3A_177 = tpu.memref_slice %arg8[%add3A_128, %dma_wait3A_176] : memref<16x80xi32, #tpu.memory_space<vmem>> -> memref<1x80xi32, #tpu.memory_space<vmem>>
        %dma_wait3A_178 = tpu.memref_squeeze %dma_wait3A_177 : memref<1x80xi32, #tpu.memory_space<vmem>> -> memref<80xi32, #tpu.memory_space<vmem>>
        %dma_wait3A_179 = arith.constant 0 : i32
        %dma_wait3A_180 = arith.constant 0 : i32
        %dma_wait3A_181 = tpu.memref_slice %arg13[%dma_wait3A_179, %dma_wait3A_180] : memref<10240x128xf32, #tpu.memory_space<vmem_shared>> -> memref<10240x128xf32, #tpu.memory_space<vmem_shared>>
        tpu.wait_indirect_dma semaphore(%run_scoped3A : memref<!tpu.dma_semaphore, #tpu.memory_space<semaphore_mem>>) src(%arg9 : memref<80x128xf32, #tpu.memory_space<vmem>>) dst(%dma_wait3A_181 : memref<10240x128xf32, #tpu.memory_space<vmem_shared>>)
        tpu.yield
      }) : () -> ()
      %dma_wait3A_129 = arith.constant 0 : i32
      %dma_wait3A_130 = arith.constant 0 : i32
      %dma_wait3A_131 = tpu.memref_slice %arg2[%dma_wait3A_129, %dma_wait3A_130] : memref<10000x128xf32, #tpu.memory_space<hbm>> -> memref<80x128xf32, #tpu.memory_space<hbm>>
      %dma_wait3A_132 = arith.constant 0 : i32
      %dma_wait3A_133 = arith.constant 0 : i32
      %dma_wait3A_134 = tpu.memref_slice %arg2[%dma_wait3A_132, %dma_wait3A_133] : memref<10000x128xf32, #tpu.memory_space<hbm>> -> memref<80x128xf32, #tpu.memory_space<hbm>>
      tpu.wait_dma2 semaphore(%arg16 : memref<!tpu.dma_semaphore, #tpu.memory_space<semaphore_mem>>) src(%dma_wait3A_134 : memref<80x128xf32, #tpu.memory_space<hbm>>) dst(%arg10 : memref<80x128xf32, #tpu.memory_space<vmem>>)
      %convert_element_type3A_135 = arith.extui %lt3A_38 : i1 to i32
      %cond3A_136 = arith.constant 0 : i32
      %cond3A_137 = arith.cmpi ne, %convert_element_type3A_135, %cond3A_136 : i32
      scf.if %cond3A_137 {
        %dma_wait3A_170 = arith.constant 0 : i32
        %dma_wait3A_171 = arith.constant 0 : i32
        %dma_wait3A_172 = tpu.memref_slice %arg7[%dma_wait3A_170, %dma_wait3A_171] : memref<16x80xi32, #tpu.memory_space<vmem>> -> memref<8x80xi32, #tpu.memory_space<vmem>>
        %dma_wait3A_173 = arith.constant 0 : i32
        %dma_wait3A_174 = arith.constant 0 : i32
        %dma_wait3A_175 = tpu.memref_slice %arg3[%add3A, %dma_wait3A_173, %dma_wait3A_174] : memref<32x128x80xi32, #tpu.memory_space<hbm>> -> memref<1x8x80xi32, #tpu.memory_space<hbm>>
        %dma_wait3A_176 = tpu.memref_squeeze %dma_wait3A_175 : memref<1x8x80xi32, #tpu.memory_space<hbm>> -> memref<8x80xi32, #tpu.memory_space<hbm>>
        %dma_wait3A_177 = arith.constant 0 : i32
        %dma_wait3A_178 = arith.constant 0 : i32
        %dma_wait3A_179 = tpu.memref_slice %arg7[%dma_wait3A_177, %dma_wait3A_178] : memref<16x80xi32, #tpu.memory_space<vmem>> -> memref<8x80xi32, #tpu.memory_space<vmem>>
        %dma_wait3A_180 = arith.constant 0 : i32
        %dma_wait3A_181 = arith.constant 0 : i32
        %dma_wait3A_182 = tpu.memref_slice %arg3[%add3A, %dma_wait3A_180, %dma_wait3A_181] : memref<32x128x80xi32, #tpu.memory_space<hbm>> -> memref<1x8x80xi32, #tpu.memory_space<hbm>>
        %dma_wait3A_183 = tpu.memref_squeeze %dma_wait3A_182 : memref<1x8x80xi32, #tpu.memory_space<hbm>> -> memref<8x80xi32, #tpu.memory_space<hbm>>
        tpu.wait_dma2 semaphore(%arg14 : memref<!tpu.dma_semaphore, #tpu.memory_space<semaphore_mem>>) src(%dma_wait3A_183 : memref<8x80xi32, #tpu.memory_space<hbm>>) dst(%dma_wait3A_179 : memref<8x80xi32, #tpu.memory_space<vmem>>)
        %dma_wait3A_184 = arith.constant 0 : i32
        %dma_wait3A_185 = arith.constant 0 : i32
        %dma_wait3A_186 = tpu.memref_slice %arg8[%dma_wait3A_184, %dma_wait3A_185] : memref<16x80xi32, #tpu.memory_space<vmem>> -> memref<8x80xi32, #tpu.memory_space<vmem>>
        %dma_wait3A_187 = arith.constant 0 : i32
        %dma_wait3A_188 = arith.constant 0 : i32
        %dma_wait3A_189 = tpu.memref_slice %arg4[%add3A, %dma_wait3A_187, %dma_wait3A_188] : memref<32x128x80xi32, #tpu.memory_space<hbm>> -> memref<1x8x80xi32, #tpu.memory_space<hbm>>
        %dma_wait3A_190 = tpu.memref_squeeze %dma_wait3A_189 : memref<1x8x80xi32, #tpu.memory_space<hbm>> -> memref<8x80xi32, #tpu.memory_space<hbm>>
        %dma_wait3A_191 = arith.constant 0 : i32
        %dma_wait3A_192 = arith.constant 0 : i32
        %dma_wait3A_193 = tpu.memref_slice %arg8[%dma_wait3A_191, %dma_wait3A_192] : memref<16x80xi32, #tpu.memory_space<vmem>> -> memref<8x80xi32, #tpu.memory_space<vmem>>
        %dma_wait3A_194 = arith.constant 0 : i32
        %dma_wait3A_195 = arith.constant 0 : i32
        %dma_wait3A_196 = tpu.memref_slice %arg4[%add3A, %dma_wait3A_194, %dma_wait3A_195] : memref<32x128x80xi32, #tpu.memory_space<hbm>> -> memref<1x8x80xi32, #tpu.memory_space<hbm>>
        %dma_wait3A_197 = tpu.memref_squeeze %dma_wait3A_196 : memref<1x8x80xi32, #tpu.memory_space<hbm>> -> memref<8x80xi32, #tpu.memory_space<hbm>>
        tpu.wait_dma2 semaphore(%arg14 : memref<!tpu.dma_semaphore, #tpu.memory_space<semaphore_mem>>) src(%dma_wait3A_197 : memref<8x80xi32, #tpu.memory_space<hbm>>) dst(%dma_wait3A_193 : memref<8x80xi32, #tpu.memory_space<vmem>>)
        %dma_start3A_198 = arith.constant 0 : i32
        %dma_start3A_199 = tpu.memref_slice %arg7[%sub3A_37, %dma_start3A_198] : memref<16x80xi32, #tpu.memory_space<vmem>> -> memref<1x80xi32, #tpu.memory_space<vmem>>
        %dma_start3A_200 = tpu.memref_squeeze %dma_start3A_199 : memref<1x80xi32, #tpu.memory_space<vmem>> -> memref<80xi32, #tpu.memory_space<vmem>>
        %dma_start3A_201 = arith.constant 0 : i32
        %dma_start3A_202 = arith.constant 0 : i32
        %dma_start3A_203 = tpu.memref_slice %arg2[%dma_start3A_201, %dma_start3A_202] : memref<10000x128xf32, #tpu.memory_space<hbm>> -> memref<10000x128xf32, #tpu.memory_space<hbm>>
        tpu.enqueue_indirect_dma source(%dma_start3A_203 : memref<10000x128xf32, #tpu.memory_space<hbm>>) target(%arg9 : memref<80x128xf32, #tpu.memory_space<vmem>>) offsets(%dma_start3A_200 : memref<80xi32, #tpu.memory_space<vmem>>) semaphore(%arg15 : memref<!tpu.dma_semaphore, #tpu.memory_space<semaphore_mem>>)
      } else {
      }
      %add3A_138 = arith.constant 5 : i32
      %add3A_139 = arith.addi %mul3A_36, %add3A_138 : i32
      "tpu.region"() ({
        %run_scoped3A = tpu.sem_alloc : memref<!tpu.dma_semaphore, #tpu.memory_space<semaphore_mem>>
        %dma_start3A_170 = arith.constant 0 : i32
        %dma_start3A_171 = tpu.memref_slice %arg8[%add3A_139, %dma_start3A_170] : memref<16x80xi32, #tpu.memory_space<vmem>> -> memref<1x80xi32, #tpu.memory_space<vmem>>
        %dma_start3A_172 = tpu.memref_squeeze %dma_start3A_171 : memref<1x80xi32, #tpu.memory_space<vmem>> -> memref<80xi32, #tpu.memory_space<vmem>>
        %dma_start3A_173 = arith.constant 0 : i32
        %dma_start3A_174 = arith.constant 0 : i32
        %dma_start3A_175 = tpu.memref_slice %arg13[%dma_start3A_173, %dma_start3A_174] : memref<10240x128xf32, #tpu.memory_space<vmem_shared>> -> memref<10240x128xf32, #tpu.memory_space<vmem_shared>>
        tpu.enqueue_indirect_dma source(%arg10 : memref<80x128xf32, #tpu.memory_space<vmem>>) target(%dma_start3A_175 : memref<10240x128xf32, #tpu.memory_space<vmem_shared>>) offsets(%dma_start3A_172 : memref<80xi32, #tpu.memory_space<vmem>>) semaphore(%run_scoped3A : memref<!tpu.dma_semaphore, #tpu.memory_space<semaphore_mem>>) {add = true}
        %dma_wait3A_176 = arith.constant 0 : i32
        %dma_wait3A_177 = tpu.memref_slice %arg8[%add3A_139, %dma_wait3A_176] : memref<16x80xi32, #tpu.memory_space<vmem>> -> memref<1x80xi32, #tpu.memory_space<vmem>>
        %dma_wait3A_178 = tpu.memref_squeeze %dma_wait3A_177 : memref<1x80xi32, #tpu.memory_space<vmem>> -> memref<80xi32, #tpu.memory_space<vmem>>
        %dma_wait3A_179 = arith.constant 0 : i32
        %dma_wait3A_180 = arith.constant 0 : i32
        %dma_wait3A_181 = tpu.memref_slice %arg13[%dma_wait3A_179, %dma_wait3A_180] : memref<10240x128xf32, #tpu.memory_space<vmem_shared>> -> memref<10240x128xf32, #tpu.memory_space<vmem_shared>>
        tpu.wait_indirect_dma semaphore(%run_scoped3A : memref<!tpu.dma_semaphore, #tpu.memory_space<semaphore_mem>>) src(%arg10 : memref<80x128xf32, #tpu.memory_space<vmem>>) dst(%dma_wait3A_181 : memref<10240x128xf32, #tpu.memory_space<vmem_shared>>)
        tpu.yield
      }) : () -> ()
      %dma_wait3A_140 = arith.constant 0 : i32
      %dma_wait3A_141 = arith.constant 0 : i32
      %dma_wait3A_142 = tpu.memref_slice %arg2[%dma_wait3A_140, %dma_wait3A_141] : memref<10000x128xf32, #tpu.memory_space<hbm>> -> memref<80x128xf32, #tpu.memory_space<hbm>>
      %dma_wait3A_143 = arith.constant 0 : i32
      %dma_wait3A_144 = arith.constant 0 : i32
      %dma_wait3A_145 = tpu.memref_slice %arg2[%dma_wait3A_143, %dma_wait3A_144] : memref<10000x128xf32, #tpu.memory_space<hbm>> -> memref<80x128xf32, #tpu.memory_space<hbm>>
      tpu.wait_dma2 semaphore(%arg17 : memref<!tpu.dma_semaphore, #tpu.memory_space<semaphore_mem>>) src(%dma_wait3A_145 : memref<80x128xf32, #tpu.memory_space<hbm>>) dst(%arg11 : memref<80x128xf32, #tpu.memory_space<vmem>>)
      %add3A_146 = arith.constant 6 : i32
      %add3A_147 = arith.addi %sub3A_37, %add3A_146 : i32
      %sub3A_148 = arith.constant 5 : i32
      %sub3A_149 = arith.subi %add3A_147, %sub3A_148 : i32
      %convert_element_type3A_150 = arith.extui %lt3A_38 : i1 to i32
      %cond3A_151 = arith.constant 0 : i32
      %cond3A_152 = arith.cmpi ne, %convert_element_type3A_150, %cond3A_151 : i32
      scf.if %cond3A_152 {
        %dma_start3A_170 = arith.constant 0 : i32
        %dma_start3A_171 = tpu.memref_slice %arg7[%sub3A_149, %dma_start3A_170] : memref<16x80xi32, #tpu.memory_space<vmem>> -> memref<1x80xi32, #tpu.memory_space<vmem>>
        %dma_start3A_172 = tpu.memref_squeeze %dma_start3A_171 : memref<1x80xi32, #tpu.memory_space<vmem>> -> memref<80xi32, #tpu.memory_space<vmem>>
        %dma_start3A_173 = arith.constant 0 : i32
        %dma_start3A_174 = arith.constant 0 : i32
        %dma_start3A_175 = tpu.memref_slice %arg2[%dma_start3A_173, %dma_start3A_174] : memref<10000x128xf32, #tpu.memory_space<hbm>> -> memref<10000x128xf32, #tpu.memory_space<hbm>>
        tpu.enqueue_indirect_dma source(%dma_start3A_175 : memref<10000x128xf32, #tpu.memory_space<hbm>>) target(%arg10 : memref<80x128xf32, #tpu.memory_space<vmem>>) offsets(%dma_start3A_172 : memref<80xi32, #tpu.memory_space<vmem>>) semaphore(%arg16 : memref<!tpu.dma_semaphore, #tpu.memory_space<semaphore_mem>>)
      } else {
      }
      %add3A_153 = arith.constant 6 : i32
      %add3A_154 = arith.addi %mul3A_36, %add3A_153 : i32
      "tpu.region"() ({
        %run_scoped3A = tpu.sem_alloc : memref<!tpu.dma_semaphore, #tpu.memory_space<semaphore_mem>>
        %dma_start3A_170 = arith.constant 0 : i32
        %dma_start3A_171 = tpu.memref_slice %arg8[%add3A_154, %dma_start3A_170] : memref<16x80xi32, #tpu.memory_space<vmem>> -> memref<1x80xi32, #tpu.memory_space<vmem>>
        %dma_start3A_172 = tpu.memref_squeeze %dma_start3A_171 : memref<1x80xi32, #tpu.memory_space<vmem>> -> memref<80xi32, #tpu.memory_space<vmem>>
        %dma_start3A_173 = arith.constant 0 : i32
        %dma_start3A_174 = arith.constant 0 : i32
        %dma_start3A_175 = tpu.memref_slice %arg13[%dma_start3A_173, %dma_start3A_174] : memref<10240x128xf32, #tpu.memory_space<vmem_shared>> -> memref<10240x128xf32, #tpu.memory_space<vmem_shared>>
        tpu.enqueue_indirect_dma source(%arg11 : memref<80x128xf32, #tpu.memory_space<vmem>>) target(%dma_start3A_175 : memref<10240x128xf32, #tpu.memory_space<vmem_shared>>) offsets(%dma_start3A_172 : memref<80xi32, #tpu.memory_space<vmem>>) semaphore(%run_scoped3A : memref<!tpu.dma_semaphore, #tpu.memory_space<semaphore_mem>>) {add = true}
        %dma_wait3A_176 = arith.constant 0 : i32
        %dma_wait3A_177 = tpu.memref_slice %arg8[%add3A_154, %dma_wait3A_176] : memref<16x80xi32, #tpu.memory_space<vmem>> -> memref<1x80xi32, #tpu.memory_space<vmem>>
        %dma_wait3A_178 = tpu.memref_squeeze %dma_wait3A_177 : memref<1x80xi32, #tpu.memory_space<vmem>> -> memref<80xi32, #tpu.memory_space<vmem>>
        %dma_wait3A_179 = arith.constant 0 : i32
        %dma_wait3A_180 = arith.constant 0 : i32
        %dma_wait3A_181 = tpu.memref_slice %arg13[%dma_wait3A_179, %dma_wait3A_180] : memref<10240x128xf32, #tpu.memory_space<vmem_shared>> -> memref<10240x128xf32, #tpu.memory_space<vmem_shared>>
        tpu.wait_indirect_dma semaphore(%run_scoped3A : memref<!tpu.dma_semaphore, #tpu.memory_space<semaphore_mem>>) src(%arg11 : memref<80x128xf32, #tpu.memory_space<vmem>>) dst(%dma_wait3A_181 : memref<10240x128xf32, #tpu.memory_space<vmem_shared>>)
        tpu.yield
      }) : () -> ()
      %dma_wait3A_155 = arith.constant 0 : i32
      %dma_wait3A_156 = arith.constant 0 : i32
      %dma_wait3A_157 = tpu.memref_slice %arg2[%dma_wait3A_155, %dma_wait3A_156] : memref<10000x128xf32, #tpu.memory_space<hbm>> -> memref<80x128xf32, #tpu.memory_space<hbm>>
      %dma_wait3A_158 = arith.constant 0 : i32
      %dma_wait3A_159 = arith.constant 0 : i32
      %dma_wait3A_160 = tpu.memref_slice %arg2[%dma_wait3A_158, %dma_wait3A_159] : memref<10000x128xf32, #tpu.memory_space<hbm>> -> memref<80x128xf32, #tpu.memory_space<hbm>>
      tpu.wait_dma2 semaphore(%arg18 : memref<!tpu.dma_semaphore, #tpu.memory_space<semaphore_mem>>) src(%dma_wait3A_160 : memref<80x128xf32, #tpu.memory_space<hbm>>) dst(%arg12 : memref<80x128xf32, #tpu.memory_space<vmem>>)
      %add3A_161 = arith.constant 7 : i32
      %add3A_162 = arith.addi %sub3A_37, %add3A_161 : i32
      %sub3A_163 = arith.constant 5 : i32
      %sub3A_164 = arith.subi %add3A_162, %sub3A_163 : i32
      %convert_element_type3A_165 = arith.extui %lt3A_38 : i1 to i32
      %cond3A_166 = arith.constant 0 : i32
      %cond3A_167 = arith.cmpi ne, %convert_element_type3A_165, %cond3A_166 : i32
      scf.if %cond3A_167 {
        %dma_start3A_170 = arith.constant 0 : i32
        %dma_start3A_171 = tpu.memref_slice %arg7[%sub3A_164, %dma_start3A_170] : memref<16x80xi32, #tpu.memory_space<vmem>> -> memref<1x80xi32, #tpu.memory_space<vmem>>
        %dma_start3A_172 = tpu.memref_squeeze %dma_start3A_171 : memref<1x80xi32, #tpu.memory_space<vmem>> -> memref<80xi32, #tpu.memory_space<vmem>>
        %dma_start3A_173 = arith.constant 0 : i32
        %dma_start3A_174 = arith.constant 0 : i32
        %dma_start3A_175 = tpu.memref_slice %arg2[%dma_start3A_173, %dma_start3A_174] : memref<10000x128xf32, #tpu.memory_space<hbm>> -> memref<10000x128xf32, #tpu.memory_space<hbm>>
        tpu.enqueue_indirect_dma source(%dma_start3A_175 : memref<10000x128xf32, #tpu.memory_space<hbm>>) target(%arg11 : memref<80x128xf32, #tpu.memory_space<vmem>>) offsets(%dma_start3A_172 : memref<80xi32, #tpu.memory_space<vmem>>) semaphore(%arg17 : memref<!tpu.dma_semaphore, #tpu.memory_space<semaphore_mem>>)
      } else {
      }
      %add3A_168 = arith.constant 7 : i32
      %add3A_169 = arith.addi %mul3A_36, %add3A_168 : i32
      "tpu.region"() ({
        %run_scoped3A = tpu.sem_alloc : memref<!tpu.dma_semaphore, #tpu.memory_space<semaphore_mem>>
        %dma_start3A_170 = arith.constant 0 : i32
        %dma_start3A_171 = tpu.memref_slice %arg8[%add3A_169, %dma_start3A_170] : memref<16x80xi32, #tpu.memory_space<vmem>> -> memref<1x80xi32, #tpu.memory_space<vmem>>
        %dma_start3A_172 = tpu.memref_squeeze %dma_start3A_171 : memref<1x80xi32, #tpu.memory_space<vmem>> -> memref<80xi32, #tpu.memory_space<vmem>>
        %dma_start3A_173 = arith.constant 0 : i32
        %dma_start3A_174 = arith.constant 0 : i32
        %dma_start3A_175 = tpu.memref_slice %arg13[%dma_start3A_173, %dma_start3A_174] : memref<10240x128xf32, #tpu.memory_space<vmem_shared>> -> memref<10240x128xf32, #tpu.memory_space<vmem_shared>>
        tpu.enqueue_indirect_dma source(%arg12 : memref<80x128xf32, #tpu.memory_space<vmem>>) target(%dma_start3A_175 : memref<10240x128xf32, #tpu.memory_space<vmem_shared>>) offsets(%dma_start3A_172 : memref<80xi32, #tpu.memory_space<vmem>>) semaphore(%run_scoped3A : memref<!tpu.dma_semaphore, #tpu.memory_space<semaphore_mem>>) {add = true}
        %dma_wait3A_176 = arith.constant 0 : i32
        %dma_wait3A_177 = tpu.memref_slice %arg8[%add3A_169, %dma_wait3A_176] : memref<16x80xi32, #tpu.memory_space<vmem>> -> memref<1x80xi32, #tpu.memory_space<vmem>>
        %dma_wait3A_178 = tpu.memref_squeeze %dma_wait3A_177 : memref<1x80xi32, #tpu.memory_space<vmem>> -> memref<80xi32, #tpu.memory_space<vmem>>
        %dma_wait3A_179 = arith.constant 0 : i32
        %dma_wait3A_180 = arith.constant 0 : i32
        %dma_wait3A_181 = tpu.memref_slice %arg13[%dma_wait3A_179, %dma_wait3A_180] : memref<10240x128xf32, #tpu.memory_space<vmem_shared>> -> memref<10240x128xf32, #tpu.memory_space<vmem_shared>>
        tpu.wait_indirect_dma semaphore(%run_scoped3A : memref<!tpu.dma_semaphore, #tpu.memory_space<semaphore_mem>>) src(%arg12 : memref<80x128xf32, #tpu.memory_space<vmem>>) dst(%dma_wait3A_181 : memref<10240x128xf32, #tpu.memory_space<vmem_shared>>)
        tpu.yield
      }) : () -> ()
    }
    %scan3A_27 = arith.constant 16 : i32
    %barrier3A_28 = arith.constant 0 : index
    tpu.barrier barrier_id(%barrier3A_28)
    %mul3A_29 = arith.constant 640 : i32
    %mul3A_30 = arith.muli %arg1, %mul3A_29 : i32
    %mul3A_31 = arith.constant 640 : i32
    %mul3A_32 = arith.muli %arg1, %mul3A_31 : i32
    "tpu.region"() ({
      %run_scoped3A = tpu.sem_alloc : memref<!tpu.dma_semaphore, #tpu.memory_space<semaphore_mem>>
      %dma_start3A_33 = arith.constant 0 : i32
      %dma_start3A_34 = tpu.memref_slice %arg6[%arg0, %mul3A_32, %dma_start3A_33] : memref<2x10240x128xf32, #tpu.memory_space<hbm>> -> memref<1x640x128xf32, #tpu.memory_space<hbm>>
      %dma_start3A_35 = tpu.memref_squeeze %dma_start3A_34 : memref<1x640x128xf32, #tpu.memory_space<hbm>> -> memref<640x128xf32, #tpu.memory_space<hbm>>
      %dma_start3A_36 = arith.constant 0 : i32
      %dma_start3A_37 = tpu.memref_slice %arg13[%mul3A_30, %dma_start3A_36] : memref<10240x128xf32, #tpu.memory_space<vmem_shared>> -> memref<640x128xf32, #tpu.memory_space<vmem_shared>>
      tpu.enqueue_dma source(%dma_start3A_37 : memref<640x128xf32, #tpu.memory_space<vmem_shared>>) target(%dma_start3A_35 : memref<640x128xf32, #tpu.memory_space<hbm>>) target_semaphore(%run_scoped3A : memref<!tpu.dma_semaphore, #tpu.memory_space<semaphore_mem>>)
      %dma_wait3A = arith.constant 0 : i32
      %dma_wait3A_38 = tpu.memref_slice %arg6[%arg0, %mul3A_32, %dma_wait3A] : memref<2x10240x128xf32, #tpu.memory_space<hbm>> -> memref<1x640x128xf32, #tpu.memory_space<hbm>>
      %dma_wait3A_39 = tpu.memref_squeeze %dma_wait3A_38 : memref<1x640x128xf32, #tpu.memory_space<hbm>> -> memref<640x128xf32, #tpu.memory_space<hbm>>
      %dma_wait3A_40 = arith.constant 0 : i32
      %dma_wait3A_41 = tpu.memref_slice %arg13[%mul3A_30, %dma_wait3A_40] : memref<10240x128xf32, #tpu.memory_space<vmem_shared>> -> memref<640x128xf32, #tpu.memory_space<vmem_shared>>
      tpu.wait_dma2 semaphore(%run_scoped3A : memref<!tpu.dma_semaphore, #tpu.memory_space<semaphore_mem>>) src(%dma_wait3A_41 : memref<640x128xf32, #tpu.memory_space<vmem_shared>>) dst(%dma_wait3A_39 : memref<640x128xf32, #tpu.memory_space<hbm>>)
      tpu.yield
    }) : () -> ()
    return
  }
}

#map = affine_map<(d0, d1) -> (0, 0)>
#map1 = affine_map<(d0, d1) -> (0, 0, 0)>
module attributes {stable_mosaic.version = 14 : i64} {
  func.func @_sc_agg_body(%arg0: i32, %arg1: i32, %arg2: memref<10000x128xf32, #tpu.memory_space<hbm>>, %arg3: memref<32x128x80xi32, #tpu.memory_space<hbm>>, %arg4: memref<32x128x80xi32, #tpu.memory_space<hbm>>, %arg5: memref<640x128xf32, #tpu.memory_space<hbm>>, %arg6: memref<2x10240x128xf32, #tpu.memory_space<hbm>>, %arg7: memref<16x80xi32, #tpu.memory_space<vmem>>, %arg8: memref<16x80xi32, #tpu.memory_space<vmem>>, %arg9: memref<80x128xf32, #tpu.memory_space<vmem>>, %arg10: memref<80x128xf32, #tpu.memory_space<vmem>>, %arg11: memref<80x128xf32, #tpu.memory_space<vmem>>, %arg12: memref<80x128xf32, #tpu.memory_space<vmem>>, %arg13: memref<10240x128xf32, #tpu.memory_space<vmem_shared>>, %arg14: memref<!tpu.dma_semaphore, #tpu.memory_space<semaphore_mem>>, %arg15: memref<!tpu.dma_semaphore, #tpu.memory_space<semaphore_mem>>, %arg16: memref<!tpu.dma_semaphore, #tpu.memory_space<semaphore_mem>>, %arg17: memref<!tpu.dma_semaphore, #tpu.memory_space<semaphore_mem>>, %arg18: memref<!tpu.dma_semaphore, #tpu.memory_space<semaphore_mem>>) attributes {dimension_semantics = [#tpu.dimension_semantics<core_parallel>, #tpu.dimension_semantics<subcore_parallel>], iteration_bounds = array<i64: 2, 16>, scalar_prefetch = 0 : i64, scratch_operands = 12 : i64, tpu.core_type = #tpu.core_type<sc_vector_subcore>, window_params = [{transform_indices = #map}, {transform_indices = #map1}, {transform_indices = #map1}, {transform_indices = #map}, {transform_indices = #map1}]} {
    %mul3A = arith.constant 16 : i32
    %mul3A_0 = arith.muli %arg0, %mul3A : i32
    %add3A = arith.addi %mul3A_0, %arg1 : i32
    %mul3A_1 = arith.constant 640 : i32
    %mul3A_2 = arith.muli %arg1, %mul3A_1 : i32
    "tpu.region"() ({
      %run_scoped3A = tpu.sem_alloc : memref<!tpu.dma_semaphore, #tpu.memory_space<semaphore_mem>>
      %dma_start3A_33 = arith.constant 0 : i32
      %dma_start3A_34 = tpu.memref_slice %arg13[%mul3A_2, %dma_start3A_33] : memref<10240x128xf32, #tpu.memory_space<vmem_shared>> -> memref<640x128xf32, #tpu.memory_space<vmem_shared>>
      tpu.enqueue_dma source(%arg5 : memref<640x128xf32, #tpu.memory_space<hbm>>) target(%dma_start3A_34 : memref<640x128xf32, #tpu.memory_space<vmem_shared>>) target_semaphore(%run_scoped3A : memref<!tpu.dma_semaphore, #tpu.memory_space<semaphore_mem>>)
      %dma_wait3A = arith.constant 0 : i32
      %dma_wait3A_35 = tpu.memref_slice %arg13[%mul3A_2, %dma_wait3A] : memref<10240x128xf32, #tpu.memory_space<vmem_shared>> -> memref<640x128xf32, #tpu.memory_space<vmem_shared>>
      tpu.wait_dma2 semaphore(%run_scoped3A : memref<!tpu.dma_semaphore, #tpu.memory_space<semaphore_mem>>) src(%arg5 : memref<640x128xf32, #tpu.memory_space<hbm>>) dst(%dma_wait3A_35 : memref<640x128xf32, #tpu.memory_space<vmem_shared>>)
      tpu.yield
    }) : () -> ()
    "tpu.region"() ({
      %run_scoped3A = tpu.sem_alloc : memref<!tpu.dma_semaphore, #tpu.memory_space<semaphore_mem>>
      %dma_start3A_33 = arith.constant 0 : i32
      %dma_start3A_34 = arith.constant 0 : i32
      %dma_start3A_35 = tpu.memref_slice %arg7[%dma_start3A_33, %dma_start3A_34] : memref<16x80xi32, #tpu.memory_space<vmem>> -> memref<8x80xi32, #tpu.memory_space<vmem>>
      %dma_start3A_36 = arith.constant 0 : i32
      %dma_start3A_37 = arith.constant 0 : i32
      %dma_start3A_38 = tpu.memref_slice %arg3[%add3A, %dma_start3A_36, %dma_start3A_37] : memref<32x128x80xi32, #tpu.memory_space<hbm>> -> memref<1x8x80xi32, #tpu.memory_space<hbm>>
      %dma_start3A_39 = tpu.memref_squeeze %dma_start3A_38 : memref<1x8x80xi32, #tpu.memory_space<hbm>> -> memref<8x80xi32, #tpu.memory_space<hbm>>
      %dma_start3A_40 = arith.constant 0 : i32
      %dma_start3A_41 = arith.constant 0 : i32
      %dma_start3A_42 = tpu.memref_slice %arg7[%dma_start3A_40, %dma_start3A_41] : memref<16x80xi32, #tpu.memory_space<vmem>> -> memref<8x80xi32, #tpu.memory_space<vmem>>
      %dma_start3A_43 = arith.constant 0 : i32
      %dma_start3A_44 = arith.constant 0 : i32
      %dma_start3A_45 = tpu.memref_slice %arg3[%add3A, %dma_start3A_43, %dma_start3A_44] : memref<32x128x80xi32, #tpu.memory_space<hbm>> -> memref<1x8x80xi32, #tpu.memory_space<hbm>>
      %dma_start3A_46 = tpu.memref_squeeze %dma_start3A_45 : memref<1x8x80xi32, #tpu.memory_space<hbm>> -> memref<8x80xi32, #tpu.memory_space<hbm>>
      tpu.enqueue_dma source(%dma_start3A_46 : memref<8x80xi32, #tpu.memory_space<hbm>>) target(%dma_start3A_42 : memref<8x80xi32, #tpu.memory_space<vmem>>) target_semaphore(%run_scoped3A : memref<!tpu.dma_semaphore, #tpu.memory_space<semaphore_mem>>)
      %dma_wait3A = arith.constant 0 : i32
      %dma_wait3A_47 = arith.constant 0 : i32
      %dma_wait3A_48 = tpu.memref_slice %arg7[%dma_wait3A, %dma_wait3A_47] : memref<16x80xi32, #tpu.memory_space<vmem>> -> memref<8x80xi32, #tpu.memory_space<vmem>>
      %dma_wait3A_49 = arith.constant 0 : i32
      %dma_wait3A_50 = arith.constant 0 : i32
      %dma_wait3A_51 = tpu.memref_slice %arg3[%add3A, %dma_wait3A_49, %dma_wait3A_50] : memref<32x128x80xi32, #tpu.memory_space<hbm>> -> memref<1x8x80xi32, #tpu.memory_space<hbm>>
      %dma_wait3A_52 = tpu.memref_squeeze %dma_wait3A_51 : memref<1x8x80xi32, #tpu.memory_space<hbm>> -> memref<8x80xi32, #tpu.memory_space<hbm>>
      %dma_wait3A_53 = arith.constant 0 : i32
      %dma_wait3A_54 = arith.constant 0 : i32
      %dma_wait3A_55 = tpu.memref_slice %arg7[%dma_wait3A_53, %dma_wait3A_54] : memref<16x80xi32, #tpu.memory_space<vmem>> -> memref<8x80xi32, #tpu.memory_space<vmem>>
      %dma_wait3A_56 = arith.constant 0 : i32
      %dma_wait3A_57 = arith.constant 0 : i32
      %dma_wait3A_58 = tpu.memref_slice %arg3[%add3A, %dma_wait3A_56, %dma_wait3A_57] : memref<32x128x80xi32, #tpu.memory_space<hbm>> -> memref<1x8x80xi32, #tpu.memory_space<hbm>>
      %dma_wait3A_59 = tpu.memref_squeeze %dma_wait3A_58 : memref<1x8x80xi32, #tpu.memory_space<hbm>> -> memref<8x80xi32, #tpu.memory_space<hbm>>
      tpu.wait_dma2 semaphore(%run_scoped3A : memref<!tpu.dma_semaphore, #tpu.memory_space<semaphore_mem>>) src(%dma_wait3A_59 : memref<8x80xi32, #tpu.memory_space<hbm>>) dst(%dma_wait3A_55 : memref<8x80xi32, #tpu.memory_space<vmem>>)
      tpu.yield
    }) : () -> ()
    "tpu.region"() ({
      %run_scoped3A = tpu.sem_alloc : memref<!tpu.dma_semaphore, #tpu.memory_space<semaphore_mem>>
      %dma_start3A_33 = arith.constant 0 : i32
      %dma_start3A_34 = arith.constant 0 : i32
      %dma_start3A_35 = tpu.memref_slice %arg8[%dma_start3A_33, %dma_start3A_34] : memref<16x80xi32, #tpu.memory_space<vmem>> -> memref<8x80xi32, #tpu.memory_space<vmem>>
      %dma_start3A_36 = arith.constant 0 : i32
      %dma_start3A_37 = arith.constant 0 : i32
      %dma_start3A_38 = tpu.memref_slice %arg4[%add3A, %dma_start3A_36, %dma_start3A_37] : memref<32x128x80xi32, #tpu.memory_space<hbm>> -> memref<1x8x80xi32, #tpu.memory_space<hbm>>
      %dma_start3A_39 = tpu.memref_squeeze %dma_start3A_38 : memref<1x8x80xi32, #tpu.memory_space<hbm>> -> memref<8x80xi32, #tpu.memory_space<hbm>>
      %dma_start3A_40 = arith.constant 0 : i32
      %dma_start3A_41 = arith.constant 0 : i32
      %dma_start3A_42 = tpu.memref_slice %arg8[%dma_start3A_40, %dma_start3A_41] : memref<16x80xi32, #tpu.memory_space<vmem>> -> memref<8x80xi32, #tpu.memory_space<vmem>>
      %dma_start3A_43 = arith.constant 0 : i32
      %dma_start3A_44 = arith.constant 0 : i32
      %dma_start3A_45 = tpu.memref_slice %arg4[%add3A, %dma_start3A_43, %dma_start3A_44] : memref<32x128x80xi32, #tpu.memory_space<hbm>> -> memref<1x8x80xi32, #tpu.memory_space<hbm>>
      %dma_start3A_46 = tpu.memref_squeeze %dma_start3A_45 : memref<1x8x80xi32, #tpu.memory_space<hbm>> -> memref<8x80xi32, #tpu.memory_space<hbm>>
      tpu.enqueue_dma source(%dma_start3A_46 : memref<8x80xi32, #tpu.memory_space<hbm>>) target(%dma_start3A_42 : memref<8x80xi32, #tpu.memory_space<vmem>>) target_semaphore(%run_scoped3A : memref<!tpu.dma_semaphore, #tpu.memory_space<semaphore_mem>>)
      %dma_wait3A = arith.constant 0 : i32
      %dma_wait3A_47 = arith.constant 0 : i32
      %dma_wait3A_48 = tpu.memref_slice %arg8[%dma_wait3A, %dma_wait3A_47] : memref<16x80xi32, #tpu.memory_space<vmem>> -> memref<8x80xi32, #tpu.memory_space<vmem>>
      %dma_wait3A_49 = arith.constant 0 : i32
      %dma_wait3A_50 = arith.constant 0 : i32
      %dma_wait3A_51 = tpu.memref_slice %arg4[%add3A, %dma_wait3A_49, %dma_wait3A_50] : memref<32x128x80xi32, #tpu.memory_space<hbm>> -> memref<1x8x80xi32, #tpu.memory_space<hbm>>
      %dma_wait3A_52 = tpu.memref_squeeze %dma_wait3A_51 : memref<1x8x80xi32, #tpu.memory_space<hbm>> -> memref<8x80xi32, #tpu.memory_space<hbm>>
      %dma_wait3A_53 = arith.constant 0 : i32
      %dma_wait3A_54 = arith.constant 0 : i32
      %dma_wait3A_55 = tpu.memref_slice %arg8[%dma_wait3A_53, %dma_wait3A_54] : memref<16x80xi32, #tpu.memory_space<vmem>> -> memref<8x80xi32, #tpu.memory_space<vmem>>
      %dma_wait3A_56 = arith.constant 0 : i32
      %dma_wait3A_57 = arith.constant 0 : i32
      %dma_wait3A_58 = tpu.memref_slice %arg4[%add3A, %dma_wait3A_56, %dma_wait3A_57] : memref<32x128x80xi32, #tpu.memory_space<hbm>> -> memref<1x8x80xi32, #tpu.memory_space<hbm>>
      %dma_wait3A_59 = tpu.memref_squeeze %dma_wait3A_58 : memref<1x8x80xi32, #tpu.memory_space<hbm>> -> memref<8x80xi32, #tpu.memory_space<hbm>>
      tpu.wait_dma2 semaphore(%run_scoped3A : memref<!tpu.dma_semaphore, #tpu.memory_space<semaphore_mem>>) src(%dma_wait3A_59 : memref<8x80xi32, #tpu.memory_space<hbm>>) dst(%dma_wait3A_55 : memref<8x80xi32, #tpu.memory_space<vmem>>)
      tpu.yield
    }) : () -> ()
    %barrier3A = arith.constant 0 : index
    tpu.barrier barrier_id(%barrier3A)
    %dma_start3A = arith.constant 0 : i32
    %dma_start3A_3 = arith.constant 0 : i32
    %dma_start3A_4 = tpu.memref_slice %arg7[%dma_start3A, %dma_start3A_3] : memref<16x80xi32, #tpu.memory_space<vmem>> -> memref<1x80xi32, #tpu.memory_space<vmem>>
    %dma_start3A_5 = tpu.memref_squeeze %dma_start3A_4 : memref<1x80xi32, #tpu.memory_space<vmem>> -> memref<80xi32, #tpu.memory_space<vmem>>
    %dma_start3A_6 = arith.constant 0 : i32
    %dma_start3A_7 = arith.constant 0 : i32
    %dma_start3A_8 = tpu.memref_slice %arg2[%dma_start3A_6, %dma_start3A_7] : memref<10000x128xf32, #tpu.memory_space<hbm>> -> memref<10000x128xf32, #tpu.memory_space<hbm>>
    tpu.enqueue_indirect_dma source(%dma_start3A_8 : memref<10000x128xf32, #tpu.memory_space<hbm>>) target(%arg9 : memref<80x128xf32, #tpu.memory_space<vmem>>) offsets(%dma_start3A_5 : memref<80xi32, #tpu.memory_space<vmem>>) semaphore(%arg15 : memref<!tpu.dma_semaphore, #tpu.memory_space<semaphore_mem>>)
    %dma_start3A_9 = arith.constant 1 : i32
    %dma_start3A_10 = arith.constant 0 : i32
    %dma_start3A_11 = tpu.memref_slice %arg7[%dma_start3A_9, %dma_start3A_10] : memref<16x80xi32, #tpu.memory_space<vmem>> -> memref<1x80xi32, #tpu.memory_space<vmem>>
    %dma_start3A_12 = tpu.memref_squeeze %dma_start3A_11 : memref<1x80xi32, #tpu.memory_space<vmem>> -> memref<80xi32, #tpu.memory_space<vmem>>
    %dma_start3A_13 = arith.constant 0 : i32
    %dma_start3A_14 = arith.constant 0 : i32
    %dma_start3A_15 = tpu.memref_slice %arg2[%dma_start3A_13, %dma_start3A_14] : memref<10000x128xf32, #tpu.memory_space<hbm>> -> memref<10000x128xf32, #tpu.memory_space<hbm>>
    tpu.enqueue_indirect_dma source(%dma_start3A_15 : memref<10000x128xf32, #tpu.memory_space<hbm>>) target(%arg10 : memref<80x128xf32, #tpu.memory_space<vmem>>) offsets(%dma_start3A_12 : memref<80xi32, #tpu.memory_space<vmem>>) semaphore(%arg16 : memref<!tpu.dma_semaphore, #tpu.memory_space<semaphore_mem>>)
    %dma_start3A_16 = arith.constant 2 : i32
    %dma_start3A_17 = arith.constant 0 : i32
    %dma_start3A_18 = tpu.memref_slice %arg7[%dma_start3A_16, %dma_start3A_17] : memref<16x80xi32, #tpu.memory_space<vmem>> -> memref<1x80xi32, #tpu.memory_space<vmem>>
    %dma_start3A_19 = tpu.memref_squeeze %dma_start3A_18 : memref<1x80xi32, #tpu.memory_space<vmem>> -> memref<80xi32, #tpu.memory_space<vmem>>
    %dma_start3A_20 = arith.constant 0 : i32
    %dma_start3A_21 = arith.constant 0 : i32
    %dma_start3A_22 = tpu.memref_slice %arg2[%dma_start3A_20, %dma_start3A_21] : memref<10000x128xf32, #tpu.memory_space<hbm>> -> memref<10000x128xf32, #tpu.memory_space<hbm>>
    tpu.enqueue_indirect_dma source(%dma_start3A_22 : memref<10000x128xf32, #tpu.memory_space<hbm>>) target(%arg11 : memref<80x128xf32, #tpu.memory_space<vmem>>) offsets(%dma_start3A_19 : memref<80xi32, #tpu.memory_space<vmem>>) semaphore(%arg17 : memref<!tpu.dma_semaphore, #tpu.memory_space<semaphore_mem>>)
    %scan3A = arith.constant 0 : i32
    %scan3A_23 = arith.constant 0 : i32
    %scan3A_24 = arith.constant 16 : i32
    %scan3A_25 = arith.addi %scan3A_23, %scan3A_24 : i32
    %scan3A_26 = arith.constant 1 : i32
    scf.for %scan3A_33 = %scan3A_23 to %scan3A_25 step %scan3A_26  : i32 {
      %rem3A = arith.constant 2 : i32
      %rem3A_34 = arith.remsi %scan3A_33, %rem3A : i32
      %mul3A_35 = arith.constant 8 : i32
      %mul3A_36 = arith.muli %rem3A_34, %mul3A_35 : i32
      %sub3A = arith.constant 8 : i32
      %sub3A_37 = arith.subi %sub3A, %mul3A_36 : i32
      %lt3A = arith.constant 15 : i32
      %lt3A_38 = arith.cmpi slt, %scan3A_33, %lt3A : i32
      %convert_element_type3A = arith.extui %lt3A_38 : i1 to i32
      %cond3A = arith.constant 0 : i32
      %cond3A_39 = arith.cmpi ne, %convert_element_type3A, %cond3A : i32
      scf.if %cond3A_39 {
        %add3A_170 = arith.constant 1 : i32
        %add3A_171 = arith.addi %scan3A_33, %add3A_170 : i32
        %mul3A_172 = arith.constant 8 : i32
        %mul3A_173 = arith.muli %add3A_171, %mul3A_172 : i32
        %dma_start3A_174 = arith.constant 0 : i32
        %dma_start3A_175 = tpu.memref_slice %arg7[%sub3A_37, %dma_start3A_174] : memref<16x80xi32, #tpu.memory_space<vmem>> -> memref<8x80xi32, #tpu.memory_space<vmem>>
        %dma_start3A_176 = arith.constant 0 : i32
        %dma_start3A_177 = tpu.memref_slice %arg3[%add3A, %mul3A_173, %dma_start3A_176] : memref<32x128x80xi32, #tpu.memory_space<hbm>> -> memref<1x8x80xi32, #tpu.memory_space<hbm>>
        %dma_start3A_178 = tpu.memref_squeeze %dma_start3A_177 : memref<1x8x80xi32, #tpu.memory_space<hbm>> -> memref<8x80xi32, #tpu.memory_space<hbm>>
        %dma_start3A_179 = arith.constant 0 : i32
        %dma_start3A_180 = tpu.memref_slice %arg7[%sub3A_37, %dma_start3A_179] : memref<16x80xi32, #tpu.memory_space<vmem>> -> memref<8x80xi32, #tpu.memory_space<vmem>>
        %dma_start3A_181 = arith.constant 0 : i32
        %dma_start3A_182 = tpu.memref_slice %arg3[%add3A, %mul3A_173, %dma_start3A_181] : memref<32x128x80xi32, #tpu.memory_space<hbm>> -> memref<1x8x80xi32, #tpu.memory_space<hbm>>
        %dma_start3A_183 = tpu.memref_squeeze %dma_start3A_182 : memref<1x8x80xi32, #tpu.memory_space<hbm>> -> memref<8x80xi32, #tpu.memory_space<hbm>>
        tpu.enqueue_dma source(%dma_start3A_183 : memref<8x80xi32, #tpu.memory_space<hbm>>) target(%dma_start3A_180 : memref<8x80xi32, #tpu.memory_space<vmem>>) target_semaphore(%arg14 : memref<!tpu.dma_semaphore, #tpu.memory_space<semaphore_mem>>)
        %add3A_184 = arith.constant 1 : i32
        %add3A_185 = arith.addi %scan3A_33, %add3A_184 : i32
        %mul3A_186 = arith.constant 8 : i32
        %mul3A_187 = arith.muli %add3A_185, %mul3A_186 : i32
        %dma_start3A_188 = arith.constant 0 : i32
        %dma_start3A_189 = tpu.memref_slice %arg8[%sub3A_37, %dma_start3A_188] : memref<16x80xi32, #tpu.memory_space<vmem>> -> memref<8x80xi32, #tpu.memory_space<vmem>>
        %dma_start3A_190 = arith.constant 0 : i32
        %dma_start3A_191 = tpu.memref_slice %arg4[%add3A, %mul3A_187, %dma_start3A_190] : memref<32x128x80xi32, #tpu.memory_space<hbm>> -> memref<1x8x80xi32, #tpu.memory_space<hbm>>
        %dma_start3A_192 = tpu.memref_squeeze %dma_start3A_191 : memref<1x8x80xi32, #tpu.memory_space<hbm>> -> memref<8x80xi32, #tpu.memory_space<hbm>>
        %dma_start3A_193 = arith.constant 0 : i32
        %dma_start3A_194 = tpu.memref_slice %arg8[%sub3A_37, %dma_start3A_193] : memref<16x80xi32, #tpu.memory_space<vmem>> -> memref<8x80xi32, #tpu.memory_space<vmem>>
        %dma_start3A_195 = arith.constant 0 : i32
        %dma_start3A_196 = tpu.memref_slice %arg4[%add3A, %mul3A_187, %dma_start3A_195] : memref<32x128x80xi32, #tpu.memory_space<hbm>> -> memref<1x8x80xi32, #tpu.memory_space<hbm>>
        %dma_start3A_197 = tpu.memref_squeeze %dma_start3A_196 : memref<1x8x80xi32, #tpu.memory_space<hbm>> -> memref<8x80xi32, #tpu.memory_space<hbm>>
        tpu.enqueue_dma source(%dma_start3A_197 : memref<8x80xi32, #tpu.memory_space<hbm>>) target(%dma_start3A_194 : memref<8x80xi32, #tpu.memory_space<vmem>>) target_semaphore(%arg14 : memref<!tpu.dma_semaphore, #tpu.memory_space<semaphore_mem>>)
      } else {
      }
      %dma_wait3A = arith.constant 0 : i32
      %dma_wait3A_40 = arith.constant 0 : i32
      %dma_wait3A_41 = tpu.memref_slice %arg2[%dma_wait3A, %dma_wait3A_40] : memref<10000x128xf32, #tpu.memory_space<hbm>> -> memref<80x128xf32, #tpu.memory_space<hbm>>
      %dma_wait3A_42 = arith.constant 0 : i32
      %dma_wait3A_43 = arith.constant 0 : i32
      %dma_wait3A_44 = tpu.memref_slice %arg2[%dma_wait3A_42, %dma_wait3A_43] : memref<10000x128xf32, #tpu.memory_space<hbm>> -> memref<80x128xf32, #tpu.memory_space<hbm>>
      tpu.wait_dma2 semaphore(%arg15 : memref<!tpu.dma_semaphore, #tpu.memory_space<semaphore_mem>>) src(%dma_wait3A_44 : memref<80x128xf32, #tpu.memory_space<hbm>>) dst(%arg9 : memref<80x128xf32, #tpu.memory_space<vmem>>)
      %add3A_45 = arith.constant 0 : i32
      %add3A_46 = arith.addi %mul3A_36, %add3A_45 : i32
      %add3A_47 = arith.constant 3 : i32
      %add3A_48 = arith.addi %add3A_46, %add3A_47 : i32
      %dma_start3A_49 = arith.constant 0 : i32
      %dma_start3A_50 = tpu.memref_slice %arg7[%add3A_48, %dma_start3A_49] : memref<16x80xi32, #tpu.memory_space<vmem>> -> memref<1x80xi32, #tpu.memory_space<vmem>>
      %dma_start3A_51 = tpu.memref_squeeze %dma_start3A_50 : memref<1x80xi32, #tpu.memory_space<vmem>> -> memref<80xi32, #tpu.memory_space<vmem>>
      %dma_start3A_52 = arith.constant 0 : i32
      %dma_start3A_53 = arith.constant 0 : i32
      %dma_start3A_54 = tpu.memref_slice %arg2[%dma_start3A_52, %dma_start3A_53] : memref<10000x128xf32, #tpu.memory_space<hbm>> -> memref<10000x128xf32, #tpu.memory_space<hbm>>
      tpu.enqueue_indirect_dma source(%dma_start3A_54 : memref<10000x128xf32, #tpu.memory_space<hbm>>) target(%arg12 : memref<80x128xf32, #tpu.memory_space<vmem>>) offsets(%dma_start3A_51 : memref<80xi32, #tpu.memory_space<vmem>>) semaphore(%arg18 : memref<!tpu.dma_semaphore, #tpu.memory_space<semaphore_mem>>)
      %add3A_55 = arith.constant 0 : i32
      %add3A_56 = arith.addi %mul3A_36, %add3A_55 : i32
      "tpu.region"() ({
        %run_scoped3A = tpu.sem_alloc : memref<!tpu.dma_semaphore, #tpu.memory_space<semaphore_mem>>
        %dma_start3A_170 = arith.constant 0 : i32
        %dma_start3A_171 = tpu.memref_slice %arg8[%add3A_56, %dma_start3A_170] : memref<16x80xi32, #tpu.memory_space<vmem>> -> memref<1x80xi32, #tpu.memory_space<vmem>>
        %dma_start3A_172 = tpu.memref_squeeze %dma_start3A_171 : memref<1x80xi32, #tpu.memory_space<vmem>> -> memref<80xi32, #tpu.memory_space<vmem>>
        %dma_start3A_173 = arith.constant 0 : i32
        %dma_start3A_174 = arith.constant 0 : i32
        %dma_start3A_175 = tpu.memref_slice %arg13[%dma_start3A_173, %dma_start3A_174] : memref<10240x128xf32, #tpu.memory_space<vmem_shared>> -> memref<10240x128xf32, #tpu.memory_space<vmem_shared>>
        tpu.enqueue_indirect_dma source(%arg9 : memref<80x128xf32, #tpu.memory_space<vmem>>) target(%dma_start3A_175 : memref<10240x128xf32, #tpu.memory_space<vmem_shared>>) offsets(%dma_start3A_172 : memref<80xi32, #tpu.memory_space<vmem>>) semaphore(%run_scoped3A : memref<!tpu.dma_semaphore, #tpu.memory_space<semaphore_mem>>) {add = true}
        %dma_wait3A_176 = arith.constant 0 : i32
        %dma_wait3A_177 = tpu.memref_slice %arg8[%add3A_56, %dma_wait3A_176] : memref<16x80xi32, #tpu.memory_space<vmem>> -> memref<1x80xi32, #tpu.memory_space<vmem>>
        %dma_wait3A_178 = tpu.memref_squeeze %dma_wait3A_177 : memref<1x80xi32, #tpu.memory_space<vmem>> -> memref<80xi32, #tpu.memory_space<vmem>>
        %dma_wait3A_179 = arith.constant 0 : i32
        %dma_wait3A_180 = arith.constant 0 : i32
        %dma_wait3A_181 = tpu.memref_slice %arg13[%dma_wait3A_179, %dma_wait3A_180] : memref<10240x128xf32, #tpu.memory_space<vmem_shared>> -> memref<10240x128xf32, #tpu.memory_space<vmem_shared>>
        tpu.wait_indirect_dma semaphore(%run_scoped3A : memref<!tpu.dma_semaphore, #tpu.memory_space<semaphore_mem>>) src(%arg9 : memref<80x128xf32, #tpu.memory_space<vmem>>) dst(%dma_wait3A_181 : memref<10240x128xf32, #tpu.memory_space<vmem_shared>>)
        tpu.yield
      }) : () -> ()
      %dma_wait3A_57 = arith.constant 0 : i32
      %dma_wait3A_58 = arith.constant 0 : i32
      %dma_wait3A_59 = tpu.memref_slice %arg2[%dma_wait3A_57, %dma_wait3A_58] : memref<10000x128xf32, #tpu.memory_space<hbm>> -> memref<80x128xf32, #tpu.memory_space<hbm>>
      %dma_wait3A_60 = arith.constant 0 : i32
      %dma_wait3A_61 = arith.constant 0 : i32
      %dma_wait3A_62 = tpu.memref_slice %arg2[%dma_wait3A_60, %dma_wait3A_61] : memref<10000x128xf32, #tpu.memory_space<hbm>> -> memref<80x128xf32, #tpu.memory_space<hbm>>
      tpu.wait_dma2 semaphore(%arg16 : memref<!tpu.dma_semaphore, #tpu.memory_space<semaphore_mem>>) src(%dma_wait3A_62 : memref<80x128xf32, #tpu.memory_space<hbm>>) dst(%arg10 : memref<80x128xf32, #tpu.memory_space<vmem>>)
      %add3A_63 = arith.constant 1 : i32
      %add3A_64 = arith.addi %mul3A_36, %add3A_63 : i32
      %add3A_65 = arith.constant 3 : i32
      %add3A_66 = arith.addi %add3A_64, %add3A_65 : i32
      %dma_start3A_67 = arith.constant 0 : i32
      %dma_start3A_68 = tpu.memref_slice %arg7[%add3A_66, %dma_start3A_67] : memref<16x80xi32, #tpu.memory_space<vmem>> -> memref<1x80xi32, #tpu.memory_space<vmem>>
      %dma_start3A_69 = tpu.memref_squeeze %dma_start3A_68 : memref<1x80xi32, #tpu.memory_space<vmem>> -> memref<80xi32, #tpu.memory_space<vmem>>
      %dma_start3A_70 = arith.constant 0 : i32
      %dma_start3A_71 = arith.constant 0 : i32
      %dma_start3A_72 = tpu.memref_slice %arg2[%dma_start3A_70, %dma_start3A_71] : memref<10000x128xf32, #tpu.memory_space<hbm>> -> memref<10000x128xf32, #tpu.memory_space<hbm>>
      tpu.enqueue_indirect_dma source(%dma_start3A_72 : memref<10000x128xf32, #tpu.memory_space<hbm>>) target(%arg9 : memref<80x128xf32, #tpu.memory_space<vmem>>) offsets(%dma_start3A_69 : memref<80xi32, #tpu.memory_space<vmem>>) semaphore(%arg15 : memref<!tpu.dma_semaphore, #tpu.memory_space<semaphore_mem>>)
      %add3A_73 = arith.constant 1 : i32
      %add3A_74 = arith.addi %mul3A_36, %add3A_73 : i32
      "tpu.region"() ({
        %run_scoped3A = tpu.sem_alloc : memref<!tpu.dma_semaphore, #tpu.memory_space<semaphore_mem>>
        %dma_start3A_170 = arith.constant 0 : i32
        %dma_start3A_171 = tpu.memref_slice %arg8[%add3A_74, %dma_start3A_170] : memref<16x80xi32, #tpu.memory_space<vmem>> -> memref<1x80xi32, #tpu.memory_space<vmem>>
        %dma_start3A_172 = tpu.memref_squeeze %dma_start3A_171 : memref<1x80xi32, #tpu.memory_space<vmem>> -> memref<80xi32, #tpu.memory_space<vmem>>
        %dma_start3A_173 = arith.constant 0 : i32
        %dma_start3A_174 = arith.constant 0 : i32
        %dma_start3A_175 = tpu.memref_slice %arg13[%dma_start3A_173, %dma_start3A_174] : memref<10240x128xf32, #tpu.memory_space<vmem_shared>> -> memref<10240x128xf32, #tpu.memory_space<vmem_shared>>
        tpu.enqueue_indirect_dma source(%arg10 : memref<80x128xf32, #tpu.memory_space<vmem>>) target(%dma_start3A_175 : memref<10240x128xf32, #tpu.memory_space<vmem_shared>>) offsets(%dma_start3A_172 : memref<80xi32, #tpu.memory_space<vmem>>) semaphore(%run_scoped3A : memref<!tpu.dma_semaphore, #tpu.memory_space<semaphore_mem>>) {add = true}
        %dma_wait3A_176 = arith.constant 0 : i32
        %dma_wait3A_177 = tpu.memref_slice %arg8[%add3A_74, %dma_wait3A_176] : memref<16x80xi32, #tpu.memory_space<vmem>> -> memref<1x80xi32, #tpu.memory_space<vmem>>
        %dma_wait3A_178 = tpu.memref_squeeze %dma_wait3A_177 : memref<1x80xi32, #tpu.memory_space<vmem>> -> memref<80xi32, #tpu.memory_space<vmem>>
        %dma_wait3A_179 = arith.constant 0 : i32
        %dma_wait3A_180 = arith.constant 0 : i32
        %dma_wait3A_181 = tpu.memref_slice %arg13[%dma_wait3A_179, %dma_wait3A_180] : memref<10240x128xf32, #tpu.memory_space<vmem_shared>> -> memref<10240x128xf32, #tpu.memory_space<vmem_shared>>
        tpu.wait_indirect_dma semaphore(%run_scoped3A : memref<!tpu.dma_semaphore, #tpu.memory_space<semaphore_mem>>) src(%arg10 : memref<80x128xf32, #tpu.memory_space<vmem>>) dst(%dma_wait3A_181 : memref<10240x128xf32, #tpu.memory_space<vmem_shared>>)
        tpu.yield
      }) : () -> ()
      %dma_wait3A_75 = arith.constant 0 : i32
      %dma_wait3A_76 = arith.constant 0 : i32
      %dma_wait3A_77 = tpu.memref_slice %arg2[%dma_wait3A_75, %dma_wait3A_76] : memref<10000x128xf32, #tpu.memory_space<hbm>> -> memref<80x128xf32, #tpu.memory_space<hbm>>
      %dma_wait3A_78 = arith.constant 0 : i32
      %dma_wait3A_79 = arith.constant 0 : i32
      %dma_wait3A_80 = tpu.memref_slice %arg2[%dma_wait3A_78, %dma_wait3A_79] : memref<10000x128xf32, #tpu.memory_space<hbm>> -> memref<80x128xf32, #tpu.memory_space<hbm>>
      tpu.wait_dma2 semaphore(%arg17 : memref<!tpu.dma_semaphore, #tpu.memory_space<semaphore_mem>>) src(%dma_wait3A_80 : memref<80x128xf32, #tpu.memory_space<hbm>>) dst(%arg11 : memref<80x128xf32, #tpu.memory_space<vmem>>)
      %add3A_81 = arith.constant 2 : i32
      %add3A_82 = arith.addi %mul3A_36, %add3A_81 : i32
      %add3A_83 = arith.constant 3 : i32
      %add3A_84 = arith.addi %add3A_82, %add3A_83 : i32
      %dma_start3A_85 = arith.constant 0 : i32
      %dma_start3A_86 = tpu.memref_slice %arg7[%add3A_84, %dma_start3A_85] : memref<16x80xi32, #tpu.memory_space<vmem>> -> memref<1x80xi32, #tpu.memory_space<vmem>>
      %dma_start3A_87 = tpu.memref_squeeze %dma_start3A_86 : memref<1x80xi32, #tpu.memory_space<vmem>> -> memref<80xi32, #tpu.memory_space<vmem>>
      %dma_start3A_88 = arith.constant 0 : i32
      %dma_start3A_89 = arith.constant 0 : i32
      %dma_start3A_90 = tpu.memref_slice %arg2[%dma_start3A_88, %dma_start3A_89] : memref<10000x128xf32, #tpu.memory_space<hbm>> -> memref<10000x128xf32, #tpu.memory_space<hbm>>
      tpu.enqueue_indirect_dma source(%dma_start3A_90 : memref<10000x128xf32, #tpu.memory_space<hbm>>) target(%arg10 : memref<80x128xf32, #tpu.memory_space<vmem>>) offsets(%dma_start3A_87 : memref<80xi32, #tpu.memory_space<vmem>>) semaphore(%arg16 : memref<!tpu.dma_semaphore, #tpu.memory_space<semaphore_mem>>)
      %add3A_91 = arith.constant 2 : i32
      %add3A_92 = arith.addi %mul3A_36, %add3A_91 : i32
      "tpu.region"() ({
        %run_scoped3A = tpu.sem_alloc : memref<!tpu.dma_semaphore, #tpu.memory_space<semaphore_mem>>
        %dma_start3A_170 = arith.constant 0 : i32
        %dma_start3A_171 = tpu.memref_slice %arg8[%add3A_92, %dma_start3A_170] : memref<16x80xi32, #tpu.memory_space<vmem>> -> memref<1x80xi32, #tpu.memory_space<vmem>>
        %dma_start3A_172 = tpu.memref_squeeze %dma_start3A_171 : memref<1x80xi32, #tpu.memory_space<vmem>> -> memref<80xi32, #tpu.memory_space<vmem>>
        %dma_start3A_173 = arith.constant 0 : i32
        %dma_start3A_174 = arith.constant 0 : i32
        %dma_start3A_175 = tpu.memref_slice %arg13[%dma_start3A_173, %dma_start3A_174] : memref<10240x128xf32, #tpu.memory_space<vmem_shared>> -> memref<10240x128xf32, #tpu.memory_space<vmem_shared>>
        tpu.enqueue_indirect_dma source(%arg11 : memref<80x128xf32, #tpu.memory_space<vmem>>) target(%dma_start3A_175 : memref<10240x128xf32, #tpu.memory_space<vmem_shared>>) offsets(%dma_start3A_172 : memref<80xi32, #tpu.memory_space<vmem>>) semaphore(%run_scoped3A : memref<!tpu.dma_semaphore, #tpu.memory_space<semaphore_mem>>) {add = true}
        %dma_wait3A_176 = arith.constant 0 : i32
        %dma_wait3A_177 = tpu.memref_slice %arg8[%add3A_92, %dma_wait3A_176] : memref<16x80xi32, #tpu.memory_space<vmem>> -> memref<1x80xi32, #tpu.memory_space<vmem>>
        %dma_wait3A_178 = tpu.memref_squeeze %dma_wait3A_177 : memref<1x80xi32, #tpu.memory_space<vmem>> -> memref<80xi32, #tpu.memory_space<vmem>>
        %dma_wait3A_179 = arith.constant 0 : i32
        %dma_wait3A_180 = arith.constant 0 : i32
        %dma_wait3A_181 = tpu.memref_slice %arg13[%dma_wait3A_179, %dma_wait3A_180] : memref<10240x128xf32, #tpu.memory_space<vmem_shared>> -> memref<10240x128xf32, #tpu.memory_space<vmem_shared>>
        tpu.wait_indirect_dma semaphore(%run_scoped3A : memref<!tpu.dma_semaphore, #tpu.memory_space<semaphore_mem>>) src(%arg11 : memref<80x128xf32, #tpu.memory_space<vmem>>) dst(%dma_wait3A_181 : memref<10240x128xf32, #tpu.memory_space<vmem_shared>>)
        tpu.yield
      }) : () -> ()
      %dma_wait3A_93 = arith.constant 0 : i32
      %dma_wait3A_94 = arith.constant 0 : i32
      %dma_wait3A_95 = tpu.memref_slice %arg2[%dma_wait3A_93, %dma_wait3A_94] : memref<10000x128xf32, #tpu.memory_space<hbm>> -> memref<80x128xf32, #tpu.memory_space<hbm>>
      %dma_wait3A_96 = arith.constant 0 : i32
      %dma_wait3A_97 = arith.constant 0 : i32
      %dma_wait3A_98 = tpu.memref_slice %arg2[%dma_wait3A_96, %dma_wait3A_97] : memref<10000x128xf32, #tpu.memory_space<hbm>> -> memref<80x128xf32, #tpu.memory_space<hbm>>
      tpu.wait_dma2 semaphore(%arg18 : memref<!tpu.dma_semaphore, #tpu.memory_space<semaphore_mem>>) src(%dma_wait3A_98 : memref<80x128xf32, #tpu.memory_space<hbm>>) dst(%arg12 : memref<80x128xf32, #tpu.memory_space<vmem>>)
      %add3A_99 = arith.constant 3 : i32
      %add3A_100 = arith.addi %mul3A_36, %add3A_99 : i32
      %add3A_101 = arith.constant 3 : i32
      %add3A_102 = arith.addi %add3A_100, %add3A_101 : i32
      %dma_start3A_103 = arith.constant 0 : i32
      %dma_start3A_104 = tpu.memref_slice %arg7[%add3A_102, %dma_start3A_103] : memref<16x80xi32, #tpu.memory_space<vmem>> -> memref<1x80xi32, #tpu.memory_space<vmem>>
      %dma_start3A_105 = tpu.memref_squeeze %dma_start3A_104 : memref<1x80xi32, #tpu.memory_space<vmem>> -> memref<80xi32, #tpu.memory_space<vmem>>
      %dma_start3A_106 = arith.constant 0 : i32
      %dma_start3A_107 = arith.constant 0 : i32
      %dma_start3A_108 = tpu.memref_slice %arg2[%dma_start3A_106, %dma_start3A_107] : memref<10000x128xf32, #tpu.memory_space<hbm>> -> memref<10000x128xf32, #tpu.memory_space<hbm>>
      tpu.enqueue_indirect_dma source(%dma_start3A_108 : memref<10000x128xf32, #tpu.memory_space<hbm>>) target(%arg11 : memref<80x128xf32, #tpu.memory_space<vmem>>) offsets(%dma_start3A_105 : memref<80xi32, #tpu.memory_space<vmem>>) semaphore(%arg17 : memref<!tpu.dma_semaphore, #tpu.memory_space<semaphore_mem>>)
      %add3A_109 = arith.constant 3 : i32
      %add3A_110 = arith.addi %mul3A_36, %add3A_109 : i32
      "tpu.region"() ({
        %run_scoped3A = tpu.sem_alloc : memref<!tpu.dma_semaphore, #tpu.memory_space<semaphore_mem>>
        %dma_start3A_170 = arith.constant 0 : i32
        %dma_start3A_171 = tpu.memref_slice %arg8[%add3A_110, %dma_start3A_170] : memref<16x80xi32, #tpu.memory_space<vmem>> -> memref<1x80xi32, #tpu.memory_space<vmem>>
        %dma_start3A_172 = tpu.memref_squeeze %dma_start3A_171 : memref<1x80xi32, #tpu.memory_space<vmem>> -> memref<80xi32, #tpu.memory_space<vmem>>
        %dma_start3A_173 = arith.constant 0 : i32
        %dma_start3A_174 = arith.constant 0 : i32
        %dma_start3A_175 = tpu.memref_slice %arg13[%dma_start3A_173, %dma_start3A_174] : memref<10240x128xf32, #tpu.memory_space<vmem_shared>> -> memref<10240x128xf32, #tpu.memory_space<vmem_shared>>
        tpu.enqueue_indirect_dma source(%arg12 : memref<80x128xf32, #tpu.memory_space<vmem>>) target(%dma_start3A_175 : memref<10240x128xf32, #tpu.memory_space<vmem_shared>>) offsets(%dma_start3A_172 : memref<80xi32, #tpu.memory_space<vmem>>) semaphore(%run_scoped3A : memref<!tpu.dma_semaphore, #tpu.memory_space<semaphore_mem>>) {add = true}
        %dma_wait3A_176 = arith.constant 0 : i32
        %dma_wait3A_177 = tpu.memref_slice %arg8[%add3A_110, %dma_wait3A_176] : memref<16x80xi32, #tpu.memory_space<vmem>> -> memref<1x80xi32, #tpu.memory_space<vmem>>
        %dma_wait3A_178 = tpu.memref_squeeze %dma_wait3A_177 : memref<1x80xi32, #tpu.memory_space<vmem>> -> memref<80xi32, #tpu.memory_space<vmem>>
        %dma_wait3A_179 = arith.constant 0 : i32
        %dma_wait3A_180 = arith.constant 0 : i32
        %dma_wait3A_181 = tpu.memref_slice %arg13[%dma_wait3A_179, %dma_wait3A_180] : memref<10240x128xf32, #tpu.memory_space<vmem_shared>> -> memref<10240x128xf32, #tpu.memory_space<vmem_shared>>
        tpu.wait_indirect_dma semaphore(%run_scoped3A : memref<!tpu.dma_semaphore, #tpu.memory_space<semaphore_mem>>) src(%arg12 : memref<80x128xf32, #tpu.memory_space<vmem>>) dst(%dma_wait3A_181 : memref<10240x128xf32, #tpu.memory_space<vmem_shared>>)
        tpu.yield
      }) : () -> ()
      %dma_wait3A_111 = arith.constant 0 : i32
      %dma_wait3A_112 = arith.constant 0 : i32
      %dma_wait3A_113 = tpu.memref_slice %arg2[%dma_wait3A_111, %dma_wait3A_112] : memref<10000x128xf32, #tpu.memory_space<hbm>> -> memref<80x128xf32, #tpu.memory_space<hbm>>
      %dma_wait3A_114 = arith.constant 0 : i32
      %dma_wait3A_115 = arith.constant 0 : i32
      %dma_wait3A_116 = tpu.memref_slice %arg2[%dma_wait3A_114, %dma_wait3A_115] : memref<10000x128xf32, #tpu.memory_space<hbm>> -> memref<80x128xf32, #tpu.memory_space<hbm>>
      tpu.wait_dma2 semaphore(%arg15 : memref<!tpu.dma_semaphore, #tpu.memory_space<semaphore_mem>>) src(%dma_wait3A_116 : memref<80x128xf32, #tpu.memory_space<hbm>>) dst(%arg9 : memref<80x128xf32, #tpu.memory_space<vmem>>)
      %add3A_117 = arith.constant 4 : i32
      %add3A_118 = arith.addi %mul3A_36, %add3A_117 : i32
      %add3A_119 = arith.constant 3 : i32
      %add3A_120 = arith.addi %add3A_118, %add3A_119 : i32
      %dma_start3A_121 = arith.constant 0 : i32
      %dma_start3A_122 = tpu.memref_slice %arg7[%add3A_120, %dma_start3A_121] : memref<16x80xi32, #tpu.memory_space<vmem>> -> memref<1x80xi32, #tpu.memory_space<vmem>>
      %dma_start3A_123 = tpu.memref_squeeze %dma_start3A_122 : memref<1x80xi32, #tpu.memory_space<vmem>> -> memref<80xi32, #tpu.memory_space<vmem>>
      %dma_start3A_124 = arith.constant 0 : i32
      %dma_start3A_125 = arith.constant 0 : i32
      %dma_start3A_126 = tpu.memref_slice %arg2[%dma_start3A_124, %dma_start3A_125] : memref<10000x128xf32, #tpu.memory_space<hbm>> -> memref<10000x128xf32, #tpu.memory_space<hbm>>
      tpu.enqueue_indirect_dma source(%dma_start3A_126 : memref<10000x128xf32, #tpu.memory_space<hbm>>) target(%arg12 : memref<80x128xf32, #tpu.memory_space<vmem>>) offsets(%dma_start3A_123 : memref<80xi32, #tpu.memory_space<vmem>>) semaphore(%arg18 : memref<!tpu.dma_semaphore, #tpu.memory_space<semaphore_mem>>)
      %add3A_127 = arith.constant 4 : i32
      %add3A_128 = arith.addi %mul3A_36, %add3A_127 : i32
      "tpu.region"() ({
        %run_scoped3A = tpu.sem_alloc : memref<!tpu.dma_semaphore, #tpu.memory_space<semaphore_mem>>
        %dma_start3A_170 = arith.constant 0 : i32
        %dma_start3A_171 = tpu.memref_slice %arg8[%add3A_128, %dma_start3A_170] : memref<16x80xi32, #tpu.memory_space<vmem>> -> memref<1x80xi32, #tpu.memory_space<vmem>>
        %dma_start3A_172 = tpu.memref_squeeze %dma_start3A_171 : memref<1x80xi32, #tpu.memory_space<vmem>> -> memref<80xi32, #tpu.memory_space<vmem>>
        %dma_start3A_173 = arith.constant 0 : i32
        %dma_start3A_174 = arith.constant 0 : i32
        %dma_start3A_175 = tpu.memref_slice %arg13[%dma_start3A_173, %dma_start3A_174] : memref<10240x128xf32, #tpu.memory_space<vmem_shared>> -> memref<10240x128xf32, #tpu.memory_space<vmem_shared>>
        tpu.enqueue_indirect_dma source(%arg9 : memref<80x128xf32, #tpu.memory_space<vmem>>) target(%dma_start3A_175 : memref<10240x128xf32, #tpu.memory_space<vmem_shared>>) offsets(%dma_start3A_172 : memref<80xi32, #tpu.memory_space<vmem>>) semaphore(%run_scoped3A : memref<!tpu.dma_semaphore, #tpu.memory_space<semaphore_mem>>) {add = true}
        %dma_wait3A_176 = arith.constant 0 : i32
        %dma_wait3A_177 = tpu.memref_slice %arg8[%add3A_128, %dma_wait3A_176] : memref<16x80xi32, #tpu.memory_space<vmem>> -> memref<1x80xi32, #tpu.memory_space<vmem>>
        %dma_wait3A_178 = tpu.memref_squeeze %dma_wait3A_177 : memref<1x80xi32, #tpu.memory_space<vmem>> -> memref<80xi32, #tpu.memory_space<vmem>>
        %dma_wait3A_179 = arith.constant 0 : i32
        %dma_wait3A_180 = arith.constant 0 : i32
        %dma_wait3A_181 = tpu.memref_slice %arg13[%dma_wait3A_179, %dma_wait3A_180] : memref<10240x128xf32, #tpu.memory_space<vmem_shared>> -> memref<10240x128xf32, #tpu.memory_space<vmem_shared>>
        tpu.wait_indirect_dma semaphore(%run_scoped3A : memref<!tpu.dma_semaphore, #tpu.memory_space<semaphore_mem>>) src(%arg9 : memref<80x128xf32, #tpu.memory_space<vmem>>) dst(%dma_wait3A_181 : memref<10240x128xf32, #tpu.memory_space<vmem_shared>>)
        tpu.yield
      }) : () -> ()
      %dma_wait3A_129 = arith.constant 0 : i32
      %dma_wait3A_130 = arith.constant 0 : i32
      %dma_wait3A_131 = tpu.memref_slice %arg2[%dma_wait3A_129, %dma_wait3A_130] : memref<10000x128xf32, #tpu.memory_space<hbm>> -> memref<80x128xf32, #tpu.memory_space<hbm>>
      %dma_wait3A_132 = arith.constant 0 : i32
      %dma_wait3A_133 = arith.constant 0 : i32
      %dma_wait3A_134 = tpu.memref_slice %arg2[%dma_wait3A_132, %dma_wait3A_133] : memref<10000x128xf32, #tpu.memory_space<hbm>> -> memref<80x128xf32, #tpu.memory_space<hbm>>
      tpu.wait_dma2 semaphore(%arg16 : memref<!tpu.dma_semaphore, #tpu.memory_space<semaphore_mem>>) src(%dma_wait3A_134 : memref<80x128xf32, #tpu.memory_space<hbm>>) dst(%arg10 : memref<80x128xf32, #tpu.memory_space<vmem>>)
      %convert_element_type3A_135 = arith.extui %lt3A_38 : i1 to i32
      %cond3A_136 = arith.constant 0 : i32
      %cond3A_137 = arith.cmpi ne, %convert_element_type3A_135, %cond3A_136 : i32
      scf.if %cond3A_137 {
        %dma_wait3A_170 = arith.constant 0 : i32
        %dma_wait3A_171 = arith.constant 0 : i32
        %dma_wait3A_172 = tpu.memref_slice %arg7[%dma_wait3A_170, %dma_wait3A_171] : memref<16x80xi32, #tpu.memory_space<vmem>> -> memref<8x80xi32, #tpu.memory_space<vmem>>
        %dma_wait3A_173 = arith.constant 0 : i32
        %dma_wait3A_174 = arith.constant 0 : i32
        %dma_wait3A_175 = tpu.memref_slice %arg3[%add3A, %dma_wait3A_173, %dma_wait3A_174] : memref<32x128x80xi32, #tpu.memory_space<hbm>> -> memref<1x8x80xi32, #tpu.memory_space<hbm>>
        %dma_wait3A_176 = tpu.memref_squeeze %dma_wait3A_175 : memref<1x8x80xi32, #tpu.memory_space<hbm>> -> memref<8x80xi32, #tpu.memory_space<hbm>>
        %dma_wait3A_177 = arith.constant 0 : i32
        %dma_wait3A_178 = arith.constant 0 : i32
        %dma_wait3A_179 = tpu.memref_slice %arg7[%dma_wait3A_177, %dma_wait3A_178] : memref<16x80xi32, #tpu.memory_space<vmem>> -> memref<8x80xi32, #tpu.memory_space<vmem>>
        %dma_wait3A_180 = arith.constant 0 : i32
        %dma_wait3A_181 = arith.constant 0 : i32
        %dma_wait3A_182 = tpu.memref_slice %arg3[%add3A, %dma_wait3A_180, %dma_wait3A_181] : memref<32x128x80xi32, #tpu.memory_space<hbm>> -> memref<1x8x80xi32, #tpu.memory_space<hbm>>
        %dma_wait3A_183 = tpu.memref_squeeze %dma_wait3A_182 : memref<1x8x80xi32, #tpu.memory_space<hbm>> -> memref<8x80xi32, #tpu.memory_space<hbm>>
        tpu.wait_dma2 semaphore(%arg14 : memref<!tpu.dma_semaphore, #tpu.memory_space<semaphore_mem>>) src(%dma_wait3A_183 : memref<8x80xi32, #tpu.memory_space<hbm>>) dst(%dma_wait3A_179 : memref<8x80xi32, #tpu.memory_space<vmem>>)
        %dma_wait3A_184 = arith.constant 0 : i32
        %dma_wait3A_185 = arith.constant 0 : i32
        %dma_wait3A_186 = tpu.memref_slice %arg8[%dma_wait3A_184, %dma_wait3A_185] : memref<16x80xi32, #tpu.memory_space<vmem>> -> memref<8x80xi32, #tpu.memory_space<vmem>>
        %dma_wait3A_187 = arith.constant 0 : i32
        %dma_wait3A_188 = arith.constant 0 : i32
        %dma_wait3A_189 = tpu.memref_slice %arg4[%add3A, %dma_wait3A_187, %dma_wait3A_188] : memref<32x128x80xi32, #tpu.memory_space<hbm>> -> memref<1x8x80xi32, #tpu.memory_space<hbm>>
        %dma_wait3A_190 = tpu.memref_squeeze %dma_wait3A_189 : memref<1x8x80xi32, #tpu.memory_space<hbm>> -> memref<8x80xi32, #tpu.memory_space<hbm>>
        %dma_wait3A_191 = arith.constant 0 : i32
        %dma_wait3A_192 = arith.constant 0 : i32
        %dma_wait3A_193 = tpu.memref_slice %arg8[%dma_wait3A_191, %dma_wait3A_192] : memref<16x80xi32, #tpu.memory_space<vmem>> -> memref<8x80xi32, #tpu.memory_space<vmem>>
        %dma_wait3A_194 = arith.constant 0 : i32
        %dma_wait3A_195 = arith.constant 0 : i32
        %dma_wait3A_196 = tpu.memref_slice %arg4[%add3A, %dma_wait3A_194, %dma_wait3A_195] : memref<32x128x80xi32, #tpu.memory_space<hbm>> -> memref<1x8x80xi32, #tpu.memory_space<hbm>>
        %dma_wait3A_197 = tpu.memref_squeeze %dma_wait3A_196 : memref<1x8x80xi32, #tpu.memory_space<hbm>> -> memref<8x80xi32, #tpu.memory_space<hbm>>
        tpu.wait_dma2 semaphore(%arg14 : memref<!tpu.dma_semaphore, #tpu.memory_space<semaphore_mem>>) src(%dma_wait3A_197 : memref<8x80xi32, #tpu.memory_space<hbm>>) dst(%dma_wait3A_193 : memref<8x80xi32, #tpu.memory_space<vmem>>)
        %dma_start3A_198 = arith.constant 0 : i32
        %dma_start3A_199 = tpu.memref_slice %arg7[%sub3A_37, %dma_start3A_198] : memref<16x80xi32, #tpu.memory_space<vmem>> -> memref<1x80xi32, #tpu.memory_space<vmem>>
        %dma_start3A_200 = tpu.memref_squeeze %dma_start3A_199 : memref<1x80xi32, #tpu.memory_space<vmem>> -> memref<80xi32, #tpu.memory_space<vmem>>
        %dma_start3A_201 = arith.constant 0 : i32
        %dma_start3A_202 = arith.constant 0 : i32
        %dma_start3A_203 = tpu.memref_slice %arg2[%dma_start3A_201, %dma_start3A_202] : memref<10000x128xf32, #tpu.memory_space<hbm>> -> memref<10000x128xf32, #tpu.memory_space<hbm>>
        tpu.enqueue_indirect_dma source(%dma_start3A_203 : memref<10000x128xf32, #tpu.memory_space<hbm>>) target(%arg9 : memref<80x128xf32, #tpu.memory_space<vmem>>) offsets(%dma_start3A_200 : memref<80xi32, #tpu.memory_space<vmem>>) semaphore(%arg15 : memref<!tpu.dma_semaphore, #tpu.memory_space<semaphore_mem>>)
      } else {
      }
      %add3A_138 = arith.constant 5 : i32
      %add3A_139 = arith.addi %mul3A_36, %add3A_138 : i32
      "tpu.region"() ({
        %run_scoped3A = tpu.sem_alloc : memref<!tpu.dma_semaphore, #tpu.memory_space<semaphore_mem>>
        %dma_start3A_170 = arith.constant 0 : i32
        %dma_start3A_171 = tpu.memref_slice %arg8[%add3A_139, %dma_start3A_170] : memref<16x80xi32, #tpu.memory_space<vmem>> -> memref<1x80xi32, #tpu.memory_space<vmem>>
        %dma_start3A_172 = tpu.memref_squeeze %dma_start3A_171 : memref<1x80xi32, #tpu.memory_space<vmem>> -> memref<80xi32, #tpu.memory_space<vmem>>
        %dma_start3A_173 = arith.constant 0 : i32
        %dma_start3A_174 = arith.constant 0 : i32
        %dma_start3A_175 = tpu.memref_slice %arg13[%dma_start3A_173, %dma_start3A_174] : memref<10240x128xf32, #tpu.memory_space<vmem_shared>> -> memref<10240x128xf32, #tpu.memory_space<vmem_shared>>
        tpu.enqueue_indirect_dma source(%arg10 : memref<80x128xf32, #tpu.memory_space<vmem>>) target(%dma_start3A_175 : memref<10240x128xf32, #tpu.memory_space<vmem_shared>>) offsets(%dma_start3A_172 : memref<80xi32, #tpu.memory_space<vmem>>) semaphore(%run_scoped3A : memref<!tpu.dma_semaphore, #tpu.memory_space<semaphore_mem>>) {add = true}
        %dma_wait3A_176 = arith.constant 0 : i32
        %dma_wait3A_177 = tpu.memref_slice %arg8[%add3A_139, %dma_wait3A_176] : memref<16x80xi32, #tpu.memory_space<vmem>> -> memref<1x80xi32, #tpu.memory_space<vmem>>
        %dma_wait3A_178 = tpu.memref_squeeze %dma_wait3A_177 : memref<1x80xi32, #tpu.memory_space<vmem>> -> memref<80xi32, #tpu.memory_space<vmem>>
        %dma_wait3A_179 = arith.constant 0 : i32
        %dma_wait3A_180 = arith.constant 0 : i32
        %dma_wait3A_181 = tpu.memref_slice %arg13[%dma_wait3A_179, %dma_wait3A_180] : memref<10240x128xf32, #tpu.memory_space<vmem_shared>> -> memref<10240x128xf32, #tpu.memory_space<vmem_shared>>
        tpu.wait_indirect_dma semaphore(%run_scoped3A : memref<!tpu.dma_semaphore, #tpu.memory_space<semaphore_mem>>) src(%arg10 : memref<80x128xf32, #tpu.memory_space<vmem>>) dst(%dma_wait3A_181 : memref<10240x128xf32, #tpu.memory_space<vmem_shared>>)
        tpu.yield
      }) : () -> ()
      %dma_wait3A_140 = arith.constant 0 : i32
      %dma_wait3A_141 = arith.constant 0 : i32
      %dma_wait3A_142 = tpu.memref_slice %arg2[%dma_wait3A_140, %dma_wait3A_141] : memref<10000x128xf32, #tpu.memory_space<hbm>> -> memref<80x128xf32, #tpu.memory_space<hbm>>
      %dma_wait3A_143 = arith.constant 0 : i32
      %dma_wait3A_144 = arith.constant 0 : i32
      %dma_wait3A_145 = tpu.memref_slice %arg2[%dma_wait3A_143, %dma_wait3A_144] : memref<10000x128xf32, #tpu.memory_space<hbm>> -> memref<80x128xf32, #tpu.memory_space<hbm>>
      tpu.wait_dma2 semaphore(%arg17 : memref<!tpu.dma_semaphore, #tpu.memory_space<semaphore_mem>>) src(%dma_wait3A_145 : memref<80x128xf32, #tpu.memory_space<hbm>>) dst(%arg11 : memref<80x128xf32, #tpu.memory_space<vmem>>)
      %add3A_146 = arith.constant 6 : i32
      %add3A_147 = arith.addi %sub3A_37, %add3A_146 : i32
      %sub3A_148 = arith.constant 5 : i32
      %sub3A_149 = arith.subi %add3A_147, %sub3A_148 : i32
      %convert_element_type3A_150 = arith.extui %lt3A_38 : i1 to i32
      %cond3A_151 = arith.constant 0 : i32
      %cond3A_152 = arith.cmpi ne, %convert_element_type3A_150, %cond3A_151 : i32
      scf.if %cond3A_152 {
        %dma_start3A_170 = arith.constant 0 : i32
        %dma_start3A_171 = tpu.memref_slice %arg7[%sub3A_149, %dma_start3A_170] : memref<16x80xi32, #tpu.memory_space<vmem>> -> memref<1x80xi32, #tpu.memory_space<vmem>>
        %dma_start3A_172 = tpu.memref_squeeze %dma_start3A_171 : memref<1x80xi32, #tpu.memory_space<vmem>> -> memref<80xi32, #tpu.memory_space<vmem>>
        %dma_start3A_173 = arith.constant 0 : i32
        %dma_start3A_174 = arith.constant 0 : i32
        %dma_start3A_175 = tpu.memref_slice %arg2[%dma_start3A_173, %dma_start3A_174] : memref<10000x128xf32, #tpu.memory_space<hbm>> -> memref<10000x128xf32, #tpu.memory_space<hbm>>
        tpu.enqueue_indirect_dma source(%dma_start3A_175 : memref<10000x128xf32, #tpu.memory_space<hbm>>) target(%arg10 : memref<80x128xf32, #tpu.memory_space<vmem>>) offsets(%dma_start3A_172 : memref<80xi32, #tpu.memory_space<vmem>>) semaphore(%arg16 : memref<!tpu.dma_semaphore, #tpu.memory_space<semaphore_mem>>)
      } else {
      }
      %add3A_153 = arith.constant 6 : i32
      %add3A_154 = arith.addi %mul3A_36, %add3A_153 : i32
      "tpu.region"() ({
        %run_scoped3A = tpu.sem_alloc : memref<!tpu.dma_semaphore, #tpu.memory_space<semaphore_mem>>
        %dma_start3A_170 = arith.constant 0 : i32
        %dma_start3A_171 = tpu.memref_slice %arg8[%add3A_154, %dma_start3A_170] : memref<16x80xi32, #tpu.memory_space<vmem>> -> memref<1x80xi32, #tpu.memory_space<vmem>>
        %dma_start3A_172 = tpu.memref_squeeze %dma_start3A_171 : memref<1x80xi32, #tpu.memory_space<vmem>> -> memref<80xi32, #tpu.memory_space<vmem>>
        %dma_start3A_173 = arith.constant 0 : i32
        %dma_start3A_174 = arith.constant 0 : i32
        %dma_start3A_175 = tpu.memref_slice %arg13[%dma_start3A_173, %dma_start3A_174] : memref<10240x128xf32, #tpu.memory_space<vmem_shared>> -> memref<10240x128xf32, #tpu.memory_space<vmem_shared>>
        tpu.enqueue_indirect_dma source(%arg11 : memref<80x128xf32, #tpu.memory_space<vmem>>) target(%dma_start3A_175 : memref<10240x128xf32, #tpu.memory_space<vmem_shared>>) offsets(%dma_start3A_172 : memref<80xi32, #tpu.memory_space<vmem>>) semaphore(%run_scoped3A : memref<!tpu.dma_semaphore, #tpu.memory_space<semaphore_mem>>) {add = true}
        %dma_wait3A_176 = arith.constant 0 : i32
        %dma_wait3A_177 = tpu.memref_slice %arg8[%add3A_154, %dma_wait3A_176] : memref<16x80xi32, #tpu.memory_space<vmem>> -> memref<1x80xi32, #tpu.memory_space<vmem>>
        %dma_wait3A_178 = tpu.memref_squeeze %dma_wait3A_177 : memref<1x80xi32, #tpu.memory_space<vmem>> -> memref<80xi32, #tpu.memory_space<vmem>>
        %dma_wait3A_179 = arith.constant 0 : i32
        %dma_wait3A_180 = arith.constant 0 : i32
        %dma_wait3A_181 = tpu.memref_slice %arg13[%dma_wait3A_179, %dma_wait3A_180] : memref<10240x128xf32, #tpu.memory_space<vmem_shared>> -> memref<10240x128xf32, #tpu.memory_space<vmem_shared>>
        tpu.wait_indirect_dma semaphore(%run_scoped3A : memref<!tpu.dma_semaphore, #tpu.memory_space<semaphore_mem>>) src(%arg11 : memref<80x128xf32, #tpu.memory_space<vmem>>) dst(%dma_wait3A_181 : memref<10240x128xf32, #tpu.memory_space<vmem_shared>>)
        tpu.yield
      }) : () -> ()
      %dma_wait3A_155 = arith.constant 0 : i32
      %dma_wait3A_156 = arith.constant 0 : i32
      %dma_wait3A_157 = tpu.memref_slice %arg2[%dma_wait3A_155, %dma_wait3A_156] : memref<10000x128xf32, #tpu.memory_space<hbm>> -> memref<80x128xf32, #tpu.memory_space<hbm>>
      %dma_wait3A_158 = arith.constant 0 : i32
      %dma_wait3A_159 = arith.constant 0 : i32
      %dma_wait3A_160 = tpu.memref_slice %arg2[%dma_wait3A_158, %dma_wait3A_159] : memref<10000x128xf32, #tpu.memory_space<hbm>> -> memref<80x128xf32, #tpu.memory_space<hbm>>
      tpu.wait_dma2 semaphore(%arg18 : memref<!tpu.dma_semaphore, #tpu.memory_space<semaphore_mem>>) src(%dma_wait3A_160 : memref<80x128xf32, #tpu.memory_space<hbm>>) dst(%arg12 : memref<80x128xf32, #tpu.memory_space<vmem>>)
      %add3A_161 = arith.constant 7 : i32
      %add3A_162 = arith.addi %sub3A_37, %add3A_161 : i32
      %sub3A_163 = arith.constant 5 : i32
      %sub3A_164 = arith.subi %add3A_162, %sub3A_163 : i32
      %convert_element_type3A_165 = arith.extui %lt3A_38 : i1 to i32
      %cond3A_166 = arith.constant 0 : i32
      %cond3A_167 = arith.cmpi ne, %convert_element_type3A_165, %cond3A_166 : i32
      scf.if %cond3A_167 {
        %dma_start3A_170 = arith.constant 0 : i32
        %dma_start3A_171 = tpu.memref_slice %arg7[%sub3A_164, %dma_start3A_170] : memref<16x80xi32, #tpu.memory_space<vmem>> -> memref<1x80xi32, #tpu.memory_space<vmem>>
        %dma_start3A_172 = tpu.memref_squeeze %dma_start3A_171 : memref<1x80xi32, #tpu.memory_space<vmem>> -> memref<80xi32, #tpu.memory_space<vmem>>
        %dma_start3A_173 = arith.constant 0 : i32
        %dma_start3A_174 = arith.constant 0 : i32
        %dma_start3A_175 = tpu.memref_slice %arg2[%dma_start3A_173, %dma_start3A_174] : memref<10000x128xf32, #tpu.memory_space<hbm>> -> memref<10000x128xf32, #tpu.memory_space<hbm>>
        tpu.enqueue_indirect_dma source(%dma_start3A_175 : memref<10000x128xf32, #tpu.memory_space<hbm>>) target(%arg11 : memref<80x128xf32, #tpu.memory_space<vmem>>) offsets(%dma_start3A_172 : memref<80xi32, #tpu.memory_space<vmem>>) semaphore(%arg17 : memref<!tpu.dma_semaphore, #tpu.memory_space<semaphore_mem>>)
      } else {
      }
      %add3A_168 = arith.constant 7 : i32
      %add3A_169 = arith.addi %mul3A_36, %add3A_168 : i32
      "tpu.region"() ({
        %run_scoped3A = tpu.sem_alloc : memref<!tpu.dma_semaphore, #tpu.memory_space<semaphore_mem>>
        %dma_start3A_170 = arith.constant 0 : i32
        %dma_start3A_171 = tpu.memref_slice %arg8[%add3A_169, %dma_start3A_170] : memref<16x80xi32, #tpu.memory_space<vmem>> -> memref<1x80xi32, #tpu.memory_space<vmem>>
        %dma_start3A_172 = tpu.memref_squeeze %dma_start3A_171 : memref<1x80xi32, #tpu.memory_space<vmem>> -> memref<80xi32, #tpu.memory_space<vmem>>
        %dma_start3A_173 = arith.constant 0 : i32
        %dma_start3A_174 = arith.constant 0 : i32
        %dma_start3A_175 = tpu.memref_slice %arg13[%dma_start3A_173, %dma_start3A_174] : memref<10240x128xf32, #tpu.memory_space<vmem_shared>> -> memref<10240x128xf32, #tpu.memory_space<vmem_shared>>
        tpu.enqueue_indirect_dma source(%arg12 : memref<80x128xf32, #tpu.memory_space<vmem>>) target(%dma_start3A_175 : memref<10240x128xf32, #tpu.memory_space<vmem_shared>>) offsets(%dma_start3A_172 : memref<80xi32, #tpu.memory_space<vmem>>) semaphore(%run_scoped3A : memref<!tpu.dma_semaphore, #tpu.memory_space<semaphore_mem>>) {add = true}
        %dma_wait3A_176 = arith.constant 0 : i32
        %dma_wait3A_177 = tpu.memref_slice %arg8[%add3A_169, %dma_wait3A_176] : memref<16x80xi32, #tpu.memory_space<vmem>> -> memref<1x80xi32, #tpu.memory_space<vmem>>
        %dma_wait3A_178 = tpu.memref_squeeze %dma_wait3A_177 : memref<1x80xi32, #tpu.memory_space<vmem>> -> memref<80xi32, #tpu.memory_space<vmem>>
        %dma_wait3A_179 = arith.constant 0 : i32
        %dma_wait3A_180 = arith.constant 0 : i32
        %dma_wait3A_181 = tpu.memref_slice %arg13[%dma_wait3A_179, %dma_wait3A_180] : memref<10240x128xf32, #tpu.memory_space<vmem_shared>> -> memref<10240x128xf32, #tpu.memory_space<vmem_shared>>
        tpu.wait_indirect_dma semaphore(%run_scoped3A : memref<!tpu.dma_semaphore, #tpu.memory_space<semaphore_mem>>) src(%arg12 : memref<80x128xf32, #tpu.memory_space<vmem>>) dst(%dma_wait3A_181 : memref<10240x128xf32, #tpu.memory_space<vmem_shared>>)
        tpu.yield
      }) : () -> ()
    }
    %scan3A_27 = arith.constant 16 : i32
    %barrier3A_28 = arith.constant 0 : index
    tpu.barrier barrier_id(%barrier3A_28)
    %mul3A_29 = arith.constant 640 : i32
    %mul3A_30 = arith.muli %arg1, %mul3A_29 : i32
    %mul3A_31 = arith.constant 640 : i32
    %mul3A_32 = arith.muli %arg1, %mul3A_31 : i32
    "tpu.region"() ({
      %run_scoped3A = tpu.sem_alloc : memref<!tpu.dma_semaphore, #tpu.memory_space<semaphore_mem>>
      %dma_start3A_33 = arith.constant 0 : i32
      %dma_start3A_34 = tpu.memref_slice %arg6[%arg0, %mul3A_32, %dma_start3A_33] : memref<2x10240x128xf32, #tpu.memory_space<hbm>> -> memref<1x640x128xf32, #tpu.memory_space<hbm>>
      %dma_start3A_35 = tpu.memref_squeeze %dma_start3A_34 : memref<1x640x128xf32, #tpu.memory_space<hbm>> -> memref<640x128xf32, #tpu.memory_space<hbm>>
      %dma_start3A_36 = arith.constant 0 : i32
      %dma_start3A_37 = tpu.memref_slice %arg13[%mul3A_30, %dma_start3A_36] : memref<10240x128xf32, #tpu.memory_space<vmem_shared>> -> memref<640x128xf32, #tpu.memory_space<vmem_shared>>
      tpu.enqueue_dma source(%dma_start3A_37 : memref<640x128xf32, #tpu.memory_space<vmem_shared>>) target(%dma_start3A_35 : memref<640x128xf32, #tpu.memory_space<hbm>>) target_semaphore(%run_scoped3A : memref<!tpu.dma_semaphore, #tpu.memory_space<semaphore_mem>>)
      %dma_wait3A = arith.constant 0 : i32
      %dma_wait3A_38 = tpu.memref_slice %arg6[%arg0, %mul3A_32, %dma_wait3A] : memref<2x10240x128xf32, #tpu.memory_space<hbm>> -> memref<1x640x128xf32, #tpu.memory_space<hbm>>
      %dma_wait3A_39 = tpu.memref_squeeze %dma_wait3A_38 : memref<1x640x128xf32, #tpu.memory_space<hbm>> -> memref<640x128xf32, #tpu.memory_space<hbm>>
      %dma_wait3A_40 = arith.constant 0 : i32
      %dma_wait3A_41 = tpu.memref_slice %arg13[%mul3A_30, %dma_wait3A_40] : memref<10240x128xf32, #tpu.memory_space<vmem_shared>> -> memref<640x128xf32, #tpu.memory_space<vmem_shared>>
      tpu.wait_dma2 semaphore(%run_scoped3A : memref<!tpu.dma_semaphore, #tpu.memory_space<semaphore_mem>>) src(%dma_wait3A_41 : memref<640x128xf32, #tpu.memory_space<vmem_shared>>) dst(%dma_wait3A_39 : memref<640x128xf32, #tpu.memory_space<hbm>>)
      tpu.yield
    }) : () -> ()
    return
  }
}

#map = affine_map<(d0, d1) -> (0, 0)>
#map1 = affine_map<(d0, d1) -> (0, 0, 0)>
module attributes {stable_mosaic.version = 14 : i64} {
  func.func @_sc_agg_body(%arg0: i32, %arg1: i32, %arg2: memref<10000x128xf32, #tpu.memory_space<hbm>>, %arg3: memref<32x128x80xi32, #tpu.memory_space<hbm>>, %arg4: memref<32x128x80xi32, #tpu.memory_space<hbm>>, %arg5: memref<640x128xf32, #tpu.memory_space<hbm>>, %arg6: memref<2x10240x128xf32, #tpu.memory_space<hbm>>, %arg7: memref<16x80xi32, #tpu.memory_space<vmem>>, %arg8: memref<16x80xi32, #tpu.memory_space<vmem>>, %arg9: memref<80x128xf32, #tpu.memory_space<vmem>>, %arg10: memref<80x128xf32, #tpu.memory_space<vmem>>, %arg11: memref<80x128xf32, #tpu.memory_space<vmem>>, %arg12: memref<80x128xf32, #tpu.memory_space<vmem>>, %arg13: memref<10240x128xf32, #tpu.memory_space<vmem_shared>>, %arg14: memref<!tpu.dma_semaphore, #tpu.memory_space<semaphore_mem>>, %arg15: memref<!tpu.dma_semaphore, #tpu.memory_space<semaphore_mem>>, %arg16: memref<!tpu.dma_semaphore, #tpu.memory_space<semaphore_mem>>, %arg17: memref<!tpu.dma_semaphore, #tpu.memory_space<semaphore_mem>>, %arg18: memref<!tpu.dma_semaphore, #tpu.memory_space<semaphore_mem>>) attributes {dimension_semantics = [#tpu.dimension_semantics<core_parallel>, #tpu.dimension_semantics<subcore_parallel>], iteration_bounds = array<i64: 2, 16>, scalar_prefetch = 0 : i64, scratch_operands = 12 : i64, tpu.core_type = #tpu.core_type<sc_vector_subcore>, window_params = [{transform_indices = #map}, {transform_indices = #map1}, {transform_indices = #map1}, {transform_indices = #map}, {transform_indices = #map1}]} {
    %mul3A = arith.constant 16 : i32
    %mul3A_0 = arith.muli %arg0, %mul3A : i32
    %add3A = arith.addi %mul3A_0, %arg1 : i32
    %mul3A_1 = arith.constant 640 : i32
    %mul3A_2 = arith.muli %arg1, %mul3A_1 : i32
    "tpu.region"() ({
      %run_scoped3A = tpu.sem_alloc : memref<!tpu.dma_semaphore, #tpu.memory_space<semaphore_mem>>
      %dma_start3A_33 = arith.constant 0 : i32
      %dma_start3A_34 = tpu.memref_slice %arg13[%mul3A_2, %dma_start3A_33] : memref<10240x128xf32, #tpu.memory_space<vmem_shared>> -> memref<640x128xf32, #tpu.memory_space<vmem_shared>>
      tpu.enqueue_dma source(%arg5 : memref<640x128xf32, #tpu.memory_space<hbm>>) target(%dma_start3A_34 : memref<640x128xf32, #tpu.memory_space<vmem_shared>>) target_semaphore(%run_scoped3A : memref<!tpu.dma_semaphore, #tpu.memory_space<semaphore_mem>>)
      %dma_wait3A = arith.constant 0 : i32
      %dma_wait3A_35 = tpu.memref_slice %arg13[%mul3A_2, %dma_wait3A] : memref<10240x128xf32, #tpu.memory_space<vmem_shared>> -> memref<640x128xf32, #tpu.memory_space<vmem_shared>>
      tpu.wait_dma2 semaphore(%run_scoped3A : memref<!tpu.dma_semaphore, #tpu.memory_space<semaphore_mem>>) src(%arg5 : memref<640x128xf32, #tpu.memory_space<hbm>>) dst(%dma_wait3A_35 : memref<640x128xf32, #tpu.memory_space<vmem_shared>>)
      tpu.yield
    }) : () -> ()
    "tpu.region"() ({
      %run_scoped3A = tpu.sem_alloc : memref<!tpu.dma_semaphore, #tpu.memory_space<semaphore_mem>>
      %dma_start3A_33 = arith.constant 0 : i32
      %dma_start3A_34 = arith.constant 0 : i32
      %dma_start3A_35 = tpu.memref_slice %arg7[%dma_start3A_33, %dma_start3A_34] : memref<16x80xi32, #tpu.memory_space<vmem>> -> memref<8x80xi32, #tpu.memory_space<vmem>>
      %dma_start3A_36 = arith.constant 0 : i32
      %dma_start3A_37 = arith.constant 0 : i32
      %dma_start3A_38 = tpu.memref_slice %arg3[%add3A, %dma_start3A_36, %dma_start3A_37] : memref<32x128x80xi32, #tpu.memory_space<hbm>> -> memref<1x8x80xi32, #tpu.memory_space<hbm>>
      %dma_start3A_39 = tpu.memref_squeeze %dma_start3A_38 : memref<1x8x80xi32, #tpu.memory_space<hbm>> -> memref<8x80xi32, #tpu.memory_space<hbm>>
      %dma_start3A_40 = arith.constant 0 : i32
      %dma_start3A_41 = arith.constant 0 : i32
      %dma_start3A_42 = tpu.memref_slice %arg7[%dma_start3A_40, %dma_start3A_41] : memref<16x80xi32, #tpu.memory_space<vmem>> -> memref<8x80xi32, #tpu.memory_space<vmem>>
      %dma_start3A_43 = arith.constant 0 : i32
      %dma_start3A_44 = arith.constant 0 : i32
      %dma_start3A_45 = tpu.memref_slice %arg3[%add3A, %dma_start3A_43, %dma_start3A_44] : memref<32x128x80xi32, #tpu.memory_space<hbm>> -> memref<1x8x80xi32, #tpu.memory_space<hbm>>
      %dma_start3A_46 = tpu.memref_squeeze %dma_start3A_45 : memref<1x8x80xi32, #tpu.memory_space<hbm>> -> memref<8x80xi32, #tpu.memory_space<hbm>>
      tpu.enqueue_dma source(%dma_start3A_46 : memref<8x80xi32, #tpu.memory_space<hbm>>) target(%dma_start3A_42 : memref<8x80xi32, #tpu.memory_space<vmem>>) target_semaphore(%run_scoped3A : memref<!tpu.dma_semaphore, #tpu.memory_space<semaphore_mem>>)
      %dma_wait3A = arith.constant 0 : i32
      %dma_wait3A_47 = arith.constant 0 : i32
      %dma_wait3A_48 = tpu.memref_slice %arg7[%dma_wait3A, %dma_wait3A_47] : memref<16x80xi32, #tpu.memory_space<vmem>> -> memref<8x80xi32, #tpu.memory_space<vmem>>
      %dma_wait3A_49 = arith.constant 0 : i32
      %dma_wait3A_50 = arith.constant 0 : i32
      %dma_wait3A_51 = tpu.memref_slice %arg3[%add3A, %dma_wait3A_49, %dma_wait3A_50] : memref<32x128x80xi32, #tpu.memory_space<hbm>> -> memref<1x8x80xi32, #tpu.memory_space<hbm>>
      %dma_wait3A_52 = tpu.memref_squeeze %dma_wait3A_51 : memref<1x8x80xi32, #tpu.memory_space<hbm>> -> memref<8x80xi32, #tpu.memory_space<hbm>>
      %dma_wait3A_53 = arith.constant 0 : i32
      %dma_wait3A_54 = arith.constant 0 : i32
      %dma_wait3A_55 = tpu.memref_slice %arg7[%dma_wait3A_53, %dma_wait3A_54] : memref<16x80xi32, #tpu.memory_space<vmem>> -> memref<8x80xi32, #tpu.memory_space<vmem>>
      %dma_wait3A_56 = arith.constant 0 : i32
      %dma_wait3A_57 = arith.constant 0 : i32
      %dma_wait3A_58 = tpu.memref_slice %arg3[%add3A, %dma_wait3A_56, %dma_wait3A_57] : memref<32x128x80xi32, #tpu.memory_space<hbm>> -> memref<1x8x80xi32, #tpu.memory_space<hbm>>
      %dma_wait3A_59 = tpu.memref_squeeze %dma_wait3A_58 : memref<1x8x80xi32, #tpu.memory_space<hbm>> -> memref<8x80xi32, #tpu.memory_space<hbm>>
      tpu.wait_dma2 semaphore(%run_scoped3A : memref<!tpu.dma_semaphore, #tpu.memory_space<semaphore_mem>>) src(%dma_wait3A_59 : memref<8x80xi32, #tpu.memory_space<hbm>>) dst(%dma_wait3A_55 : memref<8x80xi32, #tpu.memory_space<vmem>>)
      tpu.yield
    }) : () -> ()
    "tpu.region"() ({
      %run_scoped3A = tpu.sem_alloc : memref<!tpu.dma_semaphore, #tpu.memory_space<semaphore_mem>>
      %dma_start3A_33 = arith.constant 0 : i32
      %dma_start3A_34 = arith.constant 0 : i32
      %dma_start3A_35 = tpu.memref_slice %arg8[%dma_start3A_33, %dma_start3A_34] : memref<16x80xi32, #tpu.memory_space<vmem>> -> memref<8x80xi32, #tpu.memory_space<vmem>>
      %dma_start3A_36 = arith.constant 0 : i32
      %dma_start3A_37 = arith.constant 0 : i32
      %dma_start3A_38 = tpu.memref_slice %arg4[%add3A, %dma_start3A_36, %dma_start3A_37] : memref<32x128x80xi32, #tpu.memory_space<hbm>> -> memref<1x8x80xi32, #tpu.memory_space<hbm>>
      %dma_start3A_39 = tpu.memref_squeeze %dma_start3A_38 : memref<1x8x80xi32, #tpu.memory_space<hbm>> -> memref<8x80xi32, #tpu.memory_space<hbm>>
      %dma_start3A_40 = arith.constant 0 : i32
      %dma_start3A_41 = arith.constant 0 : i32
      %dma_start3A_42 = tpu.memref_slice %arg8[%dma_start3A_40, %dma_start3A_41] : memref<16x80xi32, #tpu.memory_space<vmem>> -> memref<8x80xi32, #tpu.memory_space<vmem>>
      %dma_start3A_43 = arith.constant 0 : i32
      %dma_start3A_44 = arith.constant 0 : i32
      %dma_start3A_45 = tpu.memref_slice %arg4[%add3A, %dma_start3A_43, %dma_start3A_44] : memref<32x128x80xi32, #tpu.memory_space<hbm>> -> memref<1x8x80xi32, #tpu.memory_space<hbm>>
      %dma_start3A_46 = tpu.memref_squeeze %dma_start3A_45 : memref<1x8x80xi32, #tpu.memory_space<hbm>> -> memref<8x80xi32, #tpu.memory_space<hbm>>
      tpu.enqueue_dma source(%dma_start3A_46 : memref<8x80xi32, #tpu.memory_space<hbm>>) target(%dma_start3A_42 : memref<8x80xi32, #tpu.memory_space<vmem>>) target_semaphore(%run_scoped3A : memref<!tpu.dma_semaphore, #tpu.memory_space<semaphore_mem>>)
      %dma_wait3A = arith.constant 0 : i32
      %dma_wait3A_47 = arith.constant 0 : i32
      %dma_wait3A_48 = tpu.memref_slice %arg8[%dma_wait3A, %dma_wait3A_47] : memref<16x80xi32, #tpu.memory_space<vmem>> -> memref<8x80xi32, #tpu.memory_space<vmem>>
      %dma_wait3A_49 = arith.constant 0 : i32
      %dma_wait3A_50 = arith.constant 0 : i32
      %dma_wait3A_51 = tpu.memref_slice %arg4[%add3A, %dma_wait3A_49, %dma_wait3A_50] : memref<32x128x80xi32, #tpu.memory_space<hbm>> -> memref<1x8x80xi32, #tpu.memory_space<hbm>>
      %dma_wait3A_52 = tpu.memref_squeeze %dma_wait3A_51 : memref<1x8x80xi32, #tpu.memory_space<hbm>> -> memref<8x80xi32, #tpu.memory_space<hbm>>
      %dma_wait3A_53 = arith.constant 0 : i32
      %dma_wait3A_54 = arith.constant 0 : i32
      %dma_wait3A_55 = tpu.memref_slice %arg8[%dma_wait3A_53, %dma_wait3A_54] : memref<16x80xi32, #tpu.memory_space<vmem>> -> memref<8x80xi32, #tpu.memory_space<vmem>>
      %dma_wait3A_56 = arith.constant 0 : i32
      %dma_wait3A_57 = arith.constant 0 : i32
      %dma_wait3A_58 = tpu.memref_slice %arg4[%add3A, %dma_wait3A_56, %dma_wait3A_57] : memref<32x128x80xi32, #tpu.memory_space<hbm>> -> memref<1x8x80xi32, #tpu.memory_space<hbm>>
      %dma_wait3A_59 = tpu.memref_squeeze %dma_wait3A_58 : memref<1x8x80xi32, #tpu.memory_space<hbm>> -> memref<8x80xi32, #tpu.memory_space<hbm>>
      tpu.wait_dma2 semaphore(%run_scoped3A : memref<!tpu.dma_semaphore, #tpu.memory_space<semaphore_mem>>) src(%dma_wait3A_59 : memref<8x80xi32, #tpu.memory_space<hbm>>) dst(%dma_wait3A_55 : memref<8x80xi32, #tpu.memory_space<vmem>>)
      tpu.yield
    }) : () -> ()
    %barrier3A = arith.constant 0 : index
    tpu.barrier barrier_id(%barrier3A)
    %dma_start3A = arith.constant 0 : i32
    %dma_start3A_3 = arith.constant 0 : i32
    %dma_start3A_4 = tpu.memref_slice %arg7[%dma_start3A, %dma_start3A_3] : memref<16x80xi32, #tpu.memory_space<vmem>> -> memref<1x80xi32, #tpu.memory_space<vmem>>
    %dma_start3A_5 = tpu.memref_squeeze %dma_start3A_4 : memref<1x80xi32, #tpu.memory_space<vmem>> -> memref<80xi32, #tpu.memory_space<vmem>>
    %dma_start3A_6 = arith.constant 0 : i32
    %dma_start3A_7 = arith.constant 0 : i32
    %dma_start3A_8 = tpu.memref_slice %arg2[%dma_start3A_6, %dma_start3A_7] : memref<10000x128xf32, #tpu.memory_space<hbm>> -> memref<10000x128xf32, #tpu.memory_space<hbm>>
    tpu.enqueue_indirect_dma source(%dma_start3A_8 : memref<10000x128xf32, #tpu.memory_space<hbm>>) target(%arg9 : memref<80x128xf32, #tpu.memory_space<vmem>>) offsets(%dma_start3A_5 : memref<80xi32, #tpu.memory_space<vmem>>) semaphore(%arg15 : memref<!tpu.dma_semaphore, #tpu.memory_space<semaphore_mem>>)
    %dma_start3A_9 = arith.constant 1 : i32
    %dma_start3A_10 = arith.constant 0 : i32
    %dma_start3A_11 = tpu.memref_slice %arg7[%dma_start3A_9, %dma_start3A_10] : memref<16x80xi32, #tpu.memory_space<vmem>> -> memref<1x80xi32, #tpu.memory_space<vmem>>
    %dma_start3A_12 = tpu.memref_squeeze %dma_start3A_11 : memref<1x80xi32, #tpu.memory_space<vmem>> -> memref<80xi32, #tpu.memory_space<vmem>>
    %dma_start3A_13 = arith.constant 0 : i32
    %dma_start3A_14 = arith.constant 0 : i32
    %dma_start3A_15 = tpu.memref_slice %arg2[%dma_start3A_13, %dma_start3A_14] : memref<10000x128xf32, #tpu.memory_space<hbm>> -> memref<10000x128xf32, #tpu.memory_space<hbm>>
    tpu.enqueue_indirect_dma source(%dma_start3A_15 : memref<10000x128xf32, #tpu.memory_space<hbm>>) target(%arg10 : memref<80x128xf32, #tpu.memory_space<vmem>>) offsets(%dma_start3A_12 : memref<80xi32, #tpu.memory_space<vmem>>) semaphore(%arg16 : memref<!tpu.dma_semaphore, #tpu.memory_space<semaphore_mem>>)
    %dma_start3A_16 = arith.constant 2 : i32
    %dma_start3A_17 = arith.constant 0 : i32
    %dma_start3A_18 = tpu.memref_slice %arg7[%dma_start3A_16, %dma_start3A_17] : memref<16x80xi32, #tpu.memory_space<vmem>> -> memref<1x80xi32, #tpu.memory_space<vmem>>
    %dma_start3A_19 = tpu.memref_squeeze %dma_start3A_18 : memref<1x80xi32, #tpu.memory_space<vmem>> -> memref<80xi32, #tpu.memory_space<vmem>>
    %dma_start3A_20 = arith.constant 0 : i32
    %dma_start3A_21 = arith.constant 0 : i32
    %dma_start3A_22 = tpu.memref_slice %arg2[%dma_start3A_20, %dma_start3A_21] : memref<10000x128xf32, #tpu.memory_space<hbm>> -> memref<10000x128xf32, #tpu.memory_space<hbm>>
    tpu.enqueue_indirect_dma source(%dma_start3A_22 : memref<10000x128xf32, #tpu.memory_space<hbm>>) target(%arg11 : memref<80x128xf32, #tpu.memory_space<vmem>>) offsets(%dma_start3A_19 : memref<80xi32, #tpu.memory_space<vmem>>) semaphore(%arg17 : memref<!tpu.dma_semaphore, #tpu.memory_space<semaphore_mem>>)
    %scan3A = arith.constant 0 : i32
    %scan3A_23 = arith.constant 0 : i32
    %scan3A_24 = arith.constant 16 : i32
    %scan3A_25 = arith.addi %scan3A_23, %scan3A_24 : i32
    %scan3A_26 = arith.constant 1 : i32
    scf.for %scan3A_33 = %scan3A_23 to %scan3A_25 step %scan3A_26  : i32 {
      %rem3A = arith.constant 2 : i32
      %rem3A_34 = arith.remsi %scan3A_33, %rem3A : i32
      %mul3A_35 = arith.constant 8 : i32
      %mul3A_36 = arith.muli %rem3A_34, %mul3A_35 : i32
      %sub3A = arith.constant 8 : i32
      %sub3A_37 = arith.subi %sub3A, %mul3A_36 : i32
      %lt3A = arith.constant 15 : i32
      %lt3A_38 = arith.cmpi slt, %scan3A_33, %lt3A : i32
      %convert_element_type3A = arith.extui %lt3A_38 : i1 to i32
      %cond3A = arith.constant 0 : i32
      %cond3A_39 = arith.cmpi ne, %convert_element_type3A, %cond3A : i32
      scf.if %cond3A_39 {
        %add3A_170 = arith.constant 1 : i32
        %add3A_171 = arith.addi %scan3A_33, %add3A_170 : i32
        %mul3A_172 = arith.constant 8 : i32
        %mul3A_173 = arith.muli %add3A_171, %mul3A_172 : i32
        %dma_start3A_174 = arith.constant 0 : i32
        %dma_start3A_175 = tpu.memref_slice %arg7[%sub3A_37, %dma_start3A_174] : memref<16x80xi32, #tpu.memory_space<vmem>> -> memref<8x80xi32, #tpu.memory_space<vmem>>
        %dma_start3A_176 = arith.constant 0 : i32
        %dma_start3A_177 = tpu.memref_slice %arg3[%add3A, %mul3A_173, %dma_start3A_176] : memref<32x128x80xi32, #tpu.memory_space<hbm>> -> memref<1x8x80xi32, #tpu.memory_space<hbm>>
        %dma_start3A_178 = tpu.memref_squeeze %dma_start3A_177 : memref<1x8x80xi32, #tpu.memory_space<hbm>> -> memref<8x80xi32, #tpu.memory_space<hbm>>
        %dma_start3A_179 = arith.constant 0 : i32
        %dma_start3A_180 = tpu.memref_slice %arg7[%sub3A_37, %dma_start3A_179] : memref<16x80xi32, #tpu.memory_space<vmem>> -> memref<8x80xi32, #tpu.memory_space<vmem>>
        %dma_start3A_181 = arith.constant 0 : i32
        %dma_start3A_182 = tpu.memref_slice %arg3[%add3A, %mul3A_173, %dma_start3A_181] : memref<32x128x80xi32, #tpu.memory_space<hbm>> -> memref<1x8x80xi32, #tpu.memory_space<hbm>>
        %dma_start3A_183 = tpu.memref_squeeze %dma_start3A_182 : memref<1x8x80xi32, #tpu.memory_space<hbm>> -> memref<8x80xi32, #tpu.memory_space<hbm>>
        tpu.enqueue_dma source(%dma_start3A_183 : memref<8x80xi32, #tpu.memory_space<hbm>>) target(%dma_start3A_180 : memref<8x80xi32, #tpu.memory_space<vmem>>) target_semaphore(%arg14 : memref<!tpu.dma_semaphore, #tpu.memory_space<semaphore_mem>>)
        %add3A_184 = arith.constant 1 : i32
        %add3A_185 = arith.addi %scan3A_33, %add3A_184 : i32
        %mul3A_186 = arith.constant 8 : i32
        %mul3A_187 = arith.muli %add3A_185, %mul3A_186 : i32
        %dma_start3A_188 = arith.constant 0 : i32
        %dma_start3A_189 = tpu.memref_slice %arg8[%sub3A_37, %dma_start3A_188] : memref<16x80xi32, #tpu.memory_space<vmem>> -> memref<8x80xi32, #tpu.memory_space<vmem>>
        %dma_start3A_190 = arith.constant 0 : i32
        %dma_start3A_191 = tpu.memref_slice %arg4[%add3A, %mul3A_187, %dma_start3A_190] : memref<32x128x80xi32, #tpu.memory_space<hbm>> -> memref<1x8x80xi32, #tpu.memory_space<hbm>>
        %dma_start3A_192 = tpu.memref_squeeze %dma_start3A_191 : memref<1x8x80xi32, #tpu.memory_space<hbm>> -> memref<8x80xi32, #tpu.memory_space<hbm>>
        %dma_start3A_193 = arith.constant 0 : i32
        %dma_start3A_194 = tpu.memref_slice %arg8[%sub3A_37, %dma_start3A_193] : memref<16x80xi32, #tpu.memory_space<vmem>> -> memref<8x80xi32, #tpu.memory_space<vmem>>
        %dma_start3A_195 = arith.constant 0 : i32
        %dma_start3A_196 = tpu.memref_slice %arg4[%add3A, %mul3A_187, %dma_start3A_195] : memref<32x128x80xi32, #tpu.memory_space<hbm>> -> memref<1x8x80xi32, #tpu.memory_space<hbm>>
        %dma_start3A_197 = tpu.memref_squeeze %dma_start3A_196 : memref<1x8x80xi32, #tpu.memory_space<hbm>> -> memref<8x80xi32, #tpu.memory_space<hbm>>
        tpu.enqueue_dma source(%dma_start3A_197 : memref<8x80xi32, #tpu.memory_space<hbm>>) target(%dma_start3A_194 : memref<8x80xi32, #tpu.memory_space<vmem>>) target_semaphore(%arg14 : memref<!tpu.dma_semaphore, #tpu.memory_space<semaphore_mem>>)
      } else {
      }
      %dma_wait3A = arith.constant 0 : i32
      %dma_wait3A_40 = arith.constant 0 : i32
      %dma_wait3A_41 = tpu.memref_slice %arg2[%dma_wait3A, %dma_wait3A_40] : memref<10000x128xf32, #tpu.memory_space<hbm>> -> memref<80x128xf32, #tpu.memory_space<hbm>>
      %dma_wait3A_42 = arith.constant 0 : i32
      %dma_wait3A_43 = arith.constant 0 : i32
      %dma_wait3A_44 = tpu.memref_slice %arg2[%dma_wait3A_42, %dma_wait3A_43] : memref<10000x128xf32, #tpu.memory_space<hbm>> -> memref<80x128xf32, #tpu.memory_space<hbm>>
      tpu.wait_dma2 semaphore(%arg15 : memref<!tpu.dma_semaphore, #tpu.memory_space<semaphore_mem>>) src(%dma_wait3A_44 : memref<80x128xf32, #tpu.memory_space<hbm>>) dst(%arg9 : memref<80x128xf32, #tpu.memory_space<vmem>>)
      %add3A_45 = arith.constant 0 : i32
      %add3A_46 = arith.addi %mul3A_36, %add3A_45 : i32
      %add3A_47 = arith.constant 3 : i32
      %add3A_48 = arith.addi %add3A_46, %add3A_47 : i32
      %dma_start3A_49 = arith.constant 0 : i32
      %dma_start3A_50 = tpu.memref_slice %arg7[%add3A_48, %dma_start3A_49] : memref<16x80xi32, #tpu.memory_space<vmem>> -> memref<1x80xi32, #tpu.memory_space<vmem>>
      %dma_start3A_51 = tpu.memref_squeeze %dma_start3A_50 : memref<1x80xi32, #tpu.memory_space<vmem>> -> memref<80xi32, #tpu.memory_space<vmem>>
      %dma_start3A_52 = arith.constant 0 : i32
      %dma_start3A_53 = arith.constant 0 : i32
      %dma_start3A_54 = tpu.memref_slice %arg2[%dma_start3A_52, %dma_start3A_53] : memref<10000x128xf32, #tpu.memory_space<hbm>> -> memref<10000x128xf32, #tpu.memory_space<hbm>>
      tpu.enqueue_indirect_dma source(%dma_start3A_54 : memref<10000x128xf32, #tpu.memory_space<hbm>>) target(%arg12 : memref<80x128xf32, #tpu.memory_space<vmem>>) offsets(%dma_start3A_51 : memref<80xi32, #tpu.memory_space<vmem>>) semaphore(%arg18 : memref<!tpu.dma_semaphore, #tpu.memory_space<semaphore_mem>>)
      %add3A_55 = arith.constant 0 : i32
      %add3A_56 = arith.addi %mul3A_36, %add3A_55 : i32
      "tpu.region"() ({
        %run_scoped3A = tpu.sem_alloc : memref<!tpu.dma_semaphore, #tpu.memory_space<semaphore_mem>>
        %dma_start3A_170 = arith.constant 0 : i32
        %dma_start3A_171 = tpu.memref_slice %arg8[%add3A_56, %dma_start3A_170] : memref<16x80xi32, #tpu.memory_space<vmem>> -> memref<1x80xi32, #tpu.memory_space<vmem>>
        %dma_start3A_172 = tpu.memref_squeeze %dma_start3A_171 : memref<1x80xi32, #tpu.memory_space<vmem>> -> memref<80xi32, #tpu.memory_space<vmem>>
        %dma_start3A_173 = arith.constant 0 : i32
        %dma_start3A_174 = arith.constant 0 : i32
        %dma_start3A_175 = tpu.memref_slice %arg13[%dma_start3A_173, %dma_start3A_174] : memref<10240x128xf32, #tpu.memory_space<vmem_shared>> -> memref<10240x128xf32, #tpu.memory_space<vmem_shared>>
        tpu.enqueue_indirect_dma source(%arg9 : memref<80x128xf32, #tpu.memory_space<vmem>>) target(%dma_start3A_175 : memref<10240x128xf32, #tpu.memory_space<vmem_shared>>) offsets(%dma_start3A_172 : memref<80xi32, #tpu.memory_space<vmem>>) semaphore(%run_scoped3A : memref<!tpu.dma_semaphore, #tpu.memory_space<semaphore_mem>>) {add = true}
        %dma_wait3A_176 = arith.constant 0 : i32
        %dma_wait3A_177 = tpu.memref_slice %arg8[%add3A_56, %dma_wait3A_176] : memref<16x80xi32, #tpu.memory_space<vmem>> -> memref<1x80xi32, #tpu.memory_space<vmem>>
        %dma_wait3A_178 = tpu.memref_squeeze %dma_wait3A_177 : memref<1x80xi32, #tpu.memory_space<vmem>> -> memref<80xi32, #tpu.memory_space<vmem>>
        %dma_wait3A_179 = arith.constant 0 : i32
        %dma_wait3A_180 = arith.constant 0 : i32
        %dma_wait3A_181 = tpu.memref_slice %arg13[%dma_wait3A_179, %dma_wait3A_180] : memref<10240x128xf32, #tpu.memory_space<vmem_shared>> -> memref<10240x128xf32, #tpu.memory_space<vmem_shared>>
        tpu.wait_indirect_dma semaphore(%run_scoped3A : memref<!tpu.dma_semaphore, #tpu.memory_space<semaphore_mem>>) src(%arg9 : memref<80x128xf32, #tpu.memory_space<vmem>>) dst(%dma_wait3A_181 : memref<10240x128xf32, #tpu.memory_space<vmem_shared>>)
        tpu.yield
      }) : () -> ()
      %dma_wait3A_57 = arith.constant 0 : i32
      %dma_wait3A_58 = arith.constant 0 : i32
      %dma_wait3A_59 = tpu.memref_slice %arg2[%dma_wait3A_57, %dma_wait3A_58] : memref<10000x128xf32, #tpu.memory_space<hbm>> -> memref<80x128xf32, #tpu.memory_space<hbm>>
      %dma_wait3A_60 = arith.constant 0 : i32
      %dma_wait3A_61 = arith.constant 0 : i32
      %dma_wait3A_62 = tpu.memref_slice %arg2[%dma_wait3A_60, %dma_wait3A_61] : memref<10000x128xf32, #tpu.memory_space<hbm>> -> memref<80x128xf32, #tpu.memory_space<hbm>>
      tpu.wait_dma2 semaphore(%arg16 : memref<!tpu.dma_semaphore, #tpu.memory_space<semaphore_mem>>) src(%dma_wait3A_62 : memref<80x128xf32, #tpu.memory_space<hbm>>) dst(%arg10 : memref<80x128xf32, #tpu.memory_space<vmem>>)
      %add3A_63 = arith.constant 1 : i32
      %add3A_64 = arith.addi %mul3A_36, %add3A_63 : i32
      %add3A_65 = arith.constant 3 : i32
      %add3A_66 = arith.addi %add3A_64, %add3A_65 : i32
      %dma_start3A_67 = arith.constant 0 : i32
      %dma_start3A_68 = tpu.memref_slice %arg7[%add3A_66, %dma_start3A_67] : memref<16x80xi32, #tpu.memory_space<vmem>> -> memref<1x80xi32, #tpu.memory_space<vmem>>
      %dma_start3A_69 = tpu.memref_squeeze %dma_start3A_68 : memref<1x80xi32, #tpu.memory_space<vmem>> -> memref<80xi32, #tpu.memory_space<vmem>>
      %dma_start3A_70 = arith.constant 0 : i32
      %dma_start3A_71 = arith.constant 0 : i32
      %dma_start3A_72 = tpu.memref_slice %arg2[%dma_start3A_70, %dma_start3A_71] : memref<10000x128xf32, #tpu.memory_space<hbm>> -> memref<10000x128xf32, #tpu.memory_space<hbm>>
      tpu.enqueue_indirect_dma source(%dma_start3A_72 : memref<10000x128xf32, #tpu.memory_space<hbm>>) target(%arg9 : memref<80x128xf32, #tpu.memory_space<vmem>>) offsets(%dma_start3A_69 : memref<80xi32, #tpu.memory_space<vmem>>) semaphore(%arg15 : memref<!tpu.dma_semaphore, #tpu.memory_space<semaphore_mem>>)
      %add3A_73 = arith.constant 1 : i32
      %add3A_74 = arith.addi %mul3A_36, %add3A_73 : i32
      "tpu.region"() ({
        %run_scoped3A = tpu.sem_alloc : memref<!tpu.dma_semaphore, #tpu.memory_space<semaphore_mem>>
        %dma_start3A_170 = arith.constant 0 : i32
        %dma_start3A_171 = tpu.memref_slice %arg8[%add3A_74, %dma_start3A_170] : memref<16x80xi32, #tpu.memory_space<vmem>> -> memref<1x80xi32, #tpu.memory_space<vmem>>
        %dma_start3A_172 = tpu.memref_squeeze %dma_start3A_171 : memref<1x80xi32, #tpu.memory_space<vmem>> -> memref<80xi32, #tpu.memory_space<vmem>>
        %dma_start3A_173 = arith.constant 0 : i32
        %dma_start3A_174 = arith.constant 0 : i32
        %dma_start3A_175 = tpu.memref_slice %arg13[%dma_start3A_173, %dma_start3A_174] : memref<10240x128xf32, #tpu.memory_space<vmem_shared>> -> memref<10240x128xf32, #tpu.memory_space<vmem_shared>>
        tpu.enqueue_indirect_dma source(%arg10 : memref<80x128xf32, #tpu.memory_space<vmem>>) target(%dma_start3A_175 : memref<10240x128xf32, #tpu.memory_space<vmem_shared>>) offsets(%dma_start3A_172 : memref<80xi32, #tpu.memory_space<vmem>>) semaphore(%run_scoped3A : memref<!tpu.dma_semaphore, #tpu.memory_space<semaphore_mem>>) {add = true}
        %dma_wait3A_176 = arith.constant 0 : i32
        %dma_wait3A_177 = tpu.memref_slice %arg8[%add3A_74, %dma_wait3A_176] : memref<16x80xi32, #tpu.memory_space<vmem>> -> memref<1x80xi32, #tpu.memory_space<vmem>>
        %dma_wait3A_178 = tpu.memref_squeeze %dma_wait3A_177 : memref<1x80xi32, #tpu.memory_space<vmem>> -> memref<80xi32, #tpu.memory_space<vmem>>
        %dma_wait3A_179 = arith.constant 0 : i32
        %dma_wait3A_180 = arith.constant 0 : i32
        %dma_wait3A_181 = tpu.memref_slice %arg13[%dma_wait3A_179, %dma_wait3A_180] : memref<10240x128xf32, #tpu.memory_space<vmem_shared>> -> memref<10240x128xf32, #tpu.memory_space<vmem_shared>>
        tpu.wait_indirect_dma semaphore(%run_scoped3A : memref<!tpu.dma_semaphore, #tpu.memory_space<semaphore_mem>>) src(%arg10 : memref<80x128xf32, #tpu.memory_space<vmem>>) dst(%dma_wait3A_181 : memref<10240x128xf32, #tpu.memory_space<vmem_shared>>)
        tpu.yield
      }) : () -> ()
      %dma_wait3A_75 = arith.constant 0 : i32
      %dma_wait3A_76 = arith.constant 0 : i32
      %dma_wait3A_77 = tpu.memref_slice %arg2[%dma_wait3A_75, %dma_wait3A_76] : memref<10000x128xf32, #tpu.memory_space<hbm>> -> memref<80x128xf32, #tpu.memory_space<hbm>>
      %dma_wait3A_78 = arith.constant 0 : i32
      %dma_wait3A_79 = arith.constant 0 : i32
      %dma_wait3A_80 = tpu.memref_slice %arg2[%dma_wait3A_78, %dma_wait3A_79] : memref<10000x128xf32, #tpu.memory_space<hbm>> -> memref<80x128xf32, #tpu.memory_space<hbm>>
      tpu.wait_dma2 semaphore(%arg17 : memref<!tpu.dma_semaphore, #tpu.memory_space<semaphore_mem>>) src(%dma_wait3A_80 : memref<80x128xf32, #tpu.memory_space<hbm>>) dst(%arg11 : memref<80x128xf32, #tpu.memory_space<vmem>>)
      %add3A_81 = arith.constant 2 : i32
      %add3A_82 = arith.addi %mul3A_36, %add3A_81 : i32
      %add3A_83 = arith.constant 3 : i32
      %add3A_84 = arith.addi %add3A_82, %add3A_83 : i32
      %dma_start3A_85 = arith.constant 0 : i32
      %dma_start3A_86 = tpu.memref_slice %arg7[%add3A_84, %dma_start3A_85] : memref<16x80xi32, #tpu.memory_space<vmem>> -> memref<1x80xi32, #tpu.memory_space<vmem>>
      %dma_start3A_87 = tpu.memref_squeeze %dma_start3A_86 : memref<1x80xi32, #tpu.memory_space<vmem>> -> memref<80xi32, #tpu.memory_space<vmem>>
      %dma_start3A_88 = arith.constant 0 : i32
      %dma_start3A_89 = arith.constant 0 : i32
      %dma_start3A_90 = tpu.memref_slice %arg2[%dma_start3A_88, %dma_start3A_89] : memref<10000x128xf32, #tpu.memory_space<hbm>> -> memref<10000x128xf32, #tpu.memory_space<hbm>>
      tpu.enqueue_indirect_dma source(%dma_start3A_90 : memref<10000x128xf32, #tpu.memory_space<hbm>>) target(%arg10 : memref<80x128xf32, #tpu.memory_space<vmem>>) offsets(%dma_start3A_87 : memref<80xi32, #tpu.memory_space<vmem>>) semaphore(%arg16 : memref<!tpu.dma_semaphore, #tpu.memory_space<semaphore_mem>>)
      %add3A_91 = arith.constant 2 : i32
      %add3A_92 = arith.addi %mul3A_36, %add3A_91 : i32
      "tpu.region"() ({
        %run_scoped3A = tpu.sem_alloc : memref<!tpu.dma_semaphore, #tpu.memory_space<semaphore_mem>>
        %dma_start3A_170 = arith.constant 0 : i32
        %dma_start3A_171 = tpu.memref_slice %arg8[%add3A_92, %dma_start3A_170] : memref<16x80xi32, #tpu.memory_space<vmem>> -> memref<1x80xi32, #tpu.memory_space<vmem>>
        %dma_start3A_172 = tpu.memref_squeeze %dma_start3A_171 : memref<1x80xi32, #tpu.memory_space<vmem>> -> memref<80xi32, #tpu.memory_space<vmem>>
        %dma_start3A_173 = arith.constant 0 : i32
        %dma_start3A_174 = arith.constant 0 : i32
        %dma_start3A_175 = tpu.memref_slice %arg13[%dma_start3A_173, %dma_start3A_174] : memref<10240x128xf32, #tpu.memory_space<vmem_shared>> -> memref<10240x128xf32, #tpu.memory_space<vmem_shared>>
        tpu.enqueue_indirect_dma source(%arg11 : memref<80x128xf32, #tpu.memory_space<vmem>>) target(%dma_start3A_175 : memref<10240x128xf32, #tpu.memory_space<vmem_shared>>) offsets(%dma_start3A_172 : memref<80xi32, #tpu.memory_space<vmem>>) semaphore(%run_scoped3A : memref<!tpu.dma_semaphore, #tpu.memory_space<semaphore_mem>>) {add = true}
        %dma_wait3A_176 = arith.constant 0 : i32
        %dma_wait3A_177 = tpu.memref_slice %arg8[%add3A_92, %dma_wait3A_176] : memref<16x80xi32, #tpu.memory_space<vmem>> -> memref<1x80xi32, #tpu.memory_space<vmem>>
        %dma_wait3A_178 = tpu.memref_squeeze %dma_wait3A_177 : memref<1x80xi32, #tpu.memory_space<vmem>> -> memref<80xi32, #tpu.memory_space<vmem>>
        %dma_wait3A_179 = arith.constant 0 : i32
        %dma_wait3A_180 = arith.constant 0 : i32
        %dma_wait3A_181 = tpu.memref_slice %arg13[%dma_wait3A_179, %dma_wait3A_180] : memref<10240x128xf32, #tpu.memory_space<vmem_shared>> -> memref<10240x128xf32, #tpu.memory_space<vmem_shared>>
        tpu.wait_indirect_dma semaphore(%run_scoped3A : memref<!tpu.dma_semaphore, #tpu.memory_space<semaphore_mem>>) src(%arg11 : memref<80x128xf32, #tpu.memory_space<vmem>>) dst(%dma_wait3A_181 : memref<10240x128xf32, #tpu.memory_space<vmem_shared>>)
        tpu.yield
      }) : () -> ()
      %dma_wait3A_93 = arith.constant 0 : i32
      %dma_wait3A_94 = arith.constant 0 : i32
      %dma_wait3A_95 = tpu.memref_slice %arg2[%dma_wait3A_93, %dma_wait3A_94] : memref<10000x128xf32, #tpu.memory_space<hbm>> -> memref<80x128xf32, #tpu.memory_space<hbm>>
      %dma_wait3A_96 = arith.constant 0 : i32
      %dma_wait3A_97 = arith.constant 0 : i32
      %dma_wait3A_98 = tpu.memref_slice %arg2[%dma_wait3A_96, %dma_wait3A_97] : memref<10000x128xf32, #tpu.memory_space<hbm>> -> memref<80x128xf32, #tpu.memory_space<hbm>>
      tpu.wait_dma2 semaphore(%arg18 : memref<!tpu.dma_semaphore, #tpu.memory_space<semaphore_mem>>) src(%dma_wait3A_98 : memref<80x128xf32, #tpu.memory_space<hbm>>) dst(%arg12 : memref<80x128xf32, #tpu.memory_space<vmem>>)
      %add3A_99 = arith.constant 3 : i32
      %add3A_100 = arith.addi %mul3A_36, %add3A_99 : i32
      %add3A_101 = arith.constant 3 : i32
      %add3A_102 = arith.addi %add3A_100, %add3A_101 : i32
      %dma_start3A_103 = arith.constant 0 : i32
      %dma_start3A_104 = tpu.memref_slice %arg7[%add3A_102, %dma_start3A_103] : memref<16x80xi32, #tpu.memory_space<vmem>> -> memref<1x80xi32, #tpu.memory_space<vmem>>
      %dma_start3A_105 = tpu.memref_squeeze %dma_start3A_104 : memref<1x80xi32, #tpu.memory_space<vmem>> -> memref<80xi32, #tpu.memory_space<vmem>>
      %dma_start3A_106 = arith.constant 0 : i32
      %dma_start3A_107 = arith.constant 0 : i32
      %dma_start3A_108 = tpu.memref_slice %arg2[%dma_start3A_106, %dma_start3A_107] : memref<10000x128xf32, #tpu.memory_space<hbm>> -> memref<10000x128xf32, #tpu.memory_space<hbm>>
      tpu.enqueue_indirect_dma source(%dma_start3A_108 : memref<10000x128xf32, #tpu.memory_space<hbm>>) target(%arg11 : memref<80x128xf32, #tpu.memory_space<vmem>>) offsets(%dma_start3A_105 : memref<80xi32, #tpu.memory_space<vmem>>) semaphore(%arg17 : memref<!tpu.dma_semaphore, #tpu.memory_space<semaphore_mem>>)
      %add3A_109 = arith.constant 3 : i32
      %add3A_110 = arith.addi %mul3A_36, %add3A_109 : i32
      "tpu.region"() ({
        %run_scoped3A = tpu.sem_alloc : memref<!tpu.dma_semaphore, #tpu.memory_space<semaphore_mem>>
        %dma_start3A_170 = arith.constant 0 : i32
        %dma_start3A_171 = tpu.memref_slice %arg8[%add3A_110, %dma_start3A_170] : memref<16x80xi32, #tpu.memory_space<vmem>> -> memref<1x80xi32, #tpu.memory_space<vmem>>
        %dma_start3A_172 = tpu.memref_squeeze %dma_start3A_171 : memref<1x80xi32, #tpu.memory_space<vmem>> -> memref<80xi32, #tpu.memory_space<vmem>>
        %dma_start3A_173 = arith.constant 0 : i32
        %dma_start3A_174 = arith.constant 0 : i32
        %dma_start3A_175 = tpu.memref_slice %arg13[%dma_start3A_173, %dma_start3A_174] : memref<10240x128xf32, #tpu.memory_space<vmem_shared>> -> memref<10240x128xf32, #tpu.memory_space<vmem_shared>>
        tpu.enqueue_indirect_dma source(%arg12 : memref<80x128xf32, #tpu.memory_space<vmem>>) target(%dma_start3A_175 : memref<10240x128xf32, #tpu.memory_space<vmem_shared>>) offsets(%dma_start3A_172 : memref<80xi32, #tpu.memory_space<vmem>>) semaphore(%run_scoped3A : memref<!tpu.dma_semaphore, #tpu.memory_space<semaphore_mem>>) {add = true}
        %dma_wait3A_176 = arith.constant 0 : i32
        %dma_wait3A_177 = tpu.memref_slice %arg8[%add3A_110, %dma_wait3A_176] : memref<16x80xi32, #tpu.memory_space<vmem>> -> memref<1x80xi32, #tpu.memory_space<vmem>>
        %dma_wait3A_178 = tpu.memref_squeeze %dma_wait3A_177 : memref<1x80xi32, #tpu.memory_space<vmem>> -> memref<80xi32, #tpu.memory_space<vmem>>
        %dma_wait3A_179 = arith.constant 0 : i32
        %dma_wait3A_180 = arith.constant 0 : i32
        %dma_wait3A_181 = tpu.memref_slice %arg13[%dma_wait3A_179, %dma_wait3A_180] : memref<10240x128xf32, #tpu.memory_space<vmem_shared>> -> memref<10240x128xf32, #tpu.memory_space<vmem_shared>>
        tpu.wait_indirect_dma semaphore(%run_scoped3A : memref<!tpu.dma_semaphore, #tpu.memory_space<semaphore_mem>>) src(%arg12 : memref<80x128xf32, #tpu.memory_space<vmem>>) dst(%dma_wait3A_181 : memref<10240x128xf32, #tpu.memory_space<vmem_shared>>)
        tpu.yield
      }) : () -> ()
      %dma_wait3A_111 = arith.constant 0 : i32
      %dma_wait3A_112 = arith.constant 0 : i32
      %dma_wait3A_113 = tpu.memref_slice %arg2[%dma_wait3A_111, %dma_wait3A_112] : memref<10000x128xf32, #tpu.memory_space<hbm>> -> memref<80x128xf32, #tpu.memory_space<hbm>>
      %dma_wait3A_114 = arith.constant 0 : i32
      %dma_wait3A_115 = arith.constant 0 : i32
      %dma_wait3A_116 = tpu.memref_slice %arg2[%dma_wait3A_114, %dma_wait3A_115] : memref<10000x128xf32, #tpu.memory_space<hbm>> -> memref<80x128xf32, #tpu.memory_space<hbm>>
      tpu.wait_dma2 semaphore(%arg15 : memref<!tpu.dma_semaphore, #tpu.memory_space<semaphore_mem>>) src(%dma_wait3A_116 : memref<80x128xf32, #tpu.memory_space<hbm>>) dst(%arg9 : memref<80x128xf32, #tpu.memory_space<vmem>>)
      %add3A_117 = arith.constant 4 : i32
      %add3A_118 = arith.addi %mul3A_36, %add3A_117 : i32
      %add3A_119 = arith.constant 3 : i32
      %add3A_120 = arith.addi %add3A_118, %add3A_119 : i32
      %dma_start3A_121 = arith.constant 0 : i32
      %dma_start3A_122 = tpu.memref_slice %arg7[%add3A_120, %dma_start3A_121] : memref<16x80xi32, #tpu.memory_space<vmem>> -> memref<1x80xi32, #tpu.memory_space<vmem>>
      %dma_start3A_123 = tpu.memref_squeeze %dma_start3A_122 : memref<1x80xi32, #tpu.memory_space<vmem>> -> memref<80xi32, #tpu.memory_space<vmem>>
      %dma_start3A_124 = arith.constant 0 : i32
      %dma_start3A_125 = arith.constant 0 : i32
      %dma_start3A_126 = tpu.memref_slice %arg2[%dma_start3A_124, %dma_start3A_125] : memref<10000x128xf32, #tpu.memory_space<hbm>> -> memref<10000x128xf32, #tpu.memory_space<hbm>>
      tpu.enqueue_indirect_dma source(%dma_start3A_126 : memref<10000x128xf32, #tpu.memory_space<hbm>>) target(%arg12 : memref<80x128xf32, #tpu.memory_space<vmem>>) offsets(%dma_start3A_123 : memref<80xi32, #tpu.memory_space<vmem>>) semaphore(%arg18 : memref<!tpu.dma_semaphore, #tpu.memory_space<semaphore_mem>>)
      %add3A_127 = arith.constant 4 : i32
      %add3A_128 = arith.addi %mul3A_36, %add3A_127 : i32
      "tpu.region"() ({
        %run_scoped3A = tpu.sem_alloc : memref<!tpu.dma_semaphore, #tpu.memory_space<semaphore_mem>>
        %dma_start3A_170 = arith.constant 0 : i32
        %dma_start3A_171 = tpu.memref_slice %arg8[%add3A_128, %dma_start3A_170] : memref<16x80xi32, #tpu.memory_space<vmem>> -> memref<1x80xi32, #tpu.memory_space<vmem>>
        %dma_start3A_172 = tpu.memref_squeeze %dma_start3A_171 : memref<1x80xi32, #tpu.memory_space<vmem>> -> memref<80xi32, #tpu.memory_space<vmem>>
        %dma_start3A_173 = arith.constant 0 : i32
        %dma_start3A_174 = arith.constant 0 : i32
        %dma_start3A_175 = tpu.memref_slice %arg13[%dma_start3A_173, %dma_start3A_174] : memref<10240x128xf32, #tpu.memory_space<vmem_shared>> -> memref<10240x128xf32, #tpu.memory_space<vmem_shared>>
        tpu.enqueue_indirect_dma source(%arg9 : memref<80x128xf32, #tpu.memory_space<vmem>>) target(%dma_start3A_175 : memref<10240x128xf32, #tpu.memory_space<vmem_shared>>) offsets(%dma_start3A_172 : memref<80xi32, #tpu.memory_space<vmem>>) semaphore(%run_scoped3A : memref<!tpu.dma_semaphore, #tpu.memory_space<semaphore_mem>>) {add = true}
        %dma_wait3A_176 = arith.constant 0 : i32
        %dma_wait3A_177 = tpu.memref_slice %arg8[%add3A_128, %dma_wait3A_176] : memref<16x80xi32, #tpu.memory_space<vmem>> -> memref<1x80xi32, #tpu.memory_space<vmem>>
        %dma_wait3A_178 = tpu.memref_squeeze %dma_wait3A_177 : memref<1x80xi32, #tpu.memory_space<vmem>> -> memref<80xi32, #tpu.memory_space<vmem>>
        %dma_wait3A_179 = arith.constant 0 : i32
        %dma_wait3A_180 = arith.constant 0 : i32
        %dma_wait3A_181 = tpu.memref_slice %arg13[%dma_wait3A_179, %dma_wait3A_180] : memref<10240x128xf32, #tpu.memory_space<vmem_shared>> -> memref<10240x128xf32, #tpu.memory_space<vmem_shared>>
        tpu.wait_indirect_dma semaphore(%run_scoped3A : memref<!tpu.dma_semaphore, #tpu.memory_space<semaphore_mem>>) src(%arg9 : memref<80x128xf32, #tpu.memory_space<vmem>>) dst(%dma_wait3A_181 : memref<10240x128xf32, #tpu.memory_space<vmem_shared>>)
        tpu.yield
      }) : () -> ()
      %dma_wait3A_129 = arith.constant 0 : i32
      %dma_wait3A_130 = arith.constant 0 : i32
      %dma_wait3A_131 = tpu.memref_slice %arg2[%dma_wait3A_129, %dma_wait3A_130] : memref<10000x128xf32, #tpu.memory_space<hbm>> -> memref<80x128xf32, #tpu.memory_space<hbm>>
      %dma_wait3A_132 = arith.constant 0 : i32
      %dma_wait3A_133 = arith.constant 0 : i32
      %dma_wait3A_134 = tpu.memref_slice %arg2[%dma_wait3A_132, %dma_wait3A_133] : memref<10000x128xf32, #tpu.memory_space<hbm>> -> memref<80x128xf32, #tpu.memory_space<hbm>>
      tpu.wait_dma2 semaphore(%arg16 : memref<!tpu.dma_semaphore, #tpu.memory_space<semaphore_mem>>) src(%dma_wait3A_134 : memref<80x128xf32, #tpu.memory_space<hbm>>) dst(%arg10 : memref<80x128xf32, #tpu.memory_space<vmem>>)
      %convert_element_type3A_135 = arith.extui %lt3A_38 : i1 to i32
      %cond3A_136 = arith.constant 0 : i32
      %cond3A_137 = arith.cmpi ne, %convert_element_type3A_135, %cond3A_136 : i32
      scf.if %cond3A_137 {
        %dma_wait3A_170 = arith.constant 0 : i32
        %dma_wait3A_171 = arith.constant 0 : i32
        %dma_wait3A_172 = tpu.memref_slice %arg7[%dma_wait3A_170, %dma_wait3A_171] : memref<16x80xi32, #tpu.memory_space<vmem>> -> memref<8x80xi32, #tpu.memory_space<vmem>>
        %dma_wait3A_173 = arith.constant 0 : i32
        %dma_wait3A_174 = arith.constant 0 : i32
        %dma_wait3A_175 = tpu.memref_slice %arg3[%add3A, %dma_wait3A_173, %dma_wait3A_174] : memref<32x128x80xi32, #tpu.memory_space<hbm>> -> memref<1x8x80xi32, #tpu.memory_space<hbm>>
        %dma_wait3A_176 = tpu.memref_squeeze %dma_wait3A_175 : memref<1x8x80xi32, #tpu.memory_space<hbm>> -> memref<8x80xi32, #tpu.memory_space<hbm>>
        %dma_wait3A_177 = arith.constant 0 : i32
        %dma_wait3A_178 = arith.constant 0 : i32
        %dma_wait3A_179 = tpu.memref_slice %arg7[%dma_wait3A_177, %dma_wait3A_178] : memref<16x80xi32, #tpu.memory_space<vmem>> -> memref<8x80xi32, #tpu.memory_space<vmem>>
        %dma_wait3A_180 = arith.constant 0 : i32
        %dma_wait3A_181 = arith.constant 0 : i32
        %dma_wait3A_182 = tpu.memref_slice %arg3[%add3A, %dma_wait3A_180, %dma_wait3A_181] : memref<32x128x80xi32, #tpu.memory_space<hbm>> -> memref<1x8x80xi32, #tpu.memory_space<hbm>>
        %dma_wait3A_183 = tpu.memref_squeeze %dma_wait3A_182 : memref<1x8x80xi32, #tpu.memory_space<hbm>> -> memref<8x80xi32, #tpu.memory_space<hbm>>
        tpu.wait_dma2 semaphore(%arg14 : memref<!tpu.dma_semaphore, #tpu.memory_space<semaphore_mem>>) src(%dma_wait3A_183 : memref<8x80xi32, #tpu.memory_space<hbm>>) dst(%dma_wait3A_179 : memref<8x80xi32, #tpu.memory_space<vmem>>)
        %dma_wait3A_184 = arith.constant 0 : i32
        %dma_wait3A_185 = arith.constant 0 : i32
        %dma_wait3A_186 = tpu.memref_slice %arg8[%dma_wait3A_184, %dma_wait3A_185] : memref<16x80xi32, #tpu.memory_space<vmem>> -> memref<8x80xi32, #tpu.memory_space<vmem>>
        %dma_wait3A_187 = arith.constant 0 : i32
        %dma_wait3A_188 = arith.constant 0 : i32
        %dma_wait3A_189 = tpu.memref_slice %arg4[%add3A, %dma_wait3A_187, %dma_wait3A_188] : memref<32x128x80xi32, #tpu.memory_space<hbm>> -> memref<1x8x80xi32, #tpu.memory_space<hbm>>
        %dma_wait3A_190 = tpu.memref_squeeze %dma_wait3A_189 : memref<1x8x80xi32, #tpu.memory_space<hbm>> -> memref<8x80xi32, #tpu.memory_space<hbm>>
        %dma_wait3A_191 = arith.constant 0 : i32
        %dma_wait3A_192 = arith.constant 0 : i32
        %dma_wait3A_193 = tpu.memref_slice %arg8[%dma_wait3A_191, %dma_wait3A_192] : memref<16x80xi32, #tpu.memory_space<vmem>> -> memref<8x80xi32, #tpu.memory_space<vmem>>
        %dma_wait3A_194 = arith.constant 0 : i32
        %dma_wait3A_195 = arith.constant 0 : i32
        %dma_wait3A_196 = tpu.memref_slice %arg4[%add3A, %dma_wait3A_194, %dma_wait3A_195] : memref<32x128x80xi32, #tpu.memory_space<hbm>> -> memref<1x8x80xi32, #tpu.memory_space<hbm>>
        %dma_wait3A_197 = tpu.memref_squeeze %dma_wait3A_196 : memref<1x8x80xi32, #tpu.memory_space<hbm>> -> memref<8x80xi32, #tpu.memory_space<hbm>>
        tpu.wait_dma2 semaphore(%arg14 : memref<!tpu.dma_semaphore, #tpu.memory_space<semaphore_mem>>) src(%dma_wait3A_197 : memref<8x80xi32, #tpu.memory_space<hbm>>) dst(%dma_wait3A_193 : memref<8x80xi32, #tpu.memory_space<vmem>>)
        %dma_start3A_198 = arith.constant 0 : i32
        %dma_start3A_199 = tpu.memref_slice %arg7[%sub3A_37, %dma_start3A_198] : memref<16x80xi32, #tpu.memory_space<vmem>> -> memref<1x80xi32, #tpu.memory_space<vmem>>
        %dma_start3A_200 = tpu.memref_squeeze %dma_start3A_199 : memref<1x80xi32, #tpu.memory_space<vmem>> -> memref<80xi32, #tpu.memory_space<vmem>>
        %dma_start3A_201 = arith.constant 0 : i32
        %dma_start3A_202 = arith.constant 0 : i32
        %dma_start3A_203 = tpu.memref_slice %arg2[%dma_start3A_201, %dma_start3A_202] : memref<10000x128xf32, #tpu.memory_space<hbm>> -> memref<10000x128xf32, #tpu.memory_space<hbm>>
        tpu.enqueue_indirect_dma source(%dma_start3A_203 : memref<10000x128xf32, #tpu.memory_space<hbm>>) target(%arg9 : memref<80x128xf32, #tpu.memory_space<vmem>>) offsets(%dma_start3A_200 : memref<80xi32, #tpu.memory_space<vmem>>) semaphore(%arg15 : memref<!tpu.dma_semaphore, #tpu.memory_space<semaphore_mem>>)
      } else {
      }
      %add3A_138 = arith.constant 5 : i32
      %add3A_139 = arith.addi %mul3A_36, %add3A_138 : i32
      "tpu.region"() ({
        %run_scoped3A = tpu.sem_alloc : memref<!tpu.dma_semaphore, #tpu.memory_space<semaphore_mem>>
        %dma_start3A_170 = arith.constant 0 : i32
        %dma_start3A_171 = tpu.memref_slice %arg8[%add3A_139, %dma_start3A_170] : memref<16x80xi32, #tpu.memory_space<vmem>> -> memref<1x80xi32, #tpu.memory_space<vmem>>
        %dma_start3A_172 = tpu.memref_squeeze %dma_start3A_171 : memref<1x80xi32, #tpu.memory_space<vmem>> -> memref<80xi32, #tpu.memory_space<vmem>>
        %dma_start3A_173 = arith.constant 0 : i32
        %dma_start3A_174 = arith.constant 0 : i32
        %dma_start3A_175 = tpu.memref_slice %arg13[%dma_start3A_173, %dma_start3A_174] : memref<10240x128xf32, #tpu.memory_space<vmem_shared>> -> memref<10240x128xf32, #tpu.memory_space<vmem_shared>>
        tpu.enqueue_indirect_dma source(%arg10 : memref<80x128xf32, #tpu.memory_space<vmem>>) target(%dma_start3A_175 : memref<10240x128xf32, #tpu.memory_space<vmem_shared>>) offsets(%dma_start3A_172 : memref<80xi32, #tpu.memory_space<vmem>>) semaphore(%run_scoped3A : memref<!tpu.dma_semaphore, #tpu.memory_space<semaphore_mem>>) {add = true}
        %dma_wait3A_176 = arith.constant 0 : i32
        %dma_wait3A_177 = tpu.memref_slice %arg8[%add3A_139, %dma_wait3A_176] : memref<16x80xi32, #tpu.memory_space<vmem>> -> memref<1x80xi32, #tpu.memory_space<vmem>>
        %dma_wait3A_178 = tpu.memref_squeeze %dma_wait3A_177 : memref<1x80xi32, #tpu.memory_space<vmem>> -> memref<80xi32, #tpu.memory_space<vmem>>
        %dma_wait3A_179 = arith.constant 0 : i32
        %dma_wait3A_180 = arith.constant 0 : i32
        %dma_wait3A_181 = tpu.memref_slice %arg13[%dma_wait3A_179, %dma_wait3A_180] : memref<10240x128xf32, #tpu.memory_space<vmem_shared>> -> memref<10240x128xf32, #tpu.memory_space<vmem_shared>>
        tpu.wait_indirect_dma semaphore(%run_scoped3A : memref<!tpu.dma_semaphore, #tpu.memory_space<semaphore_mem>>) src(%arg10 : memref<80x128xf32, #tpu.memory_space<vmem>>) dst(%dma_wait3A_181 : memref<10240x128xf32, #tpu.memory_space<vmem_shared>>)
        tpu.yield
      }) : () -> ()
      %dma_wait3A_140 = arith.constant 0 : i32
      %dma_wait3A_141 = arith.constant 0 : i32
      %dma_wait3A_142 = tpu.memref_slice %arg2[%dma_wait3A_140, %dma_wait3A_141] : memref<10000x128xf32, #tpu.memory_space<hbm>> -> memref<80x128xf32, #tpu.memory_space<hbm>>
      %dma_wait3A_143 = arith.constant 0 : i32
      %dma_wait3A_144 = arith.constant 0 : i32
      %dma_wait3A_145 = tpu.memref_slice %arg2[%dma_wait3A_143, %dma_wait3A_144] : memref<10000x128xf32, #tpu.memory_space<hbm>> -> memref<80x128xf32, #tpu.memory_space<hbm>>
      tpu.wait_dma2 semaphore(%arg17 : memref<!tpu.dma_semaphore, #tpu.memory_space<semaphore_mem>>) src(%dma_wait3A_145 : memref<80x128xf32, #tpu.memory_space<hbm>>) dst(%arg11 : memref<80x128xf32, #tpu.memory_space<vmem>>)
      %add3A_146 = arith.constant 6 : i32
      %add3A_147 = arith.addi %sub3A_37, %add3A_146 : i32
      %sub3A_148 = arith.constant 5 : i32
      %sub3A_149 = arith.subi %add3A_147, %sub3A_148 : i32
      %convert_element_type3A_150 = arith.extui %lt3A_38 : i1 to i32
      %cond3A_151 = arith.constant 0 : i32
      %cond3A_152 = arith.cmpi ne, %convert_element_type3A_150, %cond3A_151 : i32
      scf.if %cond3A_152 {
        %dma_start3A_170 = arith.constant 0 : i32
        %dma_start3A_171 = tpu.memref_slice %arg7[%sub3A_149, %dma_start3A_170] : memref<16x80xi32, #tpu.memory_space<vmem>> -> memref<1x80xi32, #tpu.memory_space<vmem>>
        %dma_start3A_172 = tpu.memref_squeeze %dma_start3A_171 : memref<1x80xi32, #tpu.memory_space<vmem>> -> memref<80xi32, #tpu.memory_space<vmem>>
        %dma_start3A_173 = arith.constant 0 : i32
        %dma_start3A_174 = arith.constant 0 : i32
        %dma_start3A_175 = tpu.memref_slice %arg2[%dma_start3A_173, %dma_start3A_174] : memref<10000x128xf32, #tpu.memory_space<hbm>> -> memref<10000x128xf32, #tpu.memory_space<hbm>>
        tpu.enqueue_indirect_dma source(%dma_start3A_175 : memref<10000x128xf32, #tpu.memory_space<hbm>>) target(%arg10 : memref<80x128xf32, #tpu.memory_space<vmem>>) offsets(%dma_start3A_172 : memref<80xi32, #tpu.memory_space<vmem>>) semaphore(%arg16 : memref<!tpu.dma_semaphore, #tpu.memory_space<semaphore_mem>>)
      } else {
      }
      %add3A_153 = arith.constant 6 : i32
      %add3A_154 = arith.addi %mul3A_36, %add3A_153 : i32
      "tpu.region"() ({
        %run_scoped3A = tpu.sem_alloc : memref<!tpu.dma_semaphore, #tpu.memory_space<semaphore_mem>>
        %dma_start3A_170 = arith.constant 0 : i32
        %dma_start3A_171 = tpu.memref_slice %arg8[%add3A_154, %dma_start3A_170] : memref<16x80xi32, #tpu.memory_space<vmem>> -> memref<1x80xi32, #tpu.memory_space<vmem>>
        %dma_start3A_172 = tpu.memref_squeeze %dma_start3A_171 : memref<1x80xi32, #tpu.memory_space<vmem>> -> memref<80xi32, #tpu.memory_space<vmem>>
        %dma_start3A_173 = arith.constant 0 : i32
        %dma_start3A_174 = arith.constant 0 : i32
        %dma_start3A_175 = tpu.memref_slice %arg13[%dma_start3A_173, %dma_start3A_174] : memref<10240x128xf32, #tpu.memory_space<vmem_shared>> -> memref<10240x128xf32, #tpu.memory_space<vmem_shared>>
        tpu.enqueue_indirect_dma source(%arg11 : memref<80x128xf32, #tpu.memory_space<vmem>>) target(%dma_start3A_175 : memref<10240x128xf32, #tpu.memory_space<vmem_shared>>) offsets(%dma_start3A_172 : memref<80xi32, #tpu.memory_space<vmem>>) semaphore(%run_scoped3A : memref<!tpu.dma_semaphore, #tpu.memory_space<semaphore_mem>>) {add = true}
        %dma_wait3A_176 = arith.constant 0 : i32
        %dma_wait3A_177 = tpu.memref_slice %arg8[%add3A_154, %dma_wait3A_176] : memref<16x80xi32, #tpu.memory_space<vmem>> -> memref<1x80xi32, #tpu.memory_space<vmem>>
        %dma_wait3A_178 = tpu.memref_squeeze %dma_wait3A_177 : memref<1x80xi32, #tpu.memory_space<vmem>> -> memref<80xi32, #tpu.memory_space<vmem>>
        %dma_wait3A_179 = arith.constant 0 : i32
        %dma_wait3A_180 = arith.constant 0 : i32
        %dma_wait3A_181 = tpu.memref_slice %arg13[%dma_wait3A_179, %dma_wait3A_180] : memref<10240x128xf32, #tpu.memory_space<vmem_shared>> -> memref<10240x128xf32, #tpu.memory_space<vmem_shared>>
        tpu.wait_indirect_dma semaphore(%run_scoped3A : memref<!tpu.dma_semaphore, #tpu.memory_space<semaphore_mem>>) src(%arg11 : memref<80x128xf32, #tpu.memory_space<vmem>>) dst(%dma_wait3A_181 : memref<10240x128xf32, #tpu.memory_space<vmem_shared>>)
        tpu.yield
      }) : () -> ()
      %dma_wait3A_155 = arith.constant 0 : i32
      %dma_wait3A_156 = arith.constant 0 : i32
      %dma_wait3A_157 = tpu.memref_slice %arg2[%dma_wait3A_155, %dma_wait3A_156] : memref<10000x128xf32, #tpu.memory_space<hbm>> -> memref<80x128xf32, #tpu.memory_space<hbm>>
      %dma_wait3A_158 = arith.constant 0 : i32
      %dma_wait3A_159 = arith.constant 0 : i32
      %dma_wait3A_160 = tpu.memref_slice %arg2[%dma_wait3A_158, %dma_wait3A_159] : memref<10000x128xf32, #tpu.memory_space<hbm>> -> memref<80x128xf32, #tpu.memory_space<hbm>>
      tpu.wait_dma2 semaphore(%arg18 : memref<!tpu.dma_semaphore, #tpu.memory_space<semaphore_mem>>) src(%dma_wait3A_160 : memref<80x128xf32, #tpu.memory_space<hbm>>) dst(%arg12 : memref<80x128xf32, #tpu.memory_space<vmem>>)
      %add3A_161 = arith.constant 7 : i32
      %add3A_162 = arith.addi %sub3A_37, %add3A_161 : i32
      %sub3A_163 = arith.constant 5 : i32
      %sub3A_164 = arith.subi %add3A_162, %sub3A_163 : i32
      %convert_element_type3A_165 = arith.extui %lt3A_38 : i1 to i32
      %cond3A_166 = arith.constant 0 : i32
      %cond3A_167 = arith.cmpi ne, %convert_element_type3A_165, %cond3A_166 : i32
      scf.if %cond3A_167 {
        %dma_start3A_170 = arith.constant 0 : i32
        %dma_start3A_171 = tpu.memref_slice %arg7[%sub3A_164, %dma_start3A_170] : memref<16x80xi32, #tpu.memory_space<vmem>> -> memref<1x80xi32, #tpu.memory_space<vmem>>
        %dma_start3A_172 = tpu.memref_squeeze %dma_start3A_171 : memref<1x80xi32, #tpu.memory_space<vmem>> -> memref<80xi32, #tpu.memory_space<vmem>>
        %dma_start3A_173 = arith.constant 0 : i32
        %dma_start3A_174 = arith.constant 0 : i32
        %dma_start3A_175 = tpu.memref_slice %arg2[%dma_start3A_173, %dma_start3A_174] : memref<10000x128xf32, #tpu.memory_space<hbm>> -> memref<10000x128xf32, #tpu.memory_space<hbm>>
        tpu.enqueue_indirect_dma source(%dma_start3A_175 : memref<10000x128xf32, #tpu.memory_space<hbm>>) target(%arg11 : memref<80x128xf32, #tpu.memory_space<vmem>>) offsets(%dma_start3A_172 : memref<80xi32, #tpu.memory_space<vmem>>) semaphore(%arg17 : memref<!tpu.dma_semaphore, #tpu.memory_space<semaphore_mem>>)
      } else {
      }
      %add3A_168 = arith.constant 7 : i32
      %add3A_169 = arith.addi %mul3A_36, %add3A_168 : i32
      "tpu.region"() ({
        %run_scoped3A = tpu.sem_alloc : memref<!tpu.dma_semaphore, #tpu.memory_space<semaphore_mem>>
        %dma_start3A_170 = arith.constant 0 : i32
        %dma_start3A_171 = tpu.memref_slice %arg8[%add3A_169, %dma_start3A_170] : memref<16x80xi32, #tpu.memory_space<vmem>> -> memref<1x80xi32, #tpu.memory_space<vmem>>
        %dma_start3A_172 = tpu.memref_squeeze %dma_start3A_171 : memref<1x80xi32, #tpu.memory_space<vmem>> -> memref<80xi32, #tpu.memory_space<vmem>>
        %dma_start3A_173 = arith.constant 0 : i32
        %dma_start3A_174 = arith.constant 0 : i32
        %dma_start3A_175 = tpu.memref_slice %arg13[%dma_start3A_173, %dma_start3A_174] : memref<10240x128xf32, #tpu.memory_space<vmem_shared>> -> memref<10240x128xf32, #tpu.memory_space<vmem_shared>>
        tpu.enqueue_indirect_dma source(%arg12 : memref<80x128xf32, #tpu.memory_space<vmem>>) target(%dma_start3A_175 : memref<10240x128xf32, #tpu.memory_space<vmem_shared>>) offsets(%dma_start3A_172 : memref<80xi32, #tpu.memory_space<vmem>>) semaphore(%run_scoped3A : memref<!tpu.dma_semaphore, #tpu.memory_space<semaphore_mem>>) {add = true}
        %dma_wait3A_176 = arith.constant 0 : i32
        %dma_wait3A_177 = tpu.memref_slice %arg8[%add3A_169, %dma_wait3A_176] : memref<16x80xi32, #tpu.memory_space<vmem>> -> memref<1x80xi32, #tpu.memory_space<vmem>>
        %dma_wait3A_178 = tpu.memref_squeeze %dma_wait3A_177 : memref<1x80xi32, #tpu.memory_space<vmem>> -> memref<80xi32, #tpu.memory_space<vmem>>
        %dma_wait3A_179 = arith.constant 0 : i32
        %dma_wait3A_180 = arith.constant 0 : i32
        %dma_wait3A_181 = tpu.memref_slice %arg13[%dma_wait3A_179, %dma_wait3A_180] : memref<10240x128xf32, #tpu.memory_space<vmem_shared>> -> memref<10240x128xf32, #tpu.memory_space<vmem_shared>>
        tpu.wait_indirect_dma semaphore(%run_scoped3A : memref<!tpu.dma_semaphore, #tpu.memory_space<semaphore_mem>>) src(%arg12 : memref<80x128xf32, #tpu.memory_space<vmem>>) dst(%dma_wait3A_181 : memref<10240x128xf32, #tpu.memory_space<vmem_shared>>)
        tpu.yield
      }) : () -> ()
    }
    %scan3A_27 = arith.constant 16 : i32
    %barrier3A_28 = arith.constant 0 : index
    tpu.barrier barrier_id(%barrier3A_28)
    %mul3A_29 = arith.constant 640 : i32
    %mul3A_30 = arith.muli %arg1, %mul3A_29 : i32
    %mul3A_31 = arith.constant 640 : i32
    %mul3A_32 = arith.muli %arg1, %mul3A_31 : i32
    "tpu.region"() ({
      %run_scoped3A = tpu.sem_alloc : memref<!tpu.dma_semaphore, #tpu.memory_space<semaphore_mem>>
      %dma_start3A_33 = arith.constant 0 : i32
      %dma_start3A_34 = tpu.memref_slice %arg6[%arg0, %mul3A_32, %dma_start3A_33] : memref<2x10240x128xf32, #tpu.memory_space<hbm>> -> memref<1x640x128xf32, #tpu.memory_space<hbm>>
      %dma_start3A_35 = tpu.memref_squeeze %dma_start3A_34 : memref<1x640x128xf32, #tpu.memory_space<hbm>> -> memref<640x128xf32, #tpu.memory_space<hbm>>
      %dma_start3A_36 = arith.constant 0 : i32
      %dma_start3A_37 = tpu.memref_slice %arg13[%mul3A_30, %dma_start3A_36] : memref<10240x128xf32, #tpu.memory_space<vmem_shared>> -> memref<640x128xf32, #tpu.memory_space<vmem_shared>>
      tpu.enqueue_dma source(%dma_start3A_37 : memref<640x128xf32, #tpu.memory_space<vmem_shared>>) target(%dma_start3A_35 : memref<640x128xf32, #tpu.memory_space<hbm>>) target_semaphore(%run_scoped3A : memref<!tpu.dma_semaphore, #tpu.memory_space<semaphore_mem>>)
      %dma_wait3A = arith.constant 0 : i32
      %dma_wait3A_38 = tpu.memref_slice %arg6[%arg0, %mul3A_32, %dma_wait3A] : memref<2x10240x128xf32, #tpu.memory_space<hbm>> -> memref<1x640x128xf32, #tpu.memory_space<hbm>>
      %dma_wait3A_39 = tpu.memref_squeeze %dma_wait3A_38 : memref<1x640x128xf32, #tpu.memory_space<hbm>> -> memref<640x128xf32, #tpu.memory_space<hbm>>
      %dma_wait3A_40 = arith.constant 0 : i32
      %dma_wait3A_41 = tpu.memref_slice %arg13[%mul3A_30, %dma_wait3A_40] : memref<10240x128xf32, #tpu.memory_space<vmem_shared>> -> memref<640x128xf32, #tpu.memory_space<vmem_shared>>
      tpu.wait_dma2 semaphore(%run_scoped3A : memref<!tpu.dma_semaphore, #tpu.memory_space<semaphore_mem>>) src(%dma_wait3A_41 : memref<640x128xf32, #tpu.memory_space<vmem_shared>>) dst(%dma_wait3A_39 : memref<640x128xf32, #tpu.memory_space<hbm>>)
      tpu.yield
    }) : () -> ()
    return
  }
}

module attributes {stable_mosaic.version = 14 : i64} {
  func.func @_mm_first_body(%arg0: i32, %arg1: memref<2000x128xf32, #tpu.memory_space<vmem>>, %arg2: memref<128x128xf32, #tpu.memory_space<vmem>>, %arg3: memref<2x2000x128xf32, #tpu.memory_space<vmem>>, %arg4: memref<2000x128xf32, #tpu.memory_space<vmem>>) attributes {dimension_semantics = [#tpu.dimension_semantics<arbitrary>], iteration_bounds = array<i64: 5>, scalar_prefetch = 0 : i64, scratch_operands = 0 : i64, tpu.core_type = #tpu.core_type<tc>, window_params = [{transform_indices = @transform_0, window_bounds = array<i64: 2000, 128>}, {pipeline_mode = #tpu.pipeline_mode<synchronous>, transform_indices = @transform_1, window_bounds = array<i64: 128, 128>}, {transform_indices = @transform_2, window_bounds = array<i64: 2, 2000, 128>}, {transform_indices = @transform_3, window_bounds = array<i64: 2000, 128>}]} {
    %get3A = arith.constant 0 : index
    %get3A_0 = arith.constant 0 : index
    %get3A_1 = vector.load %arg1[%get3A, %get3A_0] : memref<2000x128xf32, #tpu.memory_space<vmem>>, vector<2000x128xf32>
    %get3A_2 = arith.constant 0 : index
    %get3A_3 = arith.constant 0 : index
    %get3A_4 = vector.load %arg2[%get3A_2, %get3A_3] : memref<128x128xf32, #tpu.memory_space<vmem>>, vector<128x128xf32>
    %dot_general3A = arith.constant dense<0.000000e+00> : vector<2000x128xf32>
    %dot_general3A_5 = tpu.matmul %get3A_1, %get3A_4, %dot_general3A {dimension_numbers = #tpu.dot_dimension_numbers<[1], [0], [0], [1], [0, 0, 1, 1], [], []>, transpose_lhs_hint = false} : vector<2000x128xf32>, vector<128x128xf32>, vector<2000x128xf32> -> vector<2000x128xf32>
    %get3A_6 = arith.constant 0 : index
    %get3A_7 = arith.constant 0 : index
    %get3A_8 = arith.constant 0 : index
    %get3A_9 = vector.load %arg3[%get3A_6, %get3A_7, %get3A_8] : memref<2x2000x128xf32, #tpu.memory_space<vmem>>, vector<1x2000x1xf32>
    %get3A_10 = vector.shape_cast %get3A_9 : vector<1x2000x1xf32> to vector<2000x1xf32>
    %get3A_11 = arith.constant 1 : index
    %get3A_12 = arith.constant 0 : index
    %get3A_13 = arith.constant 0 : index
    %get3A_14 = vector.load %arg3[%get3A_11, %get3A_12, %get3A_13] : memref<2x2000x128xf32, #tpu.memory_space<vmem>>, vector<1x2000x1xf32>
    %get3A_15 = vector.shape_cast %get3A_14 : vector<1x2000x1xf32> to vector<2000x1xf32>
    %add3A = arith.addf %get3A_10, %get3A_15 : vector<2000x1xf32>
    %add3A_16 = arith.constant 1.000000e+00 : f32
    %add3A_17 = vector.broadcast %add3A_16 : f32 to vector<2000x1xf32>
    %add3A_18 = arith.addf %add3A, %add3A_17 : vector<2000x1xf32>
    %rsqrt3A = math.rsqrt %add3A_18 : vector<2000x1xf32>
    %mul3A = vector.broadcast %rsqrt3A : vector<2000x1xf32> to vector<2000x128xf32>
    %mul3A_19 = arith.mulf %dot_general3A_5, %mul3A : vector<2000x128xf32>
    %swap3A = arith.constant 0 : index
    %swap3A_20 = arith.constant 0 : index
    %swap3A_21 = vector.load %arg4[%swap3A, %swap3A_20] : memref<2000x128xf32, #tpu.memory_space<vmem>>, vector<2000x128xf32>
    tpu.vector_store %arg4[%swap3A, %swap3A_20], %mul3A_19 {strides = array<i32>} : memref<2000x128xf32, #tpu.memory_space<vmem>>, vector<2000x128xf32>,
    return
  }
  func.func @transform_0(%arg0: i32) -> (i32, i32) {
    %c0_i32 = arith.constant 0 : i32
    %c0_i32_0 = arith.constant 0 : i32
    return %arg0, %c0_i32 : i32, i32
  }
  func.func @transform_1(%arg0: i32) -> (i32, i32) {
    %c0_i32 = arith.constant 0 : i32
    %c0_i32_0 = arith.constant 0 : i32
    %c0_i32_1 = arith.constant 0 : i32
    return %c0_i32, %c0_i32_0 : i32, i32
  }
  func.func @transform_2(%arg0: i32) -> (i32, i32, i32) {
    %c0_i32 = arith.constant 0 : i32
    %c0_i32_0 = arith.constant 0 : i32
    %c0_i32_1 = arith.constant 0 : i32
    return %c0_i32, %arg0, %c0_i32_0 : i32, i32, i32
  }
  func.func @transform_3(%arg0: i32) -> (i32, i32) {
    %c0_i32 = arith.constant 0 : i32
    %c0_i32_0 = arith.constant 0 : i32
    return %arg0, %c0_i32 : i32, i32
  }
}

module attributes {stable_mosaic.version = 14 : i64} {
  func.func @_mm_mid_body(%arg0: i32, %arg1: memref<2x2000x128xf32, #tpu.memory_space<vmem>>, %arg2: memref<2000x128xf32, #tpu.memory_space<vmem>>, %arg3: memref<2x2000x128xf32, #tpu.memory_space<vmem>>, %arg4: memref<1x128xf32, #tpu.memory_space<vmem>>, %arg5: memref<128x128xf32, #tpu.memory_space<vmem>>, %arg6: memref<2000x128xf32, #tpu.memory_space<vmem>>) attributes {dimension_semantics = [#tpu.dimension_semantics<arbitrary>], iteration_bounds = array<i64: 5>, scalar_prefetch = 0 : i64, scratch_operands = 0 : i64, tpu.core_type = #tpu.core_type<tc>, window_params = [{transform_indices = @transform_0, window_bounds = array<i64: 2, 2000, 128>}, {transform_indices = @transform_1, window_bounds = array<i64: 2000, 128>}, {transform_indices = @transform_2, window_bounds = array<i64: 2, 2000, 128>}, {pipeline_mode = #tpu.pipeline_mode<synchronous>, transform_indices = @transform_3, window_bounds = array<i64: 1, 128>}, {pipeline_mode = #tpu.pipeline_mode<synchronous>, transform_indices = @transform_4, window_bounds = array<i64: 128, 128>}, {transform_indices = @transform_5, window_bounds = array<i64: 2000, 128>}]} {
    %get3A = arith.constant 0 : index
    %get3A_0 = arith.constant 0 : index
    %get3A_1 = arith.constant 0 : index
    %get3A_2 = vector.load %arg3[%get3A, %get3A_0, %get3A_1] : memref<2x2000x128xf32, #tpu.memory_space<vmem>>, vector<1x2000x1xf32>
    %get3A_3 = vector.shape_cast %get3A_2 : vector<1x2000x1xf32> to vector<2000x1xf32>
    %get3A_4 = arith.constant 1 : index
    %get3A_5 = arith.constant 0 : index
    %get3A_6 = arith.constant 0 : index
    %get3A_7 = vector.load %arg3[%get3A_4, %get3A_5, %get3A_6] : memref<2x2000x128xf32, #tpu.memory_space<vmem>>, vector<1x2000x1xf32>
    %get3A_8 = vector.shape_cast %get3A_7 : vector<1x2000x1xf32> to vector<2000x1xf32>
    %add3A = arith.addf %get3A_3, %get3A_8 : vector<2000x1xf32>
    %add3A_9 = arith.constant 1.000000e+00 : f32
    %add3A_10 = vector.broadcast %add3A_9 : f32 to vector<2000x1xf32>
    %add3A_11 = arith.addf %add3A, %add3A_10 : vector<2000x1xf32>
    %rsqrt3A = math.rsqrt %add3A_11 : vector<2000x1xf32>
    %get3A_12 = arith.constant 0 : index
    %get3A_13 = arith.constant 0 : index
    %get3A_14 = arith.constant 0 : index
    %get3A_15 = vector.load %arg1[%get3A_12, %get3A_13, %get3A_14] : memref<2x2000x128xf32, #tpu.memory_space<vmem>>, vector<1x2000x128xf32>
    %get3A_16 = vector.shape_cast %get3A_15 : vector<1x2000x128xf32> to vector<2000x128xf32>
    %get3A_17 = arith.constant 1 : index
    %get3A_18 = arith.constant 0 : index
    %get3A_19 = arith.constant 0 : index
    %get3A_20 = vector.load %arg1[%get3A_17, %get3A_18, %get3A_19] : memref<2x2000x128xf32, #tpu.memory_space<vmem>>, vector<1x2000x128xf32>
    %get3A_21 = vector.shape_cast %get3A_20 : vector<1x2000x128xf32> to vector<2000x128xf32>
    %add3A_22 = arith.addf %get3A_16, %get3A_21 : vector<2000x128xf32>
    %get3A_23 = arith.constant 0 : index
    %get3A_24 = arith.constant 0 : index
    %get3A_25 = vector.load %arg2[%get3A_23, %get3A_24] : memref<2000x128xf32, #tpu.memory_space<vmem>>, vector<2000x128xf32>
    %add3A_26 = arith.addf %add3A_22, %get3A_25 : vector<2000x128xf32>
    %mul3A = vector.broadcast %rsqrt3A : vector<2000x1xf32> to vector<2000x128xf32>
    %mul3A_27 = arith.mulf %add3A_26, %mul3A : vector<2000x128xf32>
    %get3A_28 = arith.constant 0 : index
    %get3A_29 = arith.constant 0 : index
    %get3A_30 = vector.load %arg4[%get3A_28, %get3A_29] : memref<1x128xf32, #tpu.memory_space<vmem>>, vector<1x128xf32>
    %add3A_31 = vector.broadcast %get3A_30 : vector<1x128xf32> to vector<2000x128xf32>
    %add3A_32 = arith.addf %mul3A_27, %add3A_31 : vector<2000x128xf32>
    %max3A = arith.constant 0.000000e+00 : f32
    %max3A_33 = vector.broadcast %max3A : f32 to vector<2000x128xf32>
    %max3A_34 = arith.maximumf %add3A_32, %max3A_33 : vector<2000x128xf32>
    %get3A_35 = arith.constant 0 : index
    %get3A_36 = arith.constant 0 : index
    %get3A_37 = vector.load %arg5[%get3A_35, %get3A_36] : memref<128x128xf32, #tpu.memory_space<vmem>>, vector<128x128xf32>
    %dot_general3A = arith.constant dense<0.000000e+00> : vector<2000x128xf32>
    %dot_general3A_38 = tpu.matmul %max3A_34, %get3A_37, %dot_general3A {dimension_numbers = #tpu.dot_dimension_numbers<[1], [0], [0], [1], [0, 0, 1, 1], [], []>, transpose_lhs_hint = false} : vector<2000x128xf32>, vector<128x128xf32>, vector<2000x128xf32> -> vector<2000x128xf32>
    %mul3A_39 = vector.broadcast %rsqrt3A : vector<2000x1xf32> to vector<2000x128xf32>
    %mul3A_40 = arith.mulf %dot_general3A_38, %mul3A_39 : vector<2000x128xf32>
    %swap3A = arith.constant 0 : index
    %swap3A_41 = arith.constant 0 : index
    %swap3A_42 = vector.load %arg6[%swap3A, %swap3A_41] : memref<2000x128xf32, #tpu.memory_space<vmem>>, vector<2000x128xf32>
    tpu.vector_store %arg6[%swap3A, %swap3A_41], %mul3A_40 {strides = array<i32>} : memref<2000x128xf32, #tpu.memory_space<vmem>>, vector<2000x128xf32>,
    return
  }
  func.func @transform_0(%arg0: i32) -> (i32, i32, i32) {
    %c0_i32 = arith.constant 0 : i32
    %c0_i32_0 = arith.constant 0 : i32
    %c0_i32_1 = arith.constant 0 : i32
    return %c0_i32, %arg0, %c0_i32_0 : i32, i32, i32
  }
  func.func @transform_1(%arg0: i32) -> (i32, i32) {
    %c0_i32 = arith.constant 0 : i32
    %c0_i32_0 = arith.constant 0 : i32
    return %arg0, %c0_i32 : i32, i32
  }
  func.func @transform_2(%arg0: i32) -> (i32, i32, i32) {
    %c0_i32 = arith.constant 0 : i32
    %c0_i32_0 = arith.constant 0 : i32
    %c0_i32_1 = arith.constant 0 : i32
    return %c0_i32, %arg0, %c0_i32_0 : i32, i32, i32
  }
  func.func @transform_3(%arg0: i32) -> (i32, i32) {
    %c0_i32 = arith.constant 0 : i32
    %c0_i32_0 = arith.constant 0 : i32
    %c0_i32_1 = arith.constant 0 : i32
    return %c0_i32, %c0_i32_0 : i32, i32
  }
  func.func @transform_4(%arg0: i32) -> (i32, i32) {
    %c0_i32 = arith.constant 0 : i32
    %c0_i32_0 = arith.constant 0 : i32
    %c0_i32_1 = arith.constant 0 : i32
    return %c0_i32, %c0_i32_0 : i32, i32
  }
  func.func @transform_5(%arg0: i32) -> (i32, i32) {
    %c0_i32 = arith.constant 0 : i32
    %c0_i32_0 = arith.constant 0 : i32
    return %arg0, %c0_i32 : i32, i32
  }
}

module attributes {stable_mosaic.version = 14 : i64} {
  func.func @_pool_body(%arg0: i32, %arg1: memref<2x2000x128xf32, #tpu.memory_space<vmem>>, %arg2: memref<2000x128xf32, #tpu.memory_space<vmem>>, %arg3: memref<2x2000x128xf32, #tpu.memory_space<vmem>>, %arg4: memref<1x128xf32, #tpu.memory_space<vmem>>, %arg5: memref<1x1x2000xi32, #tpu.memory_space<vmem>>, %arg6: memref<128x1408xf32, #tpu.memory_space<vmem>>, %arg7: memref<1x1408xf32, #tpu.memory_space<vmem>>, %arg8: memref<64x1408xf32, #tpu.memory_space<vmem>>, %arg9: memref<64x128xf32, #tpu.memory_space<vmem>>, %arg10: memref<64x128xf32, #tpu.memory_space<vmem>>) attributes {dimension_semantics = [#tpu.dimension_semantics<arbitrary>], iteration_bounds = array<i64: 5>, scalar_prefetch = 0 : i64, scratch_operands = 2 : i64, tpu.core_type = #tpu.core_type<tc>, window_params = [{transform_indices = @transform_0, window_bounds = array<i64: 2, 2000, 128>}, {transform_indices = @transform_1, window_bounds = array<i64: 2000, 128>}, {transform_indices = @transform_2, window_bounds = array<i64: 2, 2000, 128>}, {pipeline_mode = #tpu.pipeline_mode<synchronous>, transform_indices = @transform_3, window_bounds = array<i64: 1, 128>}, {transform_indices = @transform_4, window_bounds = array<i64: 1, 1, 2000>}, {pipeline_mode = #tpu.pipeline_mode<synchronous>, transform_indices = @transform_5, window_bounds = array<i64: 128, 1408>}, {pipeline_mode = #tpu.pipeline_mode<synchronous>, transform_indices = @transform_6, window_bounds = array<i64: 1, 1408>}, {pipeline_mode = #tpu.pipeline_mode<synchronous>, transform_indices = @transform_7, window_bounds = array<i64: 64, 1408>}]} {
    %get3A = arith.constant 0 : index
    %get3A_0 = arith.constant 0 : index
    %get3A_1 = arith.constant 0 : index
    %get3A_2 = vector.load %arg3[%get3A, %get3A_0, %get3A_1] : memref<2x2000x128xf32, #tpu.memory_space<vmem>>, vector<1x2000x1xf32>
    %get3A_3 = vector.shape_cast %get3A_2 : vector<1x2000x1xf32> to vector<2000x1xf32>
    %get3A_4 = arith.constant 1 : index
    %get3A_5 = arith.constant 0 : index
    %get3A_6 = arith.constant 0 : index
    %get3A_7 = vector.load %arg3[%get3A_4, %get3A_5, %get3A_6] : memref<2x2000x128xf32, #tpu.memory_space<vmem>>, vector<1x2000x1xf32>
    %get3A_8 = vector.shape_cast %get3A_7 : vector<1x2000x1xf32> to vector<2000x1xf32>
    %add3A = arith.addf %get3A_3, %get3A_8 : vector<2000x1xf32>
    %add3A_9 = arith.constant 1.000000e+00 : f32
    %add3A_10 = vector.broadcast %add3A_9 : f32 to vector<2000x1xf32>
    %add3A_11 = arith.addf %add3A, %add3A_10 : vector<2000x1xf32>
    %rsqrt3A = math.rsqrt %add3A_11 : vector<2000x1xf32>
    %get3A_12 = arith.constant 0 : index
    %get3A_13 = arith.constant 0 : index
    %get3A_14 = arith.constant 0 : index
    %get3A_15 = vector.load %arg1[%get3A_12, %get3A_13, %get3A_14] : memref<2x2000x128xf32, #tpu.memory_space<vmem>>, vector<1x2000x128xf32>
    %get3A_16 = vector.shape_cast %get3A_15 : vector<1x2000x128xf32> to vector<2000x128xf32>
    %get3A_17 = arith.constant 1 : index
    %get3A_18 = arith.constant 0 : index
    %get3A_19 = arith.constant 0 : index
    %get3A_20 = vector.load %arg1[%get3A_17, %get3A_18, %get3A_19] : memref<2x2000x128xf32, #tpu.memory_space<vmem>>, vector<1x2000x128xf32>
    %get3A_21 = vector.shape_cast %get3A_20 : vector<1x2000x128xf32> to vector<2000x128xf32>
    %add3A_22 = arith.addf %get3A_16, %get3A_21 : vector<2000x128xf32>
    %get3A_23 = arith.constant 0 : index
    %get3A_24 = arith.constant 0 : index
    %get3A_25 = vector.load %arg2[%get3A_23, %get3A_24] : memref<2000x128xf32, #tpu.memory_space<vmem>>, vector<2000x128xf32>
    %add3A_26 = arith.addf %add3A_22, %get3A_25 : vector<2000x128xf32>
    %mul3A = vector.broadcast %rsqrt3A : vector<2000x1xf32> to vector<2000x128xf32>
    %mul3A_27 = arith.mulf %add3A_26, %mul3A : vector<2000x128xf32>
    %get3A_28 = arith.constant 0 : index
    %get3A_29 = arith.constant 0 : index
    %get3A_30 = vector.load %arg4[%get3A_28, %get3A_29] : memref<1x128xf32, #tpu.memory_space<vmem>>, vector<1x128xf32>
    %add3A_31 = vector.broadcast %get3A_30 : vector<1x128xf32> to vector<2000x128xf32>
    %add3A_32 = arith.addf %mul3A_27, %add3A_31 : vector<2000x128xf32>
    %max3A = arith.constant 0.000000e+00 : f32
    %max3A_33 = vector.broadcast %max3A : f32 to vector<2000x128xf32>
    %max3A_34 = arith.maximumf %add3A_32, %max3A_33 : vector<2000x128xf32>
    %get3A_35 = arith.constant 0 : index
    %get3A_36 = arith.constant 0 : index
    %get3A_37 = arith.constant 0 : index
    %get3A_38 = vector.load %arg5[%get3A_35, %get3A_36, %get3A_37] : memref<1x1x2000xi32, #tpu.memory_space<vmem>>, vector<1x1x2000xi32>
    %get3A_39 = vector.shape_cast %get3A_38 : vector<1x1x2000xi32> to vector<2000xi32>
    %broadcast_in_dim3A = vector.shape_cast %get3A_39 : vector<2000xi32> to vector<1x2000xi32>
    %iota3A = tpu.iota {dimensions = array<i32: 0>} : vector<64x2000xi32>
    %eq3A = vector.broadcast %broadcast_in_dim3A : vector<1x2000xi32> to vector<64x2000xi32>
    %eq3A_40 = arith.cmpi eq, %eq3A, %iota3A : vector<64x2000xi32>
    %convert_element_type3A = arith.extui %eq3A_40 : vector<64x2000xi1> to vector<64x2000xi32>
    %convert_element_type3A_41 = arith.sitofp %convert_element_type3A : vector<64x2000xi32> to vector<64x2000xf32>
    %eq3A_42 = arith.constant 0 : i32
    %eq3A_43 = arith.cmpi eq, %arg0, %eq3A_42 : i32
    %convert_element_type3A_44 = arith.extui %eq3A_43 : i1 to i32
    %cond3A = arith.constant 0 : i32
    %cond3A_45 = arith.cmpi ne, %convert_element_type3A_44, %cond3A : i32
    scf.if %cond3A_45 {
      %broadcast_in_dim3A_69 = arith.constant 0.000000e+00 : f32
      %broadcast_in_dim3A_70 = vector.broadcast %broadcast_in_dim3A_69 : f32 to vector<64x128xf32>
      %swap3A_71 = arith.constant 0 : index
      %swap3A_72 = arith.constant 0 : index
      %swap3A_73 = vector.load %arg9[%swap3A_71, %swap3A_72] : memref<64x128xf32, #tpu.memory_space<vmem>>, vector<64x128xf32>
      tpu.vector_store %arg9[%swap3A_71, %swap3A_72], %broadcast_in_dim3A_70 {strides = array<i32>} : memref<64x128xf32, #tpu.memory_space<vmem>>, vector<64x128xf32>,
      %broadcast_in_dim3A_74 = arith.constant 0.000000e+00 : f32
      %broadcast_in_dim3A_75 = vector.broadcast %broadcast_in_dim3A_74 : f32 to vector<64x128xf32>
      %swap3A_76 = arith.constant 0 : index
      %swap3A_77 = arith.constant 0 : index
      %swap3A_78 = vector.load %arg10[%swap3A_76, %swap3A_77] : memref<64x128xf32, #tpu.memory_space<vmem>>, vector<64x128xf32>
      tpu.vector_store %arg10[%swap3A_76, %swap3A_77], %broadcast_in_dim3A_75 {strides = array<i32>} : memref<64x128xf32, #tpu.memory_space<vmem>>, vector<64x128xf32>,
    } else {
    }
    %get3A_46 = arith.constant 0 : index
    %get3A_47 = arith.constant 0 : index
    %get3A_48 = vector.load %arg9[%get3A_46, %get3A_47] : memref<64x128xf32, #tpu.memory_space<vmem>>, vector<64x128xf32>
    %dot_general3A = arith.constant dense<0.000000e+00> : vector<64x128xf32>
    %dot_general3A_49 = tpu.matmul %convert_element_type3A_41, %max3A_34, %dot_general3A {dimension_numbers = #tpu.dot_dimension_numbers<[1], [0], [0], [1], [0, 0, 1, 1], [], []>, transpose_lhs_hint = false} : vector<64x2000xf32>, vector<2000x128xf32>, vector<64x128xf32> -> vector<64x128xf32>
    %add3A_50 = arith.addf %get3A_48, %dot_general3A_49 : vector<64x128xf32>
    %swap3A = arith.constant 0 : index
    %swap3A_51 = arith.constant 0 : index
    %swap3A_52 = vector.load %arg9[%swap3A, %swap3A_51] : memref<64x128xf32, #tpu.memory_space<vmem>>, vector<64x128xf32>
    tpu.vector_store %arg9[%swap3A, %swap3A_51], %add3A_50 {strides = array<i32>} : memref<64x128xf32, #tpu.memory_space<vmem>>, vector<64x128xf32>,
    %get3A_53 = arith.constant 0 : index
    %get3A_54 = arith.constant 0 : index
    %get3A_55 = vector.load %arg10[%get3A_53, %get3A_54] : memref<64x128xf32, #tpu.memory_space<vmem>>, vector<64x128xf32>
    %reduce_sum3A = arith.constant dense<0.000000e+00> : vector<64xf32>
    %reduce_sum3A_56 = vector.multi_reduction <add>, %convert_element_type3A_41, %reduce_sum3A [1] : vector<64x2000xf32> to vector<64xf32>
    %broadcast_in_dim3A_57 = vector.shape_cast %reduce_sum3A_56 : vector<64xf32> to vector<64x1xf32>
    %broadcast_in_dim3A_58 = vector.shape_cast %broadcast_in_dim3A_57 : vector<64x1xf32> to vector<64x1xf32>
    %broadcast_in_dim3A_59 = vector.broadcast %broadcast_in_dim3A_58 : vector<64x1xf32> to vector<64x128xf32>
    %add3A_60 = arith.addf %get3A_55, %broadcast_in_dim3A_59 : vector<64x128xf32>
    %swap3A_61 = arith.constant 0 : index
    %swap3A_62 = arith.constant 0 : index
    %swap3A_63 = vector.load %arg10[%swap3A_61, %swap3A_62] : memref<64x128xf32, #tpu.memory_space<vmem>>, vector<64x128xf32>
    tpu.vector_store %arg10[%swap3A_61, %swap3A_62], %add3A_60 {strides = array<i32>} : memref<64x128xf32, #tpu.memory_space<vmem>>, vector<64x128xf32>,
    %eq3A_64 = arith.constant 4 : i32
    %eq3A_65 = arith.cmpi eq, %arg0, %eq3A_64 : i32
    %convert_element_type3A_66 = arith.extui %eq3A_65 : i1 to i32
    %cond3A_67 = arith.constant 0 : i32
    %cond3A_68 = arith.cmpi ne, %convert_element_type3A_66, %cond3A_67 : i32
    scf.if %cond3A_68 {
      %get3A_69 = arith.constant 0 : index
      %get3A_70 = arith.constant 0 : index
      %get3A_71 = vector.load %arg9[%get3A_69, %get3A_70] : memref<64x128xf32, #tpu.memory_space<vmem>>, vector<64x128xf32>
      %get3A_72 = arith.constant 0 : index
      %get3A_73 = arith.constant 0 : index
      %get3A_74 = vector.load %arg10[%get3A_72, %get3A_73] : memref<64x128xf32, #tpu.memory_space<vmem>>, vector<64x128xf32>
      %max3A_75 = arith.constant 1.000000e+00 : f32
      %max3A_76 = vector.broadcast %max3A_75 : f32 to vector<64x128xf32>
      %max3A_77 = arith.maximumf %get3A_74, %max3A_76 : vector<64x128xf32>
      %div3A = arith.divf %get3A_71, %max3A_77 : vector<64x128xf32>
      %get3A_78 = arith.constant 0 : index
      %get3A_79 = arith.constant 0 : index
      %get3A_80 = vector.load %arg6[%get3A_78, %get3A_79] : memref<128x1408xf32, #tpu.memory_space<vmem>>, vector<128x1408xf32>
      %dot_general3A_81 = arith.constant dense<0.000000e+00> : vector<64x1408xf32>
      %dot_general3A_82 = tpu.matmul %div3A, %get3A_80, %dot_general3A_81 {dimension_numbers = #tpu.dot_dimension_numbers<[1], [0], [0], [1], [0, 0, 1, 1], [], []>, transpose_lhs_hint = false} : vector<64x128xf32>, vector<128x1408xf32>, vector<64x1408xf32> -> vector<64x1408xf32>
      %get3A_83 = arith.constant 0 : index
      %get3A_84 = arith.constant 0 : index
      %get3A_85 = vector.load %arg7[%get3A_83, %get3A_84] : memref<1x1408xf32, #tpu.memory_space<vmem>>, vector<1x1408xf32>
      %add3A_86 = vector.broadcast %get3A_85 : vector<1x1408xf32> to vector<64x1408xf32>
      %add3A_87 = arith.addf %dot_general3A_82, %add3A_86 : vector<64x1408xf32>
      %reduce_max3A = arith.constant dense<0xFF800000> : vector<64xf32>
      %reduce_max3A_88 = vector.multi_reduction <maximumf>, %add3A_87, %reduce_max3A [1] : vector<64x1408xf32> to vector<64xf32>
      %broadcast_in_dim3A_89 = vector.shape_cast %reduce_max3A_88 : vector<64xf32> to vector<64x1xf32>
      %sub3A = vector.broadcast %broadcast_in_dim3A_89 : vector<64x1xf32> to vector<64x1408xf32>
      %sub3A_90 = arith.subf %add3A_87, %sub3A : vector<64x1408xf32>
      %exp3A = math.exp %sub3A_90 : vector<64x1408xf32>
      %reduce_sum3A_91 = arith.constant dense<0.000000e+00> : vector<64xf32>
      %reduce_sum3A_92 = vector.multi_reduction <add>, %exp3A, %reduce_sum3A_91 [1] : vector<64x1408xf32> to vector<64xf32>
      %broadcast_in_dim3A_93 = vector.shape_cast %reduce_sum3A_92 : vector<64xf32> to vector<64x1xf32>
      %log3A = math.log %broadcast_in_dim3A_93 : vector<64x1xf32>
      %sub3A_94 = vector.broadcast %broadcast_in_dim3A_89 : vector<64x1xf32> to vector<64x1408xf32>
      %sub3A_95 = arith.subf %add3A_87, %sub3A_94 : vector<64x1408xf32>
      %sub3A_96 = vector.broadcast %log3A : vector<64x1xf32> to vector<64x1408xf32>
      %sub3A_97 = arith.subf %sub3A_95, %sub3A_96 : vector<64x1408xf32>
      %swap3A_98 = arith.constant 0 : index
      %swap3A_99 = arith.constant 0 : index
      %swap3A_100 = vector.load %arg8[%swap3A_98, %swap3A_99] : memref<64x1408xf32, #tpu.memory_space<vmem>>, vector<64x1408xf32>
      tpu.vector_store %arg8[%swap3A_98, %swap3A_99], %sub3A_97 {strides = array<i32>} : memref<64x1408xf32, #tpu.memory_space<vmem>>, vector<64x1408xf32>,
    } else {
    }
    return
  }
  func.func @transform_0(%arg0: i32) -> (i32, i32, i32) {
    %c0_i32 = arith.constant 0 : i32
    %c0_i32_0 = arith.constant 0 : i32
    %c0_i32_1 = arith.constant 0 : i32
    return %c0_i32, %arg0, %c0_i32_0 : i32, i32, i32
  }
  func.func @transform_1(%arg0: i32) -> (i32, i32) {
    %c0_i32 = arith.constant 0 : i32
    %c0_i32_0 = arith.constant 0 : i32
    return %arg0, %c0_i32 : i32, i32
  }
  func.func @transform_2(%arg0: i32) -> (i32, i32, i32) {
    %c0_i32 = arith.constant 0 : i32
    %c0_i32_0 = arith.constant 0 : i32
    %c0_i32_1 = arith.constant 0 : i32
    return %c0_i32, %arg0, %c0_i32_0 : i32, i32, i32
  }
  func.func @transform_3(%arg0: i32) -> (i32, i32) {
    %c0_i32 = arith.constant 0 : i32
    %c0_i32_0 = arith.constant 0 : i32
    %c0_i32_1 = arith.constant 0 : i32
    return %c0_i32, %c0_i32_0 : i32, i32
  }
  func.func @transform_4(%arg0: i32) -> (i32, i32, i32) {
    %c0_i32 = arith.constant 0 : i32
    %c0_i32_0 = arith.constant 0 : i32
    %c0_i32_1 = arith.constant 0 : i32
    return %arg0, %c0_i32, %c0_i32_0 : i32, i32, i32
  }
  func.func @transform_5(%arg0: i32) -> (i32, i32) {
    %c0_i32 = arith.constant 0 : i32
    %c0_i32_0 = arith.constant 0 : i32
    %c0_i32_1 = arith.constant 0 : i32
    return %c0_i32, %c0_i32_0 : i32, i32
  }
  func.func @transform_6(%arg0: i32) -> (i32, i32) {
    %c0_i32 = arith.constant 0 : i32
    %c0_i32_0 = arith.constant 0 : i32
    %c0_i32_1 = arith.constant 0 : i32
    return %c0_i32, %c0_i32_0 : i32, i32
  }
  func.func @transform_7(%arg0: i32) -> (i32, i32) {
    %c0_i32 = arith.constant 0 : i32
    %c0_i32_0 = arith.constant 0 : i32
    %c0_i32_1 = arith.constant 0 : i32
    return %c0_i32, %c0_i32_0 : i32, i32
  }
}

</mosaic_0001>

<sc_bundles>
// kernel: kernel.10.cloned.1.call-start
scs
__scs_entry_jumppad:
0x0: {  	(pc) =	sbr.rel $0x88, $3  }
0x1: {  	(tag) =	ssettag $0x0;
	lr =	simm.s32 $0x1  }
0x2: {  	[smem:$0x3F96] =	sst lr;
	_ =	strace $0xD0000000  }
0x3: {  	_ = 	snop  }
0x4: {  	_ = 	snop  }
0x5: {  	_ = 	snop  }
0x6: {  	_ = 	snop  }
0x7: {  	_ = 	snop  }
__scs_overlays_trampoline_lowered:
0x8: {  	[smem:$0x3FA5] =	sst s0  }
0x9: {  	[smem:$0x3FA6] =	sst s1  }
0xa: {  	[smem:$0x3FA7] =	sst s2  }
0xb: {  	[smem:$0x3FA8] =	sst s3  }
0xc: {  	[smem:$0x3FA9] =	sst s4  }
0xd: {  	[smem:$0x3FAA] =	sst s5  }
0xe: {  	[smem:$0x3FAB] =	sst s6  }
0xf: {  	[smem:$0x3FAC] =	sst s7  }
0x10: {  	[smem:$0x3FAD] =	sst s8  }
0x11: {  	[smem:$0x3FAE] =	sst s9;
	s0 =	simm.s32 @!p0 $0x0  }
0x12: {  	s1 =	sld [smem:$0x3F94];
	s0 =	simm.s32 @p0 $0x1  }
0x13: {  	[smem:$0x3FAF] =	sst s0;
	s0 =	simm.s32 @!p1 $0x0  }
0x14: {  	s2 =	sld [smem:$0x3F93];
	s0 =	simm.s32 @p1 $0x1  }
0x15: {  	[smem:$0x3FB0] =	sst s0;
	s0 =	simm.s32 @!p2 $0x0  }
0x16: {  	s3 =	sld [smem:$0x3FDB];
	s0 =	simm.s32 @p2 $0x1  }
0x17: {  	s4 =	simm.s32 $0x1BF5;
	[smem:$0x3FB2] =	sst s0  }
0x18: {  	s0 =	sld [smem:$0x3F95];
	_ =	swait.ge [sflag:s4], $0x0  }
0x19: {  	s7 =	sld [smem:$0x3F96]  }
0x1a: {  	s8 =	sadd.s32 $0xFFFFE003, lr  }
0x1b: {  	s9 =	sadd.s32 $0xFFFFFEF7, lr;
	s5 =	simm.s32 $0xFFFFFFFF;
	p2 =	slt.u32 s8, $0xFFFFF086  }
0x1c: {  	p1 =	slt.u32 s9, $0xF7A;
	s5 =	simm.s32 @!p2 $0x0  }
0x1d: {  	s5 =	simm.s32 @p1 $0x1;
	p0 =	seq.s32 s7, s2  }
0x1e: {  	s7 =	smul.u32 @!p0 $0xF7A, s2;
	p2 =	seq.s32 @!p0 s5, $0x0  }
0x1f: {  	s9 =	smul.u32 $0xF7A, s1;
	s8 =	simm.s32 @!p0 $0x1BF5;
	p2 =	por !p2, p0  }
0x20: {  	[sflag:s8] =	ssyncset.s32 @!p0 $0xFFFFF086;
	s6 =	sadd.s32 @!p0 s3, s7;
	s7 =	simm.s32 @!p0 $0x108  }
0x21: {  	s3 =	sadd.s32 s3, s9;
	s6 =	sadd.s32 @!p0 $0x88, s6;
	s7 =	simm.s32 @p2 $0x1082  }
0x22: {  	[simem:s7], [sflag:s8] =	dma.local @!p0 [hbm:s6], $0xF7A  }
0x23: {  	s9 =	sor.u32 $0xD0000000, s2;
	s6 =	simm.s32 $0x108;
	_ =	swait.ge @!p0 [sflag:s8], $0x0  }
0x24: {  	s3 =	sadd.s32 $0x88, s3;
	s6 =	simm.s32 @!p1 $0x1082;
	[sflag:s4] =	ssyncset.s32 $0xFFFFF086  }
0x25: {  	[simem:s6], [sflag:s4] =	dma.local [hbm:s3], $0xF7A  }
0x26: {  	[smem:$0x3F96] =	sst s1;
	(tag) =	ssettag s2;
	_ =	strace s9  }
0x27: {  	s1 =	sld [smem:$0x3FA6]  }
0x28: {  	s2 =	sld [smem:$0x3FA7]  }
0x29: {  	s4 =	sld [smem:$0x3FA9]  }
0x2a: {  	p0 =	seq.s32 s5, $0x0;
	s5 =	sld [smem:$0x3FAA]  }
0x2b: {  	s6 =	sld [smem:$0x3FAB]  }
0x2c: {  	s7 =	sld [smem:$0x3FAC]  }
0x2d: {  	s3 =	simm.s32 $0x108;
	s8 =	sld [smem:$0x3FAD]  }
0x2e: {  	s3 =	simm.s32 @!p0 $0x1082;
	s9 =	sld [smem:$0x3FAE]  }
0x2f: {  	lr =	sadd.s32 s0, s3;
	s0 =	sld [smem:$0x3FA5]  }
0x30: {  	s3 =	sld [smem:$0x3FA8]  }
0x31: {  	[smem:$0x3FB1] =	sst s10  }
0x32: {  	s10 =	sld [smem:$0x3FAF];
	_ =	sdelay $0x3  }
0x33: {  	p0 =	seq.s32 s10, $0x1;
	s10 =	sld [smem:$0x3FB1];
	_ =	sdelay $0x3  }
0x34: {  	[smem:$0x3FB1] =	sst s10  }
0x35: {  	s10 =	sld [smem:$0x3FB0];
	_ =	sdelay $0x3  }
0x36: {  	p1 =	seq.s32 s10, $0x1;
	s10 =	sld [smem:$0x3FB1];
	_ =	sdelay $0x3  }
0x37: {  	[smem:$0x3FB1] =	sst s10  }
0x38: {  	s10 =	sld [smem:$0x3FB2]  }
0x39: {  	_ = 	snop;
	(pc) =	sbr.ind lr, $3  }
0x3a: {  	_ = 	snop  }
0x3b: {  	_ = 	snop  }
0x3c: {  	p2 =	seq.s32 s10, $0x1;
	s10 =	sld [smem:$0x3FB1]  }
0x3d: {  	_ =	shalt  }
0x3e: {  	_ =	shalt  }
0x3f: {  	_ =	shalt  }
0x40: {  	_ =	shalt  }
0x41: {  	_ =	shalt  }
0x42: {  	_ =	shalt  }
0x43: {  	_ =	shalt  }
0x44: {  	_ =	shalt  }
0x45: {  	_ =	shalt  }
0x46: {  	_ =	shalt  }
0x47: {  	_ =	shalt  }
0x48: {  	_ =	shalt  }
0x49: {  	_ =	shalt  }
0x4a: {  	_ =	shalt  }
0x4b: {  	_ =	shalt  }
0x4c: {  	_ =	shalt  }
0x4d: {  	_ =	shalt  }
0x4e: {  	_ =	shalt  }
0x4f: {  	_ =	shalt  }
0x50: {  	_ =	shalt  }
0x51: {  	_ =	shalt  }
0x52: {  	_ =	shalt  }
0x53: {  	_ =	shalt  }
0x54: {  	_ =	shalt  }
0x55: {  	_ =	shalt  }
0x56: {  	_ =	shalt  }
0x57: {  	_ =	shalt  }
0x58: {  	_ =	shalt  }
0x59: {  	_ =	shalt  }
0x5a: {  	_ =	shalt  }
0x5b: {  	_ =	shalt  }
0x5c: {  	_ =	shalt  }
0x5d: {  	_ =	shalt  }
0x5e: {  	_ =	shalt  }
0x5f: {  	_ =	shalt  }
0x60: {  	_ =	shalt  }
0x61: {  	_ =	shalt  }
0x62: {  	_ =	shalt  }
0x63: {  	_ =	shalt  }
0x64: {  	_ =	shalt  }
0x65: {  	_ =	shalt  }
0x66: {  	_ =	shalt  }
0x67: {  	_ =	shalt  }
0x68: {  	_ =	shalt  }
0x69: {  	_ =	shalt  }
0x6a: {  	_ =	shalt  }
0x6b: {  	_ =	shalt  }
0x6c: {  	_ =	shalt  }
0x6d: {  	_ =	shalt  }
0x6e: {  	_ =	shalt  }
0x6f: {  	_ =	shalt  }
0x70: {  	_ =	shalt  }
0x71: {  	_ =	shalt  }
0x72: {  	_ =	shalt  }
0x73: {  	_ =	shalt  }
0x74: {  	_ =	shalt  }
0x75: {  	_ =	shalt  }
0x76: {  	_ =	shalt  }
0x77: {  	_ =	shalt  }
0x78: {  	_ =	shalt  }
0x79: {  	_ =	shalt  }
0x7a: {  	_ =	shalt  }
0x7b: {  	_ =	shalt  }
0x7c: {  	_ =	shalt  }
0x7d: {  	_ =	shalt  }
0x7e: {  	_ =	shalt  }
0x7f: {  	_ =	shalt  }
0x80: {  	_ =	shalt  }
0x81: {  	_ =	shalt  }
0x82: {  	_ =	shalt  }
0x83: {  	_ =	shalt  }
0x84: {  	_ =	shalt  }
0x85: {  	_ =	shalt  }
0x86: {  	_ =	shalt  }
0x87: {  	_ =	shalt  }
.Lfunc_end0:
.L_simem_size_0:
called_computation_lowered:
.L_overlay_start_0:
0x88: {  	s2 =	sld [smem:$0x3FD9]  }
0x89: {  	s3 =	sld [smem:$0x3FFE];
	_ =	sdelay $0x1  }
0x8a: {  	s1 =	srdreg.scid  }
0x8b: {  	s0 =	sand.u32 $0x1, s1  }
0x8c: {  	s17 =	sshll.u32 s0, $0xA;
	s2 =	sadd.s32 s3, s2  }
0x8d: {  	s2 =	sadd.s32 s2, s17  }
0x8e: {  	[smem:$0x3FBD] =	sst s2  }
0x8f: {  	_ = 	snop  }
0x90: {  	s2 =	sld [smem:$0x3FD0];
	(tm) =	ssettm $0x1  }
0x91: {  	s18 =	sld [smem:$0x3FFB];
	_ =	sdelay $0x3  }
0x92: {  	_ =	strace s18  }
0x93: {  	s3 =	sld [smem:$0x3FFC];
	_ =	sdelay $0x3  }
0x94: {  	_ =	strace s3  }
0x95: {  	s3 =	sld [smem:$0x3FFD];
	_ =	sdelay $0x3  }
0x96: {  	_ =	strace s3  }
0x97: {  	_ =	strace $0x8FFFFFFF  }
0x98: {  	s19 =	sld [smem:$0x3FDB];
	_ =	sdelay $0x1  }
0x99: {  	s4 =	simm.s32 $_scs_section_size  }
0x9a: {  	s5 =	simm.s32 $_size__tile_overlayer_lowered;
	s6 =	simm.s32 $_tile_overlayer_lowered  }
0x9b: {  	s22 =	simm.s32 $0x1BFF;
	s21 =	sshll.u32 s6, $0x1;
	s3 =	sadd.s32 s4, s19  }
0x9c: {  	s7 =	simm.s32 $0x0;
	s20 =	sshll.u32 s5, $0x1;
	s5 =	sadd.s32 s21, s3  }
0x9d: {  	[timem:s7], [sflag:s22] =	dma.local [hbm:s5], s20  }
0x9e: {  	_ =	swait.ge [sflag:s22], s20  }
0x9f: {  	s4 =	ssub.s32 $0x0, s20;
	[sflag:s22] =	ssyncset.done $0x0  }
0xa0: {  	[sflag:s22] =	ssyncadd.s32 s4;
	_ =	sdelay $0x1  }
0xa1: {  	s23 =	simm.s32 $0x1B8B  }
0xa2: {  	_ =	swait.ge [sflag:s23], $0x1  }
0xa3: {  	[sflag:s23] =	ssyncset.done $0x0  }
0xa4: {  	s25 =	simm.s32 $0x1B8E;
	s24 =	sld [smem:$0x3FFE];
	[sflag:s23] =	ssyncadd.s32 $0xFFFFFFFF  }
0xa5: {  	s26 =	simm.s32 $execute0_lowered;
	[smem:$0x3FD2] =	sst s25  }
0xa6: {  	s5 =	sshll.u32 s26, $0x1;
	_ =	strace $0x80000046;
	[dreg:$0x1] =	wrdreg $0xFFFFFFFF  }
0xa7: {  	s28 =	simm.s32 $_size_execute0_lowered;
	s3 =	sadd.s32 s3, s5;
	[dreg:$0x0] =	wrdreg $0x0  }
0xa8: {  	s5 =	sshll.u32 s28, $0x1;
	[dreg:$0x2] =	wrdreg s3  }
0xa9: {  	[dreg:$0x3] =	wrdreg s5  }
0xaa: {  	[dreg:$0x4] =	wrdreg $0xC0  }
0xab: {  	_ =	task [dreg:s7], $0x5FFFF  }
0xac: {  	[dreg:$0x1] =	wrdreg $0xFFFFFFFF  }
0xad: {  	[dreg:$0x0] =	wrdreg $0x60  }
0xae: {  	[dreg:$0x2] =	wrdreg s24  }
0xaf: {  	[dreg:$0x3] =	wrdreg s2  }
0xb0: {  	[dreg:$0x4] =	wrdreg $0x68000  }
0xb1: {  	[dreg:$0x5] =	wrdreg $0x9  }
0xb2: {  	_ =	task.clear_ibuf [dreg:s7], $0x6FFFF;
	_ =	strace $0x90000046  }
0xb3: {  	s29 =	simm.s32 $0x9;
	_ =	strace $0x80000048  }
0xb4: {  	_ =	swait.ge [sflag:s29], $0x1  }
0xb5: {  	[sflag:s29] =	ssyncadd.s32 $0xFFFFFFFF  }
0xb6: {  	_ =	strace $0x90000048  }
0xb7: {  	_ =	sfence  }
0xb8: {  	s30 =	sld [smem:$0x0];
	_ =	sdelay $0x2  }
0xb9: {  	s31 =	sshll.u32 s1, $0xD;
	s1 =	sshrl.u32 s1, $0x2  }
0xba: {  	s3 =	sand.u32 $0x4000, s31;
	s1 =	sadd.s32 s1, s30  }
0xbb: {  	s0 =	sor.u32 s3, s0;
	s1 =	sshll.u32 s1, $0x11  }
0xbc: {  	s0 =	sor.u32 s1, s0  }
0xbd: {  	s0 =	sadd.s32 $0x8F2B, s0  }
0xbe: {  	[sflag:s0] =	ssyncadd.remote.s32 $0x1  }
0xbf: {  	_ =	sfence.sel $0xFFFF  }
0xc0: {  	[dreg:$0x0] =	wrdreg $0xFFFFFFFF;
	(pc) =	sbr.abs _section_cstart, $3  }
0xc1: {  	[dreg:$0x1] =	wrdreg $0xFFFFFFFF  }
0xc2: {  	_ =	task.clear_ibuf [dreg:s7], $0x2FFFF;
	_ =	strace $0x9FFFFFFF  }
0xc3: {  	(tm) =	ssettm $0x7FFFFFFF  }
tec
execute0_lowered:
.L_overlay_start_1:
0x0: {  	(tag) =	ssettag $0x1  }
0x1: {  	s6 =	rddreg [dreg:$0x0]  }
0x2: {  	s1 =	rddreg [dreg:$0x1]  }
0x3: {  	s2 =	rddreg [dreg:$0x2];
	s3 =	srdreg.scid  }
0x4: {  	s0 =	rddreg [dreg:$0x3];
	s4 =	simm.s32 $0x0;
	s13 =	simm.s32 $0x50  }
0x5: {  	s14 =	simm.s32 $0x1;
	s7 =	sand.u32 $0x1, s3;
	s3 =	stileid.u32  }
0x6: {  	s15 =	simm.s32 $0x0;
	[smem:$0x7FF] =	sst s4;
	s5 =	smul.u32 $0x140000, s7  }
0x7: {  	s8 =	smul.u32 $0x14000, s3;
	_ =	strace $0x80000047;
	s9 =	sshll.u32 s3, $0xB  }
0x8: {  	s29 =	ssub.s32 $0x2, s7;
	s12 =	smul.u32 $0x50000, s3;
	s31 =	sshll.u32 s3, $0x6  }
0x9: {  	s7 =	sshll.u32 s7, $0xF;
	s9 =	sadd.s32 s9, s6;
	s11 =	sshrl.u32 s29, $0x1  }
0xa: {  	s5 =	sadd.s32 s8, s5;
	s11 =	ssub.s32 s29, s11;
	s30 =	sshrl.u32 s12, $0x2  }
0xb: {  	s7 =	sadd.s32 s7, s9;
	s10 =	sshrl.u32 s5, $0x3;
	s5 =	sadd.s32 $0x13000, s6  }
0xc: {  	s12 =	sadd.s32 s30, s2;
	s7 =	sadd.s32 $0x3000, s7;
	s9 =	smax.u32 s11, $0x1  }
0xd: {  	s11 =	simm.s32 $0x2;
	s10 =	sadd.s32 s10, s6;
	s6 =	sor.u32 $0x1C02, s31  }
0xe: {  	s8 =	sadd.s32 $0x13600, s10;
	s10 =	sshrl.u32 s12, $0x3;
	s12 =	simm.s32 $0x4000  }
.LBB2_1:
0xf: {  	[spmem:s10], [sflag:s6] =	dma.local [hbm:s1], $0x2800  }
0x10: {  	_ =	swait.ge [sflag:s11], $0x2800  }
0x11: {  	[sflag:s11] =	ssyncset.done $0x0  }
0x12: {  	[sflag:s11] =	ssyncadd.s32 $0xFFFFD800  }
0x13: {  	[tilespmem:s12], [sflag:$0x2] =	stream.linear.gather [hbm4b:s5+s4], $0x2800, $0x38;
	[tilespmem:$0x1A800] =	vst v63  }
0x14: {  	_ =	swait.ge [sflag:s11], $0x2800  }
0x15: {  	[sflag:s11] =	ssyncset.done $0x0  }
0x16: {  	[sflag:s11] =	ssyncadd.s32 $0xFFFFD800  }
0x17: {  	[tilespmem:s4], [sflag:$0x2] =	stream.linear.gather [hbm4b:s7+s4], $0x4000, $0x38;
	[tilespmem:$0x1A800] =	vst v63  }
0x18: {  	_ =	swait.ge [sflag:s11], $0x4000  }
0x19: {  	[sflag:s11] =	ssyncset.done $0x0  }
0x1a: {  	[sflag:s11] =	ssyncadd.s32 $0xFFFFC000  }
0x1b: {  	s16 =	simm.s32 $0x0;
	[bflag:$0x0] =	sbarrier.arrive $0xFFFF  }
.LBB2_2:
0x1c: {  	p0 =	sne.s32 s16, $0xFE00  }
.Ltmp0:
0x1d: {  	_ = 	snop;
	(pc) =	sbr.rel @p0 .LBB2_2-.Ltmp0, $3  }
0x1e: {  	_ =	sdelay $0x1  }
0x1f: {  	s17 =	sshra.s32 s16, $0x2;
	s16 =	sadd.s32 $0x200, s16  }
0x20: {  	[spmem:s2] =	stream.indirect.scatter.add.f32 [tilespmem:s12], [sflag:$0x1], $0x80, s17, s13, $0xb8;
	[tilespmem:$0x1A800] =	vst v63  }
0x21: {  	_ =	swait.ge [sflag:s14], $0x2800  }
0x22: {  	s16 =	simm.s32 $0x7F;
	[sflag:s14] =	ssyncset.done $0x0  }
.LBB2_4:
0x23: {  	p0 =	sne.s32 s16, $0x1;
	s16 =	sadd.s32 $0xFFFFFFFF, s16;
	[sflag:s14] =	ssyncadd.s32 $0xFFFFD800  }
.Ltmp1:
0x24: {  	(pc) =	sbr.rel @p0 .LBB2_4-.Ltmp1, $3  }
0x25: {  	_ =	sdelay $0x1  }
0x26: {  	_ =	swait.ge [sflag:s14], $0x2800  }
0x27: {  	[sflag:s14] =	ssyncset.done $0x0  }
0x28: {  	s15 =	sadd.s32 $0x1, s15  }
0x29: {  	[sflag:s14] =	ssyncadd.s32 $0xFFFFD800;
	p0 =	sne.s32 s15, s9  }
.Ltmp2:
0x2a: {  	[bflag:$0x0] =	sbarrier.arrive $0xFFFF;
	(pc) =	sbr.rel @p0 .LBB2_1-.Ltmp2, $4  }
0x2b: {  	[hbm:s8], [sflag:s6] =	dma.local [spmem:s10], $0x2800  }
0x2c: {  	_ =	swait.ge [sflag:s11], $0x2800  }
0x2d: {  	[sflag:s11] =	ssyncset.done $0x0  }
0x2e: {  	[sflag:s11] =	ssyncadd.s32 $0xFFFFD800  }
0x2f: {  	_ =	sfence.sel $0x180000  }
0x30: {  	[bflag:$0x0] =	sbarrier.arrive $0xFFFF  }
0x31: {  	p0 =	sne.s32 s3, $0x0;
	_ =	strace $0x90000047  }
0x32: {  	s0 =	sadd.s32 @!p0 $0x100000, s0;
	[bflag:$0x2] =	sbarrier.arrive $0xFFFF  }
0x33: {  	[sflag:s0] =	ssyncadd.tile.s32 @!p0 $0x1;
	_ =	shalt  }
.Lfunc_end2:
_tile_overlayer_lowered:
.L_overlay_start_2:
0x34: {  	(tag) =	ssettag $0x2  }
0x35: {  	s0 =	rddreg [dreg:$0x0];
	s2 =	stileid.u32  }
0x36: {  	s1 =	rddreg [dreg:$0x1];
	p0 =	sne.s32 s2, $0x0  }
0x37: {  	s3 =	rddreg [dreg:$0x2];
	[bflag:$0x3] =	sbarrier.arrive $0xFFFF;
	s2 =	simm.s32 @!p0 $0x1C02  }
0x38: {  	[timem:s3], [sflag:s2] =	dma.local @!p0 [hbm:s0], s1  }
0x39: {  	s0 =	simm.s32 @!p0 $0x2  }
0x3a: {  	_ =	swait.ge @!p0 [sflag:s0], s1  }
0x3b: {  	s1 =	ssub.s32 @!p0 $0x0, s1;
	[sflag:s0] =	ssyncset.done @!p0 $0x0  }
0x3c: {  	[sflag:s0] =	ssyncadd.s32 @!p0 s1  }
0x3d: {  	[bflag:$0x3] =	sbarrier.arrive $0xFFFF  }
0x3e: {  	_ =	shalt  }

// kernel: kernel.13.cloned.1.call-start
scs
__scs_entry_jumppad:
0x0: {  	(pc) =	sbr.rel $0x88, $3  }
0x1: {  	(tag) =	ssettag $0x0;
	lr =	simm.s32 $0x1  }
0x2: {  	[smem:$0x3F96] =	sst lr;
	_ =	strace $0xD0000000  }
0x3: {  	_ = 	snop  }
0x4: {  	_ = 	snop  }
0x5: {  	_ = 	snop  }
0x6: {  	_ = 	snop  }
0x7: {  	_ = 	snop  }
__scs_overlays_trampoline_lowered:
0x8: {  	[smem:$0x3FA5] =	sst s0  }
0x9: {  	[smem:$0x3FA6] =	sst s1  }
0xa: {  	[smem:$0x3FA7] =	sst s2  }
0xb: {  	[smem:$0x3FA8] =	sst s3  }
0xc: {  	[smem:$0x3FA9] =	sst s4  }
0xd: {  	[smem:$0x3FAA] =	sst s5  }
0xe: {  	[smem:$0x3FAB] =	sst s6  }
0xf: {  	[smem:$0x3FAC] =	sst s7  }
0x10: {  	[smem:$0x3FAD] =	sst s8  }
0x11: {  	[smem:$0x3FAE] =	sst s9;
	s0 =	simm.s32 @!p0 $0x0  }
0x12: {  	s1 =	sld [smem:$0x3F94];
	s0 =	simm.s32 @p0 $0x1  }
0x13: {  	[smem:$0x3FAF] =	sst s0;
	s0 =	simm.s32 @!p1 $0x0  }
0x14: {  	s2 =	sld [smem:$0x3F93];
	s0 =	simm.s32 @p1 $0x1  }
0x15: {  	[smem:$0x3FB0] =	sst s0;
	s0 =	simm.s32 @!p2 $0x0  }
0x16: {  	s3 =	sld [smem:$0x3FDB];
	s0 =	simm.s32 @p2 $0x1  }
0x17: {  	s4 =	simm.s32 $0x1BF5;
	[smem:$0x3FB2] =	sst s0  }
0x18: {  	s0 =	sld [smem:$0x3F95];
	_ =	swait.ge [sflag:s4], $0x0  }
0x19: {  	s7 =	sld [smem:$0x3F96]  }
0x1a: {  	s8 =	sadd.s32 $0xFFFFE003, lr  }
0x1b: {  	s9 =	sadd.s32 $0xFFFFFEF7, lr;
	s5 =	simm.s32 $0xFFFFFFFF;
	p2 =	slt.u32 s8, $0xFFFFF086  }
0x1c: {  	p1 =	slt.u32 s9, $0xF7A;
	s5 =	simm.s32 @!p2 $0x0  }
0x1d: {  	s5 =	simm.s32 @p1 $0x1;
	p0 =	seq.s32 s7, s2  }
0x1e: {  	s7 =	smul.u32 @!p0 $0xF7A, s2;
	p2 =	seq.s32 @!p0 s5, $0x0  }
0x1f: {  	s9 =	smul.u32 $0xF7A, s1;
	s8 =	simm.s32 @!p0 $0x1BF5;
	p2 =	por !p2, p0  }
0x20: {  	[sflag:s8] =	ssyncset.s32 @!p0 $0xFFFFF086;
	s6 =	sadd.s32 @!p0 s3, s7;
	s7 =	simm.s32 @!p0 $0x108  }
0x21: {  	s3 =	sadd.s32 s3, s9;
	s6 =	sadd.s32 @!p0 $0x88, s6;
	s7 =	simm.s32 @p2 $0x1082  }
0x22: {  	[simem:s7], [sflag:s8] =	dma.local @!p0 [hbm:s6], $0xF7A  }
0x23: {  	s9 =	sor.u32 $0xD0000000, s2;
	s6 =	simm.s32 $0x108;
	_ =	swait.ge @!p0 [sflag:s8], $0x0  }
0x24: {  	s3 =	sadd.s32 $0x88, s3;
	s6 =	simm.s32 @!p1 $0x1082;
	[sflag:s4] =	ssyncset.s32 $0xFFFFF086  }
0x25: {  	[simem:s6], [sflag:s4] =	dma.local [hbm:s3], $0xF7A  }
0x26: {  	[smem:$0x3F96] =	sst s1;
	(tag) =	ssettag s2;
	_ =	strace s9  }
0x27: {  	s1 =	sld [smem:$0x3FA6]  }
0x28: {  	s2 =	sld [smem:$0x3FA7]  }
0x29: {  	s4 =	sld [smem:$0x3FA9]  }
0x2a: {  	p0 =	seq.s32 s5, $0x0;
	s5 =	sld [smem:$0x3FAA]  }
0x2b: {  	s6 =	sld [smem:$0x3FAB]  }
0x2c: {  	s7 =	sld [smem:$0x3FAC]  }
0x2d: {  	s3 =	simm.s32 $0x108;
	s8 =	sld [smem:$0x3FAD]  }
0x2e: {  	s3 =	simm.s32 @!p0 $0x1082;
	s9 =	sld [smem:$0x3FAE]  }
0x2f: {  	lr =	sadd.s32 s0, s3;
	s0 =	sld [smem:$0x3FA5]  }
0x30: {  	s3 =	sld [smem:$0x3FA8]  }
0x31: {  	[smem:$0x3FB1] =	sst s10  }
0x32: {  	s10 =	sld [smem:$0x3FAF];
	_ =	sdelay $0x3  }
0x33: {  	p0 =	seq.s32 s10, $0x1;
	s10 =	sld [smem:$0x3FB1];
	_ =	sdelay $0x3  }
0x34: {  	[smem:$0x3FB1] =	sst s10  }
0x35: {  	s10 =	sld [smem:$0x3FB0];
	_ =	sdelay $0x3  }
0x36: {  	p1 =	seq.s32 s10, $0x1;
	s10 =	sld [smem:$0x3FB1];
	_ =	sdelay $0x3  }
0x37: {  	[smem:$0x3FB1] =	sst s10  }
0x38: {  	s10 =	sld [smem:$0x3FB2]  }
0x39: {  	_ = 	snop;
	(pc) =	sbr.ind lr, $3  }
0x3a: {  	_ = 	snop  }
0x3b: {  	_ = 	snop  }
0x3c: {  	p2 =	seq.s32 s10, $0x1;
	s10 =	sld [smem:$0x3FB1]  }
0x3d: {  	_ =	shalt  }
0x3e: {  	_ =	shalt  }
0x3f: {  	_ =	shalt  }
0x40: {  	_ =	shalt  }
0x41: {  	_ =	shalt  }
0x42: {  	_ =	shalt  }
0x43: {  	_ =	shalt  }
0x44: {  	_ =	shalt  }
0x45: {  	_ =	shalt  }
0x46: {  	_ =	shalt  }
0x47: {  	_ =	shalt  }
0x48: {  	_ =	shalt  }
0x49: {  	_ =	shalt  }
0x4a: {  	_ =	shalt  }
0x4b: {  	_ =	shalt  }
0x4c: {  	_ =	shalt  }
0x4d: {  	_ =	shalt  }
0x4e: {  	_ =	shalt  }
0x4f: {  	_ =	shalt  }
0x50: {  	_ =	shalt  }
0x51: {  	_ =	shalt  }
0x52: {  	_ =	shalt  }
0x53: {  	_ =	shalt  }
0x54: {  	_ =	shalt  }
0x55: {  	_ =	shalt  }
0x56: {  	_ =	shalt  }
0x57: {  	_ =	shalt  }
0x58: {  	_ =	shalt  }
0x59: {  	_ =	shalt  }
0x5a: {  	_ =	shalt  }
0x5b: {  	_ =	shalt  }
0x5c: {  	_ =	shalt  }
0x5d: {  	_ =	shalt  }
0x5e: {  	_ =	shalt  }
0x5f: {  	_ =	shalt  }
0x60: {  	_ =	shalt  }
0x61: {  	_ =	shalt  }
0x62: {  	_ =	shalt  }
0x63: {  	_ =	shalt  }
0x64: {  	_ =	shalt  }
0x65: {  	_ =	shalt  }
0x66: {  	_ =	shalt  }
0x67: {  	_ =	shalt  }
0x68: {  	_ =	shalt  }
0x69: {  	_ =	shalt  }
0x6a: {  	_ =	shalt  }
0x6b: {  	_ =	shalt  }
0x6c: {  	_ =	shalt  }
0x6d: {  	_ =	shalt  }
0x6e: {  	_ =	shalt  }
0x6f: {  	_ =	shalt  }
0x70: {  	_ =	shalt  }
0x71: {  	_ =	shalt  }
0x72: {  	_ =	shalt  }
0x73: {  	_ =	shalt  }
0x74: {  	_ =	shalt  }
0x75: {  	_ =	shalt  }
0x76: {  	_ =	shalt  }
0x77: {  	_ =	shalt  }
0x78: {  	_ =	shalt  }
0x79: {  	_ =	shalt  }
0x7a: {  	_ =	shalt  }
0x7b: {  	_ =	shalt  }
0x7c: {  	_ =	shalt  }
0x7d: {  	_ =	shalt  }
0x7e: {  	_ =	shalt  }
0x7f: {  	_ =	shalt  }
0x80: {  	_ =	shalt  }
0x81: {  	_ =	shalt  }
0x82: {  	_ =	shalt  }
0x83: {  	_ =	shalt  }
0x84: {  	_ =	shalt  }
0x85: {  	_ =	shalt  }
0x86: {  	_ =	shalt  }
0x87: {  	_ =	shalt  }
.Lfunc_end0:
.L_simem_size_0:
called_computation.1_lowered:
.L_overlay_start_0:
0x88: {  	s2 =	sld [smem:$0x3FD9]  }
0x89: {  	s3 =	sld [smem:$0x3FFE];
	_ =	sdelay $0x1  }
0x8a: {  	s1 =	srdreg.scid  }
0x8b: {  	s0 =	sand.u32 $0x1, s1  }
0x8c: {  	s17 =	sshll.u32 s0, $0xA;
	s2 =	sadd.s32 s3, s2  }
0x8d: {  	s2 =	sadd.s32 s2, s17  }
0x8e: {  	[smem:$0x3FBD] =	sst s2  }
0x8f: {  	_ = 	snop  }
0x90: {  	s2 =	sld [smem:$0x3FD0];
	(tm) =	ssettm $0x1  }
0x91: {  	s18 =	sld [smem:$0x3FFB];
	_ =	sdelay $0x3  }
0x92: {  	_ =	strace s18  }
0x93: {  	s3 =	sld [smem:$0x3FFC];
	_ =	sdelay $0x3  }
0x94: {  	_ =	strace s3  }
0x95: {  	s3 =	sld [smem:$0x3FFD];
	_ =	sdelay $0x3  }
0x96: {  	_ =	strace s3  }
0x97: {  	_ =	strace $0x8FFFFFFF  }
0x98: {  	s19 =	sld [smem:$0x3FDB];
	_ =	sdelay $0x1  }
0x99: {  	s4 =	simm.s32 $_scs_section_size  }
0x9a: {  	s5 =	simm.s32 $_size__tile_overlayer_lowered;
	s6 =	simm.s32 $_tile_overlayer_lowered  }
0x9b: {  	s22 =	simm.s32 $0x1BFF;
	s21 =	sshll.u32 s6, $0x1;
	s3 =	sadd.s32 s4, s19  }
0x9c: {  	s7 =	simm.s32 $0x0;
	s20 =	sshll.u32 s5, $0x1;
	s5 =	sadd.s32 s21, s3  }
0x9d: {  	[timem:s7], [sflag:s22] =	dma.local [hbm:s5], s20  }
0x9e: {  	_ =	swait.ge [sflag:s22], s20  }
0x9f: {  	s4 =	ssub.s32 $0x0, s20;
	[sflag:s22] =	ssyncset.done $0x0  }
0xa0: {  	[sflag:s22] =	ssyncadd.s32 s4;
	_ =	sdelay $0x1  }
0xa1: {  	s23 =	simm.s32 $0x1B8B  }
0xa2: {  	_ =	swait.ge [sflag:s23], $0x1  }
0xa3: {  	[sflag:s23] =	ssyncset.done $0x0  }
0xa4: {  	s25 =	simm.s32 $0x1B8E;
	s24 =	sld [smem:$0x3FFE];
	[sflag:s23] =	ssyncadd.s32 $0xFFFFFFFF  }
0xa5: {  	s26 =	simm.s32 $execute0_lowered;
	[smem:$0x3FD2] =	sst s25  }
0xa6: {  	s5 =	sshll.u32 s26, $0x1;
	_ =	strace $0x80000049;
	[dreg:$0x1] =	wrdreg $0xFFFFFFFF  }
0xa7: {  	s28 =	simm.s32 $_size_execute0_lowered;
	s3 =	sadd.s32 s3, s5;
	[dreg:$0x0] =	wrdreg $0x0  }
0xa8: {  	s5 =	sshll.u32 s28, $0x1;
	[dreg:$0x2] =	wrdreg s3  }
0xa9: {  	[dreg:$0x3] =	wrdreg s5  }
0xaa: {  	[dreg:$0x4] =	wrdreg $0xC0  }
0xab: {  	_ =	task [dreg:s7], $0x5FFFF  }
0xac: {  	[dreg:$0x1] =	wrdreg $0xFFFFFFFF  }
0xad: {  	[dreg:$0x0] =	wrdreg $0x60  }
0xae: {  	[dreg:$0x2] =	wrdreg s24  }
0xaf: {  	[dreg:$0x3] =	wrdreg s2  }
0xb0: {  	[dreg:$0x4] =	wrdreg $0xB0000  }
0xb1: {  	[dreg:$0x5] =	wrdreg $0x9  }
0xb2: {  	_ =	task.clear_ibuf [dreg:s7], $0x6FFFF;
	_ =	strace $0x90000049  }
0xb3: {  	s29 =	simm.s32 $0x9;
	_ =	strace $0x8000004B  }
0xb4: {  	_ =	swait.ge [sflag:s29], $0x1  }
0xb5: {  	[sflag:s29] =	ssyncadd.s32 $0xFFFFFFFF  }
0xb6: {  	_ =	strace $0x9000004B  }
0xb7: {  	_ =	sfence  }
0xb8: {  	s30 =	sld [smem:$0x0];
	_ =	sdelay $0x2  }
0xb9: {  	s31 =	sshll.u32 s1, $0xD;
	s1 =	sshrl.u32 s1, $0x2  }
0xba: {  	s3 =	sand.u32 $0x4000, s31;
	s1 =	sadd.s32 s1, s30  }
0xbb: {  	s0 =	sor.u32 s3, s0;
	s1 =	sshll.u32 s1, $0x11  }
0xbc: {  	s0 =	sor.u32 s1, s0  }
0xbd: {  	s0 =	sadd.s32 $0x8F2B, s0  }
0xbe: {  	[sflag:s0] =	ssyncadd.remote.s32 $0x1  }
0xbf: {  	_ =	sfence.sel $0xFFFF  }
0xc0: {  	[dreg:$0x0] =	wrdreg $0xFFFFFFFF;
	(pc) =	sbr.abs _section_cstart, $3  }
0xc1: {  	[dreg:$0x1] =	wrdreg $0xFFFFFFFF  }
0xc2: {  	_ =	task.clear_ibuf [dreg:s7], $0x2FFFF;
	_ =	strace $0x9FFFFFFF  }
0xc3: {  	(tm) =	ssettm $0x7FFFFFFF  }
tec
execute0_lowered:
.L_overlay_start_1:
0x0: {  	(tag) =	ssettag $0x1  }
0x1: {  	s0 =	rddreg [dreg:$0x0];
	s1 =	srdreg.scid  }
0x2: {  	s3 =	rddreg [dreg:$0x2];
	s9 =	stileid.u32  }
0x3: {  	s4 =	simm.s32 $0x0;
	s14 =	simm.s32 $0x6;
	s16 =	simm.s32 $0x50  }
0x4: {  	s17 =	simm.s32 $0x1000;
	s19 =	simm.s32 $0x3800;
	s21 =	simm.s32 $0x6000  }
0x5: {  	s22 =	simm.s32 $0x2;
	s28 =	simm.s32 $0x0;
	s1 =	sand.u32 $0x1, s1  }
0x6: {  	s6 =	smul.u32 $0x14000, s9;
	[smem:$0x7FF] =	sst s4;
	s5 =	sadd.s32 $0x73600, s0  }
0x7: {  	s12 =	sadd.s32 $0x63600, s0;
	s11 =	sadd.s32 $0x3000, s0;
	s24 =	smul.u32 $0x50000, s9  }
0x8: {  	s8 =	sshll.u32 s9, $0xE;
	s25 =	sshll.u32 s9, $0x6;
	s2 =	smul.u32 $0x140000, s1  }
0x9: {  	_ =	strace $0x8000004A;
	s23 =	ssub.s32 $0x2, s1;
	s1 =	sshll.u32 s1, $0x12  }
0xa: {  	s7 =	sshrl.u32 s23, $0x1;
	s1 =	sor.u32 s8, s1;
	s2 =	sadd.s32 s6, s2  }
0xb: {  	s6 =	sshrl.u32 s24, $0x2;
	s8 =	sshrl.u32 s1, $0x3;
	s1 =	sor.u32 $0x400, s1  }
0xc: {  	s24 =	simm.s32 $0x3;
	s2 =	sshrl.u32 s2, $0x3;
	s13 =	sadd.s32 s6, s3  }
0xd: {  	s6 =	sor.u32 $0x1C06, s25;
	s26 =	sadd.s32 s12, s8;
	s29 =	sadd.s32 s11, s8  }
0xe: {  	s30 =	sshrl.u32 s1, $0x3;
	s25 =	simm.s32 $0x4;
	[dreg:$0x4] =	wrdreg s26  }
0xf: {  	s0 =	sadd.s32 s2, s0;
	s2 =	ssub.s32 s23, s7;
	[dreg:$0x5] =	wrdreg s29  }
0x10: {  	s11 =	sadd.s32 s30, s11;
	s12 =	sadd.s32 s30, s12;
	s0 =	sadd.s32 $0x9A800, s0  }
0x11: {  	s13 =	sshrl.u32 s13, $0x3;
	s31 =	smax.u32 s2, $0x1;
	[dreg:$0x6] =	wrdreg s0  }
0x12: {  	s23 =	simm.s32 $0x8800;
	s26 =	simm.s32 $0x5;
	[dreg:$0x7] =	wrdreg s31  }
.LBB2_1:
0x13: {  	s0 =	rddreg [dreg:$0x1]  }
0x14: {  	[spmem:s13], [sflag:s6] =	dma.local [hbm:s0], $0x2800  }
0x15: {  	_ =	swait.ge [sflag:s14], $0x2800  }
0x16: {  	[sflag:s14] =	ssyncset.done $0x0  }
0x17: {  	s18 =	rddreg [dreg:$0x4];
	[sflag:s14] =	ssyncadd.s32 $0xFFFFD800  }
0x18: {  	[tilespmem:s4], [sflag:$0x6] =	stream.linear.gather [hbm4b:s18+s4], $0x400, $0x38;
	[tilespmem:$0x1F000] =	vst v63  }
0x19: {  	_ =	swait.ge [sflag:s14], $0x400  }
0x1a: {  	[sflag:s14] =	ssyncset.done $0x0  }
0x1b: {  	s1 =	simm.s32 $0x800;
	s20 =	rddreg [dreg:$0x5];
	[sflag:s14] =	ssyncadd.s32 $0xFFFFFC00  }
0x1c: {  	[tilespmem:s1], [sflag:$0x6] =	stream.linear.gather [hbm4b:s20+s4], $0x400, $0x38;
	[tilespmem:$0x1F000] =	vst v63  }
0x1d: {  	_ =	swait.ge [sflag:s14], $0x400  }
0x1e: {  	[sflag:s14] =	ssyncset.done $0x0  }
0x1f: {  	[sflag:s14] =	ssyncadd.s32 $0xFFFFFC00  }
0x20: {  	s8 =	sand.u32 $0x1, s4;
	[bflag:$0x0] =	sbarrier.arrive $0xFFFF  }
0x21: {  	[tilespmem:s17], [sflag:$0x2] =	stream.indirect.gather [hbm4b:s5+s16], $0x80, s4, s16, $0xb8;
	[tilespmem:$0x1F000] =	vst v63  }
0x22: {  	s2 =	simm.s32 $0x80;
	p0 =	por $0x0, $0x0;
	s9 =	sshll.u32 s8, $0x3  }
0x23: {  	[tilespmem:s19], [sflag:$0x3] =	stream.indirect.gather [hbm4b:s5+s16], $0x80, s2, s16, $0xb8;
	[tilespmem:$0x1F000] =	vst v63  }
0x24: {  	s7 =	simm.s32 $0x100;
	p0 =	por p0, p0;
	s1 =	sxor.u32 $0x8, s9  }
0x25: {  	[tilespmem:s21], [sflag:$0x4] =	stream.indirect.gather [hbm4b:s5+s16], $0x80, s7, s16, $0xb8;
	[tilespmem:$0x1F000] =	vst v63  }
0x26: {  	s1 =	sshll.u32 @!p0 s1, $0x7;
	s2 =	simm.s32 @!p0 $0x0  }
0x27: {  	[tilespmem:s1], [sflag:$0x1] =	stream.linear.gather @!p0 [hbm4b:s12+s2], $0x400, $0x38;
	[tilespmem:$0x1F000] =	vst v63  }
0x28: {  	s15 =	sor.u32 @!p0 $0x800, s1  }
0x29: {  	[tilespmem:s15], [sflag:$0x1] =	stream.linear.gather @!p0 [hbm4b:s11+s2], $0x400, $0x38;
	[tilespmem:$0x1F000] =	vst v63  }
0x2a: {  	_ =	swait.ge [sflag:s22], $0x2800  }
0x2b: {  	s0 =	sshll.u32 s8, $0xA;
	[sflag:s22] =	ssyncset.done $0x0  }
0x2c: {  	s10 =	sor.u32 $0x180, s0;
	[sflag:s22] =	ssyncadd.s32 $0xFFFFD800  }
0x2d: {  	[tilespmem:s23], [sflag:$0x5] =	stream.indirect.gather [hbm4b:s5+s16], $0x80, s10, s16, $0xb8;
	[tilespmem:$0x1F000] =	vst v63  }
0x2e: {  	s15 =	sor.u32 $0x800, s0  }
0x2f: {  	[spmem:s3] =	stream.indirect.scatter.add.f32 [tilespmem:s17], [sflag:$0x6], $0x80, s15, s16, $0xb8;
	[tilespmem:$0x1F000] =	vst v63  }
0x30: {  	_ =	swait.ge [sflag:s14], $0x2800  }
0x31: {  	[sflag:s14] =	ssyncset.done $0x0  }
0x32: {  	[sflag:s14] =	ssyncadd.s32 $0xFFFFD800  }
0x33: {  	_ =	swait.ge [sflag:s24], $0x2800  }
0x34: {  	[sflag:s24] =	ssyncset.done $0x0  }
0x35: {  	s18 =	sor.u32 $0x200, s0;
	[sflag:s24] =	ssyncadd.s32 $0xFFFFD800  }
0x36: {  	[tilespmem:s17], [sflag:$0x2] =	stream.indirect.gather [hbm4b:s5+s16], $0x80, s18, s16, $0xb8;
	[tilespmem:$0x1F000] =	vst v63  }
0x37: {  	s20 =	sor.u32 $0x880, s0  }
0x38: {  	[spmem:s3] =	stream.indirect.scatter.add.f32 [tilespmem:s19], [sflag:$0x6], $0x80, s20, s16, $0xb8;
	[tilespmem:$0x1F000] =	vst v63  }
0x39: {  	_ =	swait.ge [sflag:s14], $0x2800  }
0x3a: {  	[sflag:s14] =	ssyncset.done $0x0  }
0x3b: {  	[sflag:s14] =	ssyncadd.s32 $0xFFFFD800  }
0x3c: {  	_ =	swait.ge [sflag:s25], $0x2800  }
0x3d: {  	[sflag:s25] =	ssyncset.done $0x0  }
0x3e: {  	s2 =	sor.u32 $0x280, s0;
	[sflag:s25] =	ssyncadd.s32 $0xFFFFD800  }
0x3f: {  	[tilespmem:s19], [sflag:$0x3] =	stream.indirect.gather [hbm4b:s5+s16], $0x80, s2, s16, $0xb8;
	[tilespmem:$0x1F000] =	vst v63  }
0x40: {  	s7 =	sor.u32 $0x900, s0  }
0x41: {  	[spmem:s3] =	stream.indirect.scatter.add.f32 [tilespmem:s21], [sflag:$0x6], $0x80, s7, s16, $0xb8;
	[tilespmem:$0x1F000] =	vst v63  }
0x42: {  	_ =	swait.ge [sflag:s14], $0x2800  }
0x43: {  	[sflag:s14] =	ssyncset.done $0x0  }
0x44: {  	[sflag:s14] =	ssyncadd.s32 $0xFFFFD800  }
0x45: {  	_ =	swait.ge [sflag:s26], $0x2800  }
0x46: {  	[sflag:s26] =	ssyncset.done $0x0  }
0x47: {  	s8 =	sor.u32 $0x300, s0;
	[sflag:s26] =	ssyncadd.s32 $0xFFFFD800  }
0x48: {  	[tilespmem:s21], [sflag:$0x4] =	stream.indirect.gather [hbm4b:s5+s16], $0x80, s8, s16, $0xb8;
	[tilespmem:$0x1F000] =	vst v63  }
0x49: {  	s18 =	sor.u32 $0x980, s0  }
0x4a: {  	[spmem:s3] =	stream.indirect.scatter.add.f32 [tilespmem:s23], [sflag:$0x6], $0x80, s18, s16, $0xb8;
	[tilespmem:$0x1F000] =	vst v63  }
0x4b: {  	_ =	swait.ge [sflag:s14], $0x2800  }
0x4c: {  	[sflag:s14] =	ssyncset.done $0x0  }
0x4d: {  	[sflag:s14] =	ssyncadd.s32 $0xFFFFD800  }
0x4e: {  	_ =	swait.ge [sflag:s22], $0x2800  }
0x4f: {  	[sflag:s22] =	ssyncset.done $0x0  }
0x50: {  	s9 =	sor.u32 $0x380, s0;
	[sflag:s22] =	ssyncadd.s32 $0xFFFFD800  }
0x51: {  	[tilespmem:s23], [sflag:$0x5] =	stream.indirect.gather [hbm4b:s5+s16], $0x80, s9, s16, $0xb8;
	[tilespmem:$0x1F000] =	vst v63  }
0x52: {  	s20 =	sor.u32 $0xA00, s0  }
0x53: {  	[spmem:s3] =	stream.indirect.scatter.add.f32 [tilespmem:s17], [sflag:$0x6], $0x80, s20, s16, $0xb8;
	[tilespmem:$0x1F000] =	vst v63  }
0x54: {  	_ =	swait.ge [sflag:s14], $0x2800  }
0x55: {  	[sflag:s14] =	ssyncset.done $0x0  }
0x56: {  	[sflag:s14] =	ssyncadd.s32 $0xFFFFD800  }
0x57: {  	_ =	swait.ge [sflag:s24], $0x2800  }
0x58: {  	s30 =	simm.s32 @p0 $0x50;
	[sflag:s24] =	ssyncset.done $0x0  }
0x59: {  	s29 =	sor.u32 @p0 $0x800, s2;
	s20 =	simm.s32 @p0 $0x3800;
	[sflag:s24] =	ssyncadd.s32 $0xFFFFD800  }
0x5a: {  	[spmem:s3] =	stream.indirect.scatter.add.f32 @p0 [tilespmem:s20], [sflag:$0x6], $0x80, s29, s30, $0xb8;
	[tilespmem:$0x1F000] =	vst v63  }
0x5b: {  	s20 =	simm.s32 @p0 $0x6  }
0x5c: {  	_ =	swait.ge @p0 [sflag:s20], $0x2800  }
0x5d: {  	[sflag:s20] =	ssyncset.done @p0 $0x0  }
0x5e: {  	[sflag:s20] =	ssyncadd.s32 @p0 $0xFFFFD800;
	s20 =	simm.s32 @p0 $0x4  }
0x5f: {  	_ =	swait.ge @p0 [sflag:s20], $0x2800  }
0x60: {  	[sflag:s20] =	ssyncset.done @p0 $0x0  }
0x61: {  	[sflag:s20] =	ssyncadd.s32 @p0 $0xFFFFD800;
	s20 =	simm.s32 @!p0 $0x1  }
0x62: {  	_ =	swait.ge @!p0 [sflag:s20], $0x400  }
0x63: {  	[sflag:s20] =	ssyncset.done @!p0 $0x0  }
0x64: {  	[sflag:s20] =	ssyncadd.s32 @!p0 $0xFFFFFC00  }
0x65: {  	_ =	swait.ge @!p0 [sflag:s20], $0x400  }
0x66: {  	[sflag:s20] =	ssyncset.done @!p0 $0x0  }
0x67: {  	s29 =	simm.s32 @!p0 $0x1000;
	[sflag:s20] =	ssyncadd.s32 @!p0 $0xFFFFFC00;
	s20 =	simm.s32 @!p0 $0x50  }
0x68: {  	[tilespmem:s29], [sflag:$0x2] =	stream.indirect.gather @!p0 [hbm4b:s5+s20], $0x80, s1, s20, $0xb8;
	[tilespmem:$0x1F000] =	vst v63  }
0x69: {  	s1 =	sor.u32 @!p0 $0x800, s2;
	s2 =	simm.s32 @!p0 $0x3800  }
0x6a: {  	[spmem:s3] =	stream.indirect.scatter.add.f32 @!p0 [tilespmem:s2], [sflag:$0x6], $0x80, s1, s20, $0xb8;
	[tilespmem:$0x1F000] =	vst v63  }
0x6b: {  	s1 =	simm.s32 @!p0 $0x6  }
0x6c: {  	_ =	swait.ge @!p0 [sflag:s1], $0x2800  }
0x6d: {  	[sflag:s1] =	ssyncset.done @!p0 $0x0  }
0x6e: {  	[sflag:s1] =	ssyncadd.s32 @!p0 $0xFFFFD800;
	s1 =	simm.s32 @!p0 $0x4  }
0x6f: {  	_ =	swait.ge @!p0 [sflag:s1], $0x2800  }
0x70: {  	[sflag:s1] =	ssyncset.done @!p0 $0x0  }
0x71: {  	[sflag:s1] =	ssyncadd.s32 @!p0 $0xFFFFD800;
	s1 =	ssub.s32 @!p0 $0x480, s0  }
0x72: {  	[tilespmem:s2], [sflag:$0x3] =	stream.indirect.gather @!p0 [hbm4b:s5+s20], $0x80, s1, s20, $0xb8;
	[tilespmem:$0x1F000] =	vst v63  }
0x73: {  	s10 =	sor.u32 $0x800, s8  }
0x74: {  	[spmem:s3] =	stream.indirect.scatter.add.f32 [tilespmem:s21], [sflag:$0x6], $0x80, s10, s16, $0xb8;
	[tilespmem:$0x1F000] =	vst v63  }
0x75: {  	_ =	swait.ge [sflag:s14], $0x2800  }
0x76: {  	[sflag:s14] =	ssyncset.done $0x0  }
0x77: {  	[sflag:s14] =	ssyncadd.s32 $0xFFFFD800  }
0x78: {  	p6 =	por $0x0, $0x0;
	_ =	swait.ge [sflag:s26], $0x2800  }
0x79: {  	s31 =	sadd.s32 $0x80, s11;
	s15 =	simm.s32 $0x1;
	[sflag:s26] =	ssyncset.done $0x0  }
0x7a: {  	s0 =	ssub.s32 @!p0 $0x500, s0;
	s1 =	simm.s32 @!p0 $0x6000;
	[sflag:s26] =	ssyncadd.s32 $0xFFFFD800  }
0x7b: {  	[tilespmem:s1], [sflag:$0x4] =	stream.indirect.gather @!p0 [hbm4b:s5+s20], $0x80, s0, s20, $0xb8;
	[tilespmem:$0x1F000] =	vst v63  }
0x7c: {  	s18 =	sor.u32 $0x800, s9;
	s30 =	sadd.s32 $0x80, s12;
	s0 =	simm.s32 $0x2  }
0x7d: {  	[spmem:s3] =	stream.indirect.scatter.add.f32 [tilespmem:s23], [sflag:$0x6], $0x80, s18, s16, $0xb8;
	[tilespmem:$0x1F000] =	vst v63  }
0x7e: {  	p0 =	por p6, p6;
	s20 =	sand.u32 $0x1, s15;
	_ =	swait.ge [sflag:s14], $0x2800  }
0x7f: {  	s1 =	sshll.u32 s20, $0x3;
	s29 =	sshll.u32 s20, $0xA;
	[sflag:s14] =	ssyncset.done $0x0  }
.LBB2_2:
0x80: {  	p1 =	seq.s32 s0, $0xF  }
0x81: {  	s2 =	sxor.u32 $0x8, s1;
	[sflag:s14] =	ssyncadd.s32 $0xFFFFD800;
	s1 =	smov.u32 s0  }
0x82: {  	s0 =	sadd.s32 $0x1, s0;
	s15 =	simm.s32 @!p0 $0x0;
	s2 =	sshll.u32 @!p0 s2, $0x7  }
0x83: {  	[tilespmem:s2], [sflag:$0x1] =	stream.linear.gather @!p0 [hbm4b:s30+s15], $0x400, $0x38;
	[tilespmem:$0x1F000] =	vst v63  }
0x84: {  	p2 =	sne.s32 s0, $0x10;
	s18 =	sor.u32 @!p0 $0x800, s2  }
0x85: {  	[tilespmem:s18], [sflag:$0x1] =	stream.linear.gather @!p0 [hbm4b:s31+s15], $0x400, $0x38;
	[tilespmem:$0x1F000] =	vst v63  }
0x86: {  	_ =	swait.ge [sflag:s22], $0x2800  }
0x87: {  	[sflag:s22] =	ssyncset.done $0x0  }
0x88: {  	s15 =	sor.u32 $0x180, s29;
	[sflag:s22] =	ssyncadd.s32 $0xFFFFD800  }
0x89: {  	[tilespmem:s23], [sflag:$0x5] =	stream.indirect.gather [hbm4b:s5+s16], $0x80, s15, s16, $0xb8;
	[tilespmem:$0x1F000] =	vst v63  }
0x8a: {  	s15 =	sor.u32 $0x800, s29  }
0x8b: {  	[spmem:s3] =	stream.indirect.scatter.add.f32 [tilespmem:s17], [sflag:$0x6], $0x80, s15, s16, $0xb8;
	[tilespmem:$0x1F000] =	vst v63  }
0x8c: {  	_ =	swait.ge [sflag:s14], $0x2800  }
0x8d: {  	[sflag:s14] =	ssyncset.done $0x0  }
0x8e: {  	[sflag:s14] =	ssyncadd.s32 $0xFFFFD800  }
0x8f: {  	_ =	swait.ge [sflag:s24], $0x2800  }
0x90: {  	[sflag:s24] =	ssyncset.done $0x0  }
0x91: {  	s15 =	sor.u32 $0x200, s29;
	[sflag:s24] =	ssyncadd.s32 $0xFFFFD800  }
0x92: {  	[tilespmem:s17], [sflag:$0x2] =	stream.indirect.gather [hbm4b:s5+s16], $0x80, s15, s16, $0xb8;
	[tilespmem:$0x1F000] =	vst v63  }
0x93: {  	s15 =	sor.u32 $0x880, s29  }
0x94: {  	[spmem:s3] =	stream.indirect.scatter.add.f32 [tilespmem:s19], [sflag:$0x6], $0x80, s15, s16, $0xb8;
	[tilespmem:$0x1F000] =	vst v63  }
0x95: {  	_ =	swait.ge [sflag:s14], $0x2800  }
0x96: {  	[sflag:s14] =	ssyncset.done $0x0  }
0x97: {  	[sflag:s14] =	ssyncadd.s32 $0xFFFFD800  }
0x98: {  	_ =	swait.ge [sflag:s25], $0x2800  }
0x99: {  	[sflag:s25] =	ssyncset.done $0x0  }
0x9a: {  	s20 =	sor.u32 $0x280, s29;
	[sflag:s25] =	ssyncadd.s32 $0xFFFFD800  }
0x9b: {  	[tilespmem:s19], [sflag:$0x3] =	stream.indirect.gather [hbm4b:s5+s16], $0x80, s20, s16, $0xb8;
	[tilespmem:$0x1F000] =	vst v63  }
0x9c: {  	s15 =	sor.u32 $0x900, s29  }
0x9d: {  	[spmem:s3] =	stream.indirect.scatter.add.f32 [tilespmem:s21], [sflag:$0x6], $0x80, s15, s16, $0xb8;
	[tilespmem:$0x1F000] =	vst v63  }
0x9e: {  	_ =	swait.ge [sflag:s14], $0x2800  }
0x9f: {  	[sflag:s14] =	ssyncset.done $0x0  }
0xa0: {  	[sflag:s14] =	ssyncadd.s32 $0xFFFFD800  }
0xa1: {  	_ =	swait.ge [sflag:s26], $0x2800  }
0xa2: {  	[sflag:s26] =	ssyncset.done $0x0  }
0xa3: {  	s18 =	sor.u32 $0x300, s29;
	[sflag:s26] =	ssyncadd.s32 $0xFFFFD800  }
0xa4: {  	[tilespmem:s21], [sflag:$0x4] =	stream.indirect.gather [hbm4b:s5+s16], $0x80, s18, s16, $0xb8;
	[tilespmem:$0x1F000] =	vst v63  }
0xa5: {  	s15 =	sor.u32 $0x980, s29  }
0xa6: {  	[spmem:s3] =	stream.indirect.scatter.add.f32 [tilespmem:s23], [sflag:$0x6], $0x80, s15, s16, $0xb8;
	[tilespmem:$0x1F000] =	vst v63  }
0xa7: {  	_ =	swait.ge [sflag:s14], $0x2800  }
0xa8: {  	[sflag:s14] =	ssyncset.done $0x0  }
0xa9: {  	[sflag:s14] =	ssyncadd.s32 $0xFFFFD800  }
0xaa: {  	_ =	swait.ge [sflag:s22], $0x2800  }
0xab: {  	[sflag:s22] =	ssyncset.done $0x0  }
0xac: {  	s15 =	sor.u32 $0x380, s29;
	[sflag:s22] =	ssyncadd.s32 $0xFFFFD800  }
0xad: {  	[tilespmem:s23], [sflag:$0x5] =	stream.indirect.gather [hbm4b:s5+s16], $0x80, s15, s16, $0xb8;
	[tilespmem:$0x1F000] =	vst v63  }
0xae: {  	s7 =	sor.u32 $0xA00, s29  }
0xaf: {  	[spmem:s3] =	stream.indirect.scatter.add.f32 [tilespmem:s17], [sflag:$0x6], $0x80, s7, s16, $0xb8;
	[tilespmem:$0x1F000] =	vst v63  }
0xb0: {  	_ =	swait.ge [sflag:s14], $0x2800  }
0xb1: {  	[sflag:s14] =	ssyncset.done $0x0  }
0xb2: {  	[sflag:s14] =	ssyncadd.s32 $0xFFFFD800  }
0xb3: {  	_ =	swait.ge [sflag:s24], $0x2800  }
0xb4: {  	s8 =	simm.s32 @p0 $0x6;
	s7 =	simm.s32 @p0 $0x3800;
	[sflag:s24] =	ssyncset.done $0x0  }
0xb5: {  	s10 =	simm.s32 @p0 $0x50;
	s9 =	sor.u32 @p0 $0x800, s20;
	[sflag:s24] =	ssyncadd.s32 $0xFFFFD800  }
0xb6: {  	[spmem:s3] =	stream.indirect.scatter.add.f32 @p0 [tilespmem:s7], [sflag:$0x6], $0x80, s9, s10, $0xb8;
	[tilespmem:$0x1F000] =	vst v63  }
0xb7: {  	_ =	swait.ge @p0 [sflag:s8], $0x2800  }
0xb8: {  	[sflag:s8] =	ssyncset.done @p0 $0x0  }
0xb9: {  	s7 =	simm.s32 @p0 $0x4;
	[sflag:s8] =	ssyncadd.s32 @p0 $0xFFFFD800  }
0xba: {  	_ =	swait.ge @p0 [sflag:s7], $0x2800  }
0xbb: {  	[sflag:s7] =	ssyncset.done @p0 $0x0  }
0xbc: {  	[sflag:s7] =	ssyncadd.s32 @p0 $0xFFFFD800;
	s7 =	simm.s32 @!p0 $0x1  }
0xbd: {  	_ =	swait.ge @!p0 [sflag:s7], $0x400  }
0xbe: {  	[sflag:s7] =	ssyncset.done @!p0 $0x0  }
0xbf: {  	[sflag:s7] =	ssyncadd.s32 @!p0 $0xFFFFFC00  }
0xc0: {  	_ =	swait.ge @!p0 [sflag:s7], $0x400  }
0xc1: {  	[sflag:s7] =	ssyncset.done @!p0 $0x0  }
0xc2: {  	s8 =	simm.s32 @!p0 $0x1000;
	[sflag:s7] =	ssyncadd.s32 @!p0 $0xFFFFFC00;
	s7 =	simm.s32 @!p0 $0x50  }
0xc3: {  	[tilespmem:s8], [sflag:$0x2] =	stream.indirect.gather @!p0 [hbm4b:s5+s7], $0x80, s2, s7, $0xb8;
	[tilespmem:$0x1F000] =	vst v63  }
0xc4: {  	s9 =	simm.s32 @!p0 $0x6;
	s2 =	sor.u32 @!p0 $0x800, s20;
	s8 =	simm.s32 @!p0 $0x3800  }
0xc5: {  	[spmem:s3] =	stream.indirect.scatter.add.f32 @!p0 [tilespmem:s8], [sflag:$0x6], $0x80, s2, s7, $0xb8;
	[tilespmem:$0x1F000] =	vst v63  }
0xc6: {  	_ =	swait.ge @!p0 [sflag:s9], $0x2800  }
0xc7: {  	[sflag:s9] =	ssyncset.done @!p0 $0x0  }
0xc8: {  	s2 =	simm.s32 @!p0 $0x4;
	[sflag:s9] =	ssyncadd.s32 @!p0 $0xFFFFD800  }
0xc9: {  	_ =	swait.ge @!p0 [sflag:s2], $0x2800  }
0xca: {  	[sflag:s2] =	ssyncset.done @!p0 $0x0  }
0xcb: {  	[sflag:s2] =	ssyncadd.s32 @!p0 $0xFFFFD800;
	s2 =	ssub.s32 @!p0 $0x480, s29  }
0xcc: {  	[tilespmem:s8], [sflag:$0x3] =	stream.indirect.gather @!p0 [hbm4b:s5+s7], $0x80, s2, s7, $0xb8;
	[tilespmem:$0x1F000] =	vst v63  }
0xcd: {  	s2 =	sor.u32 $0x800, s18  }
0xce: {  	[spmem:s3] =	stream.indirect.scatter.add.f32 [tilespmem:s21], [sflag:$0x6], $0x80, s2, s16, $0xb8;
	[tilespmem:$0x1F000] =	vst v63  }
0xcf: {  	_ =	swait.ge [sflag:s14], $0x2800  }
0xd0: {  	[sflag:s14] =	ssyncset.done $0x0  }
0xd1: {  	[sflag:s14] =	ssyncadd.s32 $0xFFFFD800  }
0xd2: {  	_ =	swait.ge [sflag:s26], $0x2800  }
0xd3: {  	[sflag:s26] =	ssyncset.done $0x0  }
0xd4: {  	s8 =	simm.s32 @!p0 $0x6000;
	s2 =	ssub.s32 @!p0 $0x500, s29;
	[sflag:s26] =	ssyncadd.s32 $0xFFFFD800  }
0xd5: {  	[tilespmem:s8], [sflag:$0x4] =	stream.indirect.gather @!p0 [hbm4b:s5+s7], $0x80, s2, s7, $0xb8;
	[tilespmem:$0x1F000] =	vst v63  }
.Ltmp0:
0xd6: {  	_ = 	snop;
	(pc) =	sbr.rel @p2 .LBB2_2-.Ltmp0, $4  }
0xd7: {  	s30 =	sadd.s32 $0x80, s30;
	s2 =	sor.u32 $0x800, s15;
	p0 =	por p1, p1  }
0xd8: {  	[spmem:s3] =	stream.indirect.scatter.add.f32 [tilespmem:s23], [sflag:$0x6], $0x80, s2, s16, $0xb8;
	[tilespmem:$0x1F000] =	vst v63  }
0xd9: {  	s31 =	sadd.s32 $0x80, s31;
	s2 =	sand.u32 $0x1, s1;
	_ =	swait.ge [sflag:s14], $0x2800  }
0xda: {  	s1 =	sshll.u32 s2, $0x3;
	s29 =	sshll.u32 s2, $0xA;
	[sflag:s14] =	ssyncset.done $0x0  }
0xdb: {  	s0 =	sxor.u32 $0x8, s1  }
0xdc: {  	[sflag:s14] =	ssyncadd.s32 $0xFFFFD800;
	s1 =	simm.s32 @!p0 $0x0;
	s0 =	sshll.u32 @!p0 s0, $0x7  }
0xdd: {  	[tilespmem:s0], [sflag:$0x1] =	stream.linear.gather @!p0 [hbm4b:s30+s1], $0x400, $0x38;
	[tilespmem:$0x1F000] =	vst v63  }
0xde: {  	s2 =	sor.u32 @!p0 $0x800, s0  }
0xdf: {  	[tilespmem:s2], [sflag:$0x1] =	stream.linear.gather @!p0 [hbm4b:s31+s1], $0x400, $0x38;
	[tilespmem:$0x1F000] =	vst v63  }
0xe0: {  	_ =	swait.ge [sflag:s22], $0x2800  }
0xe1: {  	[sflag:s22] =	ssyncset.done $0x0  }
0xe2: {  	s10 =	sor.u32 $0x180, s29;
	[sflag:s22] =	ssyncadd.s32 $0xFFFFD800  }
0xe3: {  	[tilespmem:s23], [sflag:$0x5] =	stream.indirect.gather [hbm4b:s5+s16], $0x80, s10, s16, $0xb8;
	[tilespmem:$0x1F000] =	vst v63  }
0xe4: {  	s15 =	sor.u32 $0x800, s29  }
0xe5: {  	[spmem:s3] =	stream.indirect.scatter.add.f32 [tilespmem:s17], [sflag:$0x6], $0x80, s15, s16, $0xb8;
	[tilespmem:$0x1F000] =	vst v63  }
0xe6: {  	_ =	swait.ge [sflag:s14], $0x2800  }
0xe7: {  	[sflag:s14] =	ssyncset.done $0x0  }
0xe8: {  	[sflag:s14] =	ssyncadd.s32 $0xFFFFD800  }
0xe9: {  	_ =	swait.ge [sflag:s24], $0x2800  }
0xea: {  	[sflag:s24] =	ssyncset.done $0x0  }
0xeb: {  	s18 =	sor.u32 $0x200, s29;
	[sflag:s24] =	ssyncadd.s32 $0xFFFFD800  }
0xec: {  	[tilespmem:s17], [sflag:$0x2] =	stream.indirect.gather [hbm4b:s5+s16], $0x80, s18, s16, $0xb8;
	[tilespmem:$0x1F000] =	vst v63  }
0xed: {  	s20 =	sor.u32 $0x880, s29  }
0xee: {  	[spmem:s3] =	stream.indirect.scatter.add.f32 [tilespmem:s19], [sflag:$0x6], $0x80, s20, s16, $0xb8;
	[tilespmem:$0x1F000] =	vst v63  }
0xef: {  	_ =	swait.ge [sflag:s14], $0x2800  }
0xf0: {  	[sflag:s14] =	ssyncset.done $0x0  }
0xf1: {  	[sflag:s14] =	ssyncadd.s32 $0xFFFFD800  }
0xf2: {  	_ =	swait.ge [sflag:s25], $0x2800  }
0xf3: {  	[sflag:s25] =	ssyncset.done $0x0  }
0xf4: {  	s1 =	sor.u32 $0x280, s29;
	[sflag:s25] =	ssyncadd.s32 $0xFFFFD800  }
0xf5: {  	[tilespmem:s19], [sflag:$0x3] =	stream.indirect.gather [hbm4b:s5+s16], $0x80, s1, s16, $0xb8;
	[tilespmem:$0x1F000] =	vst v63  }
0xf6: {  	s30 =	sor.u32 $0x900, s29  }
0xf7: {  	[spmem:s3] =	stream.indirect.scatter.add.f32 [tilespmem:s21], [sflag:$0x6], $0x80, s30, s16, $0xb8;
	[tilespmem:$0x1F000] =	vst v63  }
0xf8: {  	_ =	swait.ge [sflag:s14], $0x2800  }
0xf9: {  	[sflag:s14] =	ssyncset.done $0x0  }
0xfa: {  	[sflag:s14] =	ssyncadd.s32 $0xFFFFD800  }
0xfb: {  	_ =	swait.ge [sflag:s26], $0x2800  }
0xfc: {  	[sflag:s26] =	ssyncset.done $0x0  }
0xfd: {  	s31 =	sor.u32 $0x300, s29;
	[sflag:s26] =	ssyncadd.s32 $0xFFFFD800  }
0xfe: {  	[tilespmem:s21], [sflag:$0x4] =	stream.indirect.gather [hbm4b:s5+s16], $0x80, s31, s16, $0xb8;
	[tilespmem:$0x1F000] =	vst v63  }
0xff: {  	s7 =	sor.u32 $0x980, s29  }
0x100: {  	[spmem:s3] =	stream.indirect.scatter.add.f32 [tilespmem:s23], [sflag:$0x6], $0x80, s7, s16, $0xb8;
	[tilespmem:$0x1F000] =	vst v63  }
0x101: {  	_ =	swait.ge [sflag:s14], $0x2800  }
0x102: {  	[sflag:s14] =	ssyncset.done $0x0  }
0x103: {  	[sflag:s14] =	ssyncadd.s32 $0xFFFFD800  }
0x104: {  	_ =	swait.ge [sflag:s22], $0x2800  }
0x105: {  	[sflag:s22] =	ssyncset.done $0x0  }
0x106: {  	s18 =	sor.u32 $0x380, s29;
	[sflag:s22] =	ssyncadd.s32 $0xFFFFD800  }
0x107: {  	[tilespmem:s23], [sflag:$0x5] =	stream.indirect.gather [hbm4b:s5+s16], $0x80, s18, s16, $0xb8;
	[tilespmem:$0x1F000] =	vst v63  }
0x108: {  	s8 =	sor.u32 $0xA00, s29  }
0x109: {  	[spmem:s3] =	stream.indirect.scatter.add.f32 [tilespmem:s17], [sflag:$0x6], $0x80, s8, s16, $0xb8;
	[tilespmem:$0x1F000] =	vst v63  }
0x10a: {  	_ =	swait.ge [sflag:s14], $0x2800  }
0x10b: {  	[sflag:s14] =	ssyncset.done $0x0  }
0x10c: {  	[sflag:s14] =	ssyncadd.s32 $0xFFFFD800  }
0x10d: {  	_ =	swait.ge [sflag:s24], $0x2800  }
0x10e: {  	s9 =	simm.s32 @p0 $0x6;
	s10 =	sor.u32 @p0 $0x800, s1;
	[sflag:s24] =	ssyncset.done $0x0  }
0x10f: {  	s15 =	simm.s32 @p0 $0x50;
	s8 =	simm.s32 @p0 $0x3800;
	[sflag:s24] =	ssyncadd.s32 $0xFFFFD800  }
0x110: {  	[spmem:s3] =	stream.indirect.scatter.add.f32 @p0 [tilespmem:s8], [sflag:$0x6], $0x80, s10, s15, $0xb8;
	[tilespmem:$0x1F000] =	vst v63  }
0x111: {  	_ =	swait.ge @p0 [sflag:s9], $0x2800  }
0x112: {  	[sflag:s9] =	ssyncset.done @p0 $0x0  }
0x113: {  	s8 =	simm.s32 @p0 $0x4;
	[sflag:s9] =	ssyncadd.s32 @p0 $0xFFFFD800  }
0x114: {  	_ =	swait.ge @p0 [sflag:s8], $0x2800  }
0x115: {  	[sflag:s8] =	ssyncset.done @p0 $0x0  }
0x116: {  	[sflag:s8] =	ssyncadd.s32 @p0 $0xFFFFD800;
	s8 =	simm.s32 @!p0 $0x1  }
0x117: {  	_ =	swait.ge @!p0 [sflag:s8], $0x400  }
0x118: {  	[sflag:s8] =	ssyncset.done @!p0 $0x0  }
0x119: {  	[sflag:s8] =	ssyncadd.s32 @!p0 $0xFFFFFC00  }
0x11a: {  	_ =	swait.ge @!p0 [sflag:s8], $0x400  }
0x11b: {  	[sflag:s8] =	ssyncset.done @!p0 $0x0  }
0x11c: {  	s9 =	simm.s32 @!p0 $0x1000;
	[sflag:s8] =	ssyncadd.s32 @!p0 $0xFFFFFC00;
	s8 =	simm.s32 @!p0 $0x50  }
0x11d: {  	[tilespmem:s9], [sflag:$0x2] =	stream.indirect.gather @!p0 [hbm4b:s5+s8], $0x80, s0, s8, $0xb8;
	[tilespmem:$0x1F000] =	vst v63  }
0x11e: {  	s0 =	sor.u32 @!p0 $0x800, s1;
	s1 =	simm.s32 @!p0 $0x3800;
	s9 =	simm.s32 @!p0 $0x6  }
0x11f: {  	[spmem:s3] =	stream.indirect.scatter.add.f32 @!p0 [tilespmem:s1], [sflag:$0x6], $0x80, s0, s8, $0xb8;
	[tilespmem:$0x1F000] =	vst v63  }
0x120: {  	_ =	swait.ge @!p0 [sflag:s9], $0x2800  }
0x121: {  	[sflag:s9] =	ssyncset.done @!p0 $0x0  }
0x122: {  	s0 =	simm.s32 @!p0 $0x4;
	[sflag:s9] =	ssyncadd.s32 @!p0 $0xFFFFD800  }
0x123: {  	_ =	swait.ge @!p0 [sflag:s0], $0x2800  }
0x124: {  	[sflag:s0] =	ssyncset.done @!p0 $0x0  }
0x125: {  	[sflag:s0] =	ssyncadd.s32 @!p0 $0xFFFFD800;
	s0 =	ssub.s32 @!p0 $0x480, s29  }
0x126: {  	[tilespmem:s1], [sflag:$0x3] =	stream.indirect.gather @!p0 [hbm4b:s5+s8], $0x80, s0, s8, $0xb8;
	[tilespmem:$0x1F000] =	vst v63  }
0x127: {  	s20 =	sor.u32 $0x800, s31  }
0x128: {  	[spmem:s3] =	stream.indirect.scatter.add.f32 [tilespmem:s21], [sflag:$0x6], $0x80, s20, s16, $0xb8;
	[tilespmem:$0x1F000] =	vst v63  }
0x129: {  	_ =	swait.ge [sflag:s14], $0x2800  }
0x12a: {  	[sflag:s14] =	ssyncset.done $0x0  }
0x12b: {  	[sflag:s14] =	ssyncadd.s32 $0xFFFFD800  }
0x12c: {  	_ =	swait.ge [sflag:s26], $0x2800  }
0x12d: {  	[sflag:s26] =	ssyncset.done $0x0  }
0x12e: {  	s0 =	ssub.s32 @!p0 $0x500, s29;
	s1 =	simm.s32 @!p0 $0x6000;
	[sflag:s26] =	ssyncadd.s32 $0xFFFFD800  }
0x12f: {  	[tilespmem:s1], [sflag:$0x4] =	stream.indirect.gather @!p0 [hbm4b:s5+s8], $0x80, s0, s8, $0xb8;
	[tilespmem:$0x1F000] =	vst v63  }
0x130: {  	s29 =	sor.u32 $0x800, s18  }
0x131: {  	[spmem:s3] =	stream.indirect.scatter.add.f32 [tilespmem:s23], [sflag:$0x6], $0x80, s29, s16, $0xb8;
	[tilespmem:$0x1F000] =	vst v63  }
0x132: {  	_ =	swait.ge [sflag:s14], $0x2800  }
0x133: {  	[sflag:s14] =	ssyncset.done $0x0  }
0x134: {  	[sflag:s14] =	ssyncadd.s32 $0xFFFFD800  }
0x135: {  	[bflag:$0x0] =	sbarrier.arrive $0xFFFF  }
0x136: {  	s30 =	rddreg [dreg:$0x6]  }
0x137: {  	[hbm:s30], [sflag:s6] =	dma.local [spmem:s13], $0x2800  }
0x138: {  	_ =	swait.ge [sflag:s14], $0x2800  }
0x139: {  	s28 =	sadd.s32 $0x1, s28;
	s31 =	rddreg [dreg:$0x7]  }
0x13a: {  	p0 =	sne.s32 s28, s31  }
.Ltmp1:
0x13b: {  	_ = 	snop;
	(pc) =	sbr.rel @p0 .LBB2_1-.Ltmp1, $3  }
0x13c: {  	_ =	sdelay $0x1  }
0x13d: {  	[sflag:s14] =	ssyncset.done $0x0  }
0x13e: {  	[sflag:s14] =	ssyncadd.s32 $0xFFFFD800  }
0x13f: {  	_ =	sfence.sel $0x180000  }
0x140: {  	[bflag:$0x0] =	sbarrier.arrive $0xFFFF  }
0x141: {  	_ =	strace $0x9000004A  }
0x142: {  	s0 =	stileid.u32;
	[bflag:$0x2] =	sbarrier.arrive $0xFFFF  }
0x143: {  	p0 =	sne.s32 s0, $0x0;
	s0 =	rddreg [dreg:$0x3]  }
0x144: {  	s0 =	sadd.s32 @!p0 $0x100000, s0  }
0x145: {  	[sflag:s0] =	ssyncadd.tile.s32 @!p0 $0x1;
	_ =	shalt  }
.Lfunc_end2:
_tile_overlayer_lowered:
.L_overlay_start_2:
0x146: {  	(tag) =	ssettag $0x2  }
0x147: {  	s0 =	rddreg [dreg:$0x0];
	s2 =	stileid.u32  }
0x148: {  	s1 =	rddreg [dreg:$0x1];
	p0 =	sne.s32 s2, $0x0  }
0x149: {  	s3 =	rddreg [dreg:$0x2];
	[bflag:$0x3] =	sbarrier.arrive $0xFFFF;
	s2 =	simm.s32 @!p0 $0x1C06  }
0x14a: {  	[timem:s3], [sflag:s2] =	dma.local @!p0 [hbm:s0], s1  }
0x14b: {  	s0 =	simm.s32 @!p0 $0x6  }
0x14c: {  	_ =	swait.ge @!p0 [sflag:s0], s1  }
0x14d: {  	s1 =	ssub.s32 @!p0 $0x0, s1;
	[sflag:s0] =	ssyncset.done @!p0 $0x0  }
0x14e: {  	[sflag:s0] =	ssyncadd.s32 @!p0 s1  }
0x14f: {  	[bflag:$0x3] =	sbarrier.arrive $0xFFFF  }
0x150: {  	_ =	shalt  }

// kernel: kernel.16.cloned.1.call-start
scs
__scs_entry_jumppad:
0x0: {  	(pc) =	sbr.rel $0x88, $3  }
0x1: {  	(tag) =	ssettag $0x0;
	lr =	simm.s32 $0x1  }
0x2: {  	[smem:$0x3F96] =	sst lr;
	_ =	strace $0xD0000000  }
0x3: {  	_ = 	snop  }
0x4: {  	_ = 	snop  }
0x5: {  	_ = 	snop  }
0x6: {  	_ = 	snop  }
0x7: {  	_ = 	snop  }
__scs_overlays_trampoline_lowered:
0x8: {  	[smem:$0x3FA5] =	sst s0  }
0x9: {  	[smem:$0x3FA6] =	sst s1  }
0xa: {  	[smem:$0x3FA7] =	sst s2  }
0xb: {  	[smem:$0x3FA8] =	sst s3  }
0xc: {  	[smem:$0x3FA9] =	sst s4  }
0xd: {  	[smem:$0x3FAA] =	sst s5  }
0xe: {  	[smem:$0x3FAB] =	sst s6  }
0xf: {  	[smem:$0x3FAC] =	sst s7  }
0x10: {  	[smem:$0x3FAD] =	sst s8  }
0x11: {  	[smem:$0x3FAE] =	sst s9;
	s0 =	simm.s32 @!p0 $0x0  }
0x12: {  	s1 =	sld [smem:$0x3F94];
	s0 =	simm.s32 @p0 $0x1  }
0x13: {  	[smem:$0x3FAF] =	sst s0;
	s0 =	simm.s32 @!p1 $0x0  }
0x14: {  	s2 =	sld [smem:$0x3F93];
	s0 =	simm.s32 @p1 $0x1  }
0x15: {  	[smem:$0x3FB0] =	sst s0;
	s0 =	simm.s32 @!p2 $0x0  }
0x16: {  	s3 =	sld [smem:$0x3FDB];
	s0 =	simm.s32 @p2 $0x1  }
0x17: {  	s4 =	simm.s32 $0x1BF5;
	[smem:$0x3FB2] =	sst s0  }
0x18: {  	s0 =	sld [smem:$0x3F95];
	_ =	swait.ge [sflag:s4], $0x0  }
0x19: {  	s7 =	sld [smem:$0x3F96]  }
0x1a: {  	s8 =	sadd.s32 $0xFFFFE003, lr  }
0x1b: {  	s9 =	sadd.s32 $0xFFFFFEF7, lr;
	s5 =	simm.s32 $0xFFFFFFFF;
	p2 =	slt.u32 s8, $0xFFFFF086  }
0x1c: {  	p1 =	slt.u32 s9, $0xF7A;
	s5 =	simm.s32 @!p2 $0x0  }
0x1d: {  	s5 =	simm.s32 @p1 $0x1;
	p0 =	seq.s32 s7, s2  }
0x1e: {  	s7 =	smul.u32 @!p0 $0xF7A, s2;
	p2 =	seq.s32 @!p0 s5, $0x0  }
0x1f: {  	s9 =	smul.u32 $0xF7A, s1;
	s8 =	simm.s32 @!p0 $0x1BF5;
	p2 =	por !p2, p0  }
0x20: {  	[sflag:s8] =	ssyncset.s32 @!p0 $0xFFFFF086;
	s6 =	sadd.s32 @!p0 s3, s7;
	s7 =	simm.s32 @!p0 $0x108  }
0x21: {  	s3 =	sadd.s32 s3, s9;
	s6 =	sadd.s32 @!p0 $0x88, s6;
	s7 =	simm.s32 @p2 $0x1082  }
0x22: {  	[simem:s7], [sflag:s8] =	dma.local @!p0 [hbm:s6], $0xF7A  }
0x23: {  	s9 =	sor.u32 $0xD0000000, s2;
	s6 =	simm.s32 $0x108;
	_ =	swait.ge @!p0 [sflag:s8], $0x0  }
0x24: {  	s3 =	sadd.s32 $0x88, s3;
	s6 =	simm.s32 @!p1 $0x1082;
	[sflag:s4] =	ssyncset.s32 $0xFFFFF086  }
0x25: {  	[simem:s6], [sflag:s4] =	dma.local [hbm:s3], $0xF7A  }
0x26: {  	[smem:$0x3F96] =	sst s1;
	(tag) =	ssettag s2;
	_ =	strace s9  }
0x27: {  	s1 =	sld [smem:$0x3FA6]  }
0x28: {  	s2 =	sld [smem:$0x3FA7]  }
0x29: {  	s4 =	sld [smem:$0x3FA9]  }
0x2a: {  	p0 =	seq.s32 s5, $0x0;
	s5 =	sld [smem:$0x3FAA]  }
0x2b: {  	s6 =	sld [smem:$0x3FAB]  }
0x2c: {  	s7 =	sld [smem:$0x3FAC]  }
0x2d: {  	s3 =	simm.s32 $0x108;
	s8 =	sld [smem:$0x3FAD]  }
0x2e: {  	s3 =	simm.s32 @!p0 $0x1082;
	s9 =	sld [smem:$0x3FAE]  }
0x2f: {  	lr =	sadd.s32 s0, s3;
	s0 =	sld [smem:$0x3FA5]  }
0x30: {  	s3 =	sld [smem:$0x3FA8]  }
0x31: {  	[smem:$0x3FB1] =	sst s10  }
0x32: {  	s10 =	sld [smem:$0x3FAF];
	_ =	sdelay $0x3  }
0x33: {  	p0 =	seq.s32 s10, $0x1;
	s10 =	sld [smem:$0x3FB1];
	_ =	sdelay $0x3  }
0x34: {  	[smem:$0x3FB1] =	sst s10  }
0x35: {  	s10 =	sld [smem:$0x3FB0];
	_ =	sdelay $0x3  }
0x36: {  	p1 =	seq.s32 s10, $0x1;
	s10 =	sld [smem:$0x3FB1];
	_ =	sdelay $0x3  }
0x37: {  	[smem:$0x3FB1] =	sst s10  }
0x38: {  	s10 =	sld [smem:$0x3FB2]  }
0x39: {  	_ = 	snop;
	(pc) =	sbr.ind lr, $3  }
0x3a: {  	_ = 	snop  }
0x3b: {  	_ = 	snop  }
0x3c: {  	p2 =	seq.s32 s10, $0x1;
	s10 =	sld [smem:$0x3FB1]  }
0x3d: {  	_ =	shalt  }
0x3e: {  	_ =	shalt  }
0x3f: {  	_ =	shalt  }
0x40: {  	_ =	shalt  }
0x41: {  	_ =	shalt  }
0x42: {  	_ =	shalt  }
0x43: {  	_ =	shalt  }
0x44: {  	_ =	shalt  }
0x45: {  	_ =	shalt  }
0x46: {  	_ =	shalt  }
0x47: {  	_ =	shalt  }
0x48: {  	_ =	shalt  }
0x49: {  	_ =	shalt  }
0x4a: {  	_ =	shalt  }
0x4b: {  	_ =	shalt  }
0x4c: {  	_ =	shalt  }
0x4d: {  	_ =	shalt  }
0x4e: {  	_ =	shalt  }
0x4f: {  	_ =	shalt  }
0x50: {  	_ =	shalt  }
0x51: {  	_ =	shalt  }
0x52: {  	_ =	shalt  }
0x53: {  	_ =	shalt  }
0x54: {  	_ =	shalt  }
0x55: {  	_ =	shalt  }
0x56: {  	_ =	shalt  }
0x57: {  	_ =	shalt  }
0x58: {  	_ =	shalt  }
0x59: {  	_ =	shalt  }
0x5a: {  	_ =	shalt  }
0x5b: {  	_ =	shalt  }
0x5c: {  	_ =	shalt  }
0x5d: {  	_ =	shalt  }
0x5e: {  	_ =	shalt  }
0x5f: {  	_ =	shalt  }
0x60: {  	_ =	shalt  }
0x61: {  	_ =	shalt  }
0x62: {  	_ =	shalt  }
0x63: {  	_ =	shalt  }
0x64: {  	_ =	shalt  }
0x65: {  	_ =	shalt  }
0x66: {  	_ =	shalt  }
0x67: {  	_ =	shalt  }
0x68: {  	_ =	shalt  }
0x69: {  	_ =	shalt  }
0x6a: {  	_ =	shalt  }
0x6b: {  	_ =	shalt  }
0x6c: {  	_ =	shalt  }
0x6d: {  	_ =	shalt  }
0x6e: {  	_ =	shalt  }
0x6f: {  	_ =	shalt  }
0x70: {  	_ =	shalt  }
0x71: {  	_ =	shalt  }
0x72: {  	_ =	shalt  }
0x73: {  	_ =	shalt  }
0x74: {  	_ =	shalt  }
0x75: {  	_ =	shalt  }
0x76: {  	_ =	shalt  }
0x77: {  	_ =	shalt  }
0x78: {  	_ =	shalt  }
0x79: {  	_ =	shalt  }
0x7a: {  	_ =	shalt  }
0x7b: {  	_ =	shalt  }
0x7c: {  	_ =	shalt  }
0x7d: {  	_ =	shalt  }
0x7e: {  	_ =	shalt  }
0x7f: {  	_ =	shalt  }
0x80: {  	_ =	shalt  }
0x81: {  	_ =	shalt  }
0x82: {  	_ =	shalt  }
0x83: {  	_ =	shalt  }
0x84: {  	_ =	shalt  }
0x85: {  	_ =	shalt  }
0x86: {  	_ =	shalt  }
0x87: {  	_ =	shalt  }
.Lfunc_end0:
.L_simem_size_0:
called_computation.2_lowered:
.L_overlay_start_0:
0x88: {  	s2 =	sld [smem:$0x3FD9]  }
0x89: {  	s3 =	sld [smem:$0x3FFE];
	_ =	sdelay $0x1  }
0x8a: {  	s1 =	srdreg.scid  }
0x8b: {  	s0 =	sand.u32 $0x1, s1  }
0x8c: {  	s17 =	sshll.u32 s0, $0xA;
	s2 =	sadd.s32 s3, s2  }
0x8d: {  	s2 =	sadd.s32 s2, s17  }
0x8e: {  	[smem:$0x3FBD] =	sst s2  }
0x8f: {  	_ = 	snop  }
0x90: {  	s2 =	sld [smem:$0x3FD0];
	(tm) =	ssettm $0x1  }
0x91: {  	s18 =	sld [smem:$0x3FFB];
	_ =	sdelay $0x3  }
0x92: {  	_ =	strace s18  }
0x93: {  	s3 =	sld [smem:$0x3FFC];
	_ =	sdelay $0x3  }
0x94: {  	_ =	strace s3  }
0x95: {  	s3 =	sld [smem:$0x3FFD];
	_ =	sdelay $0x3  }
0x96: {  	_ =	strace s3  }
0x97: {  	_ =	strace $0x8FFFFFFF  }
0x98: {  	s19 =	sld [smem:$0x3FDB];
	_ =	sdelay $0x1  }
0x99: {  	s4 =	simm.s32 $_scs_section_size  }
0x9a: {  	s5 =	simm.s32 $_size__tile_overlayer_lowered;
	s6 =	simm.s32 $_tile_overlayer_lowered  }
0x9b: {  	s22 =	simm.s32 $0x1BFF;
	s21 =	sshll.u32 s6, $0x1;
	s3 =	sadd.s32 s4, s19  }
0x9c: {  	s7 =	simm.s32 $0x0;
	s20 =	sshll.u32 s5, $0x1;
	s5 =	sadd.s32 s21, s3  }
0x9d: {  	[timem:s7], [sflag:s22] =	dma.local [hbm:s5], s20  }
0x9e: {  	_ =	swait.ge [sflag:s22], s20  }
0x9f: {  	s4 =	ssub.s32 $0x0, s20;
	[sflag:s22] =	ssyncset.done $0x0  }
0xa0: {  	[sflag:s22] =	ssyncadd.s32 s4;
	_ =	sdelay $0x1  }
0xa1: {  	s23 =	simm.s32 $0x1B8B  }
0xa2: {  	_ =	swait.ge [sflag:s23], $0x1  }
0xa3: {  	[sflag:s23] =	ssyncset.done $0x0  }
0xa4: {  	s25 =	simm.s32 $0x1B8E;
	s24 =	sld [smem:$0x3FFE];
	[sflag:s23] =	ssyncadd.s32 $0xFFFFFFFF  }
0xa5: {  	s26 =	simm.s32 $execute0_lowered;
	[smem:$0x3FD2] =	sst s25  }
0xa6: {  	s5 =	sshll.u32 s26, $0x1;
	_ =	strace $0x8000004C;
	[dreg:$0x1] =	wrdreg $0xFFFFFFFF  }
0xa7: {  	s28 =	simm.s32 $_size_execute0_lowered;
	s3 =	sadd.s32 s3, s5;
	[dreg:$0x0] =	wrdreg $0x0  }
0xa8: {  	s5 =	sshll.u32 s28, $0x1;
	[dreg:$0x2] =	wrdreg s3  }
0xa9: {  	[dreg:$0x3] =	wrdreg s5  }
0xaa: {  	[dreg:$0x4] =	wrdreg $0xC0  }
0xab: {  	_ =	task [dreg:s7], $0x5FFFF  }
0xac: {  	[dreg:$0x1] =	wrdreg $0xFFFFFFFF  }
0xad: {  	[dreg:$0x0] =	wrdreg $0x60  }
0xae: {  	[dreg:$0x2] =	wrdreg s24  }
0xaf: {  	[dreg:$0x3] =	wrdreg s2  }
0xb0: {  	[dreg:$0x4] =	wrdreg $0xB0000  }
0xb1: {  	[dreg:$0x5] =	wrdreg $0x9  }
0xb2: {  	_ =	task.clear_ibuf [dreg:s7], $0x6FFFF;
	_ =	strace $0x9000004C  }
0xb3: {  	s29 =	simm.s32 $0x9;
	_ =	strace $0x8000004E  }
0xb4: {  	_ =	swait.ge [sflag:s29], $0x1  }
0xb5: {  	[sflag:s29] =	ssyncadd.s32 $0xFFFFFFFF  }
0xb6: {  	_ =	strace $0x9000004E  }
0xb7: {  	_ =	sfence  }
0xb8: {  	s30 =	sld [smem:$0x0];
	_ =	sdelay $0x2  }
0xb9: {  	s31 =	sshll.u32 s1, $0xD;
	s1 =	sshrl.u32 s1, $0x2  }
0xba: {  	s3 =	sand.u32 $0x4000, s31;
	s1 =	sadd.s32 s1, s30  }
0xbb: {  	s0 =	sor.u32 s3, s0;
	s1 =	sshll.u32 s1, $0x11  }
0xbc: {  	s0 =	sor.u32 s1, s0  }
0xbd: {  	s0 =	sadd.s32 $0x8F2B, s0  }
0xbe: {  	[sflag:s0] =	ssyncadd.remote.s32 $0x1  }
0xbf: {  	_ =	sfence.sel $0xFFFF  }
0xc0: {  	[dreg:$0x0] =	wrdreg $0xFFFFFFFF;
	(pc) =	sbr.abs _section_cstart, $3  }
0xc1: {  	[dreg:$0x1] =	wrdreg $0xFFFFFFFF  }
0xc2: {  	_ =	task.clear_ibuf [dreg:s7], $0x2FFFF;
	_ =	strace $0x9FFFFFFF  }
0xc3: {  	(tm) =	ssettm $0x7FFFFFFF  }
tec
execute0_lowered:
.L_overlay_start_1:
0x0: {  	(tag) =	ssettag $0x1  }
0x1: {  	s0 =	rddreg [dreg:$0x0];
	s1 =	srdreg.scid  }
0x2: {  	s3 =	rddreg [dreg:$0x2];
	s9 =	stileid.u32  }
0x3: {  	s4 =	simm.s32 $0x0;
	s14 =	simm.s32 $0x6;
	s16 =	simm.s32 $0x50  }
0x4: {  	s17 =	simm.s32 $0x1000;
	s19 =	simm.s32 $0x3800;
	s21 =	simm.s32 $0x6000  }
0x5: {  	s22 =	simm.s32 $0x2;
	s28 =	simm.s32 $0x0;
	s1 =	sand.u32 $0x1, s1  }
0x6: {  	s6 =	smul.u32 $0x14000, s9;
	[smem:$0x7FF] =	sst s4;
	s5 =	sadd.s32 $0x73600, s0  }
0x7: {  	s12 =	sadd.s32 $0x63600, s0;
	s11 =	sadd.s32 $0x3000, s0;
	s24 =	smul.u32 $0x50000, s9  }
0x8: {  	s8 =	sshll.u32 s9, $0xE;
	s25 =	sshll.u32 s9, $0x6;
	s2 =	smul.u32 $0x140000, s1  }
0x9: {  	_ =	strace $0x8000004D;
	s23 =	ssub.s32 $0x2, s1;
	s1 =	sshll.u32 s1, $0x12  }
0xa: {  	s7 =	sshrl.u32 s23, $0x1;
	s1 =	sor.u32 s8, s1;
	s2 =	sadd.s32 s6, s2  }
0xb: {  	s6 =	sshrl.u32 s24, $0x2;
	s8 =	sshrl.u32 s1, $0x3;
	s1 =	sor.u32 $0x400, s1  }
0xc: {  	s24 =	simm.s32 $0x3;
	s2 =	sshrl.u32 s2, $0x3;
	s13 =	sadd.s32 s6, s3  }
0xd: {  	s6 =	sor.u32 $0x1C06, s25;
	s26 =	sadd.s32 s12, s8;
	s29 =	sadd.s32 s11, s8  }
0xe: {  	s30 =	sshrl.u32 s1, $0x3;
	s25 =	simm.s32 $0x4;
	[dreg:$0x4] =	wrdreg s26  }
0xf: {  	s0 =	sadd.s32 s2, s0;
	s2 =	ssub.s32 s23, s7;
	[dreg:$0x5] =	wrdreg s29  }
0x10: {  	s11 =	sadd.s32 s30, s11;
	s12 =	sadd.s32 s30, s12;
	s0 =	sadd.s32 $0x9A800, s0  }
0x11: {  	s13 =	sshrl.u32 s13, $0x3;
	s31 =	smax.u32 s2, $0x1;
	[dreg:$0x6] =	wrdreg s0  }
0x12: {  	s23 =	simm.s32 $0x8800;
	s26 =	simm.s32 $0x5;
	[dreg:$0x7] =	wrdreg s31  }
.LBB2_1:
0x13: {  	s0 =	rddreg [dreg:$0x1]  }
0x14: {  	[spmem:s13], [sflag:s6] =	dma.local [hbm:s0], $0x2800  }
0x15: {  	_ =	swait.ge [sflag:s14], $0x2800  }
0x16: {  	[sflag:s14] =	ssyncset.done $0x0  }
0x17: {  	s18 =	rddreg [dreg:$0x4];
	[sflag:s14] =	ssyncadd.s32 $0xFFFFD800  }
0x18: {  	[tilespmem:s4], [sflag:$0x6] =	stream.linear.gather [hbm4b:s18+s4], $0x400, $0x38;
	[tilespmem:$0x1F000] =	vst v63  }
0x19: {  	_ =	swait.ge [sflag:s14], $0x400  }
0x1a: {  	[sflag:s14] =	ssyncset.done $0x0  }
0x1b: {  	s1 =	simm.s32 $0x800;
	s20 =	rddreg [dreg:$0x5];
	[sflag:s14] =	ssyncadd.s32 $0xFFFFFC00  }
0x1c: {  	[tilespmem:s1], [sflag:$0x6] =	stream.linear.gather [hbm4b:s20+s4], $0x400, $0x38;
	[tilespmem:$0x1F000] =	vst v63  }
0x1d: {  	_ =	swait.ge [sflag:s14], $0x400  }
0x1e: {  	[sflag:s14] =	ssyncset.done $0x0  }
0x1f: {  	[sflag:s14] =	ssyncadd.s32 $0xFFFFFC00  }
0x20: {  	s8 =	sand.u32 $0x1, s4;
	[bflag:$0x0] =	sbarrier.arrive $0xFFFF  }
0x21: {  	[tilespmem:s17], [sflag:$0x2] =	stream.indirect.gather [hbm4b:s5+s16], $0x80, s4, s16, $0xb8;
	[tilespmem:$0x1F000] =	vst v63  }
0x22: {  	s2 =	simm.s32 $0x80;
	p0 =	por $0x0, $0x0;
	s9 =	sshll.u32 s8, $0x3  }
0x23: {  	[tilespmem:s19], [sflag:$0x3] =	stream.indirect.gather [hbm4b:s5+s16], $0x80, s2, s16, $0xb8;
	[tilespmem:$0x1F000] =	vst v63  }
0x24: {  	s7 =	simm.s32 $0x100;
	p0 =	por p0, p0;
	s1 =	sxor.u32 $0x8, s9  }
0x25: {  	[tilespmem:s21], [sflag:$0x4] =	stream.indirect.gather [hbm4b:s5+s16], $0x80, s7, s16, $0xb8;
	[tilespmem:$0x1F000] =	vst v63  }
0x26: {  	s1 =	sshll.u32 @!p0 s1, $0x7;
	s2 =	simm.s32 @!p0 $0x0  }
0x27: {  	[tilespmem:s1], [sflag:$0x1] =	stream.linear.gather @!p0 [hbm4b:s12+s2], $0x400, $0x38;
	[tilespmem:$0x1F000] =	vst v63  }
0x28: {  	s15 =	sor.u32 @!p0 $0x800, s1  }
0x29: {  	[tilespmem:s15], [sflag:$0x1] =	stream.linear.gather @!p0 [hbm4b:s11+s2], $0x400, $0x38;
	[tilespmem:$0x1F000] =	vst v63  }
0x2a: {  	_ =	swait.ge [sflag:s22], $0x2800  }
0x2b: {  	s0 =	sshll.u32 s8, $0xA;
	[sflag:s22] =	ssyncset.done $0x0  }
0x2c: {  	s10 =	sor.u32 $0x180, s0;
	[sflag:s22] =	ssyncadd.s32 $0xFFFFD800  }
0x2d: {  	[tilespmem:s23], [sflag:$0x5] =	stream.indirect.gather [hbm4b:s5+s16], $0x80, s10, s16, $0xb8;
	[tilespmem:$0x1F000] =	vst v63  }
0x2e: {  	s15 =	sor.u32 $0x800, s0  }
0x2f: {  	[spmem:s3] =	stream.indirect.scatter.add.f32 [tilespmem:s17], [sflag:$0x6], $0x80, s15, s16, $0xb8;
	[tilespmem:$0x1F000] =	vst v63  }
0x30: {  	_ =	swait.ge [sflag:s14], $0x2800  }
0x31: {  	[sflag:s14] =	ssyncset.done $0x0  }
0x32: {  	[sflag:s14] =	ssyncadd.s32 $0xFFFFD800  }
0x33: {  	_ =	swait.ge [sflag:s24], $0x2800  }
0x34: {  	[sflag:s24] =	ssyncset.done $0x0  }
0x35: {  	s18 =	sor.u32 $0x200, s0;
	[sflag:s24] =	ssyncadd.s32 $0xFFFFD800  }
0x36: {  	[tilespmem:s17], [sflag:$0x2] =	stream.indirect.gather [hbm4b:s5+s16], $0x80, s18, s16, $0xb8;
	[tilespmem:$0x1F000] =	vst v63  }
0x37: {  	s20 =	sor.u32 $0x880, s0  }
0x38: {  	[spmem:s3] =	stream.indirect.scatter.add.f32 [tilespmem:s19], [sflag:$0x6], $0x80, s20, s16, $0xb8;
	[tilespmem:$0x1F000] =	vst v63  }
0x39: {  	_ =	swait.ge [sflag:s14], $0x2800  }
0x3a: {  	[sflag:s14] =	ssyncset.done $0x0  }
0x3b: {  	[sflag:s14] =	ssyncadd.s32 $0xFFFFD800  }
0x3c: {  	_ =	swait.ge [sflag:s25], $0x2800  }
0x3d: {  	[sflag:s25] =	ssyncset.done $0x0  }
0x3e: {  	s2 =	sor.u32 $0x280, s0;
	[sflag:s25] =	ssyncadd.s32 $0xFFFFD800  }
0x3f: {  	[tilespmem:s19], [sflag:$0x3] =	stream.indirect.gather [hbm4b:s5+s16], $0x80, s2, s16, $0xb8;
	[tilespmem:$0x1F000] =	vst v63  }
0x40: {  	s7 =	sor.u32 $0x900, s0  }
0x41: {  	[spmem:s3] =	stream.indirect.scatter.add.f32 [tilespmem:s21], [sflag:$0x6], $0x80, s7, s16, $0xb8;
	[tilespmem:$0x1F000] =	vst v63  }
0x42: {  	_ =	swait.ge [sflag:s14], $0x2800  }
0x43: {  	[sflag:s14] =	ssyncset.done $0x0  }
0x44: {  	[sflag:s14] =	ssyncadd.s32 $0xFFFFD800  }
0x45: {  	_ =	swait.ge [sflag:s26], $0x2800  }
0x46: {  	[sflag:s26] =	ssyncset.done $0x0  }
0x47: {  	s8 =	sor.u32 $0x300, s0;
	[sflag:s26] =	ssyncadd.s32 $0xFFFFD800  }
0x48: {  	[tilespmem:s21], [sflag:$0x4] =	stream.indirect.gather [hbm4b:s5+s16], $0x80, s8, s16, $0xb8;
	[tilespmem:$0x1F000] =	vst v63  }
0x49: {  	s18 =	sor.u32 $0x980, s0  }
0x4a: {  	[spmem:s3] =	stream.indirect.scatter.add.f32 [tilespmem:s23], [sflag:$0x6], $0x80, s18, s16, $0xb8;
	[tilespmem:$0x1F000] =	vst v63  }
0x4b: {  	_ =	swait.ge [sflag:s14], $0x2800  }
0x4c: {  	[sflag:s14] =	ssyncset.done $0x0  }
0x4d: {  	[sflag:s14] =	ssyncadd.s32 $0xFFFFD800  }
0x4e: {  	_ =	swait.ge [sflag:s22], $0x2800  }
0x4f: {  	[sflag:s22] =	ssyncset.done $0x0  }
0x50: {  	s9 =	sor.u32 $0x380, s0;
	[sflag:s22] =	ssyncadd.s32 $0xFFFFD800  }
0x51: {  	[tilespmem:s23], [sflag:$0x5] =	stream.indirect.gather [hbm4b:s5+s16], $0x80, s9, s16, $0xb8;
	[tilespmem:$0x1F000] =	vst v63  }
0x52: {  	s20 =	sor.u32 $0xA00, s0  }
0x53: {  	[spmem:s3] =	stream.indirect.scatter.add.f32 [tilespmem:s17], [sflag:$0x6], $0x80, s20, s16, $0xb8;
	[tilespmem:$0x1F000] =	vst v63  }
0x54: {  	_ =	swait.ge [sflag:s14], $0x2800  }
0x55: {  	[sflag:s14] =	ssyncset.done $0x0  }
0x56: {  	[sflag:s14] =	ssyncadd.s32 $0xFFFFD800  }
0x57: {  	_ =	swait.ge [sflag:s24], $0x2800  }
0x58: {  	s30 =	simm.s32 @p0 $0x50;
	[sflag:s24] =	ssyncset.done $0x0  }
0x59: {  	s29 =	sor.u32 @p0 $0x800, s2;
	s20 =	simm.s32 @p0 $0x3800;
	[sflag:s24] =	ssyncadd.s32 $0xFFFFD800  }
0x5a: {  	[spmem:s3] =	stream.indirect.scatter.add.f32 @p0 [tilespmem:s20], [sflag:$0x6], $0x80, s29, s30, $0xb8;
	[tilespmem:$0x1F000] =	vst v63  }
0x5b: {  	s20 =	simm.s32 @p0 $0x6  }
0x5c: {  	_ =	swait.ge @p0 [sflag:s20], $0x2800  }
0x5d: {  	[sflag:s20] =	ssyncset.done @p0 $0x0  }
0x5e: {  	[sflag:s20] =	ssyncadd.s32 @p0 $0xFFFFD800;
	s20 =	simm.s32 @p0 $0x4  }
0x5f: {  	_ =	swait.ge @p0 [sflag:s20], $0x2800  }
0x60: {  	[sflag:s20] =	ssyncset.done @p0 $0x0  }
0x61: {  	[sflag:s20] =	ssyncadd.s32 @p0 $0xFFFFD800;
	s20 =	simm.s32 @!p0 $0x1  }
0x62: {  	_ =	swait.ge @!p0 [sflag:s20], $0x400  }
0x63: {  	[sflag:s20] =	ssyncset.done @!p0 $0x0  }
0x64: {  	[sflag:s20] =	ssyncadd.s32 @!p0 $0xFFFFFC00  }
0x65: {  	_ =	swait.ge @!p0 [sflag:s20], $0x400  }
0x66: {  	[sflag:s20] =	ssyncset.done @!p0 $0x0  }
0x67: {  	s29 =	simm.s32 @!p0 $0x1000;
	[sflag:s20] =	ssyncadd.s32 @!p0 $0xFFFFFC00;
	s20 =	simm.s32 @!p0 $0x50  }
0x68: {  	[tilespmem:s29], [sflag:$0x2] =	stream.indirect.gather @!p0 [hbm4b:s5+s20], $0x80, s1, s20, $0xb8;
	[tilespmem:$0x1F000] =	vst v63  }
0x69: {  	s1 =	sor.u32 @!p0 $0x800, s2;
	s2 =	simm.s32 @!p0 $0x3800  }
0x6a: {  	[spmem:s3] =	stream.indirect.scatter.add.f32 @!p0 [tilespmem:s2], [sflag:$0x6], $0x80, s1, s20, $0xb8;
	[tilespmem:$0x1F000] =	vst v63  }
0x6b: {  	s1 =	simm.s32 @!p0 $0x6  }
0x6c: {  	_ =	swait.ge @!p0 [sflag:s1], $0x2800  }
0x6d: {  	[sflag:s1] =	ssyncset.done @!p0 $0x0  }
0x6e: {  	[sflag:s1] =	ssyncadd.s32 @!p0 $0xFFFFD800;
	s1 =	simm.s32 @!p0 $0x4  }
0x6f: {  	_ =	swait.ge @!p0 [sflag:s1], $0x2800  }
0x70: {  	[sflag:s1] =	ssyncset.done @!p0 $0x0  }
0x71: {  	[sflag:s1] =	ssyncadd.s32 @!p0 $0xFFFFD800;
	s1 =	ssub.s32 @!p0 $0x480, s0  }
0x72: {  	[tilespmem:s2], [sflag:$0x3] =	stream.indirect.gather @!p0 [hbm4b:s5+s20], $0x80, s1, s20, $0xb8;
	[tilespmem:$0x1F000] =	vst v63  }
0x73: {  	s10 =	sor.u32 $0x800, s8  }
0x74: {  	[spmem:s3] =	stream.indirect.scatter.add.f32 [tilespmem:s21], [sflag:$0x6], $0x80, s10, s16, $0xb8;
	[tilespmem:$0x1F000] =	vst v63  }
0x75: {  	_ =	swait.ge [sflag:s14], $0x2800  }
0x76: {  	[sflag:s14] =	ssyncset.done $0x0  }
0x77: {  	[sflag:s14] =	ssyncadd.s32 $0xFFFFD800  }
0x78: {  	p6 =	por $0x0, $0x0;
	_ =	swait.ge [sflag:s26], $0x2800  }
0x79: {  	s31 =	sadd.s32 $0x80, s11;
	s15 =	simm.s32 $0x1;
	[sflag:s26] =	ssyncset.done $0x0  }
0x7a: {  	s0 =	ssub.s32 @!p0 $0x500, s0;
	s1 =	simm.s32 @!p0 $0x6000;
	[sflag:s26] =	ssyncadd.s32 $0xFFFFD800  }
0x7b: {  	[tilespmem:s1], [sflag:$0x4] =	stream.indirect.gather @!p0 [hbm4b:s5+s20], $0x80, s0, s20, $0xb8;
	[tilespmem:$0x1F000] =	vst v63  }
0x7c: {  	s18 =	sor.u32 $0x800, s9;
	s30 =	sadd.s32 $0x80, s12;
	s0 =	simm.s32 $0x2  }
0x7d: {  	[spmem:s3] =	stream.indirect.scatter.add.f32 [tilespmem:s23], [sflag:$0x6], $0x80, s18, s16, $0xb8;
	[tilespmem:$0x1F000] =	vst v63  }
0x7e: {  	p0 =	por p6, p6;
	s20 =	sand.u32 $0x1, s15;
	_ =	swait.ge [sflag:s14], $0x2800  }
0x7f: {  	s1 =	sshll.u32 s20, $0x3;
	s29 =	sshll.u32 s20, $0xA;
	[sflag:s14] =	ssyncset.done $0x0  }
.LBB2_2:
0x80: {  	p1 =	seq.s32 s0, $0xF  }
0x81: {  	s2 =	sxor.u32 $0x8, s1;
	[sflag:s14] =	ssyncadd.s32 $0xFFFFD800;
	s1 =	smov.u32 s0  }
0x82: {  	s0 =	sadd.s32 $0x1, s0;
	s15 =	simm.s32 @!p0 $0x0;
	s2 =	sshll.u32 @!p0 s2, $0x7  }
0x83: {  	[tilespmem:s2], [sflag:$0x1] =	stream.linear.gather @!p0 [hbm4b:s30+s15], $0x400, $0x38;
	[tilespmem:$0x1F000] =	vst v63  }
0x84: {  	p2 =	sne.s32 s0, $0x10;
	s18 =	sor.u32 @!p0 $0x800, s2  }
0x85: {  	[tilespmem:s18], [sflag:$0x1] =	stream.linear.gather @!p0 [hbm4b:s31+s15], $0x400, $0x38;
	[tilespmem:$0x1F000] =	vst v63  }
0x86: {  	_ =	swait.ge [sflag:s22], $0x2800  }
0x87: {  	[sflag:s22] =	ssyncset.done $0x0  }
0x88: {  	s15 =	sor.u32 $0x180, s29;
	[sflag:s22] =	ssyncadd.s32 $0xFFFFD800  }
0x89: {  	[tilespmem:s23], [sflag:$0x5] =	stream.indirect.gather [hbm4b:s5+s16], $0x80, s15, s16, $0xb8;
	[tilespmem:$0x1F000] =	vst v63  }
0x8a: {  	s15 =	sor.u32 $0x800, s29  }
0x8b: {  	[spmem:s3] =	stream.indirect.scatter.add.f32 [tilespmem:s17], [sflag:$0x6], $0x80, s15, s16, $0xb8;
	[tilespmem:$0x1F000] =	vst v63  }
0x8c: {  	_ =	swait.ge [sflag:s14], $0x2800  }
0x8d: {  	[sflag:s14] =	ssyncset.done $0x0  }
0x8e: {  	[sflag:s14] =	ssyncadd.s32 $0xFFFFD800  }
0x8f: {  	_ =	swait.ge [sflag:s24], $0x2800  }
0x90: {  	[sflag:s24] =	ssyncset.done $0x0  }
0x91: {  	s15 =	sor.u32 $0x200, s29;
	[sflag:s24] =	ssyncadd.s32 $0xFFFFD800  }
0x92: {  	[tilespmem:s17], [sflag:$0x2] =	stream.indirect.gather [hbm4b:s5+s16], $0x80, s15, s16, $0xb8;
	[tilespmem:$0x1F000] =	vst v63  }
0x93: {  	s15 =	sor.u32 $0x880, s29  }
0x94: {  	[spmem:s3] =	stream.indirect.scatter.add.f32 [tilespmem:s19], [sflag:$0x6], $0x80, s15, s16, $0xb8;
	[tilespmem:$0x1F000] =	vst v63  }
0x95: {  	_ =	swait.ge [sflag:s14], $0x2800  }
0x96: {  	[sflag:s14] =	ssyncset.done $0x0  }
0x97: {  	[sflag:s14] =	ssyncadd.s32 $0xFFFFD800  }
0x98: {  	_ =	swait.ge [sflag:s25], $0x2800  }
0x99: {  	[sflag:s25] =	ssyncset.done $0x0  }
0x9a: {  	s20 =	sor.u32 $0x280, s29;
	[sflag:s25] =	ssyncadd.s32 $0xFFFFD800  }
0x9b: {  	[tilespmem:s19], [sflag:$0x3] =	stream.indirect.gather [hbm4b:s5+s16], $0x80, s20, s16, $0xb8;
	[tilespmem:$0x1F000] =	vst v63  }
0x9c: {  	s15 =	sor.u32 $0x900, s29  }
0x9d: {  	[spmem:s3] =	stream.indirect.scatter.add.f32 [tilespmem:s21], [sflag:$0x6], $0x80, s15, s16, $0xb8;
	[tilespmem:$0x1F000] =	vst v63  }
0x9e: {  	_ =	swait.ge [sflag:s14], $0x2800  }
0x9f: {  	[sflag:s14] =	ssyncset.done $0x0  }
0xa0: {  	[sflag:s14] =	ssyncadd.s32 $0xFFFFD800  }
0xa1: {  	_ =	swait.ge [sflag:s26], $0x2800  }
0xa2: {  	[sflag:s26] =	ssyncset.done $0x0  }
0xa3: {  	s18 =	sor.u32 $0x300, s29;
	[sflag:s26] =	ssyncadd.s32 $0xFFFFD800  }
0xa4: {  	[tilespmem:s21], [sflag:$0x4] =	stream.indirect.gather [hbm4b:s5+s16], $0x80, s18, s16, $0xb8;
	[tilespmem:$0x1F000] =	vst v63  }
0xa5: {  	s15 =	sor.u32 $0x980, s29  }
0xa6: {  	[spmem:s3] =	stream.indirect.scatter.add.f32 [tilespmem:s23], [sflag:$0x6], $0x80, s15, s16, $0xb8;
	[tilespmem:$0x1F000] =	vst v63  }
0xa7: {  	_ =	swait.ge [sflag:s14], $0x2800  }
0xa8: {  	[sflag:s14] =	ssyncset.done $0x0  }
0xa9: {  	[sflag:s14] =	ssyncadd.s32 $0xFFFFD800  }
0xaa: {  	_ =	swait.ge [sflag:s22], $0x2800  }
0xab: {  	[sflag:s22] =	ssyncset.done $0x0  }
0xac: {  	s15 =	sor.u32 $0x380, s29;
	[sflag:s22] =	ssyncadd.s32 $0xFFFFD800  }
0xad: {  	[tilespmem:s23], [sflag:$0x5] =	stream.indirect.gather [hbm4b:s5+s16], $0x80, s15, s16, $0xb8;
	[tilespmem:$0x1F000] =	vst v63  }
0xae: {  	s7 =	sor.u32 $0xA00, s29  }
0xaf: {  	[spmem:s3] =	stream.indirect.scatter.add.f32 [tilespmem:s17], [sflag:$0x6], $0x80, s7, s16, $0xb8;
	[tilespmem:$0x1F000] =	vst v63  }
0xb0: {  	_ =	swait.ge [sflag:s14], $0x2800  }
0xb1: {  	[sflag:s14] =	ssyncset.done $0x0  }
0xb2: {  	[sflag:s14] =	ssyncadd.s32 $0xFFFFD800  }
0xb3: {  	_ =	swait.ge [sflag:s24], $0x2800  }
0xb4: {  	s8 =	simm.s32 @p0 $0x6;
	s7 =	simm.s32 @p0 $0x3800;
	[sflag:s24] =	ssyncset.done $0x0  }
0xb5: {  	s10 =	simm.s32 @p0 $0x50;
	s9 =	sor.u32 @p0 $0x800, s20;
	[sflag:s24] =	ssyncadd.s32 $0xFFFFD800  }
0xb6: {  	[spmem:s3] =	stream.indirect.scatter.add.f32 @p0 [tilespmem:s7], [sflag:$0x6], $0x80, s9, s10, $0xb8;
	[tilespmem:$0x1F000] =	vst v63  }
0xb7: {  	_ =	swait.ge @p0 [sflag:s8], $0x2800  }
0xb8: {  	[sflag:s8] =	ssyncset.done @p0 $0x0  }
0xb9: {  	s7 =	simm.s32 @p0 $0x4;
	[sflag:s8] =	ssyncadd.s32 @p0 $0xFFFFD800  }
0xba: {  	_ =	swait.ge @p0 [sflag:s7], $0x2800  }
0xbb: {  	[sflag:s7] =	ssyncset.done @p0 $0x0  }
0xbc: {  	[sflag:s7] =	ssyncadd.s32 @p0 $0xFFFFD800;
	s7 =	simm.s32 @!p0 $0x1  }
0xbd: {  	_ =	swait.ge @!p0 [sflag:s7], $0x400  }
0xbe: {  	[sflag:s7] =	ssyncset.done @!p0 $0x0  }
0xbf: {  	[sflag:s7] =	ssyncadd.s32 @!p0 $0xFFFFFC00  }
0xc0: {  	_ =	swait.ge @!p0 [sflag:s7], $0x400  }
0xc1: {  	[sflag:s7] =	ssyncset.done @!p0 $0x0  }
0xc2: {  	s8 =	simm.s32 @!p0 $0x1000;
	[sflag:s7] =	ssyncadd.s32 @!p0 $0xFFFFFC00;
	s7 =	simm.s32 @!p0 $0x50  }
0xc3: {  	[tilespmem:s8], [sflag:$0x2] =	stream.indirect.gather @!p0 [hbm4b:s5+s7], $0x80, s2, s7, $0xb8;
	[tilespmem:$0x1F000] =	vst v63  }
0xc4: {  	s9 =	simm.s32 @!p0 $0x6;
	s2 =	sor.u32 @!p0 $0x800, s20;
	s8 =	simm.s32 @!p0 $0x3800  }
0xc5: {  	[spmem:s3] =	stream.indirect.scatter.add.f32 @!p0 [tilespmem:s8], [sflag:$0x6], $0x80, s2, s7, $0xb8;
	[tilespmem:$0x1F000] =	vst v63  }
0xc6: {  	_ =	swait.ge @!p0 [sflag:s9], $0x2800  }
0xc7: {  	[sflag:s9] =	ssyncset.done @!p0 $0x0  }
0xc8: {  	s2 =	simm.s32 @!p0 $0x4;
	[sflag:s9] =	ssyncadd.s32 @!p0 $0xFFFFD800  }
0xc9: {  	_ =	swait.ge @!p0 [sflag:s2], $0x2800  }
0xca: {  	[sflag:s2] =	ssyncset.done @!p0 $0x0  }
0xcb: {  	[sflag:s2] =	ssyncadd.s32 @!p0 $0xFFFFD800;
	s2 =	ssub.s32 @!p0 $0x480, s29  }
0xcc: {  	[tilespmem:s8], [sflag:$0x3] =	stream.indirect.gather @!p0 [hbm4b:s5+s7], $0x80, s2, s7, $0xb8;
	[tilespmem:$0x1F000] =	vst v63  }
0xcd: {  	s2 =	sor.u32 $0x800, s18  }
0xce: {  	[spmem:s3] =	stream.indirect.scatter.add.f32 [tilespmem:s21], [sflag:$0x6], $0x80, s2, s16, $0xb8;
	[tilespmem:$0x1F000] =	vst v63  }
0xcf: {  	_ =	swait.ge [sflag:s14], $0x2800  }
0xd0: {  	[sflag:s14] =	ssyncset.done $0x0  }
0xd1: {  	[sflag:s14] =	ssyncadd.s32 $0xFFFFD800  }
0xd2: {  	_ =	swait.ge [sflag:s26], $0x2800  }
0xd3: {  	[sflag:s26] =	ssyncset.done $0x0  }
0xd4: {  	s8 =	simm.s32 @!p0 $0x6000;
	s2 =	ssub.s32 @!p0 $0x500, s29;
	[sflag:s26] =	ssyncadd.s32 $0xFFFFD800  }
0xd5: {  	[tilespmem:s8], [sflag:$0x4] =	stream.indirect.gather @!p0 [hbm4b:s5+s7], $0x80, s2, s7, $0xb8;
	[tilespmem:$0x1F000] =	vst v63  }
.Ltmp0:
0xd6: {  	_ = 	snop;
	(pc) =	sbr.rel @p2 .LBB2_2-.Ltmp0, $4  }
0xd7: {  	s30 =	sadd.s32 $0x80, s30;
	s2 =	sor.u32 $0x800, s15;
	p0 =	por p1, p1  }
0xd8: {  	[spmem:s3] =	stream.indirect.scatter.add.f32 [tilespmem:s23], [sflag:$0x6], $0x80, s2, s16, $0xb8;
	[tilespmem:$0x1F000] =	vst v63  }
0xd9: {  	s31 =	sadd.s32 $0x80, s31;
	s2 =	sand.u32 $0x1, s1;
	_ =	swait.ge [sflag:s14], $0x2800  }
0xda: {  	s1 =	sshll.u32 s2, $0x3;
	s29 =	sshll.u32 s2, $0xA;
	[sflag:s14] =	ssyncset.done $0x0  }
0xdb: {  	s0 =	sxor.u32 $0x8, s1  }
0xdc: {  	[sflag:s14] =	ssyncadd.s32 $0xFFFFD800;
	s1 =	simm.s32 @!p0 $0x0;
	s0 =	sshll.u32 @!p0 s0, $0x7  }
0xdd: {  	[tilespmem:s0], [sflag:$0x1] =	stream.linear.gather @!p0 [hbm4b:s30+s1], $0x400, $0x38;
	[tilespmem:$0x1F000] =	vst v63  }
0xde: {  	s2 =	sor.u32 @!p0 $0x800, s0  }
0xdf: {  	[tilespmem:s2], [sflag:$0x1] =	stream.linear.gather @!p0 [hbm4b:s31+s1], $0x400, $0x38;
	[tilespmem:$0x1F000] =	vst v63  }
0xe0: {  	_ =	swait.ge [sflag:s22], $0x2800  }
0xe1: {  	[sflag:s22] =	ssyncset.done $0x0  }
0xe2: {  	s10 =	sor.u32 $0x180, s29;
	[sflag:s22] =	ssyncadd.s32 $0xFFFFD800  }
0xe3: {  	[tilespmem:s23], [sflag:$0x5] =	stream.indirect.gather [hbm4b:s5+s16], $0x80, s10, s16, $0xb8;
	[tilespmem:$0x1F000] =	vst v63  }
0xe4: {  	s15 =	sor.u32 $0x800, s29  }
0xe5: {  	[spmem:s3] =	stream.indirect.scatter.add.f32 [tilespmem:s17], [sflag:$0x6], $0x80, s15, s16, $0xb8;
	[tilespmem:$0x1F000] =	vst v63  }
0xe6: {  	_ =	swait.ge [sflag:s14], $0x2800  }
0xe7: {  	[sflag:s14] =	ssyncset.done $0x0  }
0xe8: {  	[sflag:s14] =	ssyncadd.s32 $0xFFFFD800  }
0xe9: {  	_ =	swait.ge [sflag:s24], $0x2800  }
0xea: {  	[sflag:s24] =	ssyncset.done $0x0  }
0xeb: {  	s18 =	sor.u32 $0x200, s29;
	[sflag:s24] =	ssyncadd.s32 $0xFFFFD800  }
0xec: {  	[tilespmem:s17], [sflag:$0x2] =	stream.indirect.gather [hbm4b:s5+s16], $0x80, s18, s16, $0xb8;
	[tilespmem:$0x1F000] =	vst v63  }
0xed: {  	s20 =	sor.u32 $0x880, s29  }
0xee: {  	[spmem:s3] =	stream.indirect.scatter.add.f32 [tilespmem:s19], [sflag:$0x6], $0x80, s20, s16, $0xb8;
	[tilespmem:$0x1F000] =	vst v63  }
0xef: {  	_ =	swait.ge [sflag:s14], $0x2800  }
0xf0: {  	[sflag:s14] =	ssyncset.done $0x0  }
0xf1: {  	[sflag:s14] =	ssyncadd.s32 $0xFFFFD800  }
0xf2: {  	_ =	swait.ge [sflag:s25], $0x2800  }
0xf3: {  	[sflag:s25] =	ssyncset.done $0x0  }
0xf4: {  	s1 =	sor.u32 $0x280, s29;
	[sflag:s25] =	ssyncadd.s32 $0xFFFFD800  }
0xf5: {  	[tilespmem:s19], [sflag:$0x3] =	stream.indirect.gather [hbm4b:s5+s16], $0x80, s1, s16, $0xb8;
	[tilespmem:$0x1F000] =	vst v63  }
0xf6: {  	s30 =	sor.u32 $0x900, s29  }
0xf7: {  	[spmem:s3] =	stream.indirect.scatter.add.f32 [tilespmem:s21], [sflag:$0x6], $0x80, s30, s16, $0xb8;
	[tilespmem:$0x1F000] =	vst v63  }
0xf8: {  	_ =	swait.ge [sflag:s14], $0x2800  }
0xf9: {  	[sflag:s14] =	ssyncset.done $0x0  }
0xfa: {  	[sflag:s14] =	ssyncadd.s32 $0xFFFFD800  }
0xfb: {  	_ =	swait.ge [sflag:s26], $0x2800  }
0xfc: {  	[sflag:s26] =	ssyncset.done $0x0  }
0xfd: {  	s31 =	sor.u32 $0x300, s29;
	[sflag:s26] =	ssyncadd.s32 $0xFFFFD800  }
0xfe: {  	[tilespmem:s21], [sflag:$0x4] =	stream.indirect.gather [hbm4b:s5+s16], $0x80, s31, s16, $0xb8;
	[tilespmem:$0x1F000] =	vst v63  }
0xff: {  	s7 =	sor.u32 $0x980, s29  }
0x100: {  	[spmem:s3] =	stream.indirect.scatter.add.f32 [tilespmem:s23], [sflag:$0x6], $0x80, s7, s16, $0xb8;
	[tilespmem:$0x1F000] =	vst v63  }
0x101: {  	_ =	swait.ge [sflag:s14], $0x2800  }
0x102: {  	[sflag:s14] =	ssyncset.done $0x0  }
0x103: {  	[sflag:s14] =	ssyncadd.s32 $0xFFFFD800  }
0x104: {  	_ =	swait.ge [sflag:s22], $0x2800  }
0x105: {  	[sflag:s22] =	ssyncset.done $0x0  }
0x106: {  	s18 =	sor.u32 $0x380, s29;
	[sflag:s22] =	ssyncadd.s32 $0xFFFFD800  }
0x107: {  	[tilespmem:s23], [sflag:$0x5] =	stream.indirect.gather [hbm4b:s5+s16], $0x80, s18, s16, $0xb8;
	[tilespmem:$0x1F000] =	vst v63  }
0x108: {  	s8 =	sor.u32 $0xA00, s29  }
0x109: {  	[spmem:s3] =	stream.indirect.scatter.add.f32 [tilespmem:s17], [sflag:$0x6], $0x80, s8, s16, $0xb8;
	[tilespmem:$0x1F000] =	vst v63  }
0x10a: {  	_ =	swait.ge [sflag:s14], $0x2800  }
0x10b: {  	[sflag:s14] =	ssyncset.done $0x0  }
0x10c: {  	[sflag:s14] =	ssyncadd.s32 $0xFFFFD800  }
0x10d: {  	_ =	swait.ge [sflag:s24], $0x2800  }
0x10e: {  	s9 =	simm.s32 @p0 $0x6;
	s10 =	sor.u32 @p0 $0x800, s1;
	[sflag:s24] =	ssyncset.done $0x0  }
0x10f: {  	s15 =	simm.s32 @p0 $0x50;
	s8 =	simm.s32 @p0 $0x3800;
	[sflag:s24] =	ssyncadd.s32 $0xFFFFD800  }
0x110: {  	[spmem:s3] =	stream.indirect.scatter.add.f32 @p0 [tilespmem:s8], [sflag:$0x6], $0x80, s10, s15, $0xb8;
	[tilespmem:$0x1F000] =	vst v63  }
0x111: {  	_ =	swait.ge @p0 [sflag:s9], $0x2800  }
0x112: {  	[sflag:s9] =	ssyncset.done @p0 $0x0  }
0x113: {  	s8 =	simm.s32 @p0 $0x4;
	[sflag:s9] =	ssyncadd.s32 @p0 $0xFFFFD800  }
0x114: {  	_ =	swait.ge @p0 [sflag:s8], $0x2800  }
0x115: {  	[sflag:s8] =	ssyncset.done @p0 $0x0  }
0x116: {  	[sflag:s8] =	ssyncadd.s32 @p0 $0xFFFFD800;
	s8 =	simm.s32 @!p0 $0x1  }
0x117: {  	_ =	swait.ge @!p0 [sflag:s8], $0x400  }
0x118: {  	[sflag:s8] =	ssyncset.done @!p0 $0x0  }
0x119: {  	[sflag:s8] =	ssyncadd.s32 @!p0 $0xFFFFFC00  }
0x11a: {  	_ =	swait.ge @!p0 [sflag:s8], $0x400  }
0x11b: {  	[sflag:s8] =	ssyncset.done @!p0 $0x0  }
0x11c: {  	s9 =	simm.s32 @!p0 $0x1000;
	[sflag:s8] =	ssyncadd.s32 @!p0 $0xFFFFFC00;
	s8 =	simm.s32 @!p0 $0x50  }
0x11d: {  	[tilespmem:s9], [sflag:$0x2] =	stream.indirect.gather @!p0 [hbm4b:s5+s8], $0x80, s0, s8, $0xb8;
	[tilespmem:$0x1F000] =	vst v63  }
0x11e: {  	s0 =	sor.u32 @!p0 $0x800, s1;
	s1 =	simm.s32 @!p0 $0x3800;
	s9 =	simm.s32 @!p0 $0x6  }
0x11f: {  	[spmem:s3] =	stream.indirect.scatter.add.f32 @!p0 [tilespmem:s1], [sflag:$0x6], $0x80, s0, s8, $0xb8;
	[tilespmem:$0x1F000] =	vst v63  }
0x120: {  	_ =	swait.ge @!p0 [sflag:s9], $0x2800  }
0x121: {  	[sflag:s9] =	ssyncset.done @!p0 $0x0  }
0x122: {  	s0 =	simm.s32 @!p0 $0x4;
	[sflag:s9] =	ssyncadd.s32 @!p0 $0xFFFFD800  }
0x123: {  	_ =	swait.ge @!p0 [sflag:s0], $0x2800  }
0x124: {  	[sflag:s0] =	ssyncset.done @!p0 $0x0  }
0x125: {  	[sflag:s0] =	ssyncadd.s32 @!p0 $0xFFFFD800;
	s0 =	ssub.s32 @!p0 $0x480, s29  }
0x126: {  	[tilespmem:s1], [sflag:$0x3] =	stream.indirect.gather @!p0 [hbm4b:s5+s8], $0x80, s0, s8, $0xb8;
	[tilespmem:$0x1F000] =	vst v63  }
0x127: {  	s20 =	sor.u32 $0x800, s31  }
0x128: {  	[spmem:s3] =	stream.indirect.scatter.add.f32 [tilespmem:s21], [sflag:$0x6], $0x80, s20, s16, $0xb8;
	[tilespmem:$0x1F000] =	vst v63  }
0x129: {  	_ =	swait.ge [sflag:s14], $0x2800  }
0x12a: {  	[sflag:s14] =	ssyncset.done $0x0  }
0x12b: {  	[sflag:s14] =	ssyncadd.s32 $0xFFFFD800  }
0x12c: {  	_ =	swait.ge [sflag:s26], $0x2800  }
0x12d: {  	[sflag:s26] =	ssyncset.done $0x0  }
0x12e: {  	s0 =	ssub.s32 @!p0 $0x500, s29;
	s1 =	simm.s32 @!p0 $0x6000;
	[sflag:s26] =	ssyncadd.s32 $0xFFFFD800  }
0x12f: {  	[tilespmem:s1], [sflag:$0x4] =	stream.indirect.gather @!p0 [hbm4b:s5+s8], $0x80, s0, s8, $0xb8;
	[tilespmem:$0x1F000] =	vst v63  }
0x130: {  	s29 =	sor.u32 $0x800, s18  }
0x131: {  	[spmem:s3] =	stream.indirect.scatter.add.f32 [tilespmem:s23], [sflag:$0x6], $0x80, s29, s16, $0xb8;
	[tilespmem:$0x1F000] =	vst v63  }
0x132: {  	_ =	swait.ge [sflag:s14], $0x2800  }
0x133: {  	[sflag:s14] =	ssyncset.done $0x0  }
0x134: {  	[sflag:s14] =	ssyncadd.s32 $0xFFFFD800  }
0x135: {  	[bflag:$0x0] =	sbarrier.arrive $0xFFFF  }
0x136: {  	s30 =	rddreg [dreg:$0x6]  }
0x137: {  	[hbm:s30], [sflag:s6] =	dma.local [spmem:s13], $0x2800  }
0x138: {  	_ =	swait.ge [sflag:s14], $0x2800  }
0x139: {  	s28 =	sadd.s32 $0x1, s28;
	s31 =	rddreg [dreg:$0x7]  }
0x13a: {  	p0 =	sne.s32 s28, s31  }
.Ltmp1:
0x13b: {  	_ = 	snop;
	(pc) =	sbr.rel @p0 .LBB2_1-.Ltmp1, $3  }
0x13c: {  	_ =	sdelay $0x1  }
0x13d: {  	[sflag:s14] =	ssyncset.done $0x0  }
0x13e: {  	[sflag:s14] =	ssyncadd.s32 $0xFFFFD800  }
0x13f: {  	_ =	sfence.sel $0x180000  }
0x140: {  	[bflag:$0x0] =	sbarrier.arrive $0xFFFF  }
0x141: {  	_ =	strace $0x9000004D  }
0x142: {  	s0 =	stileid.u32;
	[bflag:$0x2] =	sbarrier.arrive $0xFFFF  }
0x143: {  	p0 =	sne.s32 s0, $0x0;
	s0 =	rddreg [dreg:$0x3]  }
0x144: {  	s0 =	sadd.s32 @!p0 $0x100000, s0  }
0x145: {  	[sflag:s0] =	ssyncadd.tile.s32 @!p0 $0x1;
	_ =	shalt  }
.Lfunc_end2:
_tile_overlayer_lowered:
.L_overlay_start_2:
0x146: {  	(tag) =	ssettag $0x2  }
0x147: {  	s0 =	rddreg [dreg:$0x0];
	s2 =	stileid.u32  }
0x148: {  	s1 =	rddreg [dreg:$0x1];
	p0 =	sne.s32 s2, $0x0  }
0x149: {  	s3 =	rddreg [dreg:$0x2];
	[bflag:$0x3] =	sbarrier.arrive $0xFFFF;
	s2 =	simm.s32 @!p0 $0x1C06  }
0x14a: {  	[timem:s3], [sflag:s2] =	dma.local @!p0 [hbm:s0], s1  }
0x14b: {  	s0 =	simm.s32 @!p0 $0x6  }
0x14c: {  	_ =	swait.ge @!p0 [sflag:s0], s1  }
0x14d: {  	s1 =	ssub.s32 @!p0 $0x0, s1;
	[sflag:s0] =	ssyncset.done @!p0 $0x0  }
0x14e: {  	[sflag:s0] =	ssyncadd.s32 @!p0 s1  }
0x14f: {  	[bflag:$0x3] =	sbarrier.arrive $0xFFFF  }
0x150: {  	_ =	shalt  }

// kernel: kernel.19.cloned.1.call-start
scs
__scs_entry_jumppad:
0x0: {  	(pc) =	sbr.rel $0x88, $3  }
0x1: {  	(tag) =	ssettag $0x0;
	lr =	simm.s32 $0x1  }
0x2: {  	[smem:$0x3F96] =	sst lr;
	_ =	strace $0xD0000000  }
0x3: {  	_ = 	snop  }
0x4: {  	_ = 	snop  }
0x5: {  	_ = 	snop  }
0x6: {  	_ = 	snop  }
0x7: {  	_ = 	snop  }
__scs_overlays_trampoline_lowered:
0x8: {  	[smem:$0x3FA5] =	sst s0  }
0x9: {  	[smem:$0x3FA6] =	sst s1  }
0xa: {  	[smem:$0x3FA7] =	sst s2  }
0xb: {  	[smem:$0x3FA8] =	sst s3  }
0xc: {  	[smem:$0x3FA9] =	sst s4  }
0xd: {  	[smem:$0x3FAA] =	sst s5  }
0xe: {  	[smem:$0x3FAB] =	sst s6  }
0xf: {  	[smem:$0x3FAC] =	sst s7  }
0x10: {  	[smem:$0x3FAD] =	sst s8  }
0x11: {  	[smem:$0x3FAE] =	sst s9;
	s0 =	simm.s32 @!p0 $0x0  }
0x12: {  	s1 =	sld [smem:$0x3F94];
	s0 =	simm.s32 @p0 $0x1  }
0x13: {  	[smem:$0x3FAF] =	sst s0;
	s0 =	simm.s32 @!p1 $0x0  }
0x14: {  	s2 =	sld [smem:$0x3F93];
	s0 =	simm.s32 @p1 $0x1  }
0x15: {  	[smem:$0x3FB0] =	sst s0;
	s0 =	simm.s32 @!p2 $0x0  }
0x16: {  	s3 =	sld [smem:$0x3FDB];
	s0 =	simm.s32 @p2 $0x1  }
0x17: {  	s4 =	simm.s32 $0x1BF5;
	[smem:$0x3FB2] =	sst s0  }
0x18: {  	s0 =	sld [smem:$0x3F95];
	_ =	swait.ge [sflag:s4], $0x0  }
0x19: {  	s7 =	sld [smem:$0x3F96]  }
0x1a: {  	s8 =	sadd.s32 $0xFFFFE003, lr  }
0x1b: {  	s9 =	sadd.s32 $0xFFFFFEF7, lr;
	s5 =	simm.s32 $0xFFFFFFFF;
	p2 =	slt.u32 s8, $0xFFFFF086  }
0x1c: {  	p1 =	slt.u32 s9, $0xF7A;
	s5 =	simm.s32 @!p2 $0x0  }
0x1d: {  	s5 =	simm.s32 @p1 $0x1;
	p0 =	seq.s32 s7, s2  }
0x1e: {  	s7 =	smul.u32 @!p0 $0xF7A, s2;
	p2 =	seq.s32 @!p0 s5, $0x0  }
0x1f: {  	s9 =	smul.u32 $0xF7A, s1;
	s8 =	simm.s32 @!p0 $0x1BF5;
	p2 =	por !p2, p0  }
0x20: {  	[sflag:s8] =	ssyncset.s32 @!p0 $0xFFFFF086;
	s6 =	sadd.s32 @!p0 s3, s7;
	s7 =	simm.s32 @!p0 $0x108  }
0x21: {  	s3 =	sadd.s32 s3, s9;
	s6 =	sadd.s32 @!p0 $0x88, s6;
	s7 =	simm.s32 @p2 $0x1082  }
0x22: {  	[simem:s7], [sflag:s8] =	dma.local @!p0 [hbm:s6], $0xF7A  }
0x23: {  	s9 =	sor.u32 $0xD0000000, s2;
	s6 =	simm.s32 $0x108;
	_ =	swait.ge @!p0 [sflag:s8], $0x0  }
0x24: {  	s3 =	sadd.s32 $0x88, s3;
	s6 =	simm.s32 @!p1 $0x1082;
	[sflag:s4] =	ssyncset.s32 $0xFFFFF086  }
0x25: {  	[simem:s6], [sflag:s4] =	dma.local [hbm:s3], $0xF7A  }
0x26: {  	[smem:$0x3F96] =	sst s1;
	(tag) =	ssettag s2;
	_ =	strace s9  }
0x27: {  	s1 =	sld [smem:$0x3FA6]  }
0x28: {  	s2 =	sld [smem:$0x3FA7]  }
0x29: {  	s4 =	sld [smem:$0x3FA9]  }
0x2a: {  	p0 =	seq.s32 s5, $0x0;
	s5 =	sld [smem:$0x3FAA]  }
0x2b: {  	s6 =	sld [smem:$0x3FAB]  }
0x2c: {  	s7 =	sld [smem:$0x3FAC]  }
0x2d: {  	s3 =	simm.s32 $0x108;
	s8 =	sld [smem:$0x3FAD]  }
0x2e: {  	s3 =	simm.s32 @!p0 $0x1082;
	s9 =	sld [smem:$0x3FAE]  }
0x2f: {  	lr =	sadd.s32 s0, s3;
	s0 =	sld [smem:$0x3FA5]  }
0x30: {  	s3 =	sld [smem:$0x3FA8]  }
0x31: {  	[smem:$0x3FB1] =	sst s10  }
0x32: {  	s10 =	sld [smem:$0x3FAF];
	_ =	sdelay $0x3  }
0x33: {  	p0 =	seq.s32 s10, $0x1;
	s10 =	sld [smem:$0x3FB1];
	_ =	sdelay $0x3  }
0x34: {  	[smem:$0x3FB1] =	sst s10  }
0x35: {  	s10 =	sld [smem:$0x3FB0];
	_ =	sdelay $0x3  }
0x36: {  	p1 =	seq.s32 s10, $0x1;
	s10 =	sld [smem:$0x3FB1];
	_ =	sdelay $0x3  }
0x37: {  	[smem:$0x3FB1] =	sst s10  }
0x38: {  	s10 =	sld [smem:$0x3FB2]  }
0x39: {  	_ = 	snop;
	(pc) =	sbr.ind lr, $3  }
0x3a: {  	_ = 	snop  }
0x3b: {  	_ = 	snop  }
0x3c: {  	p2 =	seq.s32 s10, $0x1;
	s10 =	sld [smem:$0x3FB1]  }
0x3d: {  	_ =	shalt  }
0x3e: {  	_ =	shalt  }
0x3f: {  	_ =	shalt  }
0x40: {  	_ =	shalt  }
0x41: {  	_ =	shalt  }
0x42: {  	_ =	shalt  }
0x43: {  	_ =	shalt  }
0x44: {  	_ =	shalt  }
0x45: {  	_ =	shalt  }
0x46: {  	_ =	shalt  }
0x47: {  	_ =	shalt  }
0x48: {  	_ =	shalt  }
0x49: {  	_ =	shalt  }
0x4a: {  	_ =	shalt  }
0x4b: {  	_ =	shalt  }
0x4c: {  	_ =	shalt  }
0x4d: {  	_ =	shalt  }
0x4e: {  	_ =	shalt  }
0x4f: {  	_ =	shalt  }
0x50: {  	_ =	shalt  }
0x51: {  	_ =	shalt  }
0x52: {  	_ =	shalt  }
0x53: {  	_ =	shalt  }
0x54: {  	_ =	shalt  }
0x55: {  	_ =	shalt  }
0x56: {  	_ =	shalt  }
0x57: {  	_ =	shalt  }
0x58: {  	_ =	shalt  }
0x59: {  	_ =	shalt  }
0x5a: {  	_ =	shalt  }
0x5b: {  	_ =	shalt  }
0x5c: {  	_ =	shalt  }
0x5d: {  	_ =	shalt  }
0x5e: {  	_ =	shalt  }
0x5f: {  	_ =	shalt  }
0x60: {  	_ =	shalt  }
0x61: {  	_ =	shalt  }
0x62: {  	_ =	shalt  }
0x63: {  	_ =	shalt  }
0x64: {  	_ =	shalt  }
0x65: {  	_ =	shalt  }
0x66: {  	_ =	shalt  }
0x67: {  	_ =	shalt  }
0x68: {  	_ =	shalt  }
0x69: {  	_ =	shalt  }
0x6a: {  	_ =	shalt  }
0x6b: {  	_ =	shalt  }
0x6c: {  	_ =	shalt  }
0x6d: {  	_ =	shalt  }
0x6e: {  	_ =	shalt  }
0x6f: {  	_ =	shalt  }
0x70: {  	_ =	shalt  }
0x71: {  	_ =	shalt  }
0x72: {  	_ =	shalt  }
0x73: {  	_ =	shalt  }
0x74: {  	_ =	shalt  }
0x75: {  	_ =	shalt  }
0x76: {  	_ =	shalt  }
0x77: {  	_ =	shalt  }
0x78: {  	_ =	shalt  }
0x79: {  	_ =	shalt  }
0x7a: {  	_ =	shalt  }
0x7b: {  	_ =	shalt  }
0x7c: {  	_ =	shalt  }
0x7d: {  	_ =	shalt  }
0x7e: {  	_ =	shalt  }
0x7f: {  	_ =	shalt  }
0x80: {  	_ =	shalt  }
0x81: {  	_ =	shalt  }
0x82: {  	_ =	shalt  }
0x83: {  	_ =	shalt  }
0x84: {  	_ =	shalt  }
0x85: {  	_ =	shalt  }
0x86: {  	_ =	shalt  }
0x87: {  	_ =	shalt  }
.Lfunc_end0:
.L_simem_size_0:
called_computation.3_lowered:
.L_overlay_start_0:
0x88: {  	s2 =	sld [smem:$0x3FD9]  }
0x89: {  	s3 =	sld [smem:$0x3FFE];
	_ =	sdelay $0x1  }
0x8a: {  	s1 =	srdreg.scid  }
0x8b: {  	s0 =	sand.u32 $0x1, s1  }
0x8c: {  	s17 =	sshll.u32 s0, $0xA;
	s2 =	sadd.s32 s3, s2  }
0x8d: {  	s2 =	sadd.s32 s2, s17  }
0x8e: {  	[smem:$0x3FBD] =	sst s2  }
0x8f: {  	_ = 	snop  }
0x90: {  	s2 =	sld [smem:$0x3FD0];
	(tm) =	ssettm $0x1  }
0x91: {  	s18 =	sld [smem:$0x3FFB];
	_ =	sdelay $0x3  }
0x92: {  	_ =	strace s18  }
0x93: {  	s3 =	sld [smem:$0x3FFC];
	_ =	sdelay $0x3  }
0x94: {  	_ =	strace s3  }
0x95: {  	s3 =	sld [smem:$0x3FFD];
	_ =	sdelay $0x3  }
0x96: {  	_ =	strace s3  }
0x97: {  	_ =	strace $0x8FFFFFFF  }
0x98: {  	s19 =	sld [smem:$0x3FDB];
	_ =	sdelay $0x1  }
0x99: {  	s4 =	simm.s32 $_scs_section_size  }
0x9a: {  	s5 =	simm.s32 $_size__tile_overlayer_lowered;
	s6 =	simm.s32 $_tile_overlayer_lowered  }
0x9b: {  	s22 =	simm.s32 $0x1BFF;
	s21 =	sshll.u32 s6, $0x1;
	s3 =	sadd.s32 s4, s19  }
0x9c: {  	s7 =	simm.s32 $0x0;
	s20 =	sshll.u32 s5, $0x1;
	s5 =	sadd.s32 s21, s3  }
0x9d: {  	[timem:s7], [sflag:s22] =	dma.local [hbm:s5], s20  }
0x9e: {  	_ =	swait.ge [sflag:s22], s20  }
0x9f: {  	s4 =	ssub.s32 $0x0, s20;
	[sflag:s22] =	ssyncset.done $0x0  }
0xa0: {  	[sflag:s22] =	ssyncadd.s32 s4;
	_ =	sdelay $0x1  }
0xa1: {  	s23 =	simm.s32 $0x1B8B  }
0xa2: {  	_ =	swait.ge [sflag:s23], $0x1  }
0xa3: {  	[sflag:s23] =	ssyncset.done $0x0  }
0xa4: {  	s25 =	simm.s32 $0x1B8E;
	s24 =	sld [smem:$0x3FFE];
	[sflag:s23] =	ssyncadd.s32 $0xFFFFFFFF  }
0xa5: {  	s26 =	simm.s32 $execute0_lowered;
	[smem:$0x3FD2] =	sst s25  }
0xa6: {  	s5 =	sshll.u32 s26, $0x1;
	_ =	strace $0x8000004F;
	[dreg:$0x1] =	wrdreg $0xFFFFFFFF  }
0xa7: {  	s28 =	simm.s32 $_size_execute0_lowered;
	s3 =	sadd.s32 s3, s5;
	[dreg:$0x0] =	wrdreg $0x0  }
0xa8: {  	s5 =	sshll.u32 s28, $0x1;
	[dreg:$0x2] =	wrdreg s3  }
0xa9: {  	[dreg:$0x3] =	wrdreg s5  }
0xaa: {  	[dreg:$0x4] =	wrdreg $0xC0  }
0xab: {  	_ =	task [dreg:s7], $0x5FFFF  }
0xac: {  	[dreg:$0x1] =	wrdreg $0xFFFFFFFF  }
0xad: {  	[dreg:$0x0] =	wrdreg $0x60  }
0xae: {  	[dreg:$0x2] =	wrdreg s24  }
0xaf: {  	[dreg:$0x3] =	wrdreg s2  }
0xb0: {  	[dreg:$0x4] =	wrdreg $0xB0000  }
0xb1: {  	[dreg:$0x5] =	wrdreg $0x9  }
0xb2: {  	_ =	task.clear_ibuf [dreg:s7], $0x6FFFF;
	_ =	strace $0x9000004F  }
0xb3: {  	s29 =	simm.s32 $0x9;
	_ =	strace $0x80000051  }
0xb4: {  	_ =	swait.ge [sflag:s29], $0x1  }
0xb5: {  	[sflag:s29] =	ssyncadd.s32 $0xFFFFFFFF  }
0xb6: {  	_ =	strace $0x90000051  }
0xb7: {  	_ =	sfence  }
0xb8: {  	s30 =	sld [smem:$0x0];
	_ =	sdelay $0x2  }
0xb9: {  	s31 =	sshll.u32 s1, $0xD;
	s1 =	sshrl.u32 s1, $0x2  }
0xba: {  	s3 =	sand.u32 $0x4000, s31;
	s1 =	sadd.s32 s1, s30  }
0xbb: {  	s0 =	sor.u32 s3, s0;
	s1 =	sshll.u32 s1, $0x11  }
0xbc: {  	s0 =	sor.u32 s1, s0  }
0xbd: {  	s0 =	sadd.s32 $0x8F2B, s0  }
0xbe: {  	[sflag:s0] =	ssyncadd.remote.s32 $0x1  }
0xbf: {  	_ =	sfence.sel $0xFFFF  }
0xc0: {  	[dreg:$0x0] =	wrdreg $0xFFFFFFFF;
	(pc) =	sbr.abs _section_cstart, $3  }
0xc1: {  	[dreg:$0x1] =	wrdreg $0xFFFFFFFF  }
0xc2: {  	_ =	task.clear_ibuf [dreg:s7], $0x2FFFF;
	_ =	strace $0x9FFFFFFF  }
0xc3: {  	(tm) =	ssettm $0x7FFFFFFF  }
tec
execute0_lowered:
.L_overlay_start_1:
0x0: {  	(tag) =	ssettag $0x1  }
0x1: {  	s0 =	rddreg [dreg:$0x0];
	s1 =	srdreg.scid  }
0x2: {  	s3 =	rddreg [dreg:$0x2];
	s9 =	stileid.u32  }
0x3: {  	s4 =	simm.s32 $0x0;
	s14 =	simm.s32 $0x6;
	s16 =	simm.s32 $0x50  }
0x4: {  	s17 =	simm.s32 $0x1000;
	s19 =	simm.s32 $0x3800;
	s21 =	simm.s32 $0x6000  }
0x5: {  	s22 =	simm.s32 $0x2;
	s28 =	simm.s32 $0x0;
	s1 =	sand.u32 $0x1, s1  }
0x6: {  	s6 =	smul.u32 $0x14000, s9;
	[smem:$0x7FF] =	sst s4;
	s5 =	sadd.s32 $0x73600, s0  }
0x7: {  	s12 =	sadd.s32 $0x63600, s0;
	s11 =	sadd.s32 $0x3000, s0;
	s24 =	smul.u32 $0x50000, s9  }
0x8: {  	s8 =	sshll.u32 s9, $0xE;
	s25 =	sshll.u32 s9, $0x6;
	s2 =	smul.u32 $0x140000, s1  }
0x9: {  	_ =	strace $0x80000050;
	s23 =	ssub.s32 $0x2, s1;
	s1 =	sshll.u32 s1, $0x12  }
0xa: {  	s7 =	sshrl.u32 s23, $0x1;
	s1 =	sor.u32 s8, s1;
	s2 =	sadd.s32 s6, s2  }
0xb: {  	s6 =	sshrl.u32 s24, $0x2;
	s8 =	sshrl.u32 s1, $0x3;
	s1 =	sor.u32 $0x400, s1  }
0xc: {  	s24 =	simm.s32 $0x3;
	s2 =	sshrl.u32 s2, $0x3;
	s13 =	sadd.s32 s6, s3  }
0xd: {  	s6 =	sor.u32 $0x1C06, s25;
	s26 =	sadd.s32 s12, s8;
	s29 =	sadd.s32 s11, s8  }
0xe: {  	s30 =	sshrl.u32 s1, $0x3;
	s25 =	simm.s32 $0x4;
	[dreg:$0x4] =	wrdreg s26  }
0xf: {  	s0 =	sadd.s32 s2, s0;
	s2 =	ssub.s32 s23, s7;
	[dreg:$0x5] =	wrdreg s29  }
0x10: {  	s11 =	sadd.s32 s30, s11;
	s12 =	sadd.s32 s30, s12;
	s0 =	sadd.s32 $0x9A800, s0  }
0x11: {  	s13 =	sshrl.u32 s13, $0x3;
	s31 =	smax.u32 s2, $0x1;
	[dreg:$0x6] =	wrdreg s0  }
0x12: {  	s23 =	simm.s32 $0x8800;
	s26 =	simm.s32 $0x5;
	[dreg:$0x7] =	wrdreg s31  }
.LBB2_1:
0x13: {  	s0 =	rddreg [dreg:$0x1]  }
0x14: {  	[spmem:s13], [sflag:s6] =	dma.local [hbm:s0], $0x2800  }
0x15: {  	_ =	swait.ge [sflag:s14], $0x2800  }
0x16: {  	[sflag:s14] =	ssyncset.done $0x0  }
0x17: {  	s18 =	rddreg [dreg:$0x4];
	[sflag:s14] =	ssyncadd.s32 $0xFFFFD800  }
0x18: {  	[tilespmem:s4], [sflag:$0x6] =	stream.linear.gather [hbm4b:s18+s4], $0x400, $0x38;
	[tilespmem:$0x1F000] =	vst v63  }
0x19: {  	_ =	swait.ge [sflag:s14], $0x400  }
0x1a: {  	[sflag:s14] =	ssyncset.done $0x0  }
0x1b: {  	s1 =	simm.s32 $0x800;
	s20 =	rddreg [dreg:$0x5];
	[sflag:s14] =	ssyncadd.s32 $0xFFFFFC00  }
0x1c: {  	[tilespmem:s1], [sflag:$0x6] =	stream.linear.gather [hbm4b:s20+s4], $0x400, $0x38;
	[tilespmem:$0x1F000] =	vst v63  }
0x1d: {  	_ =	swait.ge [sflag:s14], $0x400  }
0x1e: {  	[sflag:s14] =	ssyncset.done $0x0  }
0x1f: {  	[sflag:s14] =	ssyncadd.s32 $0xFFFFFC00  }
0x20: {  	s8 =	sand.u32 $0x1, s4;
	[bflag:$0x0] =	sbarrier.arrive $0xFFFF  }
0x21: {  	[tilespmem:s17], [sflag:$0x2] =	stream.indirect.gather [hbm4b:s5+s16], $0x80, s4, s16, $0xb8;
	[tilespmem:$0x1F000] =	vst v63  }
0x22: {  	s2 =	simm.s32 $0x80;
	p0 =	por $0x0, $0x0;
	s9 =	sshll.u32 s8, $0x3  }
0x23: {  	[tilespmem:s19], [sflag:$0x3] =	stream.indirect.gather [hbm4b:s5+s16], $0x80, s2, s16, $0xb8;
	[tilespmem:$0x1F000] =	vst v63  }
0x24: {  	s7 =	simm.s32 $0x100;
	p0 =	por p0, p0;
	s1 =	sxor.u32 $0x8, s9  }
0x25: {  	[tilespmem:s21], [sflag:$0x4] =	stream.indirect.gather [hbm4b:s5+s16], $0x80, s7, s16, $0xb8;
	[tilespmem:$0x1F000] =	vst v63  }
0x26: {  	s1 =	sshll.u32 @!p0 s1, $0x7;
	s2 =	simm.s32 @!p0 $0x0  }
0x27: {  	[tilespmem:s1], [sflag:$0x1] =	stream.linear.gather @!p0 [hbm4b:s12+s2], $0x400, $0x38;
	[tilespmem:$0x1F000] =	vst v63  }
0x28: {  	s15 =	sor.u32 @!p0 $0x800, s1  }
0x29: {  	[tilespmem:s15], [sflag:$0x1] =	stream.linear.gather @!p0 [hbm4b:s11+s2], $0x400, $0x38;
	[tilespmem:$0x1F000] =	vst v63  }
0x2a: {  	_ =	swait.ge [sflag:s22], $0x2800  }
0x2b: {  	s0 =	sshll.u32 s8, $0xA;
	[sflag:s22] =	ssyncset.done $0x0  }
0x2c: {  	s10 =	sor.u32 $0x180, s0;
	[sflag:s22] =	ssyncadd.s32 $0xFFFFD800  }
0x2d: {  	[tilespmem:s23], [sflag:$0x5] =	stream.indirect.gather [hbm4b:s5+s16], $0x80, s10, s16, $0xb8;
	[tilespmem:$0x1F000] =	vst v63  }
0x2e: {  	s15 =	sor.u32 $0x800, s0  }
0x2f: {  	[spmem:s3] =	stream.indirect.scatter.add.f32 [tilespmem:s17], [sflag:$0x6], $0x80, s15, s16, $0xb8;
	[tilespmem:$0x1F000] =	vst v63  }
0x30: {  	_ =	swait.ge [sflag:s14], $0x2800  }
0x31: {  	[sflag:s14] =	ssyncset.done $0x0  }
0x32: {  	[sflag:s14] =	ssyncadd.s32 $0xFFFFD800  }
0x33: {  	_ =	swait.ge [sflag:s24], $0x2800  }
0x34: {  	[sflag:s24] =	ssyncset.done $0x0  }
0x35: {  	s18 =	sor.u32 $0x200, s0;
	[sflag:s24] =	ssyncadd.s32 $0xFFFFD800  }
0x36: {  	[tilespmem:s17], [sflag:$0x2] =	stream.indirect.gather [hbm4b:s5+s16], $0x80, s18, s16, $0xb8;
	[tilespmem:$0x1F000] =	vst v63  }
0x37: {  	s20 =	sor.u32 $0x880, s0  }
0x38: {  	[spmem:s3] =	stream.indirect.scatter.add.f32 [tilespmem:s19], [sflag:$0x6], $0x80, s20, s16, $0xb8;
	[tilespmem:$0x1F000] =	vst v63  }
0x39: {  	_ =	swait.ge [sflag:s14], $0x2800  }
0x3a: {  	[sflag:s14] =	ssyncset.done $0x0  }
0x3b: {  	[sflag:s14] =	ssyncadd.s32 $0xFFFFD800  }
0x3c: {  	_ =	swait.ge [sflag:s25], $0x2800  }
0x3d: {  	[sflag:s25] =	ssyncset.done $0x0  }
0x3e: {  	s2 =	sor.u32 $0x280, s0;
	[sflag:s25] =	ssyncadd.s32 $0xFFFFD800  }
0x3f: {  	[tilespmem:s19], [sflag:$0x3] =	stream.indirect.gather [hbm4b:s5+s16], $0x80, s2, s16, $0xb8;
	[tilespmem:$0x1F000] =	vst v63  }
0x40: {  	s7 =	sor.u32 $0x900, s0  }
0x41: {  	[spmem:s3] =	stream.indirect.scatter.add.f32 [tilespmem:s21], [sflag:$0x6], $0x80, s7, s16, $0xb8;
	[tilespmem:$0x1F000] =	vst v63  }
0x42: {  	_ =	swait.ge [sflag:s14], $0x2800  }
0x43: {  	[sflag:s14] =	ssyncset.done $0x0  }
0x44: {  	[sflag:s14] =	ssyncadd.s32 $0xFFFFD800  }
0x45: {  	_ =	swait.ge [sflag:s26], $0x2800  }
0x46: {  	[sflag:s26] =	ssyncset.done $0x0  }
0x47: {  	s8 =	sor.u32 $0x300, s0;
	[sflag:s26] =	ssyncadd.s32 $0xFFFFD800  }
0x48: {  	[tilespmem:s21], [sflag:$0x4] =	stream.indirect.gather [hbm4b:s5+s16], $0x80, s8, s16, $0xb8;
	[tilespmem:$0x1F000] =	vst v63  }
0x49: {  	s18 =	sor.u32 $0x980, s0  }
0x4a: {  	[spmem:s3] =	stream.indirect.scatter.add.f32 [tilespmem:s23], [sflag:$0x6], $0x80, s18, s16, $0xb8;
	[tilespmem:$0x1F000] =	vst v63  }
0x4b: {  	_ =	swait.ge [sflag:s14], $0x2800  }
0x4c: {  	[sflag:s14] =	ssyncset.done $0x0  }
0x4d: {  	[sflag:s14] =	ssyncadd.s32 $0xFFFFD800  }
0x4e: {  	_ =	swait.ge [sflag:s22], $0x2800  }
0x4f: {  	[sflag:s22] =	ssyncset.done $0x0  }
0x50: {  	s9 =	sor.u32 $0x380, s0;
	[sflag:s22] =	ssyncadd.s32 $0xFFFFD800  }
0x51: {  	[tilespmem:s23], [sflag:$0x5] =	stream.indirect.gather [hbm4b:s5+s16], $0x80, s9, s16, $0xb8;
	[tilespmem:$0x1F000] =	vst v63  }
0x52: {  	s20 =	sor.u32 $0xA00, s0  }
0x53: {  	[spmem:s3] =	stream.indirect.scatter.add.f32 [tilespmem:s17], [sflag:$0x6], $0x80, s20, s16, $0xb8;
	[tilespmem:$0x1F000] =	vst v63  }
0x54: {  	_ =	swait.ge [sflag:s14], $0x2800  }
0x55: {  	[sflag:s14] =	ssyncset.done $0x0  }
0x56: {  	[sflag:s14] =	ssyncadd.s32 $0xFFFFD800  }
0x57: {  	_ =	swait.ge [sflag:s24], $0x2800  }
0x58: {  	s30 =	simm.s32 @p0 $0x50;
	[sflag:s24] =	ssyncset.done $0x0  }
0x59: {  	s29 =	sor.u32 @p0 $0x800, s2;
	s20 =	simm.s32 @p0 $0x3800;
	[sflag:s24] =	ssyncadd.s32 $0xFFFFD800  }
0x5a: {  	[spmem:s3] =	stream.indirect.scatter.add.f32 @p0 [tilespmem:s20], [sflag:$0x6], $0x80, s29, s30, $0xb8;
	[tilespmem:$0x1F000] =	vst v63  }
0x5b: {  	s20 =	simm.s32 @p0 $0x6  }
0x5c: {  	_ =	swait.ge @p0 [sflag:s20], $0x2800  }
0x5d: {  	[sflag:s20] =	ssyncset.done @p0 $0x0  }
0x5e: {  	[sflag:s20] =	ssyncadd.s32 @p0 $0xFFFFD800;
	s20 =	simm.s32 @p0 $0x4  }
0x5f: {  	_ =	swait.ge @p0 [sflag:s20], $0x2800  }
0x60: {  	[sflag:s20] =	ssyncset.done @p0 $0x0  }
0x61: {  	[sflag:s20] =	ssyncadd.s32 @p0 $0xFFFFD800;
	s20 =	simm.s32 @!p0 $0x1  }
0x62: {  	_ =	swait.ge @!p0 [sflag:s20], $0x400  }
0x63: {  	[sflag:s20] =	ssyncset.done @!p0 $0x0  }
0x64: {  	[sflag:s20] =	ssyncadd.s32 @!p0 $0xFFFFFC00  }
0x65: {  	_ =	swait.ge @!p0 [sflag:s20], $0x400  }
0x66: {  	[sflag:s20] =	ssyncset.done @!p0 $0x0  }
0x67: {  	s29 =	simm.s32 @!p0 $0x1000;
	[sflag:s20] =	ssyncadd.s32 @!p0 $0xFFFFFC00;
	s20 =	simm.s32 @!p0 $0x50  }
0x68: {  	[tilespmem:s29], [sflag:$0x2] =	stream.indirect.gather @!p0 [hbm4b:s5+s20], $0x80, s1, s20, $0xb8;
	[tilespmem:$0x1F000] =	vst v63  }
0x69: {  	s1 =	sor.u32 @!p0 $0x800, s2;
	s2 =	simm.s32 @!p0 $0x3800  }
0x6a: {  	[spmem:s3] =	stream.indirect.scatter.add.f32 @!p0 [tilespmem:s2], [sflag:$0x6], $0x80, s1, s20, $0xb8;
	[tilespmem:$0x1F000] =	vst v63  }
0x6b: {  	s1 =	simm.s32 @!p0 $0x6  }
0x6c: {  	_ =	swait.ge @!p0 [sflag:s1], $0x2800  }
0x6d: {  	[sflag:s1] =	ssyncset.done @!p0 $0x0  }
0x6e: {  	[sflag:s1] =	ssyncadd.s32 @!p0 $0xFFFFD800;
	s1 =	simm.s32 @!p0 $0x4  }
0x6f: {  	_ =	swait.ge @!p0 [sflag:s1], $0x2800  }
0x70: {  	[sflag:s1] =	ssyncset.done @!p0 $0x0  }
0x71: {  	[sflag:s1] =	ssyncadd.s32 @!p0 $0xFFFFD800;
	s1 =	ssub.s32 @!p0 $0x480, s0  }
0x72: {  	[tilespmem:s2], [sflag:$0x3] =	stream.indirect.gather @!p0 [hbm4b:s5+s20], $0x80, s1, s20, $0xb8;
	[tilespmem:$0x1F000] =	vst v63  }
0x73: {  	s10 =	sor.u32 $0x800, s8  }
0x74: {  	[spmem:s3] =	stream.indirect.scatter.add.f32 [tilespmem:s21], [sflag:$0x6], $0x80, s10, s16, $0xb8;
	[tilespmem:$0x1F000] =	vst v63  }
0x75: {  	_ =	swait.ge [sflag:s14], $0x2800  }
0x76: {  	[sflag:s14] =	ssyncset.done $0x0  }
0x77: {  	[sflag:s14] =	ssyncadd.s32 $0xFFFFD800  }
0x78: {  	p6 =	por $0x0, $0x0;
	_ =	swait.ge [sflag:s26], $0x2800  }
0x79: {  	s31 =	sadd.s32 $0x80, s11;
	s15 =	simm.s32 $0x1;
	[sflag:s26] =	ssyncset.done $0x0  }
0x7a: {  	s0 =	ssub.s32 @!p0 $0x500, s0;
	s1 =	simm.s32 @!p0 $0x6000;
	[sflag:s26] =	ssyncadd.s32 $0xFFFFD800  }
0x7b: {  	[tilespmem:s1], [sflag:$0x4] =	stream.indirect.gather @!p0 [hbm4b:s5+s20], $0x80, s0, s20, $0xb8;
	[tilespmem:$0x1F000] =	vst v63  }
0x7c: {  	s18 =	sor.u32 $0x800, s9;
	s30 =	sadd.s32 $0x80, s12;
	s0 =	simm.s32 $0x2  }
0x7d: {  	[spmem:s3] =	stream.indirect.scatter.add.f32 [tilespmem:s23], [sflag:$0x6], $0x80, s18, s16, $0xb8;
	[tilespmem:$0x1F000] =	vst v63  }
0x7e: {  	p0 =	por p6, p6;
	s20 =	sand.u32 $0x1, s15;
	_ =	swait.ge [sflag:s14], $0x2800  }
0x7f: {  	s1 =	sshll.u32 s20, $0x3;
	s29 =	sshll.u32 s20, $0xA;
	[sflag:s14] =	ssyncset.done $0x0  }
.LBB2_2:
0x80: {  	p1 =	seq.s32 s0, $0xF  }
0x81: {  	s2 =	sxor.u32 $0x8, s1;
	[sflag:s14] =	ssyncadd.s32 $0xFFFFD800;
	s1 =	smov.u32 s0  }
0x82: {  	s0 =	sadd.s32 $0x1, s0;
	s15 =	simm.s32 @!p0 $0x0;
	s2 =	sshll.u32 @!p0 s2, $0x7  }
0x83: {  	[tilespmem:s2], [sflag:$0x1] =	stream.linear.gather @!p0 [hbm4b:s30+s15], $0x400, $0x38;
	[tilespmem:$0x1F000] =	vst v63  }
0x84: {  	p2 =	sne.s32 s0, $0x10;
	s18 =	sor.u32 @!p0 $0x800, s2  }
0x85: {  	[tilespmem:s18], [sflag:$0x1] =	stream.linear.gather @!p0 [hbm4b:s31+s15], $0x400, $0x38;
	[tilespmem:$0x1F000] =	vst v63  }
0x86: {  	_ =	swait.ge [sflag:s22], $0x2800  }
0x87: {  	[sflag:s22] =	ssyncset.done $0x0  }
0x88: {  	s15 =	sor.u32 $0x180, s29;
	[sflag:s22] =	ssyncadd.s32 $0xFFFFD800  }
0x89: {  	[tilespmem:s23], [sflag:$0x5] =	stream.indirect.gather [hbm4b:s5+s16], $0x80, s15, s16, $0xb8;
	[tilespmem:$0x1F000] =	vst v63  }
0x8a: {  	s15 =	sor.u32 $0x800, s29  }
0x8b: {  	[spmem:s3] =	stream.indirect.scatter.add.f32 [tilespmem:s17], [sflag:$0x6], $0x80, s15, s16, $0xb8;
	[tilespmem:$0x1F000] =	vst v63  }
0x8c: {  	_ =	swait.ge [sflag:s14], $0x2800  }
0x8d: {  	[sflag:s14] =	ssyncset.done $0x0  }
0x8e: {  	[sflag:s14] =	ssyncadd.s32 $0xFFFFD800  }
0x8f: {  	_ =	swait.ge [sflag:s24], $0x2800  }
0x90: {  	[sflag:s24] =	ssyncset.done $0x0  }
0x91: {  	s15 =	sor.u32 $0x200, s29;
	[sflag:s24] =	ssyncadd.s32 $0xFFFFD800  }
0x92: {  	[tilespmem:s17], [sflag:$0x2] =	stream.indirect.gather [hbm4b:s5+s16], $0x80, s15, s16, $0xb8;
	[tilespmem:$0x1F000] =	vst v63  }
0x93: {  	s15 =	sor.u32 $0x880, s29  }
0x94: {  	[spmem:s3] =	stream.indirect.scatter.add.f32 [tilespmem:s19], [sflag:$0x6], $0x80, s15, s16, $0xb8;
	[tilespmem:$0x1F000] =	vst v63  }
0x95: {  	_ =	swait.ge [sflag:s14], $0x2800  }
0x96: {  	[sflag:s14] =	ssyncset.done $0x0  }
0x97: {  	[sflag:s14] =	ssyncadd.s32 $0xFFFFD800  }
0x98: {  	_ =	swait.ge [sflag:s25], $0x2800  }
0x99: {  	[sflag:s25] =	ssyncset.done $0x0  }
0x9a: {  	s20 =	sor.u32 $0x280, s29;
	[sflag:s25] =	ssyncadd.s32 $0xFFFFD800  }
0x9b: {  	[tilespmem:s19], [sflag:$0x3] =	stream.indirect.gather [hbm4b:s5+s16], $0x80, s20, s16, $0xb8;
	[tilespmem:$0x1F000] =	vst v63  }
0x9c: {  	s15 =	sor.u32 $0x900, s29  }
0x9d: {  	[spmem:s3] =	stream.indirect.scatter.add.f32 [tilespmem:s21], [sflag:$0x6], $0x80, s15, s16, $0xb8;
	[tilespmem:$0x1F000] =	vst v63  }
0x9e: {  	_ =	swait.ge [sflag:s14], $0x2800  }
0x9f: {  	[sflag:s14] =	ssyncset.done $0x0  }
0xa0: {  	[sflag:s14] =	ssyncadd.s32 $0xFFFFD800  }
0xa1: {  	_ =	swait.ge [sflag:s26], $0x2800  }
0xa2: {  	[sflag:s26] =	ssyncset.done $0x0  }
0xa3: {  	s18 =	sor.u32 $0x300, s29;
	[sflag:s26] =	ssyncadd.s32 $0xFFFFD800  }
0xa4: {  	[tilespmem:s21], [sflag:$0x4] =	stream.indirect.gather [hbm4b:s5+s16], $0x80, s18, s16, $0xb8;
	[tilespmem:$0x1F000] =	vst v63  }
0xa5: {  	s15 =	sor.u32 $0x980, s29  }
0xa6: {  	[spmem:s3] =	stream.indirect.scatter.add.f32 [tilespmem:s23], [sflag:$0x6], $0x80, s15, s16, $0xb8;
	[tilespmem:$0x1F000] =	vst v63  }
0xa7: {  	_ =	swait.ge [sflag:s14], $0x2800  }
0xa8: {  	[sflag:s14] =	ssyncset.done $0x0  }
0xa9: {  	[sflag:s14] =	ssyncadd.s32 $0xFFFFD800  }
0xaa: {  	_ =	swait.ge [sflag:s22], $0x2800  }
0xab: {  	[sflag:s22] =	ssyncset.done $0x0  }
0xac: {  	s15 =	sor.u32 $0x380, s29;
	[sflag:s22] =	ssyncadd.s32 $0xFFFFD800  }
0xad: {  	[tilespmem:s23], [sflag:$0x5] =	stream.indirect.gather [hbm4b:s5+s16], $0x80, s15, s16, $0xb8;
	[tilespmem:$0x1F000] =	vst v63  }
0xae: {  	s7 =	sor.u32 $0xA00, s29  }
0xaf: {  	[spmem:s3] =	stream.indirect.scatter.add.f32 [tilespmem:s17], [sflag:$0x6], $0x80, s7, s16, $0xb8;
	[tilespmem:$0x1F000] =	vst v63  }
0xb0: {  	_ =	swait.ge [sflag:s14], $0x2800  }
0xb1: {  	[sflag:s14] =	ssyncset.done $0x0  }
0xb2: {  	[sflag:s14] =	ssyncadd.s32 $0xFFFFD800  }
0xb3: {  	_ =	swait.ge [sflag:s24], $0x2800  }
0xb4: {  	s8 =	simm.s32 @p0 $0x6;
	s7 =	simm.s32 @p0 $0x3800;
	[sflag:s24] =	ssyncset.done $0x0  }
0xb5: {  	s10 =	simm.s32 @p0 $0x50;
	s9 =	sor.u32 @p0 $0x800, s20;
	[sflag:s24] =	ssyncadd.s32 $0xFFFFD800  }
0xb6: {  	[spmem:s3] =	stream.indirect.scatter.add.f32 @p0 [tilespmem:s7], [sflag:$0x6], $0x80, s9, s10, $0xb8;
	[tilespmem:$0x1F000] =	vst v63  }
0xb7: {  	_ =	swait.ge @p0 [sflag:s8], $0x2800  }
0xb8: {  	[sflag:s8] =	ssyncset.done @p0 $0x0  }
0xb9: {  	s7 =	simm.s32 @p0 $0x4;
	[sflag:s8] =	ssyncadd.s32 @p0 $0xFFFFD800  }
0xba: {  	_ =	swait.ge @p0 [sflag:s7], $0x2800  }
0xbb: {  	[sflag:s7] =	ssyncset.done @p0 $0x0  }
0xbc: {  	[sflag:s7] =	ssyncadd.s32 @p0 $0xFFFFD800;
	s7 =	simm.s32 @!p0 $0x1  }
0xbd: {  	_ =	swait.ge @!p0 [sflag:s7], $0x400  }
0xbe: {  	[sflag:s7] =	ssyncset.done @!p0 $0x0  }
0xbf: {  	[sflag:s7] =	ssyncadd.s32 @!p0 $0xFFFFFC00  }
0xc0: {  	_ =	swait.ge @!p0 [sflag:s7], $0x400  }
0xc1: {  	[sflag:s7] =	ssyncset.done @!p0 $0x0  }
0xc2: {  	s8 =	simm.s32 @!p0 $0x1000;
	[sflag:s7] =	ssyncadd.s32 @!p0 $0xFFFFFC00;
	s7 =	simm.s32 @!p0 $0x50  }
0xc3: {  	[tilespmem:s8], [sflag:$0x2] =	stream.indirect.gather @!p0 [hbm4b:s5+s7], $0x80, s2, s7, $0xb8;
	[tilespmem:$0x1F000] =	vst v63  }
0xc4: {  	s9 =	simm.s32 @!p0 $0x6;
	s2 =	sor.u32 @!p0 $0x800, s20;
	s8 =	simm.s32 @!p0 $0x3800  }
0xc5: {  	[spmem:s3] =	stream.indirect.scatter.add.f32 @!p0 [tilespmem:s8], [sflag:$0x6], $0x80, s2, s7, $0xb8;
	[tilespmem:$0x1F000] =	vst v63  }
0xc6: {  	_ =	swait.ge @!p0 [sflag:s9], $0x2800  }
0xc7: {  	[sflag:s9] =	ssyncset.done @!p0 $0x0  }
0xc8: {  	s2 =	simm.s32 @!p0 $0x4;
	[sflag:s9] =	ssyncadd.s32 @!p0 $0xFFFFD800  }
0xc9: {  	_ =	swait.ge @!p0 [sflag:s2], $0x2800  }
0xca: {  	[sflag:s2] =	ssyncset.done @!p0 $0x0  }
0xcb: {  	[sflag:s2] =	ssyncadd.s32 @!p0 $0xFFFFD800;
	s2 =	ssub.s32 @!p0 $0x480, s29  }
0xcc: {  	[tilespmem:s8], [sflag:$0x3] =	stream.indirect.gather @!p0 [hbm4b:s5+s7], $0x80, s2, s7, $0xb8;
	[tilespmem:$0x1F000] =	vst v63  }
0xcd: {  	s2 =	sor.u32 $0x800, s18  }
0xce: {  	[spmem:s3] =	stream.indirect.scatter.add.f32 [tilespmem:s21], [sflag:$0x6], $0x80, s2, s16, $0xb8;
	[tilespmem:$0x1F000] =	vst v63  }
0xcf: {  	_ =	swait.ge [sflag:s14], $0x2800  }
0xd0: {  	[sflag:s14] =	ssyncset.done $0x0  }
0xd1: {  	[sflag:s14] =	ssyncadd.s32 $0xFFFFD800  }
0xd2: {  	_ =	swait.ge [sflag:s26], $0x2800  }
0xd3: {  	[sflag:s26] =	ssyncset.done $0x0  }
0xd4: {  	s8 =	simm.s32 @!p0 $0x6000;
	s2 =	ssub.s32 @!p0 $0x500, s29;
	[sflag:s26] =	ssyncadd.s32 $0xFFFFD800  }
0xd5: {  	[tilespmem:s8], [sflag:$0x4] =	stream.indirect.gather @!p0 [hbm4b:s5+s7], $0x80, s2, s7, $0xb8;
	[tilespmem:$0x1F000] =	vst v63  }
.Ltmp0:
0xd6: {  	_ = 	snop;
	(pc) =	sbr.rel @p2 .LBB2_2-.Ltmp0, $4  }
0xd7: {  	s30 =	sadd.s32 $0x80, s30;
	s2 =	sor.u32 $0x800, s15;
	p0 =	por p1, p1  }
0xd8: {  	[spmem:s3] =	stream.indirect.scatter.add.f32 [tilespmem:s23], [sflag:$0x6], $0x80, s2, s16, $0xb8;
	[tilespmem:$0x1F000] =	vst v63  }
0xd9: {  	s31 =	sadd.s32 $0x80, s31;
	s2 =	sand.u32 $0x1, s1;
	_ =	swait.ge [sflag:s14], $0x2800  }
0xda: {  	s1 =	sshll.u32 s2, $0x3;
	s29 =	sshll.u32 s2, $0xA;
	[sflag:s14] =	ssyncset.done $0x0  }
0xdb: {  	s0 =	sxor.u32 $0x8, s1  }
0xdc: {  	[sflag:s14] =	ssyncadd.s32 $0xFFFFD800;
	s1 =	simm.s32 @!p0 $0x0;
	s0 =	sshll.u32 @!p0 s0, $0x7  }
0xdd: {  	[tilespmem:s0], [sflag:$0x1] =	stream.linear.gather @!p0 [hbm4b:s30+s1], $0x400, $0x38;
	[tilespmem:$0x1F000] =	vst v63  }
0xde: {  	s2 =	sor.u32 @!p0 $0x800, s0  }
0xdf: {  	[tilespmem:s2], [sflag:$0x1] =	stream.linear.gather @!p0 [hbm4b:s31+s1], $0x400, $0x38;
	[tilespmem:$0x1F000] =	vst v63  }
0xe0: {  	_ =	swait.ge [sflag:s22], $0x2800  }
0xe1: {  	[sflag:s22] =	ssyncset.done $0x0  }
0xe2: {  	s10 =	sor.u32 $0x180, s29;
	[sflag:s22] =	ssyncadd.s32 $0xFFFFD800  }
0xe3: {  	[tilespmem:s23], [sflag:$0x5] =	stream.indirect.gather [hbm4b:s5+s16], $0x80, s10, s16, $0xb8;
	[tilespmem:$0x1F000] =	vst v63  }
0xe4: {  	s15 =	sor.u32 $0x800, s29  }
0xe5: {  	[spmem:s3] =	stream.indirect.scatter.add.f32 [tilespmem:s17], [sflag:$0x6], $0x80, s15, s16, $0xb8;
	[tilespmem:$0x1F000] =	vst v63  }
0xe6: {  	_ =	swait.ge [sflag:s14], $0x2800  }
0xe7: {  	[sflag:s14] =	ssyncset.done $0x0  }
0xe8: {  	[sflag:s14] =	ssyncadd.s32 $0xFFFFD800  }
0xe9: {  	_ =	swait.ge [sflag:s24], $0x2800  }
0xea: {  	[sflag:s24] =	ssyncset.done $0x0  }
0xeb: {  	s18 =	sor.u32 $0x200, s29;
	[sflag:s24] =	ssyncadd.s32 $0xFFFFD800  }
0xec: {  	[tilespmem:s17], [sflag:$0x2] =	stream.indirect.gather [hbm4b:s5+s16], $0x80, s18, s16, $0xb8;
	[tilespmem:$0x1F000] =	vst v63  }
0xed: {  	s20 =	sor.u32 $0x880, s29  }
0xee: {  	[spmem:s3] =	stream.indirect.scatter.add.f32 [tilespmem:s19], [sflag:$0x6], $0x80, s20, s16, $0xb8;
	[tilespmem:$0x1F000] =	vst v63  }
0xef: {  	_ =	swait.ge [sflag:s14], $0x2800  }
0xf0: {  	[sflag:s14] =	ssyncset.done $0x0  }
0xf1: {  	[sflag:s14] =	ssyncadd.s32 $0xFFFFD800  }
0xf2: {  	_ =	swait.ge [sflag:s25], $0x2800  }
0xf3: {  	[sflag:s25] =	ssyncset.done $0x0  }
0xf4: {  	s1 =	sor.u32 $0x280, s29;
	[sflag:s25] =	ssyncadd.s32 $0xFFFFD800  }
0xf5: {  	[tilespmem:s19], [sflag:$0x3] =	stream.indirect.gather [hbm4b:s5+s16], $0x80, s1, s16, $0xb8;
	[tilespmem:$0x1F000] =	vst v63  }
0xf6: {  	s30 =	sor.u32 $0x900, s29  }
0xf7: {  	[spmem:s3] =	stream.indirect.scatter.add.f32 [tilespmem:s21], [sflag:$0x6], $0x80, s30, s16, $0xb8;
	[tilespmem:$0x1F000] =	vst v63  }
0xf8: {  	_ =	swait.ge [sflag:s14], $0x2800  }
0xf9: {  	[sflag:s14] =	ssyncset.done $0x0  }
0xfa: {  	[sflag:s14] =	ssyncadd.s32 $0xFFFFD800  }
0xfb: {  	_ =	swait.ge [sflag:s26], $0x2800  }
0xfc: {  	[sflag:s26] =	ssyncset.done $0x0  }
0xfd: {  	s31 =	sor.u32 $0x300, s29;
	[sflag:s26] =	ssyncadd.s32 $0xFFFFD800  }
0xfe: {  	[tilespmem:s21], [sflag:$0x4] =	stream.indirect.gather [hbm4b:s5+s16], $0x80, s31, s16, $0xb8;
	[tilespmem:$0x1F000] =	vst v63  }
0xff: {  	s7 =	sor.u32 $0x980, s29  }
0x100: {  	[spmem:s3] =	stream.indirect.scatter.add.f32 [tilespmem:s23], [sflag:$0x6], $0x80, s7, s16, $0xb8;
	[tilespmem:$0x1F000] =	vst v63  }
0x101: {  	_ =	swait.ge [sflag:s14], $0x2800  }
0x102: {  	[sflag:s14] =	ssyncset.done $0x0  }
0x103: {  	[sflag:s14] =	ssyncadd.s32 $0xFFFFD800  }
0x104: {  	_ =	swait.ge [sflag:s22], $0x2800  }
0x105: {  	[sflag:s22] =	ssyncset.done $0x0  }
0x106: {  	s18 =	sor.u32 $0x380, s29;
	[sflag:s22] =	ssyncadd.s32 $0xFFFFD800  }
0x107: {  	[tilespmem:s23], [sflag:$0x5] =	stream.indirect.gather [hbm4b:s5+s16], $0x80, s18, s16, $0xb8;
	[tilespmem:$0x1F000] =	vst v63  }
0x108: {  	s8 =	sor.u32 $0xA00, s29  }
0x109: {  	[spmem:s3] =	stream.indirect.scatter.add.f32 [tilespmem:s17], [sflag:$0x6], $0x80, s8, s16, $0xb8;
	[tilespmem:$0x1F000] =	vst v63  }
0x10a: {  	_ =	swait.ge [sflag:s14], $0x2800  }
0x10b: {  	[sflag:s14] =	ssyncset.done $0x0  }
0x10c: {  	[sflag:s14] =	ssyncadd.s32 $0xFFFFD800  }
0x10d: {  	_ =	swait.ge [sflag:s24], $0x2800  }
0x10e: {  	s9 =	simm.s32 @p0 $0x6;
	s10 =	sor.u32 @p0 $0x800, s1;
	[sflag:s24] =	ssyncset.done $0x0  }
0x10f: {  	s15 =	simm.s32 @p0 $0x50;
	s8 =	simm.s32 @p0 $0x3800;
	[sflag:s24] =	ssyncadd.s32 $0xFFFFD800  }
0x110: {  	[spmem:s3] =	stream.indirect.scatter.add.f32 @p0 [tilespmem:s8], [sflag:$0x6], $0x80, s10, s15, $0xb8;
	[tilespmem:$0x1F000] =	vst v63  }
0x111: {  	_ =	swait.ge @p0 [sflag:s9], $0x2800  }
0x112: {  	[sflag:s9] =	ssyncset.done @p0 $0x0  }
0x113: {  	s8 =	simm.s32 @p0 $0x4;
	[sflag:s9] =	ssyncadd.s32 @p0 $0xFFFFD800  }
0x114: {  	_ =	swait.ge @p0 [sflag:s8], $0x2800  }
0x115: {  	[sflag:s8] =	ssyncset.done @p0 $0x0  }
0x116: {  	[sflag:s8] =	ssyncadd.s32 @p0 $0xFFFFD800;
	s8 =	simm.s32 @!p0 $0x1  }
0x117: {  	_ =	swait.ge @!p0 [sflag:s8], $0x400  }
0x118: {  	[sflag:s8] =	ssyncset.done @!p0 $0x0  }
0x119: {  	[sflag:s8] =	ssyncadd.s32 @!p0 $0xFFFFFC00  }
0x11a: {  	_ =	swait.ge @!p0 [sflag:s8], $0x400  }
0x11b: {  	[sflag:s8] =	ssyncset.done @!p0 $0x0  }
0x11c: {  	s9 =	simm.s32 @!p0 $0x1000;
	[sflag:s8] =	ssyncadd.s32 @!p0 $0xFFFFFC00;
	s8 =	simm.s32 @!p0 $0x50  }
0x11d: {  	[tilespmem:s9], [sflag:$0x2] =	stream.indirect.gather @!p0 [hbm4b:s5+s8], $0x80, s0, s8, $0xb8;
	[tilespmem:$0x1F000] =	vst v63  }
0x11e: {  	s0 =	sor.u32 @!p0 $0x800, s1;
	s1 =	simm.s32 @!p0 $0x3800;
	s9 =	simm.s32 @!p0 $0x6  }
0x11f: {  	[spmem:s3] =	stream.indirect.scatter.add.f32 @!p0 [tilespmem:s1], [sflag:$0x6], $0x80, s0, s8, $0xb8;
	[tilespmem:$0x1F000] =	vst v63  }
0x120: {  	_ =	swait.ge @!p0 [sflag:s9], $0x2800  }
0x121: {  	[sflag:s9] =	ssyncset.done @!p0 $0x0  }
0x122: {  	s0 =	simm.s32 @!p0 $0x4;
	[sflag:s9] =	ssyncadd.s32 @!p0 $0xFFFFD800  }
0x123: {  	_ =	swait.ge @!p0 [sflag:s0], $0x2800  }
0x124: {  	[sflag:s0] =	ssyncset.done @!p0 $0x0  }
0x125: {  	[sflag:s0] =	ssyncadd.s32 @!p0 $0xFFFFD800;
	s0 =	ssub.s32 @!p0 $0x480, s29  }
0x126: {  	[tilespmem:s1], [sflag:$0x3] =	stream.indirect.gather @!p0 [hbm4b:s5+s8], $0x80, s0, s8, $0xb8;
	[tilespmem:$0x1F000] =	vst v63  }
0x127: {  	s20 =	sor.u32 $0x800, s31  }
0x128: {  	[spmem:s3] =	stream.indirect.scatter.add.f32 [tilespmem:s21], [sflag:$0x6], $0x80, s20, s16, $0xb8;
	[tilespmem:$0x1F000] =	vst v63  }
0x129: {  	_ =	swait.ge [sflag:s14], $0x2800  }
0x12a: {  	[sflag:s14] =	ssyncset.done $0x0  }
0x12b: {  	[sflag:s14] =	ssyncadd.s32 $0xFFFFD800  }
0x12c: {  	_ =	swait.ge [sflag:s26], $0x2800  }
0x12d: {  	[sflag:s26] =	ssyncset.done $0x0  }
0x12e: {  	s0 =	ssub.s32 @!p0 $0x500, s29;
	s1 =	simm.s32 @!p0 $0x6000;
	[sflag:s26] =	ssyncadd.s32 $0xFFFFD800  }
0x12f: {  	[tilespmem:s1], [sflag:$0x4] =	stream.indirect.gather @!p0 [hbm4b:s5+s8], $0x80, s0, s8, $0xb8;
	[tilespmem:$0x1F000] =	vst v63  }
0x130: {  	s29 =	sor.u32 $0x800, s18  }
0x131: {  	[spmem:s3] =	stream.indirect.scatter.add.f32 [tilespmem:s23], [sflag:$0x6], $0x80, s29, s16, $0xb8;
	[tilespmem:$0x1F000] =	vst v63  }
0x132: {  	_ =	swait.ge [sflag:s14], $0x2800  }
0x133: {  	[sflag:s14] =	ssyncset.done $0x0  }
0x134: {  	[sflag:s14] =	ssyncadd.s32 $0xFFFFD800  }
0x135: {  	[bflag:$0x0] =	sbarrier.arrive $0xFFFF  }
0x136: {  	s30 =	rddreg [dreg:$0x6]  }
0x137: {  	[hbm:s30], [sflag:s6] =	dma.local [spmem:s13], $0x2800  }
0x138: {  	_ =	swait.ge [sflag:s14], $0x2800  }
0x139: {  	s28 =	sadd.s32 $0x1, s28;
	s31 =	rddreg [dreg:$0x7]  }
0x13a: {  	p0 =	sne.s32 s28, s31  }
.Ltmp1:
0x13b: {  	_ = 	snop;
	(pc) =	sbr.rel @p0 .LBB2_1-.Ltmp1, $3  }
0x13c: {  	_ =	sdelay $0x1  }
0x13d: {  	[sflag:s14] =	ssyncset.done $0x0  }
0x13e: {  	[sflag:s14] =	ssyncadd.s32 $0xFFFFD800  }
0x13f: {  	_ =	sfence.sel $0x180000  }
0x140: {  	[bflag:$0x0] =	sbarrier.arrive $0xFFFF  }
0x141: {  	_ =	strace $0x90000050  }
0x142: {  	s0 =	stileid.u32;
	[bflag:$0x2] =	sbarrier.arrive $0xFFFF  }
0x143: {  	p0 =	sne.s32 s0, $0x0;
	s0 =	rddreg [dreg:$0x3]  }
0x144: {  	s0 =	sadd.s32 @!p0 $0x100000, s0  }
0x145: {  	[sflag:s0] =	ssyncadd.tile.s32 @!p0 $0x1;
	_ =	shalt  }
.Lfunc_end2:
_tile_overlayer_lowered:
.L_overlay_start_2:
0x146: {  	(tag) =	ssettag $0x2  }
0x147: {  	s0 =	rddreg [dreg:$0x0];
	s2 =	stileid.u32  }
0x148: {  	s1 =	rddreg [dreg:$0x1];
	p0 =	sne.s32 s2, $0x0  }
0x149: {  	s3 =	rddreg [dreg:$0x2];
	[bflag:$0x3] =	sbarrier.arrive $0xFFFF;
	s2 =	simm.s32 @!p0 $0x1C06  }
0x14a: {  	[timem:s3], [sflag:s2] =	dma.local @!p0 [hbm:s0], s1  }
0x14b: {  	s0 =	simm.s32 @!p0 $0x6  }
0x14c: {  	_ =	swait.ge @!p0 [sflag:s0], s1  }
0x14d: {  	s1 =	ssub.s32 @!p0 $0x0, s1;
	[sflag:s0] =	ssyncset.done @!p0 $0x0  }
0x14e: {  	[sflag:s0] =	ssyncadd.s32 @!p0 s1  }
0x14f: {  	[bflag:$0x3] =	sbarrier.arrive $0xFFFF  }
0x150: {  	_ =	shalt  }

</sc_bundles>
